<compile_context>
chip_gen: v7x
topology: tpu7x:2x2x1
jax: 0.10.2.dev20260603
libtpu: 0.0.44.dev20260713+nightly
codegen_flags: <defaults>
</compile_context>

<pallas_src>
import functools

import jax
import jax.numpy as jnp
from jax import lax
from jax.experimental import pallas as pl
from jax.experimental.pallas import tpu as pltpu
from jax.experimental.pallas import tpu_sc as plsc

N = 10000
NP = 10240
K = 16
BIG = 3.0e38
PADVAL = 1.0e18

SC_CORES = 2
SC_SUBCORES = 16
NW = SC_CORES * SC_SUBCORES
BPW = NP // NW



def _coords_body(x_ref, w_ref, b_ref, o_ref):
    i = pl.program_id(0)
    v = jnp.dot(x_ref[...], w_ref[...], preferred_element_type=jnp.float32)
    v = v + b_ref[...]
    rows = lax.broadcasted_iota(jnp.int32, v.shape, 0) + i * v.shape[0]
    v = jnp.where(rows >= N, PADVAL, v)
    n2 = (v[:, 0:1] * v[:, 0:1] + v[:, 1:2] * v[:, 1:2]
          + v[:, 2:3] * v[:, 2:3])
    o_ref[...] = jnp.concatenate([v[:, 0:6], n2, v[:, 7:8]], axis=1)


def _stage1(x_pad, Wsh, bsh):
    B = 1024
    return pl.pallas_call(
        _coords_body,
        grid=(NP // B,),
        in_specs=[
            pl.BlockSpec((B, 128), lambda i: (i, 0)),
            pl.BlockSpec((128, 8), lambda i: (0, 0)),
            pl.BlockSpec((1, 8), lambda i: (0, 0)),
        ],
        out_specs=pl.BlockSpec((B, 8), lambda i: (i, 0)),
        out_shape=jax.ShapeDtypeStruct((NP, 8), jnp.float32),
    )(x_pad, Wsh, bsh)



TL = 1024
NT = NP // TL


def _knn_body(sr_ref, st_ref, idx_ref, w_ref, dscr):
    sb = sr_ref[...]
    B = sb.shape[0]

    def fill(t, carry):
        st_t = st_ref[:, pl.ds(t * TL, TL)]
        d0 = sb[:, 0:1] - st_t[0:1, :]
        d1 = sb[:, 1:2] - st_t[1:2, :]
        d2 = sb[:, 2:3] - st_t[2:3, :]
        dscr[:, pl.ds(t * TL, TL)] = (d0 * d0 + d1 * d1) + d2 * d2
        return carry

    lax.fori_loop(0, NT, fill, 0)

    kcol = lax.broadcasted_iota(jnp.int32, (B, K), 1)
    lane = lax.broadcasted_iota(jnp.int32, (B, 128), 1)
    NG = TL // 128

    def select(k, prev):
        pm, m_acc, i_acc = prev
        pm_b = jnp.broadcast_to(pm, (B, 128))

        def scan(t, carry):
            bv, bg = carry
            for g in range(NG):
                dd = dscr[:, pl.ds(t * TL + g * 128, 128)]
                dm = jnp.where(dd > pm_b, dd, BIG)
                upd = dm < bv
                bv = jnp.where(upd, dm, bv)
                bg = jnp.where(upd, t * NG + g, bg)
            return bv, bg

        bv, bg = lax.fori_loop(
            0, NT, scan,
            (jnp.full((B, 128), BIG, jnp.float32),
             jnp.zeros((B, 128), jnp.int32)),
            unroll=NT)
        ci = bg * 128 + lane
        m = jnp.min(bv, axis=1, keepdims=True)
        isel = jnp.min(jnp.where(bv == m, ci, NP), axis=1, keepdims=True)
        hit = kcol == k
        return (m, jnp.where(hit, m, m_acc), jnp.where(hit, isel, i_acc))

    _, m_acc, i_acc = lax.fori_loop(
        0, K, select,
        (jnp.full((B, 1), -1.0, jnp.float32),
         jnp.zeros((B, K), jnp.float32), jnp.zeros((B, K), jnp.int32)))
    idx_ref[...] = i_acc
    w_ref[...] = jnp.exp(-10.0 * m_acc)

    t16 = jnp.broadcast_to(m_acc[:, K - 1:K], (B, 128))

    def count(t, c):
        for g in range(NG):
            dd = dscr[:, pl.ds(t * TL + g * 128, 128)]
            c = c + jnp.where(dd <= t16, 1, 0)
        return c

    cnt = lax.fori_loop(0, NT, count, jnp.zeros((B, 128), jnp.int32),
                        unroll=NT)
    bad = jnp.max(jnp.abs(jnp.sum(cnt, axis=1, keepdims=True) - K))

    @pl.when(bad > 0)
    def _fallback():
        def select2(k, prev):
            pm, pi, m_acc, i_acc = prev

            def scan2(t, carry):
                bv, bi = carry
                dd = dscr[:, pl.ds(t * TL, TL)]
                ii = lax.broadcasted_iota(jnp.int32, (B, TL), 1) + t * TL
                cond = (dd > pm) | ((dd == pm) & (ii > pi))
                dm = jnp.where(cond, dd, BIG)
                m_t = jnp.min(dm, axis=1, keepdims=True)
                i_t = jnp.min(jnp.where(dm == m_t, ii, NP), axis=1,
                              keepdims=True)
                upd = (m_t < bv) | ((m_t == bv) & (i_t < bi))
                return jnp.where(upd, m_t, bv), jnp.where(upd, i_t, bi)

            bv, bi = lax.fori_loop(
                0, NT, scan2,
                (jnp.full((B, 1), BIG, jnp.float32), jnp.full((B, 1), NP)))
            hit = kcol == k
            return (bv, bi, jnp.where(hit, bv, m_acc),
                    jnp.where(hit, bi, i_acc))

        _, _, m2, i2 = lax.fori_loop(
            0, K, select2,
            (jnp.full((B, 1), -1.0, jnp.float32), jnp.full((B, 1), -1),
             jnp.zeros((B, K), jnp.float32), jnp.zeros((B, K), jnp.int32)))
        idx_ref[...] = i2
        w_ref[...] = jnp.exp(-10.0 * m2)


def _stage2(sh, sh_t):
    B = 128
    return pl.pallas_call(
        _knn_body,
        grid=(NP // B,),
        in_specs=[
            pl.BlockSpec((B, 8), lambda i: (i, 0)),
            pl.BlockSpec((8, NP), lambda i: (0, 0)),
        ],
        out_specs=[
            pl.BlockSpec((B, K), lambda i: (i, 0)),
            pl.BlockSpec((B, K), lambda i: (i, 0)),
        ],
        out_shape=[
            jax.ShapeDtypeStruct((NP, K), jnp.int32),
            jax.ShapeDtypeStruct((NP, K), jnp.float32),
        ],
        scratch_shapes=[
            pltpu.VMEM((B, NP), jnp.float32),
        ],
    )(sh, sh_t)



def _agg_body(idx_hbm, w_hbm, h0_hbm, h1_hbm, h2_hbm,
              o0_hbm, o1_hbm, o2_hbm, o3_hbm, o4_hbm, o5_hbm,
              idx_v, w_v, h0_v, h1_v, h2_v,
              o0_v, o1_v, o2_v, o3_v, o4_v, o5_v):
    cid = lax.axis_index("c")
    sid = lax.axis_index("s")
    wid = sid * SC_CORES + cid
    base = wid * BPW
    pltpu.sync_copy(h0_hbm, h0_v)
    pltpu.sync_copy(h1_hbm, h1_v)
    pltpu.sync_copy(h2_hbm, h2_v)
    pltpu.sync_copy(idx_hbm.at[pl.ds(base, BPW)], idx_v)
    pltpu.sync_copy(w_hbm.at[pl.ds(base, BPW)], w_v)

    lanes = lax.iota(jnp.int32, K)
    outs = (o0_v, o1_v, o2_v, o3_v, o4_v, o5_v)

    def body(g, carry):
        accs = [jnp.zeros((K,), jnp.float32) for _ in range(6)]
        base_i = g * K
        for j in range(K):
            iv = idx_v[base_i + j]
            wv = w_v[base_i + j]
            g0 = plsc.load_gather(h0_v, [iv]) * wv
            g1 = plsc.load_gather(h1_v, [iv]) * wv
            g2 = plsc.load_gather(h2_v, [iv]) * wv
            vals = (jnp.sum(g0) * (1.0 / K), jnp.sum(g1) * (1.0 / K),
                    jnp.sum(g2) * (1.0 / K),
                    jnp.max(g0), jnp.max(g1), jnp.max(g2))
            sel = lanes == j
            accs = [jnp.where(sel, v, a) for v, a in zip(vals, accs)]
        for t in range(6):
            outs[t][pl.ds(base_i, K)] = accs[t]
        return carry

    lax.fori_loop(0, BPW // K, body, 0)
    pltpu.sync_copy(o0_v, o0_hbm.at[pl.ds(base, BPW)])
    pltpu.sync_copy(o1_v, o1_hbm.at[pl.ds(base, BPW)])
    pltpu.sync_copy(o2_v, o2_hbm.at[pl.ds(base, BPW)])
    pltpu.sync_copy(o3_v, o3_hbm.at[pl.ds(base, BPW)])
    pltpu.sync_copy(o4_v, o4_hbm.at[pl.ds(base, BPW)])
    pltpu.sync_copy(o5_v, o5_hbm.at[pl.ds(base, BPW)])


def _stage3(idx, w, h0, h1, h2):
    f32 = jnp.float32
    out_type = [jax.ShapeDtypeStruct((NP,), f32) for _ in range(6)]
    scratch = [
        pltpu.VMEM((BPW, K), jnp.int32),
        pltpu.VMEM((BPW, K), f32),
        pltpu.VMEM((NP,), f32),
        pltpu.VMEM((NP,), f32),
        pltpu.VMEM((NP,), f32),
    ] + [pltpu.VMEM((BPW,), f32) for _ in range(6)]
    mesh = plsc.VectorSubcoreMesh(core_axis_name="c", subcore_axis_name="s")
    fn = pl.kernel(
        _agg_body,
        out_type=out_type,
        mesh=mesh,
        scratch_types=scratch,
        compiler_params=pltpu.CompilerParams(needs_layout_passes=False),
    )
    return fn(idx, w, h0, h1, h2)



def _out_body(x_ref, wo1_ref, agg_ref, wo2_ref, bo2_ref, wb_ref, bb_ref,
              lat_ref, beta_ref):
    acc = jnp.dot(x_ref[...], wo1_ref[...], preferred_element_type=jnp.float32)
    acc = acc + jnp.dot(agg_ref[...], wo2_ref[...],
                        preferred_element_type=jnp.float32)
    acc = acc + bo2_ref[...]
    lat_ref[...] = acc
    z = jnp.sum(acc * wb_ref[...], axis=1, keepdims=True) + bb_ref[...]
    b = jax.nn.sigmoid(z)
    beta_ref[...] = jnp.clip(b, 1e-6, 1.0 - 1e-6)


def _stage4(x_pad, Wo1, agg, Wo2e, bo2, wbT, bb):
    B = 512
    return pl.pallas_call(
        _out_body,
        grid=(NP // B,),
        in_specs=[
            pl.BlockSpec((B, 128), lambda i: (i, 0)),
            pl.BlockSpec((128, 128), lambda i: (0, 0)),
            pl.BlockSpec((B, 8), lambda i: (i, 0)),
            pl.BlockSpec((8, 128), lambda i: (0, 0)),
            pl.BlockSpec((1, 128), lambda i: (0, 0)),
            pl.BlockSpec((1, 128), lambda i: (0, 0)),
            pl.BlockSpec((1, 1), lambda i: (0, 0)),
        ],
        out_specs=[
            pl.BlockSpec((B, 128), lambda i: (i, 0)),
            pl.BlockSpec((B, 1), lambda i: (i, 0)),
        ],
        out_shape=[
            jax.ShapeDtypeStruct((NP, 128), jnp.float32),
            jax.ShapeDtypeStruct((NP, 1), jnp.float32),
        ],
    )(x_pad, Wo1, agg, Wo2e, bo2, wbT, bb)


def kernel(x, Ws, bs, Wh, bh, Wo1, Wo2, bo2, Wb, bb):
    f32 = jnp.float32
    x_pad = jnp.pad(x.astype(f32), ((0, NP - N), (0, 0)))
    Wsh = jnp.pad(jnp.concatenate([Ws, Wh], axis=1), ((0, 0), (0, 2)))
    bsh = jnp.pad(jnp.concatenate([bs, bh]), (0, 2)).reshape(1, 8)

    sh = _stage1(x_pad, Wsh, bsh)
    sh_t = sh.T
    ones = jnp.ones((1, NP), f32)
    zeros = jnp.zeros((3, NP), f32)
    st_mm = jnp.concatenate(
        [sh_t[0:3], ones, sh_t[6:7], zeros], axis=0)

    idx, w = _stage2(sh, st_mm)

    h0 = sh_t[3]
    h1 = sh_t[4]
    h2 = sh_t[5]
    m0, m1, m2, x0, x1, x2 = _stage3(idx, w, h0, h1, h2)

    agg = jnp.stack([m0, m1, m2, x0, x1, x2], axis=1)
    agg = jnp.pad(agg, ((0, 0), (0, 2)))
    Wo2e = jnp.pad(Wo2, ((0, 2), (0, 0)))
    latent, beta = _stage4(
        x_pad, Wo1, agg, Wo2e, bo2.reshape(1, 128),
        Wb.reshape(1, 128), bb.reshape(1, 1))
    return beta[:N, 0], latent[:N]

# --- scband reference (transcript-rebuilt; emitter-appended) ---
"""Pipeline reference for scband-grav-net-gnn-39608188403839 (READ-ONLY COPY).

The authoritative reference and input builder live on the scoring server;
editing this copy changes nothing except your own understanding.
"""

import jax, jax.numpy as jnp
import numpy as np

K = 16
CHUNK = 1000


def _gravnet_conv(x, Ws, bs, Wh, bh, Wo1, Wo2, bo2):
    N = x.shape[0]
    s = x @ Ws + bs            # [N, 3] learned spatial coords
    h = x @ Wh + bh            # [N, 3] propagated features

    def knn_chunk(s_chunk):
        d = jnp.sum((s_chunk[:, None, :] - s[None, :, :]) ** 2, axis=-1)  # [CHUNK, N]
        _, idx = jax.lax.top_k(-d, K)
        return idx

    idx = jax.lax.map(knn_chunk, s.reshape(N // CHUNK, CHUNK, s.shape[1]))
    idx = idx.reshape(N, K)                      # neighbor (source) indices, includes self
    tgt = jnp.arange(N)[:, None]                 # target (query) indices
    diff = s[idx] - s[tgt]                       # gather: [N, K, 3]
    w = jnp.exp(-10.0 * jnp.sum(diff ** 2, axis=-1))   # [N, K]
    msg = h[idx] * w[..., None]                  # gather + weight: [N, K, 3]
    agg_mean = jnp.mean(msg, axis=1)             # each target has exactly K incoming edges
    agg_max = jnp.max(msg, axis=1)
    out = x @ Wo1 + jnp.concatenate([agg_mean, agg_max], axis=-1) @ Wo2 + bo2
    return out


def setup_inputs(seed: int = 0) -> dict:
    key = jax.random.key(seed)
    ks = jax.random.split(key, 8)
    N, D, S, P = 10000, 128, 3, 3

    def lin(k, i, o):
        return (jax.random.normal(k, (i, o), dtype=jnp.float32) / np.sqrt(i)).astype(jnp.float32)

    return {
        "x": jax.random.normal(ks[0], (N, D), dtype=jnp.float32),
        "Ws": lin(ks[1], D, S), "bs": jnp.zeros((S,), jnp.float32),
        "Wh": lin(ks[2], D, P), "bh": jnp.zeros((P,), jnp.float32),
        "Wo1": lin(ks[3], D, D),
        "Wo2": lin(ks[4], 2 * P, D), "bo2": jnp.zeros((D,), jnp.float32),
        "Wb": lin(ks[5], D, 1), "bb": jnp.zeros((1,), jnp.float32),
    }


def reference(x, Ws, bs, Wh, bh, Wo1, Wo2, bo2, Wb, bb):
    latent = _gravnet_conv(x, Ws, bs, Wh, bh, Wo1, Wo2, bo2)   # depth=1
    beta = jax.nn.sigmoid(latent @ Wb + bb).squeeze(-1)
    eps = 1e-06
    beta = jnp.clip(beta, eps, 1.0 - eps)
    return beta, latent

if __name__ == "__main__":
    import jax
    _d = setup_inputs()
    print(jax.jit(kernel)(*tuple(_d.values())))

</pallas_src>

<mosaic_0001>
#map = affine_map<(d0, d1) -> (0, 0)>
#map1 = affine_map<(d0, d1) -> (0)>
module attributes {stable_mosaic.version = 14 : i64} {
  func.func @_agg_body(%arg0: i32, %arg1: i32, %arg2: memref<10240x16xi32, #tpu.memory_space<hbm>>, %arg3: memref<10240x16xf32, #tpu.memory_space<hbm>>, %arg4: memref<10240xf32, #tpu.memory_space<hbm>>, %arg5: memref<10240xf32, #tpu.memory_space<hbm>>, %arg6: memref<10240xf32, #tpu.memory_space<hbm>>, %arg7: memref<10240xf32, #tpu.memory_space<hbm>>, %arg8: memref<10240xf32, #tpu.memory_space<hbm>>, %arg9: memref<10240xf32, #tpu.memory_space<hbm>>, %arg10: memref<10240xf32, #tpu.memory_space<hbm>>, %arg11: memref<10240xf32, #tpu.memory_space<hbm>>, %arg12: memref<10240xf32, #tpu.memory_space<hbm>>, %arg13: memref<320x16xi32, #tpu.memory_space<vmem>>, %arg14: memref<320x16xf32, #tpu.memory_space<vmem>>, %arg15: memref<10240xf32, #tpu.memory_space<vmem>>, %arg16: memref<10240xf32, #tpu.memory_space<vmem>>, %arg17: memref<10240xf32, #tpu.memory_space<vmem>>, %arg18: memref<320xf32, #tpu.memory_space<vmem>>, %arg19: memref<320xf32, #tpu.memory_space<vmem>>, %arg20: memref<320xf32, #tpu.memory_space<vmem>>, %arg21: memref<320xf32, #tpu.memory_space<vmem>>, %arg22: memref<320xf32, #tpu.memory_space<vmem>>, %arg23: memref<320xf32, #tpu.memory_space<vmem>>) attributes {dimension_semantics = [#tpu.dimension_semantics<core_parallel>, #tpu.dimension_semantics<subcore_parallel>], iteration_bounds = array<i64: 2, 16>, scalar_prefetch = 0 : i64, scratch_operands = 11 : i64, tpu.core_type = #tpu.core_type<sc_vector_subcore>, window_params = [{transform_indices = #map}, {transform_indices = #map}, {transform_indices = #map1}, {transform_indices = #map1}, {transform_indices = #map1}, {transform_indices = #map1}, {transform_indices = #map1}, {transform_indices = #map1}, {transform_indices = #map1}, {transform_indices = #map1}, {transform_indices = #map1}]} {
    %mul3A = arith.constant 2 : i32
    %mul3A_0 = arith.muli %arg1, %mul3A : i32
    %add3A = arith.addi %mul3A_0, %arg0 : i32
    %mul3A_1 = arith.constant 320 : i32
    %mul3A_2 = arith.muli %add3A, %mul3A_1 : i32
    "tpu.region"() ({
      %run_scoped3A = tpu.sem_alloc : memref<!tpu.dma_semaphore, #tpu.memory_space<semaphore_mem>>
      tpu.enqueue_dma source(%arg4 : memref<10240xf32, #tpu.memory_space<hbm>>) target(%arg15 : memref<10240xf32, #tpu.memory_space<vmem>>) target_semaphore(%run_scoped3A : memref<!tpu.dma_semaphore, #tpu.memory_space<semaphore_mem>>)
      tpu.wait_dma2 semaphore(%run_scoped3A : memref<!tpu.dma_semaphore, #tpu.memory_space<semaphore_mem>>) src(%arg4 : memref<10240xf32, #tpu.memory_space<hbm>>) dst(%arg15 : memref<10240xf32, #tpu.memory_space<vmem>>)
      tpu.yield
    }) : () -> ()
    "tpu.region"() ({
      %run_scoped3A = tpu.sem_alloc : memref<!tpu.dma_semaphore, #tpu.memory_space<semaphore_mem>>
      tpu.enqueue_dma source(%arg5 : memref<10240xf32, #tpu.memory_space<hbm>>) target(%arg16 : memref<10240xf32, #tpu.memory_space<vmem>>) target_semaphore(%run_scoped3A : memref<!tpu.dma_semaphore, #tpu.memory_space<semaphore_mem>>)
      tpu.wait_dma2 semaphore(%run_scoped3A : memref<!tpu.dma_semaphore, #tpu.memory_space<semaphore_mem>>) src(%arg5 : memref<10240xf32, #tpu.memory_space<hbm>>) dst(%arg16 : memref<10240xf32, #tpu.memory_space<vmem>>)
      tpu.yield
    }) : () -> ()
    "tpu.region"() ({
      %run_scoped3A = tpu.sem_alloc : memref<!tpu.dma_semaphore, #tpu.memory_space<semaphore_mem>>
      tpu.enqueue_dma source(%arg6 : memref<10240xf32, #tpu.memory_space<hbm>>) target(%arg17 : memref<10240xf32, #tpu.memory_space<vmem>>) target_semaphore(%run_scoped3A : memref<!tpu.dma_semaphore, #tpu.memory_space<semaphore_mem>>)
      tpu.wait_dma2 semaphore(%run_scoped3A : memref<!tpu.dma_semaphore, #tpu.memory_space<semaphore_mem>>) src(%arg6 : memref<10240xf32, #tpu.memory_space<hbm>>) dst(%arg17 : memref<10240xf32, #tpu.memory_space<vmem>>)
      tpu.yield
    }) : () -> ()
    "tpu.region"() ({
      %run_scoped3A = tpu.sem_alloc : memref<!tpu.dma_semaphore, #tpu.memory_space<semaphore_mem>>
      %dma_start3A = arith.constant 0 : i32
      %dma_start3A_8 = tpu.memref_slice %arg2[%mul3A_2, %dma_start3A] : memref<10240x16xi32, #tpu.memory_space<hbm>> -> memref<320x16xi32, #tpu.memory_space<hbm>>
      %dma_start3A_9 = arith.constant 0 : i32
      %dma_start3A_10 = tpu.memref_slice %arg2[%mul3A_2, %dma_start3A_9] : memref<10240x16xi32, #tpu.memory_space<hbm>> -> memref<320x16xi32, #tpu.memory_space<hbm>>
      tpu.enqueue_dma source(%dma_start3A_10 : memref<320x16xi32, #tpu.memory_space<hbm>>) target(%arg13 : memref<320x16xi32, #tpu.memory_space<vmem>>) target_semaphore(%run_scoped3A : memref<!tpu.dma_semaphore, #tpu.memory_space<semaphore_mem>>)
      %dma_wait3A = arith.constant 0 : i32
      %dma_wait3A_11 = tpu.memref_slice %arg2[%mul3A_2, %dma_wait3A] : memref<10240x16xi32, #tpu.memory_space<hbm>> -> memref<320x16xi32, #tpu.memory_space<hbm>>
      %dma_wait3A_12 = arith.constant 0 : i32
      %dma_wait3A_13 = tpu.memref_slice %arg2[%mul3A_2, %dma_wait3A_12] : memref<10240x16xi32, #tpu.memory_space<hbm>> -> memref<320x16xi32, #tpu.memory_space<hbm>>
      tpu.wait_dma2 semaphore(%run_scoped3A : memref<!tpu.dma_semaphore, #tpu.memory_space<semaphore_mem>>) src(%dma_wait3A_13 : memref<320x16xi32, #tpu.memory_space<hbm>>) dst(%arg13 : memref<320x16xi32, #tpu.memory_space<vmem>>)
      tpu.yield
    }) : () -> ()
    "tpu.region"() ({
      %run_scoped3A = tpu.sem_alloc : memref<!tpu.dma_semaphore, #tpu.memory_space<semaphore_mem>>
      %dma_start3A = arith.constant 0 : i32
      %dma_start3A_8 = tpu.memref_slice %arg3[%mul3A_2, %dma_start3A] : memref<10240x16xf32, #tpu.memory_space<hbm>> -> memref<320x16xf32, #tpu.memory_space<hbm>>
      %dma_start3A_9 = arith.constant 0 : i32
      %dma_start3A_10 = tpu.memref_slice %arg3[%mul3A_2, %dma_start3A_9] : memref<10240x16xf32, #tpu.memory_space<hbm>> -> memref<320x16xf32, #tpu.memory_space<hbm>>
      tpu.enqueue_dma source(%dma_start3A_10 : memref<320x16xf32, #tpu.memory_space<hbm>>) target(%arg14 : memref<320x16xf32, #tpu.memory_space<vmem>>) target_semaphore(%run_scoped3A : memref<!tpu.dma_semaphore, #tpu.memory_space<semaphore_mem>>)
      %dma_wait3A = arith.constant 0 : i32
      %dma_wait3A_11 = tpu.memref_slice %arg3[%mul3A_2, %dma_wait3A] : memref<10240x16xf32, #tpu.memory_space<hbm>> -> memref<320x16xf32, #tpu.memory_space<hbm>>
      %dma_wait3A_12 = arith.constant 0 : i32
      %dma_wait3A_13 = tpu.memref_slice %arg3[%mul3A_2, %dma_wait3A_12] : memref<10240x16xf32, #tpu.memory_space<hbm>> -> memref<320x16xf32, #tpu.memory_space<hbm>>
      tpu.wait_dma2 semaphore(%run_scoped3A : memref<!tpu.dma_semaphore, #tpu.memory_space<semaphore_mem>>) src(%dma_wait3A_13 : memref<320x16xf32, #tpu.memory_space<hbm>>) dst(%arg14 : memref<320x16xf32, #tpu.memory_space<vmem>>)
      tpu.yield
    }) : () -> ()
    %iota3A = tpu.iota {dimensions = array<i32: 0>} : vector<16xi32>
    %scan3A = arith.constant 0 : i32
    %scan3A_3 = arith.constant 0 : i32
    %scan3A_4 = arith.constant 20 : i32
    %scan3A_5 = arith.addi %scan3A_3, %scan3A_4 : i32
    %scan3A_6 = arith.constant 1 : i32
    scf.for %scan3A_8 = %scan3A_3 to %scan3A_5 step %scan3A_6  : i32 {
      %broadcast_in_dim3A = arith.constant 0.000000e+00 : f32
      %broadcast_in_dim3A_9 = vector.broadcast %broadcast_in_dim3A : f32 to vector<16xf32>
      %broadcast_in_dim3A_10 = arith.constant 0.000000e+00 : f32
      %broadcast_in_dim3A_11 = vector.broadcast %broadcast_in_dim3A_10 : f32 to vector<16xf32>
      %broadcast_in_dim3A_12 = arith.constant 0.000000e+00 : f32
      %broadcast_in_dim3A_13 = vector.broadcast %broadcast_in_dim3A_12 : f32 to vector<16xf32>
      %broadcast_in_dim3A_14 = arith.constant 0.000000e+00 : f32
      %broadcast_in_dim3A_15 = vector.broadcast %broadcast_in_dim3A_14 : f32 to vector<16xf32>
      %broadcast_in_dim3A_16 = arith.constant 0.000000e+00 : f32
      %broadcast_in_dim3A_17 = vector.broadcast %broadcast_in_dim3A_16 : f32 to vector<16xf32>
      %broadcast_in_dim3A_18 = arith.constant 0.000000e+00 : f32
      %broadcast_in_dim3A_19 = vector.broadcast %broadcast_in_dim3A_18 : f32 to vector<16xf32>
      %mul3A_20 = arith.constant 16 : i32
      %mul3A_21 = arith.muli %scan3A_8, %mul3A_20 : i32
      %add3A_22 = arith.constant 0 : i32
      %add3A_23 = arith.addi %mul3A_21, %add3A_22 : i32
      %get3A = arith.index_cast %add3A_23 : i32 to index
      %get3A_24 = arith.constant 0 : index
      %get3A_25 = tpu.vector_load %arg13[%get3A, %get3A_24] {strides = array<i32>} : memref<320x16xi32, #tpu.memory_space<vmem>>, vector<16xi32>,
      %add3A_26 = arith.constant 0 : i32
      %add3A_27 = arith.addi %mul3A_21, %add3A_26 : i32
      %get3A_28 = arith.index_cast %add3A_27 : i32 to index
      %get3A_29 = arith.constant 0 : index
      %get3A_30 = tpu.vector_load %arg14[%get3A_28, %get3A_29] {strides = array<i32>} : memref<320x16xf32, #tpu.memory_space<vmem>>, vector<16xf32>,
      %gather3A = tpu.vector_load_idx %arg15[%get3A_25] : memref<10240xf32, #tpu.memory_space<vmem>>[vector<16xi32>], vector<16xf32>,
      %mul3A_31 = arith.mulf %gather3A, %get3A_30 : vector<16xf32>
      %gather3A_32 = tpu.vector_load_idx %arg16[%get3A_25] : memref<10240xf32, #tpu.memory_space<vmem>>[vector<16xi32>], vector<16xf32>,
      %mul3A_33 = arith.mulf %gather3A_32, %get3A_30 : vector<16xf32>
      %gather3A_34 = tpu.vector_load_idx %arg17[%get3A_25] : memref<10240xf32, #tpu.memory_space<vmem>>[vector<16xi32>], vector<16xf32>,
      %mul3A_35 = arith.mulf %gather3A_34, %get3A_30 : vector<16xf32>
      %reduce_sum3A = arith.constant true
      %reduce_sum3A_36 = vector.broadcast %reduce_sum3A : i1 to vector<16xi1>
      %reduce_sum3A_37 = tpu.scan <sum>, %mul3A_31 masked %reduce_sum3A_36 : vector<16xf32>, vector<16xi1> -> vector<16xf32>
      %reduce_sum3A_38 = vector.extract %reduce_sum3A_37[15] : f32 from vector<16xf32>
      %mul3A_39 = arith.constant 6.250000e-02 : f32
      %mul3A_40 = arith.mulf %reduce_sum3A_38, %mul3A_39 : f32
      %reduce_sum3A_41 = arith.constant true
      %reduce_sum3A_42 = vector.broadcast %reduce_sum3A_41 : i1 to vector<16xi1>
      %reduce_sum3A_43 = tpu.scan <sum>, %mul3A_33 masked %reduce_sum3A_42 : vector<16xf32>, vector<16xi1> -> vector<16xf32>
      %reduce_sum3A_44 = vector.extract %reduce_sum3A_43[15] : f32 from vector<16xf32>
      %mul3A_45 = arith.constant 6.250000e-02 : f32
      %mul3A_46 = arith.mulf %reduce_sum3A_44, %mul3A_45 : f32
      %reduce_sum3A_47 = arith.constant true
      %reduce_sum3A_48 = vector.broadcast %reduce_sum3A_47 : i1 to vector<16xi1>
      %reduce_sum3A_49 = tpu.scan <sum>, %mul3A_35 masked %reduce_sum3A_48 : vector<16xf32>, vector<16xi1> -> vector<16xf32>
      %reduce_sum3A_50 = vector.extract %reduce_sum3A_49[15] : f32 from vector<16xf32>
      %mul3A_51 = arith.constant 6.250000e-02 : f32
      %mul3A_52 = arith.mulf %reduce_sum3A_50, %mul3A_51 : f32
      %reduce_max3A = arith.constant true
      %reduce_max3A_53 = vector.broadcast %reduce_max3A : i1 to vector<16xi1>
      %reduce_max3A_54 = tpu.scan <max>, %mul3A_31 masked %reduce_max3A_53 : vector<16xf32>, vector<16xi1> -> vector<16xf32>
      %reduce_max3A_55 = vector.extract %reduce_max3A_54[15] : f32 from vector<16xf32>
      %reduce_max3A_56 = arith.constant true
      %reduce_max3A_57 = vector.broadcast %reduce_max3A_56 : i1 to vector<16xi1>
      %reduce_max3A_58 = tpu.scan <max>, %mul3A_33 masked %reduce_max3A_57 : vector<16xf32>, vector<16xi1> -> vector<16xf32>
      %reduce_max3A_59 = vector.extract %reduce_max3A_58[15] : f32 from vector<16xf32>
      %reduce_max3A_60 = arith.constant true
      %reduce_max3A_61 = vector.broadcast %reduce_max3A_60 : i1 to vector<16xi1>
      %reduce_max3A_62 = tpu.scan <max>, %mul3A_35 masked %reduce_max3A_61 : vector<16xf32>, vector<16xi1> -> vector<16xf32>
      %reduce_max3A_63 = vector.extract %reduce_max3A_62[15] : f32 from vector<16xf32>
      %eq3A = arith.constant 0 : i32
      %eq3A_64 = vector.broadcast %eq3A : i32 to vector<16xi32>
      %eq3A_65 = arith.cmpi eq, %iota3A, %eq3A_64 : vector<16xi32>
      %broadcast_in_dim3A_66 = vector.broadcast %mul3A_40 : f32 to vector<16xf32>
      %select_n3A = arith.select %eq3A_65, %broadcast_in_dim3A_66, %broadcast_in_dim3A_9 : vector<16xi1>, vector<16xf32>
      %broadcast_in_dim3A_67 = vector.broadcast %mul3A_46 : f32 to vector<16xf32>
      %select_n3A_68 = arith.select %eq3A_65, %broadcast_in_dim3A_67, %broadcast_in_dim3A_11 : vector<16xi1>, vector<16xf32>
      %broadcast_in_dim3A_69 = vector.broadcast %mul3A_52 : f32 to vector<16xf32>
      %select_n3A_70 = arith.select %eq3A_65, %broadcast_in_dim3A_69, %broadcast_in_dim3A_13 : vector<16xi1>, vector<16xf32>
      %broadcast_in_dim3A_71 = vector.broadcast %reduce_max3A_55 : f32 to vector<16xf32>
      %select_n3A_72 = arith.select %eq3A_65, %broadcast_in_dim3A_71, %broadcast_in_dim3A_15 : vector<16xi1>, vector<16xf32>
      %broadcast_in_dim3A_73 = vector.broadcast %reduce_max3A_59 : f32 to vector<16xf32>
      %select_n3A_74 = arith.select %eq3A_65, %broadcast_in_dim3A_73, %broadcast_in_dim3A_17 : vector<16xi1>, vector<16xf32>
      %broadcast_in_dim3A_75 = vector.broadcast %reduce_max3A_63 : f32 to vector<16xf32>
      %select_n3A_76 = arith.select %eq3A_65, %broadcast_in_dim3A_75, %broadcast_in_dim3A_19 : vector<16xi1>, vector<16xf32>
      %add3A_77 = arith.constant 1 : i32
      %add3A_78 = arith.addi %mul3A_21, %add3A_77 : i32
      %get3A_79 = arith.index_cast %add3A_78 : i32 to index
      %get3A_80 = arith.constant 0 : index
      %get3A_81 = tpu.vector_load %arg13[%get3A_79, %get3A_80] {strides = array<i32>} : memref<320x16xi32, #tpu.memory_space<vmem>>, vector<16xi32>,
      %add3A_82 = arith.constant 1 : i32
      %add3A_83 = arith.addi %mul3A_21, %add3A_82 : i32
      %get3A_84 = arith.index_cast %add3A_83 : i32 to index
      %get3A_85 = arith.constant 0 : index
      %get3A_86 = tpu.vector_load %arg14[%get3A_84, %get3A_85] {strides = array<i32>} : memref<320x16xf32, #tpu.memory_space<vmem>>, vector<16xf32>,
      %gather3A_87 = tpu.vector_load_idx %arg15[%get3A_81] : memref<10240xf32, #tpu.memory_space<vmem>>[vector<16xi32>], vector<16xf32>,
      %mul3A_88 = arith.mulf %gather3A_87, %get3A_86 : vector<16xf32>
      %gather3A_89 = tpu.vector_load_idx %arg16[%get3A_81] : memref<10240xf32, #tpu.memory_space<vmem>>[vector<16xi32>], vector<16xf32>,
      %mul3A_90 = arith.mulf %gather3A_89, %get3A_86 : vector<16xf32>
      %gather3A_91 = tpu.vector_load_idx %arg17[%get3A_81] : memref<10240xf32, #tpu.memory_space<vmem>>[vector<16xi32>], vector<16xf32>,
      %mul3A_92 = arith.mulf %gather3A_91, %get3A_86 : vector<16xf32>
      %reduce_sum3A_93 = arith.constant true
      %reduce_sum3A_94 = vector.broadcast %reduce_sum3A_93 : i1 to vector<16xi1>
      %reduce_sum3A_95 = tpu.scan <sum>, %mul3A_88 masked %reduce_sum3A_94 : vector<16xf32>, vector<16xi1> -> vector<16xf32>
      %reduce_sum3A_96 = vector.extract %reduce_sum3A_95[15] : f32 from vector<16xf32>
      %mul3A_97 = arith.constant 6.250000e-02 : f32
      %mul3A_98 = arith.mulf %reduce_sum3A_96, %mul3A_97 : f32
      %reduce_sum3A_99 = arith.constant true
      %reduce_sum3A_100 = vector.broadcast %reduce_sum3A_99 : i1 to vector<16xi1>
      %reduce_sum3A_101 = tpu.scan <sum>, %mul3A_90 masked %reduce_sum3A_100 : vector<16xf32>, vector<16xi1> -> vector<16xf32>
      %reduce_sum3A_102 = vector.extract %reduce_sum3A_101[15] : f32 from vector<16xf32>
      %mul3A_103 = arith.constant 6.250000e-02 : f32
      %mul3A_104 = arith.mulf %reduce_sum3A_102, %mul3A_103 : f32
      %reduce_sum3A_105 = arith.constant true
      %reduce_sum3A_106 = vector.broadcast %reduce_sum3A_105 : i1 to vector<16xi1>
      %reduce_sum3A_107 = tpu.scan <sum>, %mul3A_92 masked %reduce_sum3A_106 : vector<16xf32>, vector<16xi1> -> vector<16xf32>
      %reduce_sum3A_108 = vector.extract %reduce_sum3A_107[15] : f32 from vector<16xf32>
      %mul3A_109 = arith.constant 6.250000e-02 : f32
      %mul3A_110 = arith.mulf %reduce_sum3A_108, %mul3A_109 : f32
      %reduce_max3A_111 = arith.constant true
      %reduce_max3A_112 = vector.broadcast %reduce_max3A_111 : i1 to vector<16xi1>
      %reduce_max3A_113 = tpu.scan <max>, %mul3A_88 masked %reduce_max3A_112 : vector<16xf32>, vector<16xi1> -> vector<16xf32>
      %reduce_max3A_114 = vector.extract %reduce_max3A_113[15] : f32 from vector<16xf32>
      %reduce_max3A_115 = arith.constant true
      %reduce_max3A_116 = vector.broadcast %reduce_max3A_115 : i1 to vector<16xi1>
      %reduce_max3A_117 = tpu.scan <max>, %mul3A_90 masked %reduce_max3A_116 : vector<16xf32>, vector<16xi1> -> vector<16xf32>
      %reduce_max3A_118 = vector.extract %reduce_max3A_117[15] : f32 from vector<16xf32>
      %reduce_max3A_119 = arith.constant true
      %reduce_max3A_120 = vector.broadcast %reduce_max3A_119 : i1 to vector<16xi1>
      %reduce_max3A_121 = tpu.scan <max>, %mul3A_92 masked %reduce_max3A_120 : vector<16xf32>, vector<16xi1> -> vector<16xf32>
      %reduce_max3A_122 = vector.extract %reduce_max3A_121[15] : f32 from vector<16xf32>
      %eq3A_123 = arith.constant 1 : i32
      %eq3A_124 = vector.broadcast %eq3A_123 : i32 to vector<16xi32>
      %eq3A_125 = arith.cmpi eq, %iota3A, %eq3A_124 : vector<16xi32>
      %broadcast_in_dim3A_126 = vector.broadcast %mul3A_98 : f32 to vector<16xf32>
      %select_n3A_127 = arith.select %eq3A_125, %broadcast_in_dim3A_126, %select_n3A : vector<16xi1>, vector<16xf32>
      %broadcast_in_dim3A_128 = vector.broadcast %mul3A_104 : f32 to vector<16xf32>
      %select_n3A_129 = arith.select %eq3A_125, %broadcast_in_dim3A_128, %select_n3A_68 : vector<16xi1>, vector<16xf32>
      %broadcast_in_dim3A_130 = vector.broadcast %mul3A_110 : f32 to vector<16xf32>
      %select_n3A_131 = arith.select %eq3A_125, %broadcast_in_dim3A_130, %select_n3A_70 : vector<16xi1>, vector<16xf32>
      %broadcast_in_dim3A_132 = vector.broadcast %reduce_max3A_114 : f32 to vector<16xf32>
      %select_n3A_133 = arith.select %eq3A_125, %broadcast_in_dim3A_132, %select_n3A_72 : vector<16xi1>, vector<16xf32>
      %broadcast_in_dim3A_134 = vector.broadcast %reduce_max3A_118 : f32 to vector<16xf32>
      %select_n3A_135 = arith.select %eq3A_125, %broadcast_in_dim3A_134, %select_n3A_74 : vector<16xi1>, vector<16xf32>
      %broadcast_in_dim3A_136 = vector.broadcast %reduce_max3A_122 : f32 to vector<16xf32>
      %select_n3A_137 = arith.select %eq3A_125, %broadcast_in_dim3A_136, %select_n3A_76 : vector<16xi1>, vector<16xf32>
      %add3A_138 = arith.constant 2 : i32
      %add3A_139 = arith.addi %mul3A_21, %add3A_138 : i32
      %get3A_140 = arith.index_cast %add3A_139 : i32 to index
      %get3A_141 = arith.constant 0 : index
      %get3A_142 = tpu.vector_load %arg13[%get3A_140, %get3A_141] {strides = array<i32>} : memref<320x16xi32, #tpu.memory_space<vmem>>, vector<16xi32>,
      %add3A_143 = arith.constant 2 : i32
      %add3A_144 = arith.addi %mul3A_21, %add3A_143 : i32
      %get3A_145 = arith.index_cast %add3A_144 : i32 to index
      %get3A_146 = arith.constant 0 : index
      %get3A_147 = tpu.vector_load %arg14[%get3A_145, %get3A_146] {strides = array<i32>} : memref<320x16xf32, #tpu.memory_space<vmem>>, vector<16xf32>,
      %gather3A_148 = tpu.vector_load_idx %arg15[%get3A_142] : memref<10240xf32, #tpu.memory_space<vmem>>[vector<16xi32>], vector<16xf32>,
      %mul3A_149 = arith.mulf %gather3A_148, %get3A_147 : vector<16xf32>
      %gather3A_150 = tpu.vector_load_idx %arg16[%get3A_142] : memref<10240xf32, #tpu.memory_space<vmem>>[vector<16xi32>], vector<16xf32>,
      %mul3A_151 = arith.mulf %gather3A_150, %get3A_147 : vector<16xf32>
      %gather3A_152 = tpu.vector_load_idx %arg17[%get3A_142] : memref<10240xf32, #tpu.memory_space<vmem>>[vector<16xi32>], vector<16xf32>,
      %mul3A_153 = arith.mulf %gather3A_152, %get3A_147 : vector<16xf32>
      %reduce_sum3A_154 = arith.constant true
      %reduce_sum3A_155 = vector.broadcast %reduce_sum3A_154 : i1 to vector<16xi1>
      %reduce_sum3A_156 = tpu.scan <sum>, %mul3A_149 masked %reduce_sum3A_155 : vector<16xf32>, vector<16xi1> -> vector<16xf32>
      %reduce_sum3A_157 = vector.extract %reduce_sum3A_156[15] : f32 from vector<16xf32>
      %mul3A_158 = arith.constant 6.250000e-02 : f32
      %mul3A_159 = arith.mulf %reduce_sum3A_157, %mul3A_158 : f32
      %reduce_sum3A_160 = arith.constant true
      %reduce_sum3A_161 = vector.broadcast %reduce_sum3A_160 : i1 to vector<16xi1>
      %reduce_sum3A_162 = tpu.scan <sum>, %mul3A_151 masked %reduce_sum3A_161 : vector<16xf32>, vector<16xi1> -> vector<16xf32>
      %reduce_sum3A_163 = vector.extract %reduce_sum3A_162[15] : f32 from vector<16xf32>
      %mul3A_164 = arith.constant 6.250000e-02 : f32
      %mul3A_165 = arith.mulf %reduce_sum3A_163, %mul3A_164 : f32
      %reduce_sum3A_166 = arith.constant true
      %reduce_sum3A_167 = vector.broadcast %reduce_sum3A_166 : i1 to vector<16xi1>
      %reduce_sum3A_168 = tpu.scan <sum>, %mul3A_153 masked %reduce_sum3A_167 : vector<16xf32>, vector<16xi1> -> vector<16xf32>
      %reduce_sum3A_169 = vector.extract %reduce_sum3A_168[15] : f32 from vector<16xf32>
      %mul3A_170 = arith.constant 6.250000e-02 : f32
      %mul3A_171 = arith.mulf %reduce_sum3A_169, %mul3A_170 : f32
      %reduce_max3A_172 = arith.constant true
      %reduce_max3A_173 = vector.broadcast %reduce_max3A_172 : i1 to vector<16xi1>
      %reduce_max3A_174 = tpu.scan <max>, %mul3A_149 masked %reduce_max3A_173 : vector<16xf32>, vector<16xi1> -> vector<16xf32>
      %reduce_max3A_175 = vector.extract %reduce_max3A_174[15] : f32 from vector<16xf32>
      %reduce_max3A_176 = arith.constant true
      %reduce_max3A_177 = vector.broadcast %reduce_max3A_176 : i1 to vector<16xi1>
      %reduce_max3A_178 = tpu.scan <max>, %mul3A_151 masked %reduce_max3A_177 : vector<16xf32>, vector<16xi1> -> vector<16xf32>
      %reduce_max3A_179 = vector.extract %reduce_max3A_178[15] : f32 from vector<16xf32>
      %reduce_max3A_180 = arith.constant true
      %reduce_max3A_181 = vector.broadcast %reduce_max3A_180 : i1 to vector<16xi1>
      %reduce_max3A_182 = tpu.scan <max>, %mul3A_153 masked %reduce_max3A_181 : vector<16xf32>, vector<16xi1> -> vector<16xf32>
      %reduce_max3A_183 = vector.extract %reduce_max3A_182[15] : f32 from vector<16xf32>
      %eq3A_184 = arith.constant 2 : i32
      %eq3A_185 = vector.broadcast %eq3A_184 : i32 to vector<16xi32>
      %eq3A_186 = arith.cmpi eq, %iota3A, %eq3A_185 : vector<16xi32>
      %broadcast_in_dim3A_187 = vector.broadcast %mul3A_159 : f32 to vector<16xf32>
      %select_n3A_188 = arith.select %eq3A_186, %broadcast_in_dim3A_187, %select_n3A_127 : vector<16xi1>, vector<16xf32>
      %broadcast_in_dim3A_189 = vector.broadcast %mul3A_165 : f32 to vector<16xf32>
      %select_n3A_190 = arith.select %eq3A_186, %broadcast_in_dim3A_189, %select_n3A_129 : vector<16xi1>, vector<16xf32>
      %broadcast_in_dim3A_191 = vector.broadcast %mul3A_171 : f32 to vector<16xf32>
      %select_n3A_192 = arith.select %eq3A_186, %broadcast_in_dim3A_191, %select_n3A_131 : vector<16xi1>, vector<16xf32>
      %broadcast_in_dim3A_193 = vector.broadcast %reduce_max3A_175 : f32 to vector<16xf32>
      %select_n3A_194 = arith.select %eq3A_186, %broadcast_in_dim3A_193, %select_n3A_133 : vector<16xi1>, vector<16xf32>
      %broadcast_in_dim3A_195 = vector.broadcast %reduce_max3A_179 : f32 to vector<16xf32>
      %select_n3A_196 = arith.select %eq3A_186, %broadcast_in_dim3A_195, %select_n3A_135 : vector<16xi1>, vector<16xf32>
      %broadcast_in_dim3A_197 = vector.broadcast %reduce_max3A_183 : f32 to vector<16xf32>
      %select_n3A_198 = arith.select %eq3A_186, %broadcast_in_dim3A_197, %select_n3A_137 : vector<16xi1>, vector<16xf32>
      %add3A_199 = arith.constant 3 : i32
      %add3A_200 = arith.addi %mul3A_21, %add3A_199 : i32
      %get3A_201 = arith.index_cast %add3A_200 : i32 to index
      %get3A_202 = arith.constant 0 : index
      %get3A_203 = tpu.vector_load %arg13[%get3A_201, %get3A_202] {strides = array<i32>} : memref<320x16xi32, #tpu.memory_space<vmem>>, vector<16xi32>,
      %add3A_204 = arith.constant 3 : i32
      %add3A_205 = arith.addi %mul3A_21, %add3A_204 : i32
      %get3A_206 = arith.index_cast %add3A_205 : i32 to index
      %get3A_207 = arith.constant 0 : index
      %get3A_208 = tpu.vector_load %arg14[%get3A_206, %get3A_207] {strides = array<i32>} : memref<320x16xf32, #tpu.memory_space<vmem>>, vector<16xf32>,
      %gather3A_209 = tpu.vector_load_idx %arg15[%get3A_203] : memref<10240xf32, #tpu.memory_space<vmem>>[vector<16xi32>], vector<16xf32>,
      %mul3A_210 = arith.mulf %gather3A_209, %get3A_208 : vector<16xf32>
      %gather3A_211 = tpu.vector_load_idx %arg16[%get3A_203] : memref<10240xf32, #tpu.memory_space<vmem>>[vector<16xi32>], vector<16xf32>,
      %mul3A_212 = arith.mulf %gather3A_211, %get3A_208 : vector<16xf32>
      %gather3A_213 = tpu.vector_load_idx %arg17[%get3A_203] : memref<10240xf32, #tpu.memory_space<vmem>>[vector<16xi32>], vector<16xf32>,
      %mul3A_214 = arith.mulf %gather3A_213, %get3A_208 : vector<16xf32>
      %reduce_sum3A_215 = arith.constant true
      %reduce_sum3A_216 = vector.broadcast %reduce_sum3A_215 : i1 to vector<16xi1>
      %reduce_sum3A_217 = tpu.scan <sum>, %mul3A_210 masked %reduce_sum3A_216 : vector<16xf32>, vector<16xi1> -> vector<16xf32>
      %reduce_sum3A_218 = vector.extract %reduce_sum3A_217[15] : f32 from vector<16xf32>
      %mul3A_219 = arith.constant 6.250000e-02 : f32
      %mul3A_220 = arith.mulf %reduce_sum3A_218, %mul3A_219 : f32
      %reduce_sum3A_221 = arith.constant true
      %reduce_sum3A_222 = vector.broadcast %reduce_sum3A_221 : i1 to vector<16xi1>
      %reduce_sum3A_223 = tpu.scan <sum>, %mul3A_212 masked %reduce_sum3A_222 : vector<16xf32>, vector<16xi1> -> vector<16xf32>
      %reduce_sum3A_224 = vector.extract %reduce_sum3A_223[15] : f32 from vector<16xf32>
      %mul3A_225 = arith.constant 6.250000e-02 : f32
      %mul3A_226 = arith.mulf %reduce_sum3A_224, %mul3A_225 : f32
      %reduce_sum3A_227 = arith.constant true
      %reduce_sum3A_228 = vector.broadcast %reduce_sum3A_227 : i1 to vector<16xi1>
      %reduce_sum3A_229 = tpu.scan <sum>, %mul3A_214 masked %reduce_sum3A_228 : vector<16xf32>, vector<16xi1> -> vector<16xf32>
      %reduce_sum3A_230 = vector.extract %reduce_sum3A_229[15] : f32 from vector<16xf32>
      %mul3A_231 = arith.constant 6.250000e-02 : f32
      %mul3A_232 = arith.mulf %reduce_sum3A_230, %mul3A_231 : f32
      %reduce_max3A_233 = arith.constant true
      %reduce_max3A_234 = vector.broadcast %reduce_max3A_233 : i1 to vector<16xi1>
      %reduce_max3A_235 = tpu.scan <max>, %mul3A_210 masked %reduce_max3A_234 : vector<16xf32>, vector<16xi1> -> vector<16xf32>
      %reduce_max3A_236 = vector.extract %reduce_max3A_235[15] : f32 from vector<16xf32>
      %reduce_max3A_237 = arith.constant true
      %reduce_max3A_238 = vector.broadcast %reduce_max3A_237 : i1 to vector<16xi1>
      %reduce_max3A_239 = tpu.scan <max>, %mul3A_212 masked %reduce_max3A_238 : vector<16xf32>, vector<16xi1> -> vector<16xf32>
      %reduce_max3A_240 = vector.extract %reduce_max3A_239[15] : f32 from vector<16xf32>
      %reduce_max3A_241 = arith.constant true
      %reduce_max3A_242 = vector.broadcast %reduce_max3A_241 : i1 to vector<16xi1>
      %reduce_max3A_243 = tpu.scan <max>, %mul3A_214 masked %reduce_max3A_242 : vector<16xf32>, vector<16xi1> -> vector<16xf32>
      %reduce_max3A_244 = vector.extract %reduce_max3A_243[15] : f32 from vector<16xf32>
      %eq3A_245 = arith.constant 3 : i32
      %eq3A_246 = vector.broadcast %eq3A_245 : i32 to vector<16xi32>
      %eq3A_247 = arith.cmpi eq, %iota3A, %eq3A_246 : vector<16xi32>
      %broadcast_in_dim3A_248 = vector.broadcast %mul3A_220 : f32 to vector<16xf32>
      %select_n3A_249 = arith.select %eq3A_247, %broadcast_in_dim3A_248, %select_n3A_188 : vector<16xi1>, vector<16xf32>
      %broadcast_in_dim3A_250 = vector.broadcast %mul3A_226 : f32 to vector<16xf32>
      %select_n3A_251 = arith.select %eq3A_247, %broadcast_in_dim3A_250, %select_n3A_190 : vector<16xi1>, vector<16xf32>
      %broadcast_in_dim3A_252 = vector.broadcast %mul3A_232 : f32 to vector<16xf32>
      %select_n3A_253 = arith.select %eq3A_247, %broadcast_in_dim3A_252, %select_n3A_192 : vector<16xi1>, vector<16xf32>
      %broadcast_in_dim3A_254 = vector.broadcast %reduce_max3A_236 : f32 to vector<16xf32>
      %select_n3A_255 = arith.select %eq3A_247, %broadcast_in_dim3A_254, %select_n3A_194 : vector<16xi1>, vector<16xf32>
      %broadcast_in_dim3A_256 = vector.broadcast %reduce_max3A_240 : f32 to vector<16xf32>
      %select_n3A_257 = arith.select %eq3A_247, %broadcast_in_dim3A_256, %select_n3A_196 : vector<16xi1>, vector<16xf32>
      %broadcast_in_dim3A_258 = vector.broadcast %reduce_max3A_244 : f32 to vector<16xf32>
      %select_n3A_259 = arith.select %eq3A_247, %broadcast_in_dim3A_258, %select_n3A_198 : vector<16xi1>, vector<16xf32>
      %add3A_260 = arith.constant 4 : i32
      %add3A_261 = arith.addi %mul3A_21, %add3A_260 : i32
      %get3A_262 = arith.index_cast %add3A_261 : i32 to index
      %get3A_263 = arith.constant 0 : index
      %get3A_264 = tpu.vector_load %arg13[%get3A_262, %get3A_263] {strides = array<i32>} : memref<320x16xi32, #tpu.memory_space<vmem>>, vector<16xi32>,
      %add3A_265 = arith.constant 4 : i32
      %add3A_266 = arith.addi %mul3A_21, %add3A_265 : i32
      %get3A_267 = arith.index_cast %add3A_266 : i32 to index
      %get3A_268 = arith.constant 0 : index
      %get3A_269 = tpu.vector_load %arg14[%get3A_267, %get3A_268] {strides = array<i32>} : memref<320x16xf32, #tpu.memory_space<vmem>>, vector<16xf32>,
      %gather3A_270 = tpu.vector_load_idx %arg15[%get3A_264] : memref<10240xf32, #tpu.memory_space<vmem>>[vector<16xi32>], vector<16xf32>,
      %mul3A_271 = arith.mulf %gather3A_270, %get3A_269 : vector<16xf32>
      %gather3A_272 = tpu.vector_load_idx %arg16[%get3A_264] : memref<10240xf32, #tpu.memory_space<vmem>>[vector<16xi32>], vector<16xf32>,
      %mul3A_273 = arith.mulf %gather3A_272, %get3A_269 : vector<16xf32>
      %gather3A_274 = tpu.vector_load_idx %arg17[%get3A_264] : memref<10240xf32, #tpu.memory_space<vmem>>[vector<16xi32>], vector<16xf32>,
      %mul3A_275 = arith.mulf %gather3A_274, %get3A_269 : vector<16xf32>
      %reduce_sum3A_276 = arith.constant true
      %reduce_sum3A_277 = vector.broadcast %reduce_sum3A_276 : i1 to vector<16xi1>
      %reduce_sum3A_278 = tpu.scan <sum>, %mul3A_271 masked %reduce_sum3A_277 : vector<16xf32>, vector<16xi1> -> vector<16xf32>
      %reduce_sum3A_279 = vector.extract %reduce_sum3A_278[15] : f32 from vector<16xf32>
      %mul3A_280 = arith.constant 6.250000e-02 : f32
      %mul3A_281 = arith.mulf %reduce_sum3A_279, %mul3A_280 : f32
      %reduce_sum3A_282 = arith.constant true
      %reduce_sum3A_283 = vector.broadcast %reduce_sum3A_282 : i1 to vector<16xi1>
      %reduce_sum3A_284 = tpu.scan <sum>, %mul3A_273 masked %reduce_sum3A_283 : vector<16xf32>, vector<16xi1> -> vector<16xf32>
      %reduce_sum3A_285 = vector.extract %reduce_sum3A_284[15] : f32 from vector<16xf32>
      %mul3A_286 = arith.constant 6.250000e-02 : f32
      %mul3A_287 = arith.mulf %reduce_sum3A_285, %mul3A_286 : f32
      %reduce_sum3A_288 = arith.constant true
      %reduce_sum3A_289 = vector.broadcast %reduce_sum3A_288 : i1 to vector<16xi1>
      %reduce_sum3A_290 = tpu.scan <sum>, %mul3A_275 masked %reduce_sum3A_289 : vector<16xf32>, vector<16xi1> -> vector<16xf32>
      %reduce_sum3A_291 = vector.extract %reduce_sum3A_290[15] : f32 from vector<16xf32>
      %mul3A_292 = arith.constant 6.250000e-02 : f32
      %mul3A_293 = arith.mulf %reduce_sum3A_291, %mul3A_292 : f32
      %reduce_max3A_294 = arith.constant true
      %reduce_max3A_295 = vector.broadcast %reduce_max3A_294 : i1 to vector<16xi1>
      %reduce_max3A_296 = tpu.scan <max>, %mul3A_271 masked %reduce_max3A_295 : vector<16xf32>, vector<16xi1> -> vector<16xf32>
      %reduce_max3A_297 = vector.extract %reduce_max3A_296[15] : f32 from vector<16xf32>
      %reduce_max3A_298 = arith.constant true
      %reduce_max3A_299 = vector.broadcast %reduce_max3A_298 : i1 to vector<16xi1>
      %reduce_max3A_300 = tpu.scan <max>, %mul3A_273 masked %reduce_max3A_299 : vector<16xf32>, vector<16xi1> -> vector<16xf32>
      %reduce_max3A_301 = vector.extract %reduce_max3A_300[15] : f32 from vector<16xf32>
      %reduce_max3A_302 = arith.constant true
      %reduce_max3A_303 = vector.broadcast %reduce_max3A_302 : i1 to vector<16xi1>
      %reduce_max3A_304 = tpu.scan <max>, %mul3A_275 masked %reduce_max3A_303 : vector<16xf32>, vector<16xi1> -> vector<16xf32>
      %reduce_max3A_305 = vector.extract %reduce_max3A_304[15] : f32 from vector<16xf32>
      %eq3A_306 = arith.constant 4 : i32
      %eq3A_307 = vector.broadcast %eq3A_306 : i32 to vector<16xi32>
      %eq3A_308 = arith.cmpi eq, %iota3A, %eq3A_307 : vector<16xi32>
      %broadcast_in_dim3A_309 = vector.broadcast %mul3A_281 : f32 to vector<16xf32>
      %select_n3A_310 = arith.select %eq3A_308, %broadcast_in_dim3A_309, %select_n3A_249 : vector<16xi1>, vector<16xf32>
      %broadcast_in_dim3A_311 = vector.broadcast %mul3A_287 : f32 to vector<16xf32>
      %select_n3A_312 = arith.select %eq3A_308, %broadcast_in_dim3A_311, %select_n3A_251 : vector<16xi1>, vector<16xf32>
      %broadcast_in_dim3A_313 = vector.broadcast %mul3A_293 : f32 to vector<16xf32>
      %select_n3A_314 = arith.select %eq3A_308, %broadcast_in_dim3A_313, %select_n3A_253 : vector<16xi1>, vector<16xf32>
      %broadcast_in_dim3A_315 = vector.broadcast %reduce_max3A_297 : f32 to vector<16xf32>
      %select_n3A_316 = arith.select %eq3A_308, %broadcast_in_dim3A_315, %select_n3A_255 : vector<16xi1>, vector<16xf32>
      %broadcast_in_dim3A_317 = vector.broadcast %reduce_max3A_301 : f32 to vector<16xf32>
      %select_n3A_318 = arith.select %eq3A_308, %broadcast_in_dim3A_317, %select_n3A_257 : vector<16xi1>, vector<16xf32>
      %broadcast_in_dim3A_319 = vector.broadcast %reduce_max3A_305 : f32 to vector<16xf32>
      %select_n3A_320 = arith.select %eq3A_308, %broadcast_in_dim3A_319, %select_n3A_259 : vector<16xi1>, vector<16xf32>
      %add3A_321 = arith.constant 5 : i32
      %add3A_322 = arith.addi %mul3A_21, %add3A_321 : i32
      %get3A_323 = arith.index_cast %add3A_322 : i32 to index
      %get3A_324 = arith.constant 0 : index
      %get3A_325 = tpu.vector_load %arg13[%get3A_323, %get3A_324] {strides = array<i32>} : memref<320x16xi32, #tpu.memory_space<vmem>>, vector<16xi32>,
      %add3A_326 = arith.constant 5 : i32
      %add3A_327 = arith.addi %mul3A_21, %add3A_326 : i32
      %get3A_328 = arith.index_cast %add3A_327 : i32 to index
      %get3A_329 = arith.constant 0 : index
      %get3A_330 = tpu.vector_load %arg14[%get3A_328, %get3A_329] {strides = array<i32>} : memref<320x16xf32, #tpu.memory_space<vmem>>, vector<16xf32>,
      %gather3A_331 = tpu.vector_load_idx %arg15[%get3A_325] : memref<10240xf32, #tpu.memory_space<vmem>>[vector<16xi32>], vector<16xf32>,
      %mul3A_332 = arith.mulf %gather3A_331, %get3A_330 : vector<16xf32>
      %gather3A_333 = tpu.vector_load_idx %arg16[%get3A_325] : memref<10240xf32, #tpu.memory_space<vmem>>[vector<16xi32>], vector<16xf32>,
      %mul3A_334 = arith.mulf %gather3A_333, %get3A_330 : vector<16xf32>
      %gather3A_335 = tpu.vector_load_idx %arg17[%get3A_325] : memref<10240xf32, #tpu.memory_space<vmem>>[vector<16xi32>], vector<16xf32>,
      %mul3A_336 = arith.mulf %gather3A_335, %get3A_330 : vector<16xf32>
      %reduce_sum3A_337 = arith.constant true
      %reduce_sum3A_338 = vector.broadcast %reduce_sum3A_337 : i1 to vector<16xi1>
      %reduce_sum3A_339 = tpu.scan <sum>, %mul3A_332 masked %reduce_sum3A_338 : vector<16xf32>, vector<16xi1> -> vector<16xf32>
      %reduce_sum3A_340 = vector.extract %reduce_sum3A_339[15] : f32 from vector<16xf32>
      %mul3A_341 = arith.constant 6.250000e-02 : f32
      %mul3A_342 = arith.mulf %reduce_sum3A_340, %mul3A_341 : f32
      %reduce_sum3A_343 = arith.constant true
      %reduce_sum3A_344 = vector.broadcast %reduce_sum3A_343 : i1 to vector<16xi1>
      %reduce_sum3A_345 = tpu.scan <sum>, %mul3A_334 masked %reduce_sum3A_344 : vector<16xf32>, vector<16xi1> -> vector<16xf32>
      %reduce_sum3A_346 = vector.extract %reduce_sum3A_345[15] : f32 from vector<16xf32>
      %mul3A_347 = arith.constant 6.250000e-02 : f32
      %mul3A_348 = arith.mulf %reduce_sum3A_346, %mul3A_347 : f32
      %reduce_sum3A_349 = arith.constant true
      %reduce_sum3A_350 = vector.broadcast %reduce_sum3A_349 : i1 to vector<16xi1>
      %reduce_sum3A_351 = tpu.scan <sum>, %mul3A_336 masked %reduce_sum3A_350 : vector<16xf32>, vector<16xi1> -> vector<16xf32>
      %reduce_sum3A_352 = vector.extract %reduce_sum3A_351[15] : f32 from vector<16xf32>
      %mul3A_353 = arith.constant 6.250000e-02 : f32
      %mul3A_354 = arith.mulf %reduce_sum3A_352, %mul3A_353 : f32
      %reduce_max3A_355 = arith.constant true
      %reduce_max3A_356 = vector.broadcast %reduce_max3A_355 : i1 to vector<16xi1>
      %reduce_max3A_357 = tpu.scan <max>, %mul3A_332 masked %reduce_max3A_356 : vector<16xf32>, vector<16xi1> -> vector<16xf32>
      %reduce_max3A_358 = vector.extract %reduce_max3A_357[15] : f32 from vector<16xf32>
      %reduce_max3A_359 = arith.constant true
      %reduce_max3A_360 = vector.broadcast %reduce_max3A_359 : i1 to vector<16xi1>
      %reduce_max3A_361 = tpu.scan <max>, %mul3A_334 masked %reduce_max3A_360 : vector<16xf32>, vector<16xi1> -> vector<16xf32>
      %reduce_max3A_362 = vector.extract %reduce_max3A_361[15] : f32 from vector<16xf32>
      %reduce_max3A_363 = arith.constant true
      %reduce_max3A_364 = vector.broadcast %reduce_max3A_363 : i1 to vector<16xi1>
      %reduce_max3A_365 = tpu.scan <max>, %mul3A_336 masked %reduce_max3A_364 : vector<16xf32>, vector<16xi1> -> vector<16xf32>
      %reduce_max3A_366 = vector.extract %reduce_max3A_365[15] : f32 from vector<16xf32>
      %eq3A_367 = arith.constant 5 : i32
      %eq3A_368 = vector.broadcast %eq3A_367 : i32 to vector<16xi32>
      %eq3A_369 = arith.cmpi eq, %iota3A, %eq3A_368 : vector<16xi32>
      %broadcast_in_dim3A_370 = vector.broadcast %mul3A_342 : f32 to vector<16xf32>
      %select_n3A_371 = arith.select %eq3A_369, %broadcast_in_dim3A_370, %select_n3A_310 : vector<16xi1>, vector<16xf32>
      %broadcast_in_dim3A_372 = vector.broadcast %mul3A_348 : f32 to vector<16xf32>
      %select_n3A_373 = arith.select %eq3A_369, %broadcast_in_dim3A_372, %select_n3A_312 : vector<16xi1>, vector<16xf32>
      %broadcast_in_dim3A_374 = vector.broadcast %mul3A_354 : f32 to vector<16xf32>
      %select_n3A_375 = arith.select %eq3A_369, %broadcast_in_dim3A_374, %select_n3A_314 : vector<16xi1>, vector<16xf32>
      %broadcast_in_dim3A_376 = vector.broadcast %reduce_max3A_358 : f32 to vector<16xf32>
      %select_n3A_377 = arith.select %eq3A_369, %broadcast_in_dim3A_376, %select_n3A_316 : vector<16xi1>, vector<16xf32>
      %broadcast_in_dim3A_378 = vector.broadcast %reduce_max3A_362 : f32 to vector<16xf32>
      %select_n3A_379 = arith.select %eq3A_369, %broadcast_in_dim3A_378, %select_n3A_318 : vector<16xi1>, vector<16xf32>
      %broadcast_in_dim3A_380 = vector.broadcast %reduce_max3A_366 : f32 to vector<16xf32>
      %select_n3A_381 = arith.select %eq3A_369, %broadcast_in_dim3A_380, %select_n3A_320 : vector<16xi1>, vector<16xf32>
      %add3A_382 = arith.constant 6 : i32
      %add3A_383 = arith.addi %mul3A_21, %add3A_382 : i32
      %get3A_384 = arith.index_cast %add3A_383 : i32 to index
      %get3A_385 = arith.constant 0 : index
      %get3A_386 = tpu.vector_load %arg13[%get3A_384, %get3A_385] {strides = array<i32>} : memref<320x16xi32, #tpu.memory_space<vmem>>, vector<16xi32>,
      %add3A_387 = arith.constant 6 : i32
      %add3A_388 = arith.addi %mul3A_21, %add3A_387 : i32
      %get3A_389 = arith.index_cast %add3A_388 : i32 to index
      %get3A_390 = arith.constant 0 : index
      %get3A_391 = tpu.vector_load %arg14[%get3A_389, %get3A_390] {strides = array<i32>} : memref<320x16xf32, #tpu.memory_space<vmem>>, vector<16xf32>,
      %gather3A_392 = tpu.vector_load_idx %arg15[%get3A_386] : memref<10240xf32, #tpu.memory_space<vmem>>[vector<16xi32>], vector<16xf32>,
      %mul3A_393 = arith.mulf %gather3A_392, %get3A_391 : vector<16xf32>
      %gather3A_394 = tpu.vector_load_idx %arg16[%get3A_386] : memref<10240xf32, #tpu.memory_space<vmem>>[vector<16xi32>], vector<16xf32>,
      %mul3A_395 = arith.mulf %gather3A_394, %get3A_391 : vector<16xf32>
      %gather3A_396 = tpu.vector_load_idx %arg17[%get3A_386] : memref<10240xf32, #tpu.memory_space<vmem>>[vector<16xi32>], vector<16xf32>,
      %mul3A_397 = arith.mulf %gather3A_396, %get3A_391 : vector<16xf32>
      %reduce_sum3A_398 = arith.constant true
      %reduce_sum3A_399 = vector.broadcast %reduce_sum3A_398 : i1 to vector<16xi1>
      %reduce_sum3A_400 = tpu.scan <sum>, %mul3A_393 masked %reduce_sum3A_399 : vector<16xf32>, vector<16xi1> -> vector<16xf32>
      %reduce_sum3A_401 = vector.extract %reduce_sum3A_400[15] : f32 from vector<16xf32>
      %mul3A_402 = arith.constant 6.250000e-02 : f32
      %mul3A_403 = arith.mulf %reduce_sum3A_401, %mul3A_402 : f32
      %reduce_sum3A_404 = arith.constant true
      %reduce_sum3A_405 = vector.broadcast %reduce_sum3A_404 : i1 to vector<16xi1>
      %reduce_sum3A_406 = tpu.scan <sum>, %mul3A_395 masked %reduce_sum3A_405 : vector<16xf32>, vector<16xi1> -> vector<16xf32>
      %reduce_sum3A_407 = vector.extract %reduce_sum3A_406[15] : f32 from vector<16xf32>
      %mul3A_408 = arith.constant 6.250000e-02 : f32
      %mul3A_409 = arith.mulf %reduce_sum3A_407, %mul3A_408 : f32
      %reduce_sum3A_410 = arith.constant true
      %reduce_sum3A_411 = vector.broadcast %reduce_sum3A_410 : i1 to vector<16xi1>
      %reduce_sum3A_412 = tpu.scan <sum>, %mul3A_397 masked %reduce_sum3A_411 : vector<16xf32>, vector<16xi1> -> vector<16xf32>
      %reduce_sum3A_413 = vector.extract %reduce_sum3A_412[15] : f32 from vector<16xf32>
      %mul3A_414 = arith.constant 6.250000e-02 : f32
      %mul3A_415 = arith.mulf %reduce_sum3A_413, %mul3A_414 : f32
      %reduce_max3A_416 = arith.constant true
      %reduce_max3A_417 = vector.broadcast %reduce_max3A_416 : i1 to vector<16xi1>
      %reduce_max3A_418 = tpu.scan <max>, %mul3A_393 masked %reduce_max3A_417 : vector<16xf32>, vector<16xi1> -> vector<16xf32>
      %reduce_max3A_419 = vector.extract %reduce_max3A_418[15] : f32 from vector<16xf32>
      %reduce_max3A_420 = arith.constant true
      %reduce_max3A_421 = vector.broadcast %reduce_max3A_420 : i1 to vector<16xi1>
      %reduce_max3A_422 = tpu.scan <max>, %mul3A_395 masked %reduce_max3A_421 : vector<16xf32>, vector<16xi1> -> vector<16xf32>
      %reduce_max3A_423 = vector.extract %reduce_max3A_422[15] : f32 from vector<16xf32>
      %reduce_max3A_424 = arith.constant true
      %reduce_max3A_425 = vector.broadcast %reduce_max3A_424 : i1 to vector<16xi1>
      %reduce_max3A_426 = tpu.scan <max>, %mul3A_397 masked %reduce_max3A_425 : vector<16xf32>, vector<16xi1> -> vector<16xf32>
      %reduce_max3A_427 = vector.extract %reduce_max3A_426[15] : f32 from vector<16xf32>
      %eq3A_428 = arith.constant 6 : i32
      %eq3A_429 = vector.broadcast %eq3A_428 : i32 to vector<16xi32>
      %eq3A_430 = arith.cmpi eq, %iota3A, %eq3A_429 : vector<16xi32>
      %broadcast_in_dim3A_431 = vector.broadcast %mul3A_403 : f32 to vector<16xf32>
      %select_n3A_432 = arith.select %eq3A_430, %broadcast_in_dim3A_431, %select_n3A_371 : vector<16xi1>, vector<16xf32>
      %broadcast_in_dim3A_433 = vector.broadcast %mul3A_409 : f32 to vector<16xf32>
      %select_n3A_434 = arith.select %eq3A_430, %broadcast_in_dim3A_433, %select_n3A_373 : vector<16xi1>, vector<16xf32>
      %broadcast_in_dim3A_435 = vector.broadcast %mul3A_415 : f32 to vector<16xf32>
      %select_n3A_436 = arith.select %eq3A_430, %broadcast_in_dim3A_435, %select_n3A_375 : vector<16xi1>, vector<16xf32>
      %broadcast_in_dim3A_437 = vector.broadcast %reduce_max3A_419 : f32 to vector<16xf32>
      %select_n3A_438 = arith.select %eq3A_430, %broadcast_in_dim3A_437, %select_n3A_377 : vector<16xi1>, vector<16xf32>
      %broadcast_in_dim3A_439 = vector.broadcast %reduce_max3A_423 : f32 to vector<16xf32>
      %select_n3A_440 = arith.select %eq3A_430, %broadcast_in_dim3A_439, %select_n3A_379 : vector<16xi1>, vector<16xf32>
      %broadcast_in_dim3A_441 = vector.broadcast %reduce_max3A_427 : f32 to vector<16xf32>
      %select_n3A_442 = arith.select %eq3A_430, %broadcast_in_dim3A_441, %select_n3A_381 : vector<16xi1>, vector<16xf32>
      %add3A_443 = arith.constant 7 : i32
      %add3A_444 = arith.addi %mul3A_21, %add3A_443 : i32
      %get3A_445 = arith.index_cast %add3A_444 : i32 to index
      %get3A_446 = arith.constant 0 : index
      %get3A_447 = tpu.vector_load %arg13[%get3A_445, %get3A_446] {strides = array<i32>} : memref<320x16xi32, #tpu.memory_space<vmem>>, vector<16xi32>,
      %add3A_448 = arith.constant 7 : i32
      %add3A_449 = arith.addi %mul3A_21, %add3A_448 : i32
      %get3A_450 = arith.index_cast %add3A_449 : i32 to index
      %get3A_451 = arith.constant 0 : index
      %get3A_452 = tpu.vector_load %arg14[%get3A_450, %get3A_451] {strides = array<i32>} : memref<320x16xf32, #tpu.memory_space<vmem>>, vector<16xf32>,
      %gather3A_453 = tpu.vector_load_idx %arg15[%get3A_447] : memref<10240xf32, #tpu.memory_space<vmem>>[vector<16xi32>], vector<16xf32>,
      %mul3A_454 = arith.mulf %gather3A_453, %get3A_452 : vector<16xf32>
      %gather3A_455 = tpu.vector_load_idx %arg16[%get3A_447] : memref<10240xf32, #tpu.memory_space<vmem>>[vector<16xi32>], vector<16xf32>,
      %mul3A_456 = arith.mulf %gather3A_455, %get3A_452 : vector<16xf32>
      %gather3A_457 = tpu.vector_load_idx %arg17[%get3A_447] : memref<10240xf32, #tpu.memory_space<vmem>>[vector<16xi32>], vector<16xf32>,
      %mul3A_458 = arith.mulf %gather3A_457, %get3A_452 : vector<16xf32>
      %reduce_sum3A_459 = arith.constant true
      %reduce_sum3A_460 = vector.broadcast %reduce_sum3A_459 : i1 to vector<16xi1>
      %reduce_sum3A_461 = tpu.scan <sum>, %mul3A_454 masked %reduce_sum3A_460 : vector<16xf32>, vector<16xi1> -> vector<16xf32>
      %reduce_sum3A_462 = vector.extract %reduce_sum3A_461[15] : f32 from vector<16xf32>
      %mul3A_463 = arith.constant 6.250000e-02 : f32
      %mul3A_464 = arith.mulf %reduce_sum3A_462, %mul3A_463 : f32
      %reduce_sum3A_465 = arith.constant true
      %reduce_sum3A_466 = vector.broadcast %reduce_sum3A_465 : i1 to vector<16xi1>
      %reduce_sum3A_467 = tpu.scan <sum>, %mul3A_456 masked %reduce_sum3A_466 : vector<16xf32>, vector<16xi1> -> vector<16xf32>
      %reduce_sum3A_468 = vector.extract %reduce_sum3A_467[15] : f32 from vector<16xf32>
      %mul3A_469 = arith.constant 6.250000e-02 : f32
      %mul3A_470 = arith.mulf %reduce_sum3A_468, %mul3A_469 : f32
      %reduce_sum3A_471 = arith.constant true
      %reduce_sum3A_472 = vector.broadcast %reduce_sum3A_471 : i1 to vector<16xi1>
      %reduce_sum3A_473 = tpu.scan <sum>, %mul3A_458 masked %reduce_sum3A_472 : vector<16xf32>, vector<16xi1> -> vector<16xf32>
      %reduce_sum3A_474 = vector.extract %reduce_sum3A_473[15] : f32 from vector<16xf32>
      %mul3A_475 = arith.constant 6.250000e-02 : f32
      %mul3A_476 = arith.mulf %reduce_sum3A_474, %mul3A_475 : f32
      %reduce_max3A_477 = arith.constant true
      %reduce_max3A_478 = vector.broadcast %reduce_max3A_477 : i1 to vector<16xi1>
      %reduce_max3A_479 = tpu.scan <max>, %mul3A_454 masked %reduce_max3A_478 : vector<16xf32>, vector<16xi1> -> vector<16xf32>
      %reduce_max3A_480 = vector.extract %reduce_max3A_479[15] : f32 from vector<16xf32>
      %reduce_max3A_481 = arith.constant true
      %reduce_max3A_482 = vector.broadcast %reduce_max3A_481 : i1 to vector<16xi1>
      %reduce_max3A_483 = tpu.scan <max>, %mul3A_456 masked %reduce_max3A_482 : vector<16xf32>, vector<16xi1> -> vector<16xf32>
      %reduce_max3A_484 = vector.extract %reduce_max3A_483[15] : f32 from vector<16xf32>
      %reduce_max3A_485 = arith.constant true
      %reduce_max3A_486 = vector.broadcast %reduce_max3A_485 : i1 to vector<16xi1>
      %reduce_max3A_487 = tpu.scan <max>, %mul3A_458 masked %reduce_max3A_486 : vector<16xf32>, vector<16xi1> -> vector<16xf32>
      %reduce_max3A_488 = vector.extract %reduce_max3A_487[15] : f32 from vector<16xf32>
      %eq3A_489 = arith.constant 7 : i32
      %eq3A_490 = vector.broadcast %eq3A_489 : i32 to vector<16xi32>
      %eq3A_491 = arith.cmpi eq, %iota3A, %eq3A_490 : vector<16xi32>
      %broadcast_in_dim3A_492 = vector.broadcast %mul3A_464 : f32 to vector<16xf32>
      %select_n3A_493 = arith.select %eq3A_491, %broadcast_in_dim3A_492, %select_n3A_432 : vector<16xi1>, vector<16xf32>
      %broadcast_in_dim3A_494 = vector.broadcast %mul3A_470 : f32 to vector<16xf32>
      %select_n3A_495 = arith.select %eq3A_491, %broadcast_in_dim3A_494, %select_n3A_434 : vector<16xi1>, vector<16xf32>
      %broadcast_in_dim3A_496 = vector.broadcast %mul3A_476 : f32 to vector<16xf32>
      %select_n3A_497 = arith.select %eq3A_491, %broadcast_in_dim3A_496, %select_n3A_436 : vector<16xi1>, vector<16xf32>
      %broadcast_in_dim3A_498 = vector.broadcast %reduce_max3A_480 : f32 to vector<16xf32>
      %select_n3A_499 = arith.select %eq3A_491, %broadcast_in_dim3A_498, %select_n3A_438 : vector<16xi1>, vector<16xf32>
      %broadcast_in_dim3A_500 = vector.broadcast %reduce_max3A_484 : f32 to vector<16xf32>
      %select_n3A_501 = arith.select %eq3A_491, %broadcast_in_dim3A_500, %select_n3A_440 : vector<16xi1>, vector<16xf32>
      %broadcast_in_dim3A_502 = vector.broadcast %reduce_max3A_488 : f32 to vector<16xf32>
      %select_n3A_503 = arith.select %eq3A_491, %broadcast_in_dim3A_502, %select_n3A_442 : vector<16xi1>, vector<16xf32>
      %add3A_504 = arith.constant 8 : i32
      %add3A_505 = arith.addi %mul3A_21, %add3A_504 : i32
      %get3A_506 = arith.index_cast %add3A_505 : i32 to index
      %get3A_507 = arith.constant 0 : index
      %get3A_508 = tpu.vector_load %arg13[%get3A_506, %get3A_507] {strides = array<i32>} : memref<320x16xi32, #tpu.memory_space<vmem>>, vector<16xi32>,
      %add3A_509 = arith.constant 8 : i32
      %add3A_510 = arith.addi %mul3A_21, %add3A_509 : i32
      %get3A_511 = arith.index_cast %add3A_510 : i32 to index
      %get3A_512 = arith.constant 0 : index
      %get3A_513 = tpu.vector_load %arg14[%get3A_511, %get3A_512] {strides = array<i32>} : memref<320x16xf32, #tpu.memory_space<vmem>>, vector<16xf32>,
      %gather3A_514 = tpu.vector_load_idx %arg15[%get3A_508] : memref<10240xf32, #tpu.memory_space<vmem>>[vector<16xi32>], vector<16xf32>,
      %mul3A_515 = arith.mulf %gather3A_514, %get3A_513 : vector<16xf32>
      %gather3A_516 = tpu.vector_load_idx %arg16[%get3A_508] : memref<10240xf32, #tpu.memory_space<vmem>>[vector<16xi32>], vector<16xf32>,
      %mul3A_517 = arith.mulf %gather3A_516, %get3A_513 : vector<16xf32>
      %gather3A_518 = tpu.vector_load_idx %arg17[%get3A_508] : memref<10240xf32, #tpu.memory_space<vmem>>[vector<16xi32>], vector<16xf32>,
      %mul3A_519 = arith.mulf %gather3A_518, %get3A_513 : vector<16xf32>
      %reduce_sum3A_520 = arith.constant true
      %reduce_sum3A_521 = vector.broadcast %reduce_sum3A_520 : i1 to vector<16xi1>
      %reduce_sum3A_522 = tpu.scan <sum>, %mul3A_515 masked %reduce_sum3A_521 : vector<16xf32>, vector<16xi1> -> vector<16xf32>
      %reduce_sum3A_523 = vector.extract %reduce_sum3A_522[15] : f32 from vector<16xf32>
      %mul3A_524 = arith.constant 6.250000e-02 : f32
      %mul3A_525 = arith.mulf %reduce_sum3A_523, %mul3A_524 : f32
      %reduce_sum3A_526 = arith.constant true
      %reduce_sum3A_527 = vector.broadcast %reduce_sum3A_526 : i1 to vector<16xi1>
      %reduce_sum3A_528 = tpu.scan <sum>, %mul3A_517 masked %reduce_sum3A_527 : vector<16xf32>, vector<16xi1> -> vector<16xf32>
      %reduce_sum3A_529 = vector.extract %reduce_sum3A_528[15] : f32 from vector<16xf32>
      %mul3A_530 = arith.constant 6.250000e-02 : f32
      %mul3A_531 = arith.mulf %reduce_sum3A_529, %mul3A_530 : f32
      %reduce_sum3A_532 = arith.constant true
      %reduce_sum3A_533 = vector.broadcast %reduce_sum3A_532 : i1 to vector<16xi1>
      %reduce_sum3A_534 = tpu.scan <sum>, %mul3A_519 masked %reduce_sum3A_533 : vector<16xf32>, vector<16xi1> -> vector<16xf32>
      %reduce_sum3A_535 = vector.extract %reduce_sum3A_534[15] : f32 from vector<16xf32>
      %mul3A_536 = arith.constant 6.250000e-02 : f32
      %mul3A_537 = arith.mulf %reduce_sum3A_535, %mul3A_536 : f32
      %reduce_max3A_538 = arith.constant true
      %reduce_max3A_539 = vector.broadcast %reduce_max3A_538 : i1 to vector<16xi1>
      %reduce_max3A_540 = tpu.scan <max>, %mul3A_515 masked %reduce_max3A_539 : vector<16xf32>, vector<16xi1> -> vector<16xf32>
      %reduce_max3A_541 = vector.extract %reduce_max3A_540[15] : f32 from vector<16xf32>
      %reduce_max3A_542 = arith.constant true
      %reduce_max3A_543 = vector.broadcast %reduce_max3A_542 : i1 to vector<16xi1>
      %reduce_max3A_544 = tpu.scan <max>, %mul3A_517 masked %reduce_max3A_543 : vector<16xf32>, vector<16xi1> -> vector<16xf32>
      %reduce_max3A_545 = vector.extract %reduce_max3A_544[15] : f32 from vector<16xf32>
      %reduce_max3A_546 = arith.constant true
      %reduce_max3A_547 = vector.broadcast %reduce_max3A_546 : i1 to vector<16xi1>
      %reduce_max3A_548 = tpu.scan <max>, %mul3A_519 masked %reduce_max3A_547 : vector<16xf32>, vector<16xi1> -> vector<16xf32>
      %reduce_max3A_549 = vector.extract %reduce_max3A_548[15] : f32 from vector<16xf32>
      %eq3A_550 = arith.constant 8 : i32
      %eq3A_551 = vector.broadcast %eq3A_550 : i32 to vector<16xi32>
      %eq3A_552 = arith.cmpi eq, %iota3A, %eq3A_551 : vector<16xi32>
      %broadcast_in_dim3A_553 = vector.broadcast %mul3A_525 : f32 to vector<16xf32>
      %select_n3A_554 = arith.select %eq3A_552, %broadcast_in_dim3A_553, %select_n3A_493 : vector<16xi1>, vector<16xf32>
      %broadcast_in_dim3A_555 = vector.broadcast %mul3A_531 : f32 to vector<16xf32>
      %select_n3A_556 = arith.select %eq3A_552, %broadcast_in_dim3A_555, %select_n3A_495 : vector<16xi1>, vector<16xf32>
      %broadcast_in_dim3A_557 = vector.broadcast %mul3A_537 : f32 to vector<16xf32>
      %select_n3A_558 = arith.select %eq3A_552, %broadcast_in_dim3A_557, %select_n3A_497 : vector<16xi1>, vector<16xf32>
      %broadcast_in_dim3A_559 = vector.broadcast %reduce_max3A_541 : f32 to vector<16xf32>
      %select_n3A_560 = arith.select %eq3A_552, %broadcast_in_dim3A_559, %select_n3A_499 : vector<16xi1>, vector<16xf32>
      %broadcast_in_dim3A_561 = vector.broadcast %reduce_max3A_545 : f32 to vector<16xf32>
      %select_n3A_562 = arith.select %eq3A_552, %broadcast_in_dim3A_561, %select_n3A_501 : vector<16xi1>, vector<16xf32>
      %broadcast_in_dim3A_563 = vector.broadcast %reduce_max3A_549 : f32 to vector<16xf32>
      %select_n3A_564 = arith.select %eq3A_552, %broadcast_in_dim3A_563, %select_n3A_503 : vector<16xi1>, vector<16xf32>
      %add3A_565 = arith.constant 9 : i32
      %add3A_566 = arith.addi %mul3A_21, %add3A_565 : i32
      %get3A_567 = arith.index_cast %add3A_566 : i32 to index
      %get3A_568 = arith.constant 0 : index
      %get3A_569 = tpu.vector_load %arg13[%get3A_567, %get3A_568] {strides = array<i32>} : memref<320x16xi32, #tpu.memory_space<vmem>>, vector<16xi32>,
      %add3A_570 = arith.constant 9 : i32
      %add3A_571 = arith.addi %mul3A_21, %add3A_570 : i32
      %get3A_572 = arith.index_cast %add3A_571 : i32 to index
      %get3A_573 = arith.constant 0 : index
      %get3A_574 = tpu.vector_load %arg14[%get3A_572, %get3A_573] {strides = array<i32>} : memref<320x16xf32, #tpu.memory_space<vmem>>, vector<16xf32>,
      %gather3A_575 = tpu.vector_load_idx %arg15[%get3A_569] : memref<10240xf32, #tpu.memory_space<vmem>>[vector<16xi32>], vector<16xf32>,
      %mul3A_576 = arith.mulf %gather3A_575, %get3A_574 : vector<16xf32>
      %gather3A_577 = tpu.vector_load_idx %arg16[%get3A_569] : memref<10240xf32, #tpu.memory_space<vmem>>[vector<16xi32>], vector<16xf32>,
      %mul3A_578 = arith.mulf %gather3A_577, %get3A_574 : vector<16xf32>
      %gather3A_579 = tpu.vector_load_idx %arg17[%get3A_569] : memref<10240xf32, #tpu.memory_space<vmem>>[vector<16xi32>], vector<16xf32>,
      %mul3A_580 = arith.mulf %gather3A_579, %get3A_574 : vector<16xf32>
      %reduce_sum3A_581 = arith.constant true
      %reduce_sum3A_582 = vector.broadcast %reduce_sum3A_581 : i1 to vector<16xi1>
      %reduce_sum3A_583 = tpu.scan <sum>, %mul3A_576 masked %reduce_sum3A_582 : vector<16xf32>, vector<16xi1> -> vector<16xf32>
      %reduce_sum3A_584 = vector.extract %reduce_sum3A_583[15] : f32 from vector<16xf32>
      %mul3A_585 = arith.constant 6.250000e-02 : f32
      %mul3A_586 = arith.mulf %reduce_sum3A_584, %mul3A_585 : f32
      %reduce_sum3A_587 = arith.constant true
      %reduce_sum3A_588 = vector.broadcast %reduce_sum3A_587 : i1 to vector<16xi1>
      %reduce_sum3A_589 = tpu.scan <sum>, %mul3A_578 masked %reduce_sum3A_588 : vector<16xf32>, vector<16xi1> -> vector<16xf32>
      %reduce_sum3A_590 = vector.extract %reduce_sum3A_589[15] : f32 from vector<16xf32>
      %mul3A_591 = arith.constant 6.250000e-02 : f32
      %mul3A_592 = arith.mulf %reduce_sum3A_590, %mul3A_591 : f32
      %reduce_sum3A_593 = arith.constant true
      %reduce_sum3A_594 = vector.broadcast %reduce_sum3A_593 : i1 to vector<16xi1>
      %reduce_sum3A_595 = tpu.scan <sum>, %mul3A_580 masked %reduce_sum3A_594 : vector<16xf32>, vector<16xi1> -> vector<16xf32>
      %reduce_sum3A_596 = vector.extract %reduce_sum3A_595[15] : f32 from vector<16xf32>
      %mul3A_597 = arith.constant 6.250000e-02 : f32
      %mul3A_598 = arith.mulf %reduce_sum3A_596, %mul3A_597 : f32
      %reduce_max3A_599 = arith.constant true
      %reduce_max3A_600 = vector.broadcast %reduce_max3A_599 : i1 to vector<16xi1>
      %reduce_max3A_601 = tpu.scan <max>, %mul3A_576 masked %reduce_max3A_600 : vector<16xf32>, vector<16xi1> -> vector<16xf32>
      %reduce_max3A_602 = vector.extract %reduce_max3A_601[15] : f32 from vector<16xf32>
      %reduce_max3A_603 = arith.constant true
      %reduce_max3A_604 = vector.broadcast %reduce_max3A_603 : i1 to vector<16xi1>
      %reduce_max3A_605 = tpu.scan <max>, %mul3A_578 masked %reduce_max3A_604 : vector<16xf32>, vector<16xi1> -> vector<16xf32>
      %reduce_max3A_606 = vector.extract %reduce_max3A_605[15] : f32 from vector<16xf32>
      %reduce_max3A_607 = arith.constant true
      %reduce_max3A_608 = vector.broadcast %reduce_max3A_607 : i1 to vector<16xi1>
      %reduce_max3A_609 = tpu.scan <max>, %mul3A_580 masked %reduce_max3A_608 : vector<16xf32>, vector<16xi1> -> vector<16xf32>
      %reduce_max3A_610 = vector.extract %reduce_max3A_609[15] : f32 from vector<16xf32>
      %eq3A_611 = arith.constant 9 : i32
      %eq3A_612 = vector.broadcast %eq3A_611 : i32 to vector<16xi32>
      %eq3A_613 = arith.cmpi eq, %iota3A, %eq3A_612 : vector<16xi32>
      %broadcast_in_dim3A_614 = vector.broadcast %mul3A_586 : f32 to vector<16xf32>
      %select_n3A_615 = arith.select %eq3A_613, %broadcast_in_dim3A_614, %select_n3A_554 : vector<16xi1>, vector<16xf32>
      %broadcast_in_dim3A_616 = vector.broadcast %mul3A_592 : f32 to vector<16xf32>
      %select_n3A_617 = arith.select %eq3A_613, %broadcast_in_dim3A_616, %select_n3A_556 : vector<16xi1>, vector<16xf32>
      %broadcast_in_dim3A_618 = vector.broadcast %mul3A_598 : f32 to vector<16xf32>
      %select_n3A_619 = arith.select %eq3A_613, %broadcast_in_dim3A_618, %select_n3A_558 : vector<16xi1>, vector<16xf32>
      %broadcast_in_dim3A_620 = vector.broadcast %reduce_max3A_602 : f32 to vector<16xf32>
      %select_n3A_621 = arith.select %eq3A_613, %broadcast_in_dim3A_620, %select_n3A_560 : vector<16xi1>, vector<16xf32>
      %broadcast_in_dim3A_622 = vector.broadcast %reduce_max3A_606 : f32 to vector<16xf32>
      %select_n3A_623 = arith.select %eq3A_613, %broadcast_in_dim3A_622, %select_n3A_562 : vector<16xi1>, vector<16xf32>
      %broadcast_in_dim3A_624 = vector.broadcast %reduce_max3A_610 : f32 to vector<16xf32>
      %select_n3A_625 = arith.select %eq3A_613, %broadcast_in_dim3A_624, %select_n3A_564 : vector<16xi1>, vector<16xf32>
      %add3A_626 = arith.constant 10 : i32
      %add3A_627 = arith.addi %mul3A_21, %add3A_626 : i32
      %get3A_628 = arith.index_cast %add3A_627 : i32 to index
      %get3A_629 = arith.constant 0 : index
      %get3A_630 = tpu.vector_load %arg13[%get3A_628, %get3A_629] {strides = array<i32>} : memref<320x16xi32, #tpu.memory_space<vmem>>, vector<16xi32>,
      %add3A_631 = arith.constant 10 : i32
      %add3A_632 = arith.addi %mul3A_21, %add3A_631 : i32
      %get3A_633 = arith.index_cast %add3A_632 : i32 to index
      %get3A_634 = arith.constant 0 : index
      %get3A_635 = tpu.vector_load %arg14[%get3A_633, %get3A_634] {strides = array<i32>} : memref<320x16xf32, #tpu.memory_space<vmem>>, vector<16xf32>,
      %gather3A_636 = tpu.vector_load_idx %arg15[%get3A_630] : memref<10240xf32, #tpu.memory_space<vmem>>[vector<16xi32>], vector<16xf32>,
      %mul3A_637 = arith.mulf %gather3A_636, %get3A_635 : vector<16xf32>
      %gather3A_638 = tpu.vector_load_idx %arg16[%get3A_630] : memref<10240xf32, #tpu.memory_space<vmem>>[vector<16xi32>], vector<16xf32>,
      %mul3A_639 = arith.mulf %gather3A_638, %get3A_635 : vector<16xf32>
      %gather3A_640 = tpu.vector_load_idx %arg17[%get3A_630] : memref<10240xf32, #tpu.memory_space<vmem>>[vector<16xi32>], vector<16xf32>,
      %mul3A_641 = arith.mulf %gather3A_640, %get3A_635 : vector<16xf32>
      %reduce_sum3A_642 = arith.constant true
      %reduce_sum3A_643 = vector.broadcast %reduce_sum3A_642 : i1 to vector<16xi1>
      %reduce_sum3A_644 = tpu.scan <sum>, %mul3A_637 masked %reduce_sum3A_643 : vector<16xf32>, vector<16xi1> -> vector<16xf32>
      %reduce_sum3A_645 = vector.extract %reduce_sum3A_644[15] : f32 from vector<16xf32>
      %mul3A_646 = arith.constant 6.250000e-02 : f32
      %mul3A_647 = arith.mulf %reduce_sum3A_645, %mul3A_646 : f32
      %reduce_sum3A_648 = arith.constant true
      %reduce_sum3A_649 = vector.broadcast %reduce_sum3A_648 : i1 to vector<16xi1>
      %reduce_sum3A_650 = tpu.scan <sum>, %mul3A_639 masked %reduce_sum3A_649 : vector<16xf32>, vector<16xi1> -> vector<16xf32>
      %reduce_sum3A_651 = vector.extract %reduce_sum3A_650[15] : f32 from vector<16xf32>
      %mul3A_652 = arith.constant 6.250000e-02 : f32
      %mul3A_653 = arith.mulf %reduce_sum3A_651, %mul3A_652 : f32
      %reduce_sum3A_654 = arith.constant true
      %reduce_sum3A_655 = vector.broadcast %reduce_sum3A_654 : i1 to vector<16xi1>
      %reduce_sum3A_656 = tpu.scan <sum>, %mul3A_641 masked %reduce_sum3A_655 : vector<16xf32>, vector<16xi1> -> vector<16xf32>
      %reduce_sum3A_657 = vector.extract %reduce_sum3A_656[15] : f32 from vector<16xf32>
      %mul3A_658 = arith.constant 6.250000e-02 : f32
      %mul3A_659 = arith.mulf %reduce_sum3A_657, %mul3A_658 : f32
      %reduce_max3A_660 = arith.constant true
      %reduce_max3A_661 = vector.broadcast %reduce_max3A_660 : i1 to vector<16xi1>
      %reduce_max3A_662 = tpu.scan <max>, %mul3A_637 masked %reduce_max3A_661 : vector<16xf32>, vector<16xi1> -> vector<16xf32>
      %reduce_max3A_663 = vector.extract %reduce_max3A_662[15] : f32 from vector<16xf32>
      %reduce_max3A_664 = arith.constant true
      %reduce_max3A_665 = vector.broadcast %reduce_max3A_664 : i1 to vector<16xi1>
      %reduce_max3A_666 = tpu.scan <max>, %mul3A_639 masked %reduce_max3A_665 : vector<16xf32>, vector<16xi1> -> vector<16xf32>
      %reduce_max3A_667 = vector.extract %reduce_max3A_666[15] : f32 from vector<16xf32>
      %reduce_max3A_668 = arith.constant true
      %reduce_max3A_669 = vector.broadcast %reduce_max3A_668 : i1 to vector<16xi1>
      %reduce_max3A_670 = tpu.scan <max>, %mul3A_641 masked %reduce_max3A_669 : vector<16xf32>, vector<16xi1> -> vector<16xf32>
      %reduce_max3A_671 = vector.extract %reduce_max3A_670[15] : f32 from vector<16xf32>
      %eq3A_672 = arith.constant 10 : i32
      %eq3A_673 = vector.broadcast %eq3A_672 : i32 to vector<16xi32>
      %eq3A_674 = arith.cmpi eq, %iota3A, %eq3A_673 : vector<16xi32>
      %broadcast_in_dim3A_675 = vector.broadcast %mul3A_647 : f32 to vector<16xf32>
      %select_n3A_676 = arith.select %eq3A_674, %broadcast_in_dim3A_675, %select_n3A_615 : vector<16xi1>, vector<16xf32>
      %broadcast_in_dim3A_677 = vector.broadcast %mul3A_653 : f32 to vector<16xf32>
      %select_n3A_678 = arith.select %eq3A_674, %broadcast_in_dim3A_677, %select_n3A_617 : vector<16xi1>, vector<16xf32>
      %broadcast_in_dim3A_679 = vector.broadcast %mul3A_659 : f32 to vector<16xf32>
      %select_n3A_680 = arith.select %eq3A_674, %broadcast_in_dim3A_679, %select_n3A_619 : vector<16xi1>, vector<16xf32>
      %broadcast_in_dim3A_681 = vector.broadcast %reduce_max3A_663 : f32 to vector<16xf32>
      %select_n3A_682 = arith.select %eq3A_674, %broadcast_in_dim3A_681, %select_n3A_621 : vector<16xi1>, vector<16xf32>
      %broadcast_in_dim3A_683 = vector.broadcast %reduce_max3A_667 : f32 to vector<16xf32>
      %select_n3A_684 = arith.select %eq3A_674, %broadcast_in_dim3A_683, %select_n3A_623 : vector<16xi1>, vector<16xf32>
      %broadcast_in_dim3A_685 = vector.broadcast %reduce_max3A_671 : f32 to vector<16xf32>
      %select_n3A_686 = arith.select %eq3A_674, %broadcast_in_dim3A_685, %select_n3A_625 : vector<16xi1>, vector<16xf32>
      %add3A_687 = arith.constant 11 : i32
      %add3A_688 = arith.addi %mul3A_21, %add3A_687 : i32
      %get3A_689 = arith.index_cast %add3A_688 : i32 to index
      %get3A_690 = arith.constant 0 : index
      %get3A_691 = tpu.vector_load %arg13[%get3A_689, %get3A_690] {strides = array<i32>} : memref<320x16xi32, #tpu.memory_space<vmem>>, vector<16xi32>,
      %add3A_692 = arith.constant 11 : i32
      %add3A_693 = arith.addi %mul3A_21, %add3A_692 : i32
      %get3A_694 = arith.index_cast %add3A_693 : i32 to index
      %get3A_695 = arith.constant 0 : index
      %get3A_696 = tpu.vector_load %arg14[%get3A_694, %get3A_695] {strides = array<i32>} : memref<320x16xf32, #tpu.memory_space<vmem>>, vector<16xf32>,
      %gather3A_697 = tpu.vector_load_idx %arg15[%get3A_691] : memref<10240xf32, #tpu.memory_space<vmem>>[vector<16xi32>], vector<16xf32>,
      %mul3A_698 = arith.mulf %gather3A_697, %get3A_696 : vector<16xf32>
      %gather3A_699 = tpu.vector_load_idx %arg16[%get3A_691] : memref<10240xf32, #tpu.memory_space<vmem>>[vector<16xi32>], vector<16xf32>,
      %mul3A_700 = arith.mulf %gather3A_699, %get3A_696 : vector<16xf32>
      %gather3A_701 = tpu.vector_load_idx %arg17[%get3A_691] : memref<10240xf32, #tpu.memory_space<vmem>>[vector<16xi32>], vector<16xf32>,
      %mul3A_702 = arith.mulf %gather3A_701, %get3A_696 : vector<16xf32>
      %reduce_sum3A_703 = arith.constant true
      %reduce_sum3A_704 = vector.broadcast %reduce_sum3A_703 : i1 to vector<16xi1>
      %reduce_sum3A_705 = tpu.scan <sum>, %mul3A_698 masked %reduce_sum3A_704 : vector<16xf32>, vector<16xi1> -> vector<16xf32>
      %reduce_sum3A_706 = vector.extract %reduce_sum3A_705[15] : f32 from vector<16xf32>
      %mul3A_707 = arith.constant 6.250000e-02 : f32
      %mul3A_708 = arith.mulf %reduce_sum3A_706, %mul3A_707 : f32
      %reduce_sum3A_709 = arith.constant true
      %reduce_sum3A_710 = vector.broadcast %reduce_sum3A_709 : i1 to vector<16xi1>
      %reduce_sum3A_711 = tpu.scan <sum>, %mul3A_700 masked %reduce_sum3A_710 : vector<16xf32>, vector<16xi1> -> vector<16xf32>
      %reduce_sum3A_712 = vector.extract %reduce_sum3A_711[15] : f32 from vector<16xf32>
      %mul3A_713 = arith.constant 6.250000e-02 : f32
      %mul3A_714 = arith.mulf %reduce_sum3A_712, %mul3A_713 : f32
      %reduce_sum3A_715 = arith.constant true
      %reduce_sum3A_716 = vector.broadcast %reduce_sum3A_715 : i1 to vector<16xi1>
      %reduce_sum3A_717 = tpu.scan <sum>, %mul3A_702 masked %reduce_sum3A_716 : vector<16xf32>, vector<16xi1> -> vector<16xf32>
      %reduce_sum3A_718 = vector.extract %reduce_sum3A_717[15] : f32 from vector<16xf32>
      %mul3A_719 = arith.constant 6.250000e-02 : f32
      %mul3A_720 = arith.mulf %reduce_sum3A_718, %mul3A_719 : f32
      %reduce_max3A_721 = arith.constant true
      %reduce_max3A_722 = vector.broadcast %reduce_max3A_721 : i1 to vector<16xi1>
      %reduce_max3A_723 = tpu.scan <max>, %mul3A_698 masked %reduce_max3A_722 : vector<16xf32>, vector<16xi1> -> vector<16xf32>
      %reduce_max3A_724 = vector.extract %reduce_max3A_723[15] : f32 from vector<16xf32>
      %reduce_max3A_725 = arith.constant true
      %reduce_max3A_726 = vector.broadcast %reduce_max3A_725 : i1 to vector<16xi1>
      %reduce_max3A_727 = tpu.scan <max>, %mul3A_700 masked %reduce_max3A_726 : vector<16xf32>, vector<16xi1> -> vector<16xf32>
      %reduce_max3A_728 = vector.extract %reduce_max3A_727[15] : f32 from vector<16xf32>
      %reduce_max3A_729 = arith.constant true
      %reduce_max3A_730 = vector.broadcast %reduce_max3A_729 : i1 to vector<16xi1>
      %reduce_max3A_731 = tpu.scan <max>, %mul3A_702 masked %reduce_max3A_730 : vector<16xf32>, vector<16xi1> -> vector<16xf32>
      %reduce_max3A_732 = vector.extract %reduce_max3A_731[15] : f32 from vector<16xf32>
      %eq3A_733 = arith.constant 11 : i32
      %eq3A_734 = vector.broadcast %eq3A_733 : i32 to vector<16xi32>
      %eq3A_735 = arith.cmpi eq, %iota3A, %eq3A_734 : vector<16xi32>
      %broadcast_in_dim3A_736 = vector.broadcast %mul3A_708 : f32 to vector<16xf32>
      %select_n3A_737 = arith.select %eq3A_735, %broadcast_in_dim3A_736, %select_n3A_676 : vector<16xi1>, vector<16xf32>
      %broadcast_in_dim3A_738 = vector.broadcast %mul3A_714 : f32 to vector<16xf32>
      %select_n3A_739 = arith.select %eq3A_735, %broadcast_in_dim3A_738, %select_n3A_678 : vector<16xi1>, vector<16xf32>
      %broadcast_in_dim3A_740 = vector.broadcast %mul3A_720 : f32 to vector<16xf32>
      %select_n3A_741 = arith.select %eq3A_735, %broadcast_in_dim3A_740, %select_n3A_680 : vector<16xi1>, vector<16xf32>
      %broadcast_in_dim3A_742 = vector.broadcast %reduce_max3A_724 : f32 to vector<16xf32>
      %select_n3A_743 = arith.select %eq3A_735, %broadcast_in_dim3A_742, %select_n3A_682 : vector<16xi1>, vector<16xf32>
      %broadcast_in_dim3A_744 = vector.broadcast %reduce_max3A_728 : f32 to vector<16xf32>
      %select_n3A_745 = arith.select %eq3A_735, %broadcast_in_dim3A_744, %select_n3A_684 : vector<16xi1>, vector<16xf32>
      %broadcast_in_dim3A_746 = vector.broadcast %reduce_max3A_732 : f32 to vector<16xf32>
      %select_n3A_747 = arith.select %eq3A_735, %broadcast_in_dim3A_746, %select_n3A_686 : vector<16xi1>, vector<16xf32>
      %add3A_748 = arith.constant 12 : i32
      %add3A_749 = arith.addi %mul3A_21, %add3A_748 : i32
      %get3A_750 = arith.index_cast %add3A_749 : i32 to index
      %get3A_751 = arith.constant 0 : index
      %get3A_752 = tpu.vector_load %arg13[%get3A_750, %get3A_751] {strides = array<i32>} : memref<320x16xi32, #tpu.memory_space<vmem>>, vector<16xi32>,
      %add3A_753 = arith.constant 12 : i32
      %add3A_754 = arith.addi %mul3A_21, %add3A_753 : i32
      %get3A_755 = arith.index_cast %add3A_754 : i32 to index
      %get3A_756 = arith.constant 0 : index
      %get3A_757 = tpu.vector_load %arg14[%get3A_755, %get3A_756] {strides = array<i32>} : memref<320x16xf32, #tpu.memory_space<vmem>>, vector<16xf32>,
      %gather3A_758 = tpu.vector_load_idx %arg15[%get3A_752] : memref<10240xf32, #tpu.memory_space<vmem>>[vector<16xi32>], vector<16xf32>,
      %mul3A_759 = arith.mulf %gather3A_758, %get3A_757 : vector<16xf32>
      %gather3A_760 = tpu.vector_load_idx %arg16[%get3A_752] : memref<10240xf32, #tpu.memory_space<vmem>>[vector<16xi32>], vector<16xf32>,
      %mul3A_761 = arith.mulf %gather3A_760, %get3A_757 : vector<16xf32>
      %gather3A_762 = tpu.vector_load_idx %arg17[%get3A_752] : memref<10240xf32, #tpu.memory_space<vmem>>[vector<16xi32>], vector<16xf32>,
      %mul3A_763 = arith.mulf %gather3A_762, %get3A_757 : vector<16xf32>
      %reduce_sum3A_764 = arith.constant true
      %reduce_sum3A_765 = vector.broadcast %reduce_sum3A_764 : i1 to vector<16xi1>
      %reduce_sum3A_766 = tpu.scan <sum>, %mul3A_759 masked %reduce_sum3A_765 : vector<16xf32>, vector<16xi1> -> vector<16xf32>
      %reduce_sum3A_767 = vector.extract %reduce_sum3A_766[15] : f32 from vector<16xf32>
      %mul3A_768 = arith.constant 6.250000e-02 : f32
      %mul3A_769 = arith.mulf %reduce_sum3A_767, %mul3A_768 : f32
      %reduce_sum3A_770 = arith.constant true
      %reduce_sum3A_771 = vector.broadcast %reduce_sum3A_770 : i1 to vector<16xi1>
      %reduce_sum3A_772 = tpu.scan <sum>, %mul3A_761 masked %reduce_sum3A_771 : vector<16xf32>, vector<16xi1> -> vector<16xf32>
      %reduce_sum3A_773 = vector.extract %reduce_sum3A_772[15] : f32 from vector<16xf32>
      %mul3A_774 = arith.constant 6.250000e-02 : f32
      %mul3A_775 = arith.mulf %reduce_sum3A_773, %mul3A_774 : f32
      %reduce_sum3A_776 = arith.constant true
      %reduce_sum3A_777 = vector.broadcast %reduce_sum3A_776 : i1 to vector<16xi1>
      %reduce_sum3A_778 = tpu.scan <sum>, %mul3A_763 masked %reduce_sum3A_777 : vector<16xf32>, vector<16xi1> -> vector<16xf32>
      %reduce_sum3A_779 = vector.extract %reduce_sum3A_778[15] : f32 from vector<16xf32>
      %mul3A_780 = arith.constant 6.250000e-02 : f32
      %mul3A_781 = arith.mulf %reduce_sum3A_779, %mul3A_780 : f32
      %reduce_max3A_782 = arith.constant true
      %reduce_max3A_783 = vector.broadcast %reduce_max3A_782 : i1 to vector<16xi1>
      %reduce_max3A_784 = tpu.scan <max>, %mul3A_759 masked %reduce_max3A_783 : vector<16xf32>, vector<16xi1> -> vector<16xf32>
      %reduce_max3A_785 = vector.extract %reduce_max3A_784[15] : f32 from vector<16xf32>
      %reduce_max3A_786 = arith.constant true
      %reduce_max3A_787 = vector.broadcast %reduce_max3A_786 : i1 to vector<16xi1>
      %reduce_max3A_788 = tpu.scan <max>, %mul3A_761 masked %reduce_max3A_787 : vector<16xf32>, vector<16xi1> -> vector<16xf32>
      %reduce_max3A_789 = vector.extract %reduce_max3A_788[15] : f32 from vector<16xf32>
      %reduce_max3A_790 = arith.constant true
      %reduce_max3A_791 = vector.broadcast %reduce_max3A_790 : i1 to vector<16xi1>
      %reduce_max3A_792 = tpu.scan <max>, %mul3A_763 masked %reduce_max3A_791 : vector<16xf32>, vector<16xi1> -> vector<16xf32>
      %reduce_max3A_793 = vector.extract %reduce_max3A_792[15] : f32 from vector<16xf32>
      %eq3A_794 = arith.constant 12 : i32
      %eq3A_795 = vector.broadcast %eq3A_794 : i32 to vector<16xi32>
      %eq3A_796 = arith.cmpi eq, %iota3A, %eq3A_795 : vector<16xi32>
      %broadcast_in_dim3A_797 = vector.broadcast %mul3A_769 : f32 to vector<16xf32>
      %select_n3A_798 = arith.select %eq3A_796, %broadcast_in_dim3A_797, %select_n3A_737 : vector<16xi1>, vector<16xf32>
      %broadcast_in_dim3A_799 = vector.broadcast %mul3A_775 : f32 to vector<16xf32>
      %select_n3A_800 = arith.select %eq3A_796, %broadcast_in_dim3A_799, %select_n3A_739 : vector<16xi1>, vector<16xf32>
      %broadcast_in_dim3A_801 = vector.broadcast %mul3A_781 : f32 to vector<16xf32>
      %select_n3A_802 = arith.select %eq3A_796, %broadcast_in_dim3A_801, %select_n3A_741 : vector<16xi1>, vector<16xf32>
      %broadcast_in_dim3A_803 = vector.broadcast %reduce_max3A_785 : f32 to vector<16xf32>
      %select_n3A_804 = arith.select %eq3A_796, %broadcast_in_dim3A_803, %select_n3A_743 : vector<16xi1>, vector<16xf32>
      %broadcast_in_dim3A_805 = vector.broadcast %reduce_max3A_789 : f32 to vector<16xf32>
      %select_n3A_806 = arith.select %eq3A_796, %broadcast_in_dim3A_805, %select_n3A_745 : vector<16xi1>, vector<16xf32>
      %broadcast_in_dim3A_807 = vector.broadcast %reduce_max3A_793 : f32 to vector<16xf32>
      %select_n3A_808 = arith.select %eq3A_796, %broadcast_in_dim3A_807, %select_n3A_747 : vector<16xi1>, vector<16xf32>
      %add3A_809 = arith.constant 13 : i32
      %add3A_810 = arith.addi %mul3A_21, %add3A_809 : i32
      %get3A_811 = arith.index_cast %add3A_810 : i32 to index
      %get3A_812 = arith.constant 0 : index
      %get3A_813 = tpu.vector_load %arg13[%get3A_811, %get3A_812] {strides = array<i32>} : memref<320x16xi32, #tpu.memory_space<vmem>>, vector<16xi32>,
      %add3A_814 = arith.constant 13 : i32
      %add3A_815 = arith.addi %mul3A_21, %add3A_814 : i32
      %get3A_816 = arith.index_cast %add3A_815 : i32 to index
      %get3A_817 = arith.constant 0 : index
      %get3A_818 = tpu.vector_load %arg14[%get3A_816, %get3A_817] {strides = array<i32>} : memref<320x16xf32, #tpu.memory_space<vmem>>, vector<16xf32>,
      %gather3A_819 = tpu.vector_load_idx %arg15[%get3A_813] : memref<10240xf32, #tpu.memory_space<vmem>>[vector<16xi32>], vector<16xf32>,
      %mul3A_820 = arith.mulf %gather3A_819, %get3A_818 : vector<16xf32>
      %gather3A_821 = tpu.vector_load_idx %arg16[%get3A_813] : memref<10240xf32, #tpu.memory_space<vmem>>[vector<16xi32>], vector<16xf32>,
      %mul3A_822 = arith.mulf %gather3A_821, %get3A_818 : vector<16xf32>
      %gather3A_823 = tpu.vector_load_idx %arg17[%get3A_813] : memref<10240xf32, #tpu.memory_space<vmem>>[vector<16xi32>], vector<16xf32>,
      %mul3A_824 = arith.mulf %gather3A_823, %get3A_818 : vector<16xf32>
      %reduce_sum3A_825 = arith.constant true
      %reduce_sum3A_826 = vector.broadcast %reduce_sum3A_825 : i1 to vector<16xi1>
      %reduce_sum3A_827 = tpu.scan <sum>, %mul3A_820 masked %reduce_sum3A_826 : vector<16xf32>, vector<16xi1> -> vector<16xf32>
      %reduce_sum3A_828 = vector.extract %reduce_sum3A_827[15] : f32 from vector<16xf32>
      %mul3A_829 = arith.constant 6.250000e-02 : f32
      %mul3A_830 = arith.mulf %reduce_sum3A_828, %mul3A_829 : f32
      %reduce_sum3A_831 = arith.constant true
      %reduce_sum3A_832 = vector.broadcast %reduce_sum3A_831 : i1 to vector<16xi1>
      %reduce_sum3A_833 = tpu.scan <sum>, %mul3A_822 masked %reduce_sum3A_832 : vector<16xf32>, vector<16xi1> -> vector<16xf32>
      %reduce_sum3A_834 = vector.extract %reduce_sum3A_833[15] : f32 from vector<16xf32>
      %mul3A_835 = arith.constant 6.250000e-02 : f32
      %mul3A_836 = arith.mulf %reduce_sum3A_834, %mul3A_835 : f32
      %reduce_sum3A_837 = arith.constant true
      %reduce_sum3A_838 = vector.broadcast %reduce_sum3A_837 : i1 to vector<16xi1>
      %reduce_sum3A_839 = tpu.scan <sum>, %mul3A_824 masked %reduce_sum3A_838 : vector<16xf32>, vector<16xi1> -> vector<16xf32>
      %reduce_sum3A_840 = vector.extract %reduce_sum3A_839[15] : f32 from vector<16xf32>
      %mul3A_841 = arith.constant 6.250000e-02 : f32
      %mul3A_842 = arith.mulf %reduce_sum3A_840, %mul3A_841 : f32
      %reduce_max3A_843 = arith.constant true
      %reduce_max3A_844 = vector.broadcast %reduce_max3A_843 : i1 to vector<16xi1>
      %reduce_max3A_845 = tpu.scan <max>, %mul3A_820 masked %reduce_max3A_844 : vector<16xf32>, vector<16xi1> -> vector<16xf32>
      %reduce_max3A_846 = vector.extract %reduce_max3A_845[15] : f32 from vector<16xf32>
      %reduce_max3A_847 = arith.constant true
      %reduce_max3A_848 = vector.broadcast %reduce_max3A_847 : i1 to vector<16xi1>
      %reduce_max3A_849 = tpu.scan <max>, %mul3A_822 masked %reduce_max3A_848 : vector<16xf32>, vector<16xi1> -> vector<16xf32>
      %reduce_max3A_850 = vector.extract %reduce_max3A_849[15] : f32 from vector<16xf32>
      %reduce_max3A_851 = arith.constant true
      %reduce_max3A_852 = vector.broadcast %reduce_max3A_851 : i1 to vector<16xi1>
      %reduce_max3A_853 = tpu.scan <max>, %mul3A_824 masked %reduce_max3A_852 : vector<16xf32>, vector<16xi1> -> vector<16xf32>
      %reduce_max3A_854 = vector.extract %reduce_max3A_853[15] : f32 from vector<16xf32>
      %eq3A_855 = arith.constant 13 : i32
      %eq3A_856 = vector.broadcast %eq3A_855 : i32 to vector<16xi32>
      %eq3A_857 = arith.cmpi eq, %iota3A, %eq3A_856 : vector<16xi32>
      %broadcast_in_dim3A_858 = vector.broadcast %mul3A_830 : f32 to vector<16xf32>
      %select_n3A_859 = arith.select %eq3A_857, %broadcast_in_dim3A_858, %select_n3A_798 : vector<16xi1>, vector<16xf32>
      %broadcast_in_dim3A_860 = vector.broadcast %mul3A_836 : f32 to vector<16xf32>
      %select_n3A_861 = arith.select %eq3A_857, %broadcast_in_dim3A_860, %select_n3A_800 : vector<16xi1>, vector<16xf32>
      %broadcast_in_dim3A_862 = vector.broadcast %mul3A_842 : f32 to vector<16xf32>
      %select_n3A_863 = arith.select %eq3A_857, %broadcast_in_dim3A_862, %select_n3A_802 : vector<16xi1>, vector<16xf32>
      %broadcast_in_dim3A_864 = vector.broadcast %reduce_max3A_846 : f32 to vector<16xf32>
      %select_n3A_865 = arith.select %eq3A_857, %broadcast_in_dim3A_864, %select_n3A_804 : vector<16xi1>, vector<16xf32>
      %broadcast_in_dim3A_866 = vector.broadcast %reduce_max3A_850 : f32 to vector<16xf32>
      %select_n3A_867 = arith.select %eq3A_857, %broadcast_in_dim3A_866, %select_n3A_806 : vector<16xi1>, vector<16xf32>
      %broadcast_in_dim3A_868 = vector.broadcast %reduce_max3A_854 : f32 to vector<16xf32>
      %select_n3A_869 = arith.select %eq3A_857, %broadcast_in_dim3A_868, %select_n3A_808 : vector<16xi1>, vector<16xf32>
      %add3A_870 = arith.constant 14 : i32
      %add3A_871 = arith.addi %mul3A_21, %add3A_870 : i32
      %get3A_872 = arith.index_cast %add3A_871 : i32 to index
      %get3A_873 = arith.constant 0 : index
      %get3A_874 = tpu.vector_load %arg13[%get3A_872, %get3A_873] {strides = array<i32>} : memref<320x16xi32, #tpu.memory_space<vmem>>, vector<16xi32>,
      %add3A_875 = arith.constant 14 : i32
      %add3A_876 = arith.addi %mul3A_21, %add3A_875 : i32
      %get3A_877 = arith.index_cast %add3A_876 : i32 to index
      %get3A_878 = arith.constant 0 : index
      %get3A_879 = tpu.vector_load %arg14[%get3A_877, %get3A_878] {strides = array<i32>} : memref<320x16xf32, #tpu.memory_space<vmem>>, vector<16xf32>,
      %gather3A_880 = tpu.vector_load_idx %arg15[%get3A_874] : memref<10240xf32, #tpu.memory_space<vmem>>[vector<16xi32>], vector<16xf32>,
      %mul3A_881 = arith.mulf %gather3A_880, %get3A_879 : vector<16xf32>
      %gather3A_882 = tpu.vector_load_idx %arg16[%get3A_874] : memref<10240xf32, #tpu.memory_space<vmem>>[vector<16xi32>], vector<16xf32>,
      %mul3A_883 = arith.mulf %gather3A_882, %get3A_879 : vector<16xf32>
      %gather3A_884 = tpu.vector_load_idx %arg17[%get3A_874] : memref<10240xf32, #tpu.memory_space<vmem>>[vector<16xi32>], vector<16xf32>,
      %mul3A_885 = arith.mulf %gather3A_884, %get3A_879 : vector<16xf32>
      %reduce_sum3A_886 = arith.constant true
      %reduce_sum3A_887 = vector.broadcast %reduce_sum3A_886 : i1 to vector<16xi1>
      %reduce_sum3A_888 = tpu.scan <sum>, %mul3A_881 masked %reduce_sum3A_887 : vector<16xf32>, vector<16xi1> -> vector<16xf32>
      %reduce_sum3A_889 = vector.extract %reduce_sum3A_888[15] : f32 from vector<16xf32>
      %mul3A_890 = arith.constant 6.250000e-02 : f32
      %mul3A_891 = arith.mulf %reduce_sum3A_889, %mul3A_890 : f32
      %reduce_sum3A_892 = arith.constant true
      %reduce_sum3A_893 = vector.broadcast %reduce_sum3A_892 : i1 to vector<16xi1>
      %reduce_sum3A_894 = tpu.scan <sum>, %mul3A_883 masked %reduce_sum3A_893 : vector<16xf32>, vector<16xi1> -> vector<16xf32>
      %reduce_sum3A_895 = vector.extract %reduce_sum3A_894[15] : f32 from vector<16xf32>
      %mul3A_896 = arith.constant 6.250000e-02 : f32
      %mul3A_897 = arith.mulf %reduce_sum3A_895, %mul3A_896 : f32
      %reduce_sum3A_898 = arith.constant true
      %reduce_sum3A_899 = vector.broadcast %reduce_sum3A_898 : i1 to vector<16xi1>
      %reduce_sum3A_900 = tpu.scan <sum>, %mul3A_885 masked %reduce_sum3A_899 : vector<16xf32>, vector<16xi1> -> vector<16xf32>
      %reduce_sum3A_901 = vector.extract %reduce_sum3A_900[15] : f32 from vector<16xf32>
      %mul3A_902 = arith.constant 6.250000e-02 : f32
      %mul3A_903 = arith.mulf %reduce_sum3A_901, %mul3A_902 : f32
      %reduce_max3A_904 = arith.constant true
      %reduce_max3A_905 = vector.broadcast %reduce_max3A_904 : i1 to vector<16xi1>
      %reduce_max3A_906 = tpu.scan <max>, %mul3A_881 masked %reduce_max3A_905 : vector<16xf32>, vector<16xi1> -> vector<16xf32>
      %reduce_max3A_907 = vector.extract %reduce_max3A_906[15] : f32 from vector<16xf32>
      %reduce_max3A_908 = arith.constant true
      %reduce_max3A_909 = vector.broadcast %reduce_max3A_908 : i1 to vector<16xi1>
      %reduce_max3A_910 = tpu.scan <max>, %mul3A_883 masked %reduce_max3A_909 : vector<16xf32>, vector<16xi1> -> vector<16xf32>
      %reduce_max3A_911 = vector.extract %reduce_max3A_910[15] : f32 from vector<16xf32>
      %reduce_max3A_912 = arith.constant true
      %reduce_max3A_913 = vector.broadcast %reduce_max3A_912 : i1 to vector<16xi1>
      %reduce_max3A_914 = tpu.scan <max>, %mul3A_885 masked %reduce_max3A_913 : vector<16xf32>, vector<16xi1> -> vector<16xf32>
      %reduce_max3A_915 = vector.extract %reduce_max3A_914[15] : f32 from vector<16xf32>
      %eq3A_916 = arith.constant 14 : i32
      %eq3A_917 = vector.broadcast %eq3A_916 : i32 to vector<16xi32>
      %eq3A_918 = arith.cmpi eq, %iota3A, %eq3A_917 : vector<16xi32>
      %broadcast_in_dim3A_919 = vector.broadcast %mul3A_891 : f32 to vector<16xf32>
      %select_n3A_920 = arith.select %eq3A_918, %broadcast_in_dim3A_919, %select_n3A_859 : vector<16xi1>, vector<16xf32>
      %broadcast_in_dim3A_921 = vector.broadcast %mul3A_897 : f32 to vector<16xf32>
      %select_n3A_922 = arith.select %eq3A_918, %broadcast_in_dim3A_921, %select_n3A_861 : vector<16xi1>, vector<16xf32>
      %broadcast_in_dim3A_923 = vector.broadcast %mul3A_903 : f32 to vector<16xf32>
      %select_n3A_924 = arith.select %eq3A_918, %broadcast_in_dim3A_923, %select_n3A_863 : vector<16xi1>, vector<16xf32>
      %broadcast_in_dim3A_925 = vector.broadcast %reduce_max3A_907 : f32 to vector<16xf32>
      %select_n3A_926 = arith.select %eq3A_918, %broadcast_in_dim3A_925, %select_n3A_865 : vector<16xi1>, vector<16xf32>
      %broadcast_in_dim3A_927 = vector.broadcast %reduce_max3A_911 : f32 to vector<16xf32>
      %select_n3A_928 = arith.select %eq3A_918, %broadcast_in_dim3A_927, %select_n3A_867 : vector<16xi1>, vector<16xf32>
      %broadcast_in_dim3A_929 = vector.broadcast %reduce_max3A_915 : f32 to vector<16xf32>
      %select_n3A_930 = arith.select %eq3A_918, %broadcast_in_dim3A_929, %select_n3A_869 : vector<16xi1>, vector<16xf32>
      %add3A_931 = arith.constant 15 : i32
      %add3A_932 = arith.addi %mul3A_21, %add3A_931 : i32
      %get3A_933 = arith.index_cast %add3A_932 : i32 to index
      %get3A_934 = arith.constant 0 : index
      %get3A_935 = tpu.vector_load %arg13[%get3A_933, %get3A_934] {strides = array<i32>} : memref<320x16xi32, #tpu.memory_space<vmem>>, vector<16xi32>,
      %add3A_936 = arith.constant 15 : i32
      %add3A_937 = arith.addi %mul3A_21, %add3A_936 : i32
      %get3A_938 = arith.index_cast %add3A_937 : i32 to index
      %get3A_939 = arith.constant 0 : index
      %get3A_940 = tpu.vector_load %arg14[%get3A_938, %get3A_939] {strides = array<i32>} : memref<320x16xf32, #tpu.memory_space<vmem>>, vector<16xf32>,
      %gather3A_941 = tpu.vector_load_idx %arg15[%get3A_935] : memref<10240xf32, #tpu.memory_space<vmem>>[vector<16xi32>], vector<16xf32>,
      %mul3A_942 = arith.mulf %gather3A_941, %get3A_940 : vector<16xf32>
      %gather3A_943 = tpu.vector_load_idx %arg16[%get3A_935] : memref<10240xf32, #tpu.memory_space<vmem>>[vector<16xi32>], vector<16xf32>,
      %mul3A_944 = arith.mulf %gather3A_943, %get3A_940 : vector<16xf32>
      %gather3A_945 = tpu.vector_load_idx %arg17[%get3A_935] : memref<10240xf32, #tpu.memory_space<vmem>>[vector<16xi32>], vector<16xf32>,
      %mul3A_946 = arith.mulf %gather3A_945, %get3A_940 : vector<16xf32>
      %reduce_sum3A_947 = arith.constant true
      %reduce_sum3A_948 = vector.broadcast %reduce_sum3A_947 : i1 to vector<16xi1>
      %reduce_sum3A_949 = tpu.scan <sum>, %mul3A_942 masked %reduce_sum3A_948 : vector<16xf32>, vector<16xi1> -> vector<16xf32>
      %reduce_sum3A_950 = vector.extract %reduce_sum3A_949[15] : f32 from vector<16xf32>
      %mul3A_951 = arith.constant 6.250000e-02 : f32
      %mul3A_952 = arith.mulf %reduce_sum3A_950, %mul3A_951 : f32
      %reduce_sum3A_953 = arith.constant true
      %reduce_sum3A_954 = vector.broadcast %reduce_sum3A_953 : i1 to vector<16xi1>
      %reduce_sum3A_955 = tpu.scan <sum>, %mul3A_944 masked %reduce_sum3A_954 : vector<16xf32>, vector<16xi1> -> vector<16xf32>
      %reduce_sum3A_956 = vector.extract %reduce_sum3A_955[15] : f32 from vector<16xf32>
      %mul3A_957 = arith.constant 6.250000e-02 : f32
      %mul3A_958 = arith.mulf %reduce_sum3A_956, %mul3A_957 : f32
      %reduce_sum3A_959 = arith.constant true
      %reduce_sum3A_960 = vector.broadcast %reduce_sum3A_959 : i1 to vector<16xi1>
      %reduce_sum3A_961 = tpu.scan <sum>, %mul3A_946 masked %reduce_sum3A_960 : vector<16xf32>, vector<16xi1> -> vector<16xf32>
      %reduce_sum3A_962 = vector.extract %reduce_sum3A_961[15] : f32 from vector<16xf32>
      %mul3A_963 = arith.constant 6.250000e-02 : f32
      %mul3A_964 = arith.mulf %reduce_sum3A_962, %mul3A_963 : f32
      %reduce_max3A_965 = arith.constant true
      %reduce_max3A_966 = vector.broadcast %reduce_max3A_965 : i1 to vector<16xi1>
      %reduce_max3A_967 = tpu.scan <max>, %mul3A_942 masked %reduce_max3A_966 : vector<16xf32>, vector<16xi1> -> vector<16xf32>
      %reduce_max3A_968 = vector.extract %reduce_max3A_967[15] : f32 from vector<16xf32>
      %reduce_max3A_969 = arith.constant true
      %reduce_max3A_970 = vector.broadcast %reduce_max3A_969 : i1 to vector<16xi1>
      %reduce_max3A_971 = tpu.scan <max>, %mul3A_944 masked %reduce_max3A_970 : vector<16xf32>, vector<16xi1> -> vector<16xf32>
      %reduce_max3A_972 = vector.extract %reduce_max3A_971[15] : f32 from vector<16xf32>
      %reduce_max3A_973 = arith.constant true
      %reduce_max3A_974 = vector.broadcast %reduce_max3A_973 : i1 to vector<16xi1>
      %reduce_max3A_975 = tpu.scan <max>, %mul3A_946 masked %reduce_max3A_974 : vector<16xf32>, vector<16xi1> -> vector<16xf32>
      %reduce_max3A_976 = vector.extract %reduce_max3A_975[15] : f32 from vector<16xf32>
      %eq3A_977 = arith.constant 15 : i32
      %eq3A_978 = vector.broadcast %eq3A_977 : i32 to vector<16xi32>
      %eq3A_979 = arith.cmpi eq, %iota3A, %eq3A_978 : vector<16xi32>
      %broadcast_in_dim3A_980 = vector.broadcast %mul3A_952 : f32 to vector<16xf32>
      %select_n3A_981 = arith.select %eq3A_979, %broadcast_in_dim3A_980, %select_n3A_920 : vector<16xi1>, vector<16xf32>
      %broadcast_in_dim3A_982 = vector.broadcast %mul3A_958 : f32 to vector<16xf32>
      %select_n3A_983 = arith.select %eq3A_979, %broadcast_in_dim3A_982, %select_n3A_922 : vector<16xi1>, vector<16xf32>
      %broadcast_in_dim3A_984 = vector.broadcast %mul3A_964 : f32 to vector<16xf32>
      %select_n3A_985 = arith.select %eq3A_979, %broadcast_in_dim3A_984, %select_n3A_924 : vector<16xi1>, vector<16xf32>
      %broadcast_in_dim3A_986 = vector.broadcast %reduce_max3A_968 : f32 to vector<16xf32>
      %select_n3A_987 = arith.select %eq3A_979, %broadcast_in_dim3A_986, %select_n3A_926 : vector<16xi1>, vector<16xf32>
      %broadcast_in_dim3A_988 = vector.broadcast %reduce_max3A_972 : f32 to vector<16xf32>
      %select_n3A_989 = arith.select %eq3A_979, %broadcast_in_dim3A_988, %select_n3A_928 : vector<16xi1>, vector<16xf32>
      %broadcast_in_dim3A_990 = vector.broadcast %reduce_max3A_976 : f32 to vector<16xf32>
      %select_n3A_991 = arith.select %eq3A_979, %broadcast_in_dim3A_990, %select_n3A_930 : vector<16xi1>, vector<16xf32>
      %swap3A = arith.index_cast %mul3A_21 : i32 to index
      %swap3A_992 = tpu.vector_load %arg18[%swap3A] {strides = array<i32>} : memref<320xf32, #tpu.memory_space<vmem>>, vector<16xf32>,
      tpu.vector_store %arg18[%swap3A], %select_n3A_981 {strides = array<i32>} : memref<320xf32, #tpu.memory_space<vmem>>, vector<16xf32>,
      %swap3A_993 = arith.index_cast %mul3A_21 : i32 to index
      %swap3A_994 = tpu.vector_load %arg19[%swap3A_993] {strides = array<i32>} : memref<320xf32, #tpu.memory_space<vmem>>, vector<16xf32>,
      tpu.vector_store %arg19[%swap3A_993], %select_n3A_983 {strides = array<i32>} : memref<320xf32, #tpu.memory_space<vmem>>, vector<16xf32>,
      %swap3A_995 = arith.index_cast %mul3A_21 : i32 to index
      %swap3A_996 = tpu.vector_load %arg20[%swap3A_995] {strides = array<i32>} : memref<320xf32, #tpu.memory_space<vmem>>, vector<16xf32>,
      tpu.vector_store %arg20[%swap3A_995], %select_n3A_985 {strides = array<i32>} : memref<320xf32, #tpu.memory_space<vmem>>, vector<16xf32>,
      %swap3A_997 = arith.index_cast %mul3A_21 : i32 to index
      %swap3A_998 = tpu.vector_load %arg21[%swap3A_997] {strides = array<i32>} : memref<320xf32, #tpu.memory_space<vmem>>, vector<16xf32>,
      tpu.vector_store %arg21[%swap3A_997], %select_n3A_987 {strides = array<i32>} : memref<320xf32, #tpu.memory_space<vmem>>, vector<16xf32>,
      %swap3A_999 = arith.index_cast %mul3A_21 : i32 to index
      %swap3A_1000 = tpu.vector_load %arg22[%swap3A_999] {strides = array<i32>} : memref<320xf32, #tpu.memory_space<vmem>>, vector<16xf32>,
      tpu.vector_store %arg22[%swap3A_999], %select_n3A_989 {strides = array<i32>} : memref<320xf32, #tpu.memory_space<vmem>>, vector<16xf32>,
      %swap3A_1001 = arith.index_cast %mul3A_21 : i32 to index
      %swap3A_1002 = tpu.vector_load %arg23[%swap3A_1001] {strides = array<i32>} : memref<320xf32, #tpu.memory_space<vmem>>, vector<16xf32>,
      tpu.vector_store %arg23[%swap3A_1001], %select_n3A_991 {strides = array<i32>} : memref<320xf32, #tpu.memory_space<vmem>>, vector<16xf32>,
    }
    %scan3A_7 = arith.constant 20 : i32
    "tpu.region"() ({
      %run_scoped3A = tpu.sem_alloc : memref<!tpu.dma_semaphore, #tpu.memory_space<semaphore_mem>>
      %dma_start3A = tpu.memref_slice %arg7[%mul3A_2] : memref<10240xf32, #tpu.memory_space<hbm>> -> memref<320xf32, #tpu.memory_space<hbm>>
      %dma_start3A_8 = tpu.memref_slice %arg7[%mul3A_2] : memref<10240xf32, #tpu.memory_space<hbm>> -> memref<320xf32, #tpu.memory_space<hbm>>
      tpu.enqueue_dma source(%arg18 : memref<320xf32, #tpu.memory_space<vmem>>) target(%dma_start3A_8 : memref<320xf32, #tpu.memory_space<hbm>>) target_semaphore(%run_scoped3A : memref<!tpu.dma_semaphore, #tpu.memory_space<semaphore_mem>>)
      %dma_wait3A = tpu.memref_slice %arg7[%mul3A_2] : memref<10240xf32, #tpu.memory_space<hbm>> -> memref<320xf32, #tpu.memory_space<hbm>>
      %dma_wait3A_9 = tpu.memref_slice %arg7[%mul3A_2] : memref<10240xf32, #tpu.memory_space<hbm>> -> memref<320xf32, #tpu.memory_space<hbm>>
      tpu.wait_dma2 semaphore(%run_scoped3A : memref<!tpu.dma_semaphore, #tpu.memory_space<semaphore_mem>>) src(%arg18 : memref<320xf32, #tpu.memory_space<vmem>>) dst(%dma_wait3A_9 : memref<320xf32, #tpu.memory_space<hbm>>)
      tpu.yield
    }) : () -> ()
    "tpu.region"() ({
      %run_scoped3A = tpu.sem_alloc : memref<!tpu.dma_semaphore, #tpu.memory_space<semaphore_mem>>
      %dma_start3A = tpu.memref_slice %arg8[%mul3A_2] : memref<10240xf32, #tpu.memory_space<hbm>> -> memref<320xf32, #tpu.memory_space<hbm>>
      %dma_start3A_8 = tpu.memref_slice %arg8[%mul3A_2] : memref<10240xf32, #tpu.memory_space<hbm>> -> memref<320xf32, #tpu.memory_space<hbm>>
      tpu.enqueue_dma source(%arg19 : memref<320xf32, #tpu.memory_space<vmem>>) target(%dma_start3A_8 : memref<320xf32, #tpu.memory_space<hbm>>) target_semaphore(%run_scoped3A : memref<!tpu.dma_semaphore, #tpu.memory_space<semaphore_mem>>)
      %dma_wait3A = tpu.memref_slice %arg8[%mul3A_2] : memref<10240xf32, #tpu.memory_space<hbm>> -> memref<320xf32, #tpu.memory_space<hbm>>
      %dma_wait3A_9 = tpu.memref_slice %arg8[%mul3A_2] : memref<10240xf32, #tpu.memory_space<hbm>> -> memref<320xf32, #tpu.memory_space<hbm>>
      tpu.wait_dma2 semaphore(%run_scoped3A : memref<!tpu.dma_semaphore, #tpu.memory_space<semaphore_mem>>) src(%arg19 : memref<320xf32, #tpu.memory_space<vmem>>) dst(%dma_wait3A_9 : memref<320xf32, #tpu.memory_space<hbm>>)
      tpu.yield
    }) : () -> ()
    "tpu.region"() ({
      %run_scoped3A = tpu.sem_alloc : memref<!tpu.dma_semaphore, #tpu.memory_space<semaphore_mem>>
      %dma_start3A = tpu.memref_slice %arg9[%mul3A_2] : memref<10240xf32, #tpu.memory_space<hbm>> -> memref<320xf32, #tpu.memory_space<hbm>>
      %dma_start3A_8 = tpu.memref_slice %arg9[%mul3A_2] : memref<10240xf32, #tpu.memory_space<hbm>> -> memref<320xf32, #tpu.memory_space<hbm>>
      tpu.enqueue_dma source(%arg20 : memref<320xf32, #tpu.memory_space<vmem>>) target(%dma_start3A_8 : memref<320xf32, #tpu.memory_space<hbm>>) target_semaphore(%run_scoped3A : memref<!tpu.dma_semaphore, #tpu.memory_space<semaphore_mem>>)
      %dma_wait3A = tpu.memref_slice %arg9[%mul3A_2] : memref<10240xf32, #tpu.memory_space<hbm>> -> memref<320xf32, #tpu.memory_space<hbm>>
      %dma_wait3A_9 = tpu.memref_slice %arg9[%mul3A_2] : memref<10240xf32, #tpu.memory_space<hbm>> -> memref<320xf32, #tpu.memory_space<hbm>>
      tpu.wait_dma2 semaphore(%run_scoped3A : memref<!tpu.dma_semaphore, #tpu.memory_space<semaphore_mem>>) src(%arg20 : memref<320xf32, #tpu.memory_space<vmem>>) dst(%dma_wait3A_9 : memref<320xf32, #tpu.memory_space<hbm>>)
      tpu.yield
    }) : () -> ()
    "tpu.region"() ({
      %run_scoped3A = tpu.sem_alloc : memref<!tpu.dma_semaphore, #tpu.memory_space<semaphore_mem>>
      %dma_start3A = tpu.memref_slice %arg10[%mul3A_2] : memref<10240xf32, #tpu.memory_space<hbm>> -> memref<320xf32, #tpu.memory_space<hbm>>
      %dma_start3A_8 = tpu.memref_slice %arg10[%mul3A_2] : memref<10240xf32, #tpu.memory_space<hbm>> -> memref<320xf32, #tpu.memory_space<hbm>>
      tpu.enqueue_dma source(%arg21 : memref<320xf32, #tpu.memory_space<vmem>>) target(%dma_start3A_8 : memref<320xf32, #tpu.memory_space<hbm>>) target_semaphore(%run_scoped3A : memref<!tpu.dma_semaphore, #tpu.memory_space<semaphore_mem>>)
      %dma_wait3A = tpu.memref_slice %arg10[%mul3A_2] : memref<10240xf32, #tpu.memory_space<hbm>> -> memref<320xf32, #tpu.memory_space<hbm>>
      %dma_wait3A_9 = tpu.memref_slice %arg10[%mul3A_2] : memref<10240xf32, #tpu.memory_space<hbm>> -> memref<320xf32, #tpu.memory_space<hbm>>
      tpu.wait_dma2 semaphore(%run_scoped3A : memref<!tpu.dma_semaphore, #tpu.memory_space<semaphore_mem>>) src(%arg21 : memref<320xf32, #tpu.memory_space<vmem>>) dst(%dma_wait3A_9 : memref<320xf32, #tpu.memory_space<hbm>>)
      tpu.yield
    }) : () -> ()
    "tpu.region"() ({
      %run_scoped3A = tpu.sem_alloc : memref<!tpu.dma_semaphore, #tpu.memory_space<semaphore_mem>>
      %dma_start3A = tpu.memref_slice %arg11[%mul3A_2] : memref<10240xf32, #tpu.memory_space<hbm>> -> memref<320xf32, #tpu.memory_space<hbm>>
      %dma_start3A_8 = tpu.memref_slice %arg11[%mul3A_2] : memref<10240xf32, #tpu.memory_space<hbm>> -> memref<320xf32, #tpu.memory_space<hbm>>
      tpu.enqueue_dma source(%arg22 : memref<320xf32, #tpu.memory_space<vmem>>) target(%dma_start3A_8 : memref<320xf32, #tpu.memory_space<hbm>>) target_semaphore(%run_scoped3A : memref<!tpu.dma_semaphore, #tpu.memory_space<semaphore_mem>>)
      %dma_wait3A = tpu.memref_slice %arg11[%mul3A_2] : memref<10240xf32, #tpu.memory_space<hbm>> -> memref<320xf32, #tpu.memory_space<hbm>>
      %dma_wait3A_9 = tpu.memref_slice %arg11[%mul3A_2] : memref<10240xf32, #tpu.memory_space<hbm>> -> memref<320xf32, #tpu.memory_space<hbm>>
      tpu.wait_dma2 semaphore(%run_scoped3A : memref<!tpu.dma_semaphore, #tpu.memory_space<semaphore_mem>>) src(%arg22 : memref<320xf32, #tpu.memory_space<vmem>>) dst(%dma_wait3A_9 : memref<320xf32, #tpu.memory_space<hbm>>)
      tpu.yield
    }) : () -> ()
    "tpu.region"() ({
      %run_scoped3A = tpu.sem_alloc : memref<!tpu.dma_semaphore, #tpu.memory_space<semaphore_mem>>
      %dma_start3A = tpu.memref_slice %arg12[%mul3A_2] : memref<10240xf32, #tpu.memory_space<hbm>> -> memref<320xf32, #tpu.memory_space<hbm>>
      %dma_start3A_8 = tpu.memref_slice %arg12[%mul3A_2] : memref<10240xf32, #tpu.memory_space<hbm>> -> memref<320xf32, #tpu.memory_space<hbm>>
      tpu.enqueue_dma source(%arg23 : memref<320xf32, #tpu.memory_space<vmem>>) target(%dma_start3A_8 : memref<320xf32, #tpu.memory_space<hbm>>) target_semaphore(%run_scoped3A : memref<!tpu.dma_semaphore, #tpu.memory_space<semaphore_mem>>)
      %dma_wait3A = tpu.memref_slice %arg12[%mul3A_2] : memref<10240xf32, #tpu.memory_space<hbm>> -> memref<320xf32, #tpu.memory_space<hbm>>
      %dma_wait3A_9 = tpu.memref_slice %arg12[%mul3A_2] : memref<10240xf32, #tpu.memory_space<hbm>> -> memref<320xf32, #tpu.memory_space<hbm>>
      tpu.wait_dma2 semaphore(%run_scoped3A : memref<!tpu.dma_semaphore, #tpu.memory_space<semaphore_mem>>) src(%arg23 : memref<320xf32, #tpu.memory_space<vmem>>) dst(%dma_wait3A_9 : memref<320xf32, #tpu.memory_space<hbm>>)
      tpu.yield
    }) : () -> ()
    return
  }
}

module attributes {stable_mosaic.version = 14 : i64} {
  func.func @_coords_body(%arg0: i32, %arg1: memref<1024x128xf32, #tpu.memory_space<vmem>>, %arg2: memref<128x8xf32, #tpu.memory_space<vmem>>, %arg3: memref<1x8xf32, #tpu.memory_space<vmem>>, %arg4: memref<1024x8xf32, #tpu.memory_space<vmem>>) attributes {dimension_semantics = [#tpu.dimension_semantics<arbitrary>], iteration_bounds = array<i64: 10>, scalar_prefetch = 0 : i64, scratch_operands = 0 : i64, tpu.core_type = #tpu.core_type<tc>, window_params = [{transform_indices = @transform_0, window_bounds = array<i64: 1024, 128>}, {pipeline_mode = #tpu.pipeline_mode<synchronous>, transform_indices = @transform_1, window_bounds = array<i64: 128, 8>}, {pipeline_mode = #tpu.pipeline_mode<synchronous>, transform_indices = @transform_2, window_bounds = array<i64: 1, 8>}, {transform_indices = @transform_3, window_bounds = array<i64: 1024, 8>}]} {
    %get3A = arith.constant 0 : index
    %get3A_0 = arith.constant 0 : index
    %get3A_1 = vector.load %arg1[%get3A, %get3A_0] : memref<1024x128xf32, #tpu.memory_space<vmem>>, vector<1024x128xf32>
    %get3A_2 = arith.constant 0 : index
    %get3A_3 = arith.constant 0 : index
    %get3A_4 = vector.load %arg2[%get3A_2, %get3A_3] : memref<128x8xf32, #tpu.memory_space<vmem>>, vector<128x8xf32>
    %dot_general3A = arith.constant dense<0.000000e+00> : vector<1024x8xf32>
    %dot_general3A_5 = tpu.matmul %get3A_1, %get3A_4, %dot_general3A {dimension_numbers = #tpu.dot_dimension_numbers<[1], [0], [0], [1], [0, 0, 1, 1], [], []>, transpose_lhs_hint = false} : vector<1024x128xf32>, vector<128x8xf32>, vector<1024x8xf32> -> vector<1024x8xf32>
    %get3A_6 = arith.constant 0 : index
    %get3A_7 = arith.constant 0 : index
    %get3A_8 = vector.load %arg3[%get3A_6, %get3A_7] : memref<1x8xf32, #tpu.memory_space<vmem>>, vector<1x8xf32>
    %add3A = vector.broadcast %get3A_8 : vector<1x8xf32> to vector<1024x8xf32>
    %add3A_9 = arith.addf %dot_general3A_5, %add3A : vector<1024x8xf32>
    %iota3A = tpu.iota {dimensions = array<i32: 0>} : vector<1024x8xi32>
    %mul3A = arith.constant 1024 : i32
    %mul3A_10 = arith.muli %arg0, %mul3A : i32
    %add3A_11 = vector.broadcast %mul3A_10 : i32 to vector<1024x8xi32>
    %add3A_12 = arith.addi %iota3A, %add3A_11 : vector<1024x8xi32>
    %ge3A = arith.constant 10000 : i32
    %ge3A_13 = vector.broadcast %ge3A : i32 to vector<1024x8xi32>
    %ge3A_14 = arith.cmpi sge, %add3A_12, %ge3A_13 : vector<1024x8xi32>
    %jit3A = arith.constant 9.99999984E+17 : f32
    %broadcast_in_dim3A = vector.broadcast %jit3A : f32 to vector<1024x8xf32>
    %select_n3A = arith.select %ge3A_14, %broadcast_in_dim3A, %add3A_9 : vector<1024x8xi1>, vector<1024x8xf32>
    %slice3A = vector.extract_strided_slice %select_n3A {offsets = [0, 0], sizes = [1024, 1], strides = [1, 1]} : vector<1024x8xf32> to vector<1024x1xf32>
    %slice3A_15 = vector.extract_strided_slice %select_n3A {offsets = [0, 0], sizes = [1024, 1], strides = [1, 1]} : vector<1024x8xf32> to vector<1024x1xf32>
    %mul3A_16 = arith.mulf %slice3A, %slice3A_15 : vector<1024x1xf32>
    %slice3A_17 = vector.extract_strided_slice %select_n3A {offsets = [0, 1], sizes = [1024, 1], strides = [1, 1]} : vector<1024x8xf32> to vector<1024x1xf32>
    %slice3A_18 = vector.extract_strided_slice %select_n3A {offsets = [0, 1], sizes = [1024, 1], strides = [1, 1]} : vector<1024x8xf32> to vector<1024x1xf32>
    %mul3A_19 = arith.mulf %slice3A_17, %slice3A_18 : vector<1024x1xf32>
    %add3A_20 = arith.addf %mul3A_16, %mul3A_19 : vector<1024x1xf32>
    %slice3A_21 = vector.extract_strided_slice %select_n3A {offsets = [0, 2], sizes = [1024, 1], strides = [1, 1]} : vector<1024x8xf32> to vector<1024x1xf32>
    %slice3A_22 = vector.extract_strided_slice %select_n3A {offsets = [0, 2], sizes = [1024, 1], strides = [1, 1]} : vector<1024x8xf32> to vector<1024x1xf32>
    %mul3A_23 = arith.mulf %slice3A_21, %slice3A_22 : vector<1024x1xf32>
    %add3A_24 = arith.addf %add3A_20, %mul3A_23 : vector<1024x1xf32>
    %slice3A_25 = vector.extract_strided_slice %select_n3A {offsets = [0, 0], sizes = [1024, 6], strides = [1, 1]} : vector<1024x8xf32> to vector<1024x6xf32>
    %slice3A_26 = vector.extract_strided_slice %select_n3A {offsets = [0, 7], sizes = [1024, 1], strides = [1, 1]} : vector<1024x8xf32> to vector<1024x1xf32>
    %concatenate3A = tpu.concatenate %slice3A_25, %add3A_24, %slice3A_26 in 1 : vector<1024x6xf32>, vector<1024x1xf32>, vector<1024x1xf32> -> vector<1024x8xf32>
    %swap3A = arith.constant 0 : index
    %swap3A_27 = arith.constant 0 : index
    %swap3A_28 = vector.load %arg4[%swap3A, %swap3A_27] : memref<1024x8xf32, #tpu.memory_space<vmem>>, vector<1024x8xf32>
    tpu.vector_store %arg4[%swap3A, %swap3A_27], %concatenate3A {strides = array<i32>} : memref<1024x8xf32, #tpu.memory_space<vmem>>, vector<1024x8xf32>,
    return
  }
  func.func @transform_0(%arg0: i32) -> (i32, i32) {
    %c0_i32 = arith.constant 0 : i32
    %c0_i32_0 = arith.constant 0 : i32
    return %arg0, %c0_i32 : i32, i32
  }
  func.func @transform_1(%arg0: i32) -> (i32, i32) {
    %c0_i32 = arith.constant 0 : i32
    %c0_i32_0 = arith.constant 0 : i32
    %c0_i32_1 = arith.constant 0 : i32
    return %c0_i32, %c0_i32_0 : i32, i32
  }
  func.func @transform_2(%arg0: i32) -> (i32, i32) {
    %c0_i32 = arith.constant 0 : i32
    %c0_i32_0 = arith.constant 0 : i32
    %c0_i32_1 = arith.constant 0 : i32
    return %c0_i32, %c0_i32_0 : i32, i32
  }
  func.func @transform_3(%arg0: i32) -> (i32, i32) {
    %c0_i32 = arith.constant 0 : i32
    %c0_i32_0 = arith.constant 0 : i32
    return %arg0, %c0_i32 : i32, i32
  }
}

module attributes {stable_mosaic.version = 14 : i64} {
  func.func @_knn_body(%arg0: i32, %arg1: memref<128x8xf32, #tpu.memory_space<vmem>>, %arg2: memref<8x10240xf32, #tpu.memory_space<vmem>>, %arg3: memref<128x16xi32, #tpu.memory_space<vmem>>, %arg4: memref<128x16xf32, #tpu.memory_space<vmem>>, %arg5: memref<128x10240xf32, #tpu.memory_space<vmem>>) attributes {dimension_semantics = [#tpu.dimension_semantics<arbitrary>], iteration_bounds = array<i64: 80>, scalar_prefetch = 0 : i64, scratch_operands = 1 : i64, tpu.core_type = #tpu.core_type<tc>, window_params = [{transform_indices = @transform_0, window_bounds = array<i64: 128, 8>}, {pipeline_mode = #tpu.pipeline_mode<synchronous>, transform_indices = @transform_1, window_bounds = array<i64: 8, 10240>}, {transform_indices = @transform_2, window_bounds = array<i64: 128, 16>}, {transform_indices = @transform_3, window_bounds = array<i64: 128, 16>}]} {
    %get3A = arith.constant 0 : index
    %get3A_0 = arith.constant 0 : index
    %get3A_1 = vector.load %arg1[%get3A, %get3A_0] : memref<128x8xf32, #tpu.memory_space<vmem>>, vector<128x8xf32>
    %scan3A = arith.constant 0 : i32
    %scan3A_2 = arith.constant 10 : i32
    %scan3A_3 = arith.addi %scan3A, %scan3A_2 : i32
    %scan3A_4 = arith.constant 1 : i32
    scf.for %scan3A_1166 = %scan3A to %scan3A_3 step %scan3A_4  : i32 {
      %mul3A_1167 = arith.constant 1024 : i32
      %mul3A_1168 = arith.muli %scan3A_1166, %mul3A_1167 : i32
      %get3A_1169 = arith.constant 0 : index
      %get3A_1170 = arith.index_cast %mul3A_1168 : i32 to index
      %get3A_1171 = vector.load %arg2[%get3A_1169, %get3A_1170] : memref<8x10240xf32, #tpu.memory_space<vmem>>, vector<8x1024xf32>
      %slice3A_1172 = vector.extract_strided_slice %get3A_1 {offsets = [0, 0], sizes = [128, 1], strides = [1, 1]} : vector<128x8xf32> to vector<128x1xf32>
      %slice3A_1173 = vector.extract_strided_slice %get3A_1171 {offsets = [0, 0], sizes = [1, 1024], strides = [1, 1]} : vector<8x1024xf32> to vector<1x1024xf32>
      %sub3A_1174 = vector.broadcast %slice3A_1172 : vector<128x1xf32> to vector<128x1024xf32>
      %sub3A_1175 = vector.broadcast %slice3A_1173 : vector<1x1024xf32> to vector<128x1024xf32>
      %sub3A_1176 = arith.subf %sub3A_1174, %sub3A_1175 : vector<128x1024xf32>
      %slice3A_1177 = vector.extract_strided_slice %get3A_1 {offsets = [0, 1], sizes = [128, 1], strides = [1, 1]} : vector<128x8xf32> to vector<128x1xf32>
      %slice3A_1178 = vector.extract_strided_slice %get3A_1171 {offsets = [1, 0], sizes = [1, 1024], strides = [1, 1]} : vector<8x1024xf32> to vector<1x1024xf32>
      %sub3A_1179 = vector.broadcast %slice3A_1177 : vector<128x1xf32> to vector<128x1024xf32>
      %sub3A_1180 = vector.broadcast %slice3A_1178 : vector<1x1024xf32> to vector<128x1024xf32>
      %sub3A_1181 = arith.subf %sub3A_1179, %sub3A_1180 : vector<128x1024xf32>
      %slice3A_1182 = vector.extract_strided_slice %get3A_1 {offsets = [0, 2], sizes = [128, 1], strides = [1, 1]} : vector<128x8xf32> to vector<128x1xf32>
      %slice3A_1183 = vector.extract_strided_slice %get3A_1171 {offsets = [2, 0], sizes = [1, 1024], strides = [1, 1]} : vector<8x1024xf32> to vector<1x1024xf32>
      %sub3A_1184 = vector.broadcast %slice3A_1182 : vector<128x1xf32> to vector<128x1024xf32>
      %sub3A_1185 = vector.broadcast %slice3A_1183 : vector<1x1024xf32> to vector<128x1024xf32>
      %sub3A_1186 = arith.subf %sub3A_1184, %sub3A_1185 : vector<128x1024xf32>
      %mul3A_1187 = arith.mulf %sub3A_1176, %sub3A_1176 : vector<128x1024xf32>
      %mul3A_1188 = arith.mulf %sub3A_1181, %sub3A_1181 : vector<128x1024xf32>
      %add3A_1189 = arith.addf %mul3A_1187, %mul3A_1188 : vector<128x1024xf32>
      %mul3A_1190 = arith.mulf %sub3A_1186, %sub3A_1186 : vector<128x1024xf32>
      %add3A_1191 = arith.addf %add3A_1189, %mul3A_1190 : vector<128x1024xf32>
      %mul3A_1192 = arith.constant 1024 : i32
      %mul3A_1193 = arith.muli %scan3A_1166, %mul3A_1192 : i32
      %swap3A_1194 = arith.constant 0 : index
      %swap3A_1195 = arith.index_cast %mul3A_1193 : i32 to index
      %swap3A_1196 = vector.load %arg5[%swap3A_1194, %swap3A_1195] : memref<128x10240xf32, #tpu.memory_space<vmem>>, vector<128x1024xf32>
      tpu.vector_store %arg5[%swap3A_1194, %swap3A_1195], %add3A_1191 {strides = array<i32>} : memref<128x10240xf32, #tpu.memory_space<vmem>>, vector<128x1024xf32>,
    }
    %scan3A_5 = arith.constant 10 : i32
    %iota3A = tpu.iota {dimensions = array<i32: 1>} : vector<128x16xi32>
    %iota3A_6 = tpu.iota {dimensions = array<i32: 1>} : vector<128x128xi32>
    %broadcast_in_dim3A = arith.constant -1.000000e+00 : f32
    %broadcast_in_dim3A_7 = vector.broadcast %broadcast_in_dim3A : f32 to vector<128x1xf32>
    %broadcast_in_dim3A_8 = arith.constant 0.000000e+00 : f32
    %broadcast_in_dim3A_9 = vector.broadcast %broadcast_in_dim3A_8 : f32 to vector<128x16xf32>
    %broadcast_in_dim3A_10 = arith.constant 0 : i32
    %broadcast_in_dim3A_11 = vector.broadcast %broadcast_in_dim3A_10 : i32 to vector<128x16xi32>
    %scan3A_12 = arith.constant 0 : i32
    %scan3A_13 = arith.constant 16 : i32
    %scan3A_14 = arith.addi %scan3A_12, %scan3A_13 : i32
    %scan3A_15 = arith.constant 1 : i32
    %scan3A_16:3 = scf.for %scan3A_1166 = %scan3A_12 to %scan3A_14 step %scan3A_15 iter_args(%scan3A_1167 = %broadcast_in_dim3A_7, %scan3A_1168 = %broadcast_in_dim3A_9, %scan3A_1169 = %broadcast_in_dim3A_11) -> (vector<128x1xf32>, vector<128x16xf32>, vector<128x16xi32>)  : i32 {
      %broadcast_in_dim3A_1170 = vector.shape_cast %scan3A_1167 : vector<128x1xf32> to vector<128x1xf32>
      %broadcast_in_dim3A_1171 = vector.broadcast %broadcast_in_dim3A_1170 : vector<128x1xf32> to vector<128x128xf32>
      %broadcast_in_dim3A_1172 = arith.constant 3.000000e+38 : f32
      %broadcast_in_dim3A_1173 = vector.broadcast %broadcast_in_dim3A_1172 : f32 to vector<128x128xf32>
      %broadcast_in_dim3A_1174 = arith.constant 0 : i32
      %broadcast_in_dim3A_1175 = vector.broadcast %broadcast_in_dim3A_1174 : i32 to vector<128x128xi32>
      %scan3A_1176 = arith.constant 0 : i32
      %mul3A_1177 = arith.constant 1024 : i32
      %mul3A_1178 = arith.muli %scan3A_1176, %mul3A_1177 : i32
      %add3A_1179 = arith.constant 0 : i32
      %add3A_1180 = arith.addi %mul3A_1178, %add3A_1179 : i32
      %get3A_1181 = arith.constant 0 : index
      %get3A_1182 = arith.index_cast %add3A_1180 : i32 to index
      %get3A_1183 = vector.load %arg5[%get3A_1181, %get3A_1182] : memref<128x10240xf32, #tpu.memory_space<vmem>>, vector<128x128xf32>
      %gt3A_1184 = arith.cmpf ogt, %get3A_1183, %broadcast_in_dim3A_1171 : vector<128x128xf32>
      %jit3A_1185 = arith.constant 3.000000e+38 : f32
      %broadcast_in_dim3A_1186 = vector.broadcast %jit3A_1185 : f32 to vector<128x128xf32>
      %select_n3A_1187 = arith.select %gt3A_1184, %get3A_1183, %broadcast_in_dim3A_1186 : vector<128x128xi1>, vector<128x128xf32>
      %lt3A = arith.cmpf olt, %select_n3A_1187, %broadcast_in_dim3A_1173 : vector<128x128xf32>
      %select_n3A_1188 = arith.select %lt3A, %select_n3A_1187, %broadcast_in_dim3A_1173 : vector<128x128xi1>, vector<128x128xf32>
      %mul3A_1189 = arith.constant 8 : i32
      %mul3A_1190 = arith.muli %scan3A_1176, %mul3A_1189 : i32
      %add3A_1191 = arith.constant 0 : i32
      %add3A_1192 = arith.addi %mul3A_1190, %add3A_1191 : i32
      %broadcast_in_dim3A_1193 = vector.broadcast %add3A_1192 : i32 to vector<128x128xi32>
      %select_n3A_1194 = arith.select %lt3A, %broadcast_in_dim3A_1193, %broadcast_in_dim3A_1175 : vector<128x128xi1>, vector<128x128xi32>
      %mul3A_1195 = arith.constant 1024 : i32
      %mul3A_1196 = arith.muli %scan3A_1176, %mul3A_1195 : i32
      %add3A_1197 = arith.constant 128 : i32
      %add3A_1198 = arith.addi %mul3A_1196, %add3A_1197 : i32
      %get3A_1199 = arith.constant 0 : index
      %get3A_1200 = arith.index_cast %add3A_1198 : i32 to index
      %get3A_1201 = vector.load %arg5[%get3A_1199, %get3A_1200] : memref<128x10240xf32, #tpu.memory_space<vmem>>, vector<128x128xf32>
      %gt3A_1202 = arith.cmpf ogt, %get3A_1201, %broadcast_in_dim3A_1171 : vector<128x128xf32>
      %jit3A_1203 = arith.constant 3.000000e+38 : f32
      %broadcast_in_dim3A_1204 = vector.broadcast %jit3A_1203 : f32 to vector<128x128xf32>
      %select_n3A_1205 = arith.select %gt3A_1202, %get3A_1201, %broadcast_in_dim3A_1204 : vector<128x128xi1>, vector<128x128xf32>
      %lt3A_1206 = arith.cmpf olt, %select_n3A_1205, %select_n3A_1188 : vector<128x128xf32>
      %select_n3A_1207 = arith.select %lt3A_1206, %select_n3A_1205, %select_n3A_1188 : vector<128x128xi1>, vector<128x128xf32>
      %mul3A_1208 = arith.constant 8 : i32
      %mul3A_1209 = arith.muli %scan3A_1176, %mul3A_1208 : i32
      %add3A_1210 = arith.constant 1 : i32
      %add3A_1211 = arith.addi %mul3A_1209, %add3A_1210 : i32
      %broadcast_in_dim3A_1212 = vector.broadcast %add3A_1211 : i32 to vector<128x128xi32>
      %select_n3A_1213 = arith.select %lt3A_1206, %broadcast_in_dim3A_1212, %select_n3A_1194 : vector<128x128xi1>, vector<128x128xi32>
      %mul3A_1214 = arith.constant 1024 : i32
      %mul3A_1215 = arith.muli %scan3A_1176, %mul3A_1214 : i32
      %add3A_1216 = arith.constant 256 : i32
      %add3A_1217 = arith.addi %mul3A_1215, %add3A_1216 : i32
      %get3A_1218 = arith.constant 0 : index
      %get3A_1219 = arith.index_cast %add3A_1217 : i32 to index
      %get3A_1220 = vector.load %arg5[%get3A_1218, %get3A_1219] : memref<128x10240xf32, #tpu.memory_space<vmem>>, vector<128x128xf32>
      %gt3A_1221 = arith.cmpf ogt, %get3A_1220, %broadcast_in_dim3A_1171 : vector<128x128xf32>
      %jit3A_1222 = arith.constant 3.000000e+38 : f32
      %broadcast_in_dim3A_1223 = vector.broadcast %jit3A_1222 : f32 to vector<128x128xf32>
      %select_n3A_1224 = arith.select %gt3A_1221, %get3A_1220, %broadcast_in_dim3A_1223 : vector<128x128xi1>, vector<128x128xf32>
      %lt3A_1225 = arith.cmpf olt, %select_n3A_1224, %select_n3A_1207 : vector<128x128xf32>
      %select_n3A_1226 = arith.select %lt3A_1225, %select_n3A_1224, %select_n3A_1207 : vector<128x128xi1>, vector<128x128xf32>
      %mul3A_1227 = arith.constant 8 : i32
      %mul3A_1228 = arith.muli %scan3A_1176, %mul3A_1227 : i32
      %add3A_1229 = arith.constant 2 : i32
      %add3A_1230 = arith.addi %mul3A_1228, %add3A_1229 : i32
      %broadcast_in_dim3A_1231 = vector.broadcast %add3A_1230 : i32 to vector<128x128xi32>
      %select_n3A_1232 = arith.select %lt3A_1225, %broadcast_in_dim3A_1231, %select_n3A_1213 : vector<128x128xi1>, vector<128x128xi32>
      %mul3A_1233 = arith.constant 1024 : i32
      %mul3A_1234 = arith.muli %scan3A_1176, %mul3A_1233 : i32
      %add3A_1235 = arith.constant 384 : i32
      %add3A_1236 = arith.addi %mul3A_1234, %add3A_1235 : i32
      %get3A_1237 = arith.constant 0 : index
      %get3A_1238 = arith.index_cast %add3A_1236 : i32 to index
      %get3A_1239 = vector.load %arg5[%get3A_1237, %get3A_1238] : memref<128x10240xf32, #tpu.memory_space<vmem>>, vector<128x128xf32>
      %gt3A_1240 = arith.cmpf ogt, %get3A_1239, %broadcast_in_dim3A_1171 : vector<128x128xf32>
      %jit3A_1241 = arith.constant 3.000000e+38 : f32
      %broadcast_in_dim3A_1242 = vector.broadcast %jit3A_1241 : f32 to vector<128x128xf32>
      %select_n3A_1243 = arith.select %gt3A_1240, %get3A_1239, %broadcast_in_dim3A_1242 : vector<128x128xi1>, vector<128x128xf32>
      %lt3A_1244 = arith.cmpf olt, %select_n3A_1243, %select_n3A_1226 : vector<128x128xf32>
      %select_n3A_1245 = arith.select %lt3A_1244, %select_n3A_1243, %select_n3A_1226 : vector<128x128xi1>, vector<128x128xf32>
      %mul3A_1246 = arith.constant 8 : i32
      %mul3A_1247 = arith.muli %scan3A_1176, %mul3A_1246 : i32
      %add3A_1248 = arith.constant 3 : i32
      %add3A_1249 = arith.addi %mul3A_1247, %add3A_1248 : i32
      %broadcast_in_dim3A_1250 = vector.broadcast %add3A_1249 : i32 to vector<128x128xi32>
      %select_n3A_1251 = arith.select %lt3A_1244, %broadcast_in_dim3A_1250, %select_n3A_1232 : vector<128x128xi1>, vector<128x128xi32>
      %mul3A_1252 = arith.constant 1024 : i32
      %mul3A_1253 = arith.muli %scan3A_1176, %mul3A_1252 : i32
      %add3A_1254 = arith.constant 512 : i32
      %add3A_1255 = arith.addi %mul3A_1253, %add3A_1254 : i32
      %get3A_1256 = arith.constant 0 : index
      %get3A_1257 = arith.index_cast %add3A_1255 : i32 to index
      %get3A_1258 = vector.load %arg5[%get3A_1256, %get3A_1257] : memref<128x10240xf32, #tpu.memory_space<vmem>>, vector<128x128xf32>
      %gt3A_1259 = arith.cmpf ogt, %get3A_1258, %broadcast_in_dim3A_1171 : vector<128x128xf32>
      %jit3A_1260 = arith.constant 3.000000e+38 : f32
      %broadcast_in_dim3A_1261 = vector.broadcast %jit3A_1260 : f32 to vector<128x128xf32>
      %select_n3A_1262 = arith.select %gt3A_1259, %get3A_1258, %broadcast_in_dim3A_1261 : vector<128x128xi1>, vector<128x128xf32>
      %lt3A_1263 = arith.cmpf olt, %select_n3A_1262, %select_n3A_1245 : vector<128x128xf32>
      %select_n3A_1264 = arith.select %lt3A_1263, %select_n3A_1262, %select_n3A_1245 : vector<128x128xi1>, vector<128x128xf32>
      %mul3A_1265 = arith.constant 8 : i32
      %mul3A_1266 = arith.muli %scan3A_1176, %mul3A_1265 : i32
      %add3A_1267 = arith.constant 4 : i32
      %add3A_1268 = arith.addi %mul3A_1266, %add3A_1267 : i32
      %broadcast_in_dim3A_1269 = vector.broadcast %add3A_1268 : i32 to vector<128x128xi32>
      %select_n3A_1270 = arith.select %lt3A_1263, %broadcast_in_dim3A_1269, %select_n3A_1251 : vector<128x128xi1>, vector<128x128xi32>
      %mul3A_1271 = arith.constant 1024 : i32
      %mul3A_1272 = arith.muli %scan3A_1176, %mul3A_1271 : i32
      %add3A_1273 = arith.constant 640 : i32
      %add3A_1274 = arith.addi %mul3A_1272, %add3A_1273 : i32
      %get3A_1275 = arith.constant 0 : index
      %get3A_1276 = arith.index_cast %add3A_1274 : i32 to index
      %get3A_1277 = vector.load %arg5[%get3A_1275, %get3A_1276] : memref<128x10240xf32, #tpu.memory_space<vmem>>, vector<128x128xf32>
      %gt3A_1278 = arith.cmpf ogt, %get3A_1277, %broadcast_in_dim3A_1171 : vector<128x128xf32>
      %jit3A_1279 = arith.constant 3.000000e+38 : f32
      %broadcast_in_dim3A_1280 = vector.broadcast %jit3A_1279 : f32 to vector<128x128xf32>
      %select_n3A_1281 = arith.select %gt3A_1278, %get3A_1277, %broadcast_in_dim3A_1280 : vector<128x128xi1>, vector<128x128xf32>
      %lt3A_1282 = arith.cmpf olt, %select_n3A_1281, %select_n3A_1264 : vector<128x128xf32>
      %select_n3A_1283 = arith.select %lt3A_1282, %select_n3A_1281, %select_n3A_1264 : vector<128x128xi1>, vector<128x128xf32>
      %mul3A_1284 = arith.constant 8 : i32
      %mul3A_1285 = arith.muli %scan3A_1176, %mul3A_1284 : i32
      %add3A_1286 = arith.constant 5 : i32
      %add3A_1287 = arith.addi %mul3A_1285, %add3A_1286 : i32
      %broadcast_in_dim3A_1288 = vector.broadcast %add3A_1287 : i32 to vector<128x128xi32>
      %select_n3A_1289 = arith.select %lt3A_1282, %broadcast_in_dim3A_1288, %select_n3A_1270 : vector<128x128xi1>, vector<128x128xi32>
      %mul3A_1290 = arith.constant 1024 : i32
      %mul3A_1291 = arith.muli %scan3A_1176, %mul3A_1290 : i32
      %add3A_1292 = arith.constant 768 : i32
      %add3A_1293 = arith.addi %mul3A_1291, %add3A_1292 : i32
      %get3A_1294 = arith.constant 0 : index
      %get3A_1295 = arith.index_cast %add3A_1293 : i32 to index
      %get3A_1296 = vector.load %arg5[%get3A_1294, %get3A_1295] : memref<128x10240xf32, #tpu.memory_space<vmem>>, vector<128x128xf32>
      %gt3A_1297 = arith.cmpf ogt, %get3A_1296, %broadcast_in_dim3A_1171 : vector<128x128xf32>
      %jit3A_1298 = arith.constant 3.000000e+38 : f32
      %broadcast_in_dim3A_1299 = vector.broadcast %jit3A_1298 : f32 to vector<128x128xf32>
      %select_n3A_1300 = arith.select %gt3A_1297, %get3A_1296, %broadcast_in_dim3A_1299 : vector<128x128xi1>, vector<128x128xf32>
      %lt3A_1301 = arith.cmpf olt, %select_n3A_1300, %select_n3A_1283 : vector<128x128xf32>
      %select_n3A_1302 = arith.select %lt3A_1301, %select_n3A_1300, %select_n3A_1283 : vector<128x128xi1>, vector<128x128xf32>
      %mul3A_1303 = arith.constant 8 : i32
      %mul3A_1304 = arith.muli %scan3A_1176, %mul3A_1303 : i32
      %add3A_1305 = arith.constant 6 : i32
      %add3A_1306 = arith.addi %mul3A_1304, %add3A_1305 : i32
      %broadcast_in_dim3A_1307 = vector.broadcast %add3A_1306 : i32 to vector<128x128xi32>
      %select_n3A_1308 = arith.select %lt3A_1301, %broadcast_in_dim3A_1307, %select_n3A_1289 : vector<128x128xi1>, vector<128x128xi32>
      %mul3A_1309 = arith.constant 1024 : i32
      %mul3A_1310 = arith.muli %scan3A_1176, %mul3A_1309 : i32
      %add3A_1311 = arith.constant 896 : i32
      %add3A_1312 = arith.addi %mul3A_1310, %add3A_1311 : i32
      %get3A_1313 = arith.constant 0 : index
      %get3A_1314 = arith.index_cast %add3A_1312 : i32 to index
      %get3A_1315 = vector.load %arg5[%get3A_1313, %get3A_1314] : memref<128x10240xf32, #tpu.memory_space<vmem>>, vector<128x128xf32>
      %gt3A_1316 = arith.cmpf ogt, %get3A_1315, %broadcast_in_dim3A_1171 : vector<128x128xf32>
      %jit3A_1317 = arith.constant 3.000000e+38 : f32
      %broadcast_in_dim3A_1318 = vector.broadcast %jit3A_1317 : f32 to vector<128x128xf32>
      %select_n3A_1319 = arith.select %gt3A_1316, %get3A_1315, %broadcast_in_dim3A_1318 : vector<128x128xi1>, vector<128x128xf32>
      %lt3A_1320 = arith.cmpf olt, %select_n3A_1319, %select_n3A_1302 : vector<128x128xf32>
      %select_n3A_1321 = arith.select %lt3A_1320, %select_n3A_1319, %select_n3A_1302 : vector<128x128xi1>, vector<128x128xf32>
      %mul3A_1322 = arith.constant 8 : i32
      %mul3A_1323 = arith.muli %scan3A_1176, %mul3A_1322 : i32
      %add3A_1324 = arith.constant 7 : i32
      %add3A_1325 = arith.addi %mul3A_1323, %add3A_1324 : i32
      %broadcast_in_dim3A_1326 = vector.broadcast %add3A_1325 : i32 to vector<128x128xi32>
      %select_n3A_1327 = arith.select %lt3A_1320, %broadcast_in_dim3A_1326, %select_n3A_1308 : vector<128x128xi1>, vector<128x128xi32>
      %scan3A_1328 = arith.constant 1 : i32
      %mul3A_1329 = arith.constant 1024 : i32
      %mul3A_1330 = arith.muli %scan3A_1328, %mul3A_1329 : i32
      %add3A_1331 = arith.constant 0 : i32
      %add3A_1332 = arith.addi %mul3A_1330, %add3A_1331 : i32
      %get3A_1333 = arith.constant 0 : index
      %get3A_1334 = arith.index_cast %add3A_1332 : i32 to index
      %get3A_1335 = vector.load %arg5[%get3A_1333, %get3A_1334] : memref<128x10240xf32, #tpu.memory_space<vmem>>, vector<128x128xf32>
      %gt3A_1336 = arith.cmpf ogt, %get3A_1335, %broadcast_in_dim3A_1171 : vector<128x128xf32>
      %jit3A_1337 = arith.constant 3.000000e+38 : f32
      %broadcast_in_dim3A_1338 = vector.broadcast %jit3A_1337 : f32 to vector<128x128xf32>
      %select_n3A_1339 = arith.select %gt3A_1336, %get3A_1335, %broadcast_in_dim3A_1338 : vector<128x128xi1>, vector<128x128xf32>
      %lt3A_1340 = arith.cmpf olt, %select_n3A_1339, %select_n3A_1321 : vector<128x128xf32>
      %select_n3A_1341 = arith.select %lt3A_1340, %select_n3A_1339, %select_n3A_1321 : vector<128x128xi1>, vector<128x128xf32>
      %mul3A_1342 = arith.constant 8 : i32
      %mul3A_1343 = arith.muli %scan3A_1328, %mul3A_1342 : i32
      %add3A_1344 = arith.constant 0 : i32
      %add3A_1345 = arith.addi %mul3A_1343, %add3A_1344 : i32
      %broadcast_in_dim3A_1346 = vector.broadcast %add3A_1345 : i32 to vector<128x128xi32>
      %select_n3A_1347 = arith.select %lt3A_1340, %broadcast_in_dim3A_1346, %select_n3A_1327 : vector<128x128xi1>, vector<128x128xi32>
      %mul3A_1348 = arith.constant 1024 : i32
      %mul3A_1349 = arith.muli %scan3A_1328, %mul3A_1348 : i32
      %add3A_1350 = arith.constant 128 : i32
      %add3A_1351 = arith.addi %mul3A_1349, %add3A_1350 : i32
      %get3A_1352 = arith.constant 0 : index
      %get3A_1353 = arith.index_cast %add3A_1351 : i32 to index
      %get3A_1354 = vector.load %arg5[%get3A_1352, %get3A_1353] : memref<128x10240xf32, #tpu.memory_space<vmem>>, vector<128x128xf32>
      %gt3A_1355 = arith.cmpf ogt, %get3A_1354, %broadcast_in_dim3A_1171 : vector<128x128xf32>
      %jit3A_1356 = arith.constant 3.000000e+38 : f32
      %broadcast_in_dim3A_1357 = vector.broadcast %jit3A_1356 : f32 to vector<128x128xf32>
      %select_n3A_1358 = arith.select %gt3A_1355, %get3A_1354, %broadcast_in_dim3A_1357 : vector<128x128xi1>, vector<128x128xf32>
      %lt3A_1359 = arith.cmpf olt, %select_n3A_1358, %select_n3A_1341 : vector<128x128xf32>
      %select_n3A_1360 = arith.select %lt3A_1359, %select_n3A_1358, %select_n3A_1341 : vector<128x128xi1>, vector<128x128xf32>
      %mul3A_1361 = arith.constant 8 : i32
      %mul3A_1362 = arith.muli %scan3A_1328, %mul3A_1361 : i32
      %add3A_1363 = arith.constant 1 : i32
      %add3A_1364 = arith.addi %mul3A_1362, %add3A_1363 : i32
      %broadcast_in_dim3A_1365 = vector.broadcast %add3A_1364 : i32 to vector<128x128xi32>
      %select_n3A_1366 = arith.select %lt3A_1359, %broadcast_in_dim3A_1365, %select_n3A_1347 : vector<128x128xi1>, vector<128x128xi32>
      %mul3A_1367 = arith.constant 1024 : i32
      %mul3A_1368 = arith.muli %scan3A_1328, %mul3A_1367 : i32
      %add3A_1369 = arith.constant 256 : i32
      %add3A_1370 = arith.addi %mul3A_1368, %add3A_1369 : i32
      %get3A_1371 = arith.constant 0 : index
      %get3A_1372 = arith.index_cast %add3A_1370 : i32 to index
      %get3A_1373 = vector.load %arg5[%get3A_1371, %get3A_1372] : memref<128x10240xf32, #tpu.memory_space<vmem>>, vector<128x128xf32>
      %gt3A_1374 = arith.cmpf ogt, %get3A_1373, %broadcast_in_dim3A_1171 : vector<128x128xf32>
      %jit3A_1375 = arith.constant 3.000000e+38 : f32
      %broadcast_in_dim3A_1376 = vector.broadcast %jit3A_1375 : f32 to vector<128x128xf32>
      %select_n3A_1377 = arith.select %gt3A_1374, %get3A_1373, %broadcast_in_dim3A_1376 : vector<128x128xi1>, vector<128x128xf32>
      %lt3A_1378 = arith.cmpf olt, %select_n3A_1377, %select_n3A_1360 : vector<128x128xf32>
      %select_n3A_1379 = arith.select %lt3A_1378, %select_n3A_1377, %select_n3A_1360 : vector<128x128xi1>, vector<128x128xf32>
      %mul3A_1380 = arith.constant 8 : i32
      %mul3A_1381 = arith.muli %scan3A_1328, %mul3A_1380 : i32
      %add3A_1382 = arith.constant 2 : i32
      %add3A_1383 = arith.addi %mul3A_1381, %add3A_1382 : i32
      %broadcast_in_dim3A_1384 = vector.broadcast %add3A_1383 : i32 to vector<128x128xi32>
      %select_n3A_1385 = arith.select %lt3A_1378, %broadcast_in_dim3A_1384, %select_n3A_1366 : vector<128x128xi1>, vector<128x128xi32>
      %mul3A_1386 = arith.constant 1024 : i32
      %mul3A_1387 = arith.muli %scan3A_1328, %mul3A_1386 : i32
      %add3A_1388 = arith.constant 384 : i32
      %add3A_1389 = arith.addi %mul3A_1387, %add3A_1388 : i32
      %get3A_1390 = arith.constant 0 : index
      %get3A_1391 = arith.index_cast %add3A_1389 : i32 to index
      %get3A_1392 = vector.load %arg5[%get3A_1390, %get3A_1391] : memref<128x10240xf32, #tpu.memory_space<vmem>>, vector<128x128xf32>
      %gt3A_1393 = arith.cmpf ogt, %get3A_1392, %broadcast_in_dim3A_1171 : vector<128x128xf32>
      %jit3A_1394 = arith.constant 3.000000e+38 : f32
      %broadcast_in_dim3A_1395 = vector.broadcast %jit3A_1394 : f32 to vector<128x128xf32>
      %select_n3A_1396 = arith.select %gt3A_1393, %get3A_1392, %broadcast_in_dim3A_1395 : vector<128x128xi1>, vector<128x128xf32>
      %lt3A_1397 = arith.cmpf olt, %select_n3A_1396, %select_n3A_1379 : vector<128x128xf32>
      %select_n3A_1398 = arith.select %lt3A_1397, %select_n3A_1396, %select_n3A_1379 : vector<128x128xi1>, vector<128x128xf32>
      %mul3A_1399 = arith.constant 8 : i32
      %mul3A_1400 = arith.muli %scan3A_1328, %mul3A_1399 : i32
      %add3A_1401 = arith.constant 3 : i32
      %add3A_1402 = arith.addi %mul3A_1400, %add3A_1401 : i32
      %broadcast_in_dim3A_1403 = vector.broadcast %add3A_1402 : i32 to vector<128x128xi32>
      %select_n3A_1404 = arith.select %lt3A_1397, %broadcast_in_dim3A_1403, %select_n3A_1385 : vector<128x128xi1>, vector<128x128xi32>
      %mul3A_1405 = arith.constant 1024 : i32
      %mul3A_1406 = arith.muli %scan3A_1328, %mul3A_1405 : i32
      %add3A_1407 = arith.constant 512 : i32
      %add3A_1408 = arith.addi %mul3A_1406, %add3A_1407 : i32
      %get3A_1409 = arith.constant 0 : index
      %get3A_1410 = arith.index_cast %add3A_1408 : i32 to index
      %get3A_1411 = vector.load %arg5[%get3A_1409, %get3A_1410] : memref<128x10240xf32, #tpu.memory_space<vmem>>, vector<128x128xf32>
      %gt3A_1412 = arith.cmpf ogt, %get3A_1411, %broadcast_in_dim3A_1171 : vector<128x128xf32>
      %jit3A_1413 = arith.constant 3.000000e+38 : f32
      %broadcast_in_dim3A_1414 = vector.broadcast %jit3A_1413 : f32 to vector<128x128xf32>
      %select_n3A_1415 = arith.select %gt3A_1412, %get3A_1411, %broadcast_in_dim3A_1414 : vector<128x128xi1>, vector<128x128xf32>
      %lt3A_1416 = arith.cmpf olt, %select_n3A_1415, %select_n3A_1398 : vector<128x128xf32>
      %select_n3A_1417 = arith.select %lt3A_1416, %select_n3A_1415, %select_n3A_1398 : vector<128x128xi1>, vector<128x128xf32>
      %mul3A_1418 = arith.constant 8 : i32
      %mul3A_1419 = arith.muli %scan3A_1328, %mul3A_1418 : i32
      %add3A_1420 = arith.constant 4 : i32
      %add3A_1421 = arith.addi %mul3A_1419, %add3A_1420 : i32
      %broadcast_in_dim3A_1422 = vector.broadcast %add3A_1421 : i32 to vector<128x128xi32>
      %select_n3A_1423 = arith.select %lt3A_1416, %broadcast_in_dim3A_1422, %select_n3A_1404 : vector<128x128xi1>, vector<128x128xi32>
      %mul3A_1424 = arith.constant 1024 : i32
      %mul3A_1425 = arith.muli %scan3A_1328, %mul3A_1424 : i32
      %add3A_1426 = arith.constant 640 : i32
      %add3A_1427 = arith.addi %mul3A_1425, %add3A_1426 : i32
      %get3A_1428 = arith.constant 0 : index
      %get3A_1429 = arith.index_cast %add3A_1427 : i32 to index
      %get3A_1430 = vector.load %arg5[%get3A_1428, %get3A_1429] : memref<128x10240xf32, #tpu.memory_space<vmem>>, vector<128x128xf32>
      %gt3A_1431 = arith.cmpf ogt, %get3A_1430, %broadcast_in_dim3A_1171 : vector<128x128xf32>
      %jit3A_1432 = arith.constant 3.000000e+38 : f32
      %broadcast_in_dim3A_1433 = vector.broadcast %jit3A_1432 : f32 to vector<128x128xf32>
      %select_n3A_1434 = arith.select %gt3A_1431, %get3A_1430, %broadcast_in_dim3A_1433 : vector<128x128xi1>, vector<128x128xf32>
      %lt3A_1435 = arith.cmpf olt, %select_n3A_1434, %select_n3A_1417 : vector<128x128xf32>
      %select_n3A_1436 = arith.select %lt3A_1435, %select_n3A_1434, %select_n3A_1417 : vector<128x128xi1>, vector<128x128xf32>
      %mul3A_1437 = arith.constant 8 : i32
      %mul3A_1438 = arith.muli %scan3A_1328, %mul3A_1437 : i32
      %add3A_1439 = arith.constant 5 : i32
      %add3A_1440 = arith.addi %mul3A_1438, %add3A_1439 : i32
      %broadcast_in_dim3A_1441 = vector.broadcast %add3A_1440 : i32 to vector<128x128xi32>
      %select_n3A_1442 = arith.select %lt3A_1435, %broadcast_in_dim3A_1441, %select_n3A_1423 : vector<128x128xi1>, vector<128x128xi32>
      %mul3A_1443 = arith.constant 1024 : i32
      %mul3A_1444 = arith.muli %scan3A_1328, %mul3A_1443 : i32
      %add3A_1445 = arith.constant 768 : i32
      %add3A_1446 = arith.addi %mul3A_1444, %add3A_1445 : i32
      %get3A_1447 = arith.constant 0 : index
      %get3A_1448 = arith.index_cast %add3A_1446 : i32 to index
      %get3A_1449 = vector.load %arg5[%get3A_1447, %get3A_1448] : memref<128x10240xf32, #tpu.memory_space<vmem>>, vector<128x128xf32>
      %gt3A_1450 = arith.cmpf ogt, %get3A_1449, %broadcast_in_dim3A_1171 : vector<128x128xf32>
      %jit3A_1451 = arith.constant 3.000000e+38 : f32
      %broadcast_in_dim3A_1452 = vector.broadcast %jit3A_1451 : f32 to vector<128x128xf32>
      %select_n3A_1453 = arith.select %gt3A_1450, %get3A_1449, %broadcast_in_dim3A_1452 : vector<128x128xi1>, vector<128x128xf32>
      %lt3A_1454 = arith.cmpf olt, %select_n3A_1453, %select_n3A_1436 : vector<128x128xf32>
      %select_n3A_1455 = arith.select %lt3A_1454, %select_n3A_1453, %select_n3A_1436 : vector<128x128xi1>, vector<128x128xf32>
      %mul3A_1456 = arith.constant 8 : i32
      %mul3A_1457 = arith.muli %scan3A_1328, %mul3A_1456 : i32
      %add3A_1458 = arith.constant 6 : i32
      %add3A_1459 = arith.addi %mul3A_1457, %add3A_1458 : i32
      %broadcast_in_dim3A_1460 = vector.broadcast %add3A_1459 : i32 to vector<128x128xi32>
      %select_n3A_1461 = arith.select %lt3A_1454, %broadcast_in_dim3A_1460, %select_n3A_1442 : vector<128x128xi1>, vector<128x128xi32>
      %mul3A_1462 = arith.constant 1024 : i32
      %mul3A_1463 = arith.muli %scan3A_1328, %mul3A_1462 : i32
      %add3A_1464 = arith.constant 896 : i32
      %add3A_1465 = arith.addi %mul3A_1463, %add3A_1464 : i32
      %get3A_1466 = arith.constant 0 : index
      %get3A_1467 = arith.index_cast %add3A_1465 : i32 to index
      %get3A_1468 = vector.load %arg5[%get3A_1466, %get3A_1467] : memref<128x10240xf32, #tpu.memory_space<vmem>>, vector<128x128xf32>
      %gt3A_1469 = arith.cmpf ogt, %get3A_1468, %broadcast_in_dim3A_1171 : vector<128x128xf32>
      %jit3A_1470 = arith.constant 3.000000e+38 : f32
      %broadcast_in_dim3A_1471 = vector.broadcast %jit3A_1470 : f32 to vector<128x128xf32>
      %select_n3A_1472 = arith.select %gt3A_1469, %get3A_1468, %broadcast_in_dim3A_1471 : vector<128x128xi1>, vector<128x128xf32>
      %lt3A_1473 = arith.cmpf olt, %select_n3A_1472, %select_n3A_1455 : vector<128x128xf32>
      %select_n3A_1474 = arith.select %lt3A_1473, %select_n3A_1472, %select_n3A_1455 : vector<128x128xi1>, vector<128x128xf32>
      %mul3A_1475 = arith.constant 8 : i32
      %mul3A_1476 = arith.muli %scan3A_1328, %mul3A_1475 : i32
      %add3A_1477 = arith.constant 7 : i32
      %add3A_1478 = arith.addi %mul3A_1476, %add3A_1477 : i32
      %broadcast_in_dim3A_1479 = vector.broadcast %add3A_1478 : i32 to vector<128x128xi32>
      %select_n3A_1480 = arith.select %lt3A_1473, %broadcast_in_dim3A_1479, %select_n3A_1461 : vector<128x128xi1>, vector<128x128xi32>
      %scan3A_1481 = arith.constant 2 : i32
      %mul3A_1482 = arith.constant 1024 : i32
      %mul3A_1483 = arith.muli %scan3A_1481, %mul3A_1482 : i32
      %add3A_1484 = arith.constant 0 : i32
      %add3A_1485 = arith.addi %mul3A_1483, %add3A_1484 : i32
      %get3A_1486 = arith.constant 0 : index
      %get3A_1487 = arith.index_cast %add3A_1485 : i32 to index
      %get3A_1488 = vector.load %arg5[%get3A_1486, %get3A_1487] : memref<128x10240xf32, #tpu.memory_space<vmem>>, vector<128x128xf32>
      %gt3A_1489 = arith.cmpf ogt, %get3A_1488, %broadcast_in_dim3A_1171 : vector<128x128xf32>
      %jit3A_1490 = arith.constant 3.000000e+38 : f32
      %broadcast_in_dim3A_1491 = vector.broadcast %jit3A_1490 : f32 to vector<128x128xf32>
      %select_n3A_1492 = arith.select %gt3A_1489, %get3A_1488, %broadcast_in_dim3A_1491 : vector<128x128xi1>, vector<128x128xf32>
      %lt3A_1493 = arith.cmpf olt, %select_n3A_1492, %select_n3A_1474 : vector<128x128xf32>
      %select_n3A_1494 = arith.select %lt3A_1493, %select_n3A_1492, %select_n3A_1474 : vector<128x128xi1>, vector<128x128xf32>
      %mul3A_1495 = arith.constant 8 : i32
      %mul3A_1496 = arith.muli %scan3A_1481, %mul3A_1495 : i32
      %add3A_1497 = arith.constant 0 : i32
      %add3A_1498 = arith.addi %mul3A_1496, %add3A_1497 : i32
      %broadcast_in_dim3A_1499 = vector.broadcast %add3A_1498 : i32 to vector<128x128xi32>
      %select_n3A_1500 = arith.select %lt3A_1493, %broadcast_in_dim3A_1499, %select_n3A_1480 : vector<128x128xi1>, vector<128x128xi32>
      %mul3A_1501 = arith.constant 1024 : i32
      %mul3A_1502 = arith.muli %scan3A_1481, %mul3A_1501 : i32
      %add3A_1503 = arith.constant 128 : i32
      %add3A_1504 = arith.addi %mul3A_1502, %add3A_1503 : i32
      %get3A_1505 = arith.constant 0 : index
      %get3A_1506 = arith.index_cast %add3A_1504 : i32 to index
      %get3A_1507 = vector.load %arg5[%get3A_1505, %get3A_1506] : memref<128x10240xf32, #tpu.memory_space<vmem>>, vector<128x128xf32>
      %gt3A_1508 = arith.cmpf ogt, %get3A_1507, %broadcast_in_dim3A_1171 : vector<128x128xf32>
      %jit3A_1509 = arith.constant 3.000000e+38 : f32
      %broadcast_in_dim3A_1510 = vector.broadcast %jit3A_1509 : f32 to vector<128x128xf32>
      %select_n3A_1511 = arith.select %gt3A_1508, %get3A_1507, %broadcast_in_dim3A_1510 : vector<128x128xi1>, vector<128x128xf32>
      %lt3A_1512 = arith.cmpf olt, %select_n3A_1511, %select_n3A_1494 : vector<128x128xf32>
      %select_n3A_1513 = arith.select %lt3A_1512, %select_n3A_1511, %select_n3A_1494 : vector<128x128xi1>, vector<128x128xf32>
      %mul3A_1514 = arith.constant 8 : i32
      %mul3A_1515 = arith.muli %scan3A_1481, %mul3A_1514 : i32
      %add3A_1516 = arith.constant 1 : i32
      %add3A_1517 = arith.addi %mul3A_1515, %add3A_1516 : i32
      %broadcast_in_dim3A_1518 = vector.broadcast %add3A_1517 : i32 to vector<128x128xi32>
      %select_n3A_1519 = arith.select %lt3A_1512, %broadcast_in_dim3A_1518, %select_n3A_1500 : vector<128x128xi1>, vector<128x128xi32>
      %mul3A_1520 = arith.constant 1024 : i32
      %mul3A_1521 = arith.muli %scan3A_1481, %mul3A_1520 : i32
      %add3A_1522 = arith.constant 256 : i32
      %add3A_1523 = arith.addi %mul3A_1521, %add3A_1522 : i32
      %get3A_1524 = arith.constant 0 : index
      %get3A_1525 = arith.index_cast %add3A_1523 : i32 to index
      %get3A_1526 = vector.load %arg5[%get3A_1524, %get3A_1525] : memref<128x10240xf32, #tpu.memory_space<vmem>>, vector<128x128xf32>
      %gt3A_1527 = arith.cmpf ogt, %get3A_1526, %broadcast_in_dim3A_1171 : vector<128x128xf32>
      %jit3A_1528 = arith.constant 3.000000e+38 : f32
      %broadcast_in_dim3A_1529 = vector.broadcast %jit3A_1528 : f32 to vector<128x128xf32>
      %select_n3A_1530 = arith.select %gt3A_1527, %get3A_1526, %broadcast_in_dim3A_1529 : vector<128x128xi1>, vector<128x128xf32>
      %lt3A_1531 = arith.cmpf olt, %select_n3A_1530, %select_n3A_1513 : vector<128x128xf32>
      %select_n3A_1532 = arith.select %lt3A_1531, %select_n3A_1530, %select_n3A_1513 : vector<128x128xi1>, vector<128x128xf32>
      %mul3A_1533 = arith.constant 8 : i32
      %mul3A_1534 = arith.muli %scan3A_1481, %mul3A_1533 : i32
      %add3A_1535 = arith.constant 2 : i32
      %add3A_1536 = arith.addi %mul3A_1534, %add3A_1535 : i32
      %broadcast_in_dim3A_1537 = vector.broadcast %add3A_1536 : i32 to vector<128x128xi32>
      %select_n3A_1538 = arith.select %lt3A_1531, %broadcast_in_dim3A_1537, %select_n3A_1519 : vector<128x128xi1>, vector<128x128xi32>
      %mul3A_1539 = arith.constant 1024 : i32
      %mul3A_1540 = arith.muli %scan3A_1481, %mul3A_1539 : i32
      %add3A_1541 = arith.constant 384 : i32
      %add3A_1542 = arith.addi %mul3A_1540, %add3A_1541 : i32
      %get3A_1543 = arith.constant 0 : index
      %get3A_1544 = arith.index_cast %add3A_1542 : i32 to index
      %get3A_1545 = vector.load %arg5[%get3A_1543, %get3A_1544] : memref<128x10240xf32, #tpu.memory_space<vmem>>, vector<128x128xf32>
      %gt3A_1546 = arith.cmpf ogt, %get3A_1545, %broadcast_in_dim3A_1171 : vector<128x128xf32>
      %jit3A_1547 = arith.constant 3.000000e+38 : f32
      %broadcast_in_dim3A_1548 = vector.broadcast %jit3A_1547 : f32 to vector<128x128xf32>
      %select_n3A_1549 = arith.select %gt3A_1546, %get3A_1545, %broadcast_in_dim3A_1548 : vector<128x128xi1>, vector<128x128xf32>
      %lt3A_1550 = arith.cmpf olt, %select_n3A_1549, %select_n3A_1532 : vector<128x128xf32>
      %select_n3A_1551 = arith.select %lt3A_1550, %select_n3A_1549, %select_n3A_1532 : vector<128x128xi1>, vector<128x128xf32>
      %mul3A_1552 = arith.constant 8 : i32
      %mul3A_1553 = arith.muli %scan3A_1481, %mul3A_1552 : i32
      %add3A_1554 = arith.constant 3 : i32
      %add3A_1555 = arith.addi %mul3A_1553, %add3A_1554 : i32
      %broadcast_in_dim3A_1556 = vector.broadcast %add3A_1555 : i32 to vector<128x128xi32>
      %select_n3A_1557 = arith.select %lt3A_1550, %broadcast_in_dim3A_1556, %select_n3A_1538 : vector<128x128xi1>, vector<128x128xi32>
      %mul3A_1558 = arith.constant 1024 : i32
      %mul3A_1559 = arith.muli %scan3A_1481, %mul3A_1558 : i32
      %add3A_1560 = arith.constant 512 : i32
      %add3A_1561 = arith.addi %mul3A_1559, %add3A_1560 : i32
      %get3A_1562 = arith.constant 0 : index
      %get3A_1563 = arith.index_cast %add3A_1561 : i32 to index
      %get3A_1564 = vector.load %arg5[%get3A_1562, %get3A_1563] : memref<128x10240xf32, #tpu.memory_space<vmem>>, vector<128x128xf32>
      %gt3A_1565 = arith.cmpf ogt, %get3A_1564, %broadcast_in_dim3A_1171 : vector<128x128xf32>
      %jit3A_1566 = arith.constant 3.000000e+38 : f32
      %broadcast_in_dim3A_1567 = vector.broadcast %jit3A_1566 : f32 to vector<128x128xf32>
      %select_n3A_1568 = arith.select %gt3A_1565, %get3A_1564, %broadcast_in_dim3A_1567 : vector<128x128xi1>, vector<128x128xf32>
      %lt3A_1569 = arith.cmpf olt, %select_n3A_1568, %select_n3A_1551 : vector<128x128xf32>
      %select_n3A_1570 = arith.select %lt3A_1569, %select_n3A_1568, %select_n3A_1551 : vector<128x128xi1>, vector<128x128xf32>
      %mul3A_1571 = arith.constant 8 : i32
      %mul3A_1572 = arith.muli %scan3A_1481, %mul3A_1571 : i32
      %add3A_1573 = arith.constant 4 : i32
      %add3A_1574 = arith.addi %mul3A_1572, %add3A_1573 : i32
      %broadcast_in_dim3A_1575 = vector.broadcast %add3A_1574 : i32 to vector<128x128xi32>
      %select_n3A_1576 = arith.select %lt3A_1569, %broadcast_in_dim3A_1575, %select_n3A_1557 : vector<128x128xi1>, vector<128x128xi32>
      %mul3A_1577 = arith.constant 1024 : i32
      %mul3A_1578 = arith.muli %scan3A_1481, %mul3A_1577 : i32
      %add3A_1579 = arith.constant 640 : i32
      %add3A_1580 = arith.addi %mul3A_1578, %add3A_1579 : i32
      %get3A_1581 = arith.constant 0 : index
      %get3A_1582 = arith.index_cast %add3A_1580 : i32 to index
      %get3A_1583 = vector.load %arg5[%get3A_1581, %get3A_1582] : memref<128x10240xf32, #tpu.memory_space<vmem>>, vector<128x128xf32>
      %gt3A_1584 = arith.cmpf ogt, %get3A_1583, %broadcast_in_dim3A_1171 : vector<128x128xf32>
      %jit3A_1585 = arith.constant 3.000000e+38 : f32
      %broadcast_in_dim3A_1586 = vector.broadcast %jit3A_1585 : f32 to vector<128x128xf32>
      %select_n3A_1587 = arith.select %gt3A_1584, %get3A_1583, %broadcast_in_dim3A_1586 : vector<128x128xi1>, vector<128x128xf32>
      %lt3A_1588 = arith.cmpf olt, %select_n3A_1587, %select_n3A_1570 : vector<128x128xf32>
      %select_n3A_1589 = arith.select %lt3A_1588, %select_n3A_1587, %select_n3A_1570 : vector<128x128xi1>, vector<128x128xf32>
      %mul3A_1590 = arith.constant 8 : i32
      %mul3A_1591 = arith.muli %scan3A_1481, %mul3A_1590 : i32
      %add3A_1592 = arith.constant 5 : i32
      %add3A_1593 = arith.addi %mul3A_1591, %add3A_1592 : i32
      %broadcast_in_dim3A_1594 = vector.broadcast %add3A_1593 : i32 to vector<128x128xi32>
      %select_n3A_1595 = arith.select %lt3A_1588, %broadcast_in_dim3A_1594, %select_n3A_1576 : vector<128x128xi1>, vector<128x128xi32>
      %mul3A_1596 = arith.constant 1024 : i32
      %mul3A_1597 = arith.muli %scan3A_1481, %mul3A_1596 : i32
      %add3A_1598 = arith.constant 768 : i32
      %add3A_1599 = arith.addi %mul3A_1597, %add3A_1598 : i32
      %get3A_1600 = arith.constant 0 : index
      %get3A_1601 = arith.index_cast %add3A_1599 : i32 to index
      %get3A_1602 = vector.load %arg5[%get3A_1600, %get3A_1601] : memref<128x10240xf32, #tpu.memory_space<vmem>>, vector<128x128xf32>
      %gt3A_1603 = arith.cmpf ogt, %get3A_1602, %broadcast_in_dim3A_1171 : vector<128x128xf32>
      %jit3A_1604 = arith.constant 3.000000e+38 : f32
      %broadcast_in_dim3A_1605 = vector.broadcast %jit3A_1604 : f32 to vector<128x128xf32>
      %select_n3A_1606 = arith.select %gt3A_1603, %get3A_1602, %broadcast_in_dim3A_1605 : vector<128x128xi1>, vector<128x128xf32>
      %lt3A_1607 = arith.cmpf olt, %select_n3A_1606, %select_n3A_1589 : vector<128x128xf32>
      %select_n3A_1608 = arith.select %lt3A_1607, %select_n3A_1606, %select_n3A_1589 : vector<128x128xi1>, vector<128x128xf32>
      %mul3A_1609 = arith.constant 8 : i32
      %mul3A_1610 = arith.muli %scan3A_1481, %mul3A_1609 : i32
      %add3A_1611 = arith.constant 6 : i32
      %add3A_1612 = arith.addi %mul3A_1610, %add3A_1611 : i32
      %broadcast_in_dim3A_1613 = vector.broadcast %add3A_1612 : i32 to vector<128x128xi32>
      %select_n3A_1614 = arith.select %lt3A_1607, %broadcast_in_dim3A_1613, %select_n3A_1595 : vector<128x128xi1>, vector<128x128xi32>
      %mul3A_1615 = arith.constant 1024 : i32
      %mul3A_1616 = arith.muli %scan3A_1481, %mul3A_1615 : i32
      %add3A_1617 = arith.constant 896 : i32
      %add3A_1618 = arith.addi %mul3A_1616, %add3A_1617 : i32
      %get3A_1619 = arith.constant 0 : index
      %get3A_1620 = arith.index_cast %add3A_1618 : i32 to index
      %get3A_1621 = vector.load %arg5[%get3A_1619, %get3A_1620] : memref<128x10240xf32, #tpu.memory_space<vmem>>, vector<128x128xf32>
      %gt3A_1622 = arith.cmpf ogt, %get3A_1621, %broadcast_in_dim3A_1171 : vector<128x128xf32>
      %jit3A_1623 = arith.constant 3.000000e+38 : f32
      %broadcast_in_dim3A_1624 = vector.broadcast %jit3A_1623 : f32 to vector<128x128xf32>
      %select_n3A_1625 = arith.select %gt3A_1622, %get3A_1621, %broadcast_in_dim3A_1624 : vector<128x128xi1>, vector<128x128xf32>
      %lt3A_1626 = arith.cmpf olt, %select_n3A_1625, %select_n3A_1608 : vector<128x128xf32>
      %select_n3A_1627 = arith.select %lt3A_1626, %select_n3A_1625, %select_n3A_1608 : vector<128x128xi1>, vector<128x128xf32>
      %mul3A_1628 = arith.constant 8 : i32
      %mul3A_1629 = arith.muli %scan3A_1481, %mul3A_1628 : i32
      %add3A_1630 = arith.constant 7 : i32
      %add3A_1631 = arith.addi %mul3A_1629, %add3A_1630 : i32
      %broadcast_in_dim3A_1632 = vector.broadcast %add3A_1631 : i32 to vector<128x128xi32>
      %select_n3A_1633 = arith.select %lt3A_1626, %broadcast_in_dim3A_1632, %select_n3A_1614 : vector<128x128xi1>, vector<128x128xi32>
      %scan3A_1634 = arith.constant 3 : i32
      %mul3A_1635 = arith.constant 1024 : i32
      %mul3A_1636 = arith.muli %scan3A_1634, %mul3A_1635 : i32
      %add3A_1637 = arith.constant 0 : i32
      %add3A_1638 = arith.addi %mul3A_1636, %add3A_1637 : i32
      %get3A_1639 = arith.constant 0 : index
      %get3A_1640 = arith.index_cast %add3A_1638 : i32 to index
      %get3A_1641 = vector.load %arg5[%get3A_1639, %get3A_1640] : memref<128x10240xf32, #tpu.memory_space<vmem>>, vector<128x128xf32>
      %gt3A_1642 = arith.cmpf ogt, %get3A_1641, %broadcast_in_dim3A_1171 : vector<128x128xf32>
      %jit3A_1643 = arith.constant 3.000000e+38 : f32
      %broadcast_in_dim3A_1644 = vector.broadcast %jit3A_1643 : f32 to vector<128x128xf32>
      %select_n3A_1645 = arith.select %gt3A_1642, %get3A_1641, %broadcast_in_dim3A_1644 : vector<128x128xi1>, vector<128x128xf32>
      %lt3A_1646 = arith.cmpf olt, %select_n3A_1645, %select_n3A_1627 : vector<128x128xf32>
      %select_n3A_1647 = arith.select %lt3A_1646, %select_n3A_1645, %select_n3A_1627 : vector<128x128xi1>, vector<128x128xf32>
      %mul3A_1648 = arith.constant 8 : i32
      %mul3A_1649 = arith.muli %scan3A_1634, %mul3A_1648 : i32
      %add3A_1650 = arith.constant 0 : i32
      %add3A_1651 = arith.addi %mul3A_1649, %add3A_1650 : i32
      %broadcast_in_dim3A_1652 = vector.broadcast %add3A_1651 : i32 to vector<128x128xi32>
      %select_n3A_1653 = arith.select %lt3A_1646, %broadcast_in_dim3A_1652, %select_n3A_1633 : vector<128x128xi1>, vector<128x128xi32>
      %mul3A_1654 = arith.constant 1024 : i32
      %mul3A_1655 = arith.muli %scan3A_1634, %mul3A_1654 : i32
      %add3A_1656 = arith.constant 128 : i32
      %add3A_1657 = arith.addi %mul3A_1655, %add3A_1656 : i32
      %get3A_1658 = arith.constant 0 : index
      %get3A_1659 = arith.index_cast %add3A_1657 : i32 to index
      %get3A_1660 = vector.load %arg5[%get3A_1658, %get3A_1659] : memref<128x10240xf32, #tpu.memory_space<vmem>>, vector<128x128xf32>
      %gt3A_1661 = arith.cmpf ogt, %get3A_1660, %broadcast_in_dim3A_1171 : vector<128x128xf32>
      %jit3A_1662 = arith.constant 3.000000e+38 : f32
      %broadcast_in_dim3A_1663 = vector.broadcast %jit3A_1662 : f32 to vector<128x128xf32>
      %select_n3A_1664 = arith.select %gt3A_1661, %get3A_1660, %broadcast_in_dim3A_1663 : vector<128x128xi1>, vector<128x128xf32>
      %lt3A_1665 = arith.cmpf olt, %select_n3A_1664, %select_n3A_1647 : vector<128x128xf32>
      %select_n3A_1666 = arith.select %lt3A_1665, %select_n3A_1664, %select_n3A_1647 : vector<128x128xi1>, vector<128x128xf32>
      %mul3A_1667 = arith.constant 8 : i32
      %mul3A_1668 = arith.muli %scan3A_1634, %mul3A_1667 : i32
      %add3A_1669 = arith.constant 1 : i32
      %add3A_1670 = arith.addi %mul3A_1668, %add3A_1669 : i32
      %broadcast_in_dim3A_1671 = vector.broadcast %add3A_1670 : i32 to vector<128x128xi32>
      %select_n3A_1672 = arith.select %lt3A_1665, %broadcast_in_dim3A_1671, %select_n3A_1653 : vector<128x128xi1>, vector<128x128xi32>
      %mul3A_1673 = arith.constant 1024 : i32
      %mul3A_1674 = arith.muli %scan3A_1634, %mul3A_1673 : i32
      %add3A_1675 = arith.constant 256 : i32
      %add3A_1676 = arith.addi %mul3A_1674, %add3A_1675 : i32
      %get3A_1677 = arith.constant 0 : index
      %get3A_1678 = arith.index_cast %add3A_1676 : i32 to index
      %get3A_1679 = vector.load %arg5[%get3A_1677, %get3A_1678] : memref<128x10240xf32, #tpu.memory_space<vmem>>, vector<128x128xf32>
      %gt3A_1680 = arith.cmpf ogt, %get3A_1679, %broadcast_in_dim3A_1171 : vector<128x128xf32>
      %jit3A_1681 = arith.constant 3.000000e+38 : f32
      %broadcast_in_dim3A_1682 = vector.broadcast %jit3A_1681 : f32 to vector<128x128xf32>
      %select_n3A_1683 = arith.select %gt3A_1680, %get3A_1679, %broadcast_in_dim3A_1682 : vector<128x128xi1>, vector<128x128xf32>
      %lt3A_1684 = arith.cmpf olt, %select_n3A_1683, %select_n3A_1666 : vector<128x128xf32>
      %select_n3A_1685 = arith.select %lt3A_1684, %select_n3A_1683, %select_n3A_1666 : vector<128x128xi1>, vector<128x128xf32>
      %mul3A_1686 = arith.constant 8 : i32
      %mul3A_1687 = arith.muli %scan3A_1634, %mul3A_1686 : i32
      %add3A_1688 = arith.constant 2 : i32
      %add3A_1689 = arith.addi %mul3A_1687, %add3A_1688 : i32
      %broadcast_in_dim3A_1690 = vector.broadcast %add3A_1689 : i32 to vector<128x128xi32>
      %select_n3A_1691 = arith.select %lt3A_1684, %broadcast_in_dim3A_1690, %select_n3A_1672 : vector<128x128xi1>, vector<128x128xi32>
      %mul3A_1692 = arith.constant 1024 : i32
      %mul3A_1693 = arith.muli %scan3A_1634, %mul3A_1692 : i32
      %add3A_1694 = arith.constant 384 : i32
      %add3A_1695 = arith.addi %mul3A_1693, %add3A_1694 : i32
      %get3A_1696 = arith.constant 0 : index
      %get3A_1697 = arith.index_cast %add3A_1695 : i32 to index
      %get3A_1698 = vector.load %arg5[%get3A_1696, %get3A_1697] : memref<128x10240xf32, #tpu.memory_space<vmem>>, vector<128x128xf32>
      %gt3A_1699 = arith.cmpf ogt, %get3A_1698, %broadcast_in_dim3A_1171 : vector<128x128xf32>
      %jit3A_1700 = arith.constant 3.000000e+38 : f32
      %broadcast_in_dim3A_1701 = vector.broadcast %jit3A_1700 : f32 to vector<128x128xf32>
      %select_n3A_1702 = arith.select %gt3A_1699, %get3A_1698, %broadcast_in_dim3A_1701 : vector<128x128xi1>, vector<128x128xf32>
      %lt3A_1703 = arith.cmpf olt, %select_n3A_1702, %select_n3A_1685 : vector<128x128xf32>
      %select_n3A_1704 = arith.select %lt3A_1703, %select_n3A_1702, %select_n3A_1685 : vector<128x128xi1>, vector<128x128xf32>
      %mul3A_1705 = arith.constant 8 : i32
      %mul3A_1706 = arith.muli %scan3A_1634, %mul3A_1705 : i32
      %add3A_1707 = arith.constant 3 : i32
      %add3A_1708 = arith.addi %mul3A_1706, %add3A_1707 : i32
      %broadcast_in_dim3A_1709 = vector.broadcast %add3A_1708 : i32 to vector<128x128xi32>
      %select_n3A_1710 = arith.select %lt3A_1703, %broadcast_in_dim3A_1709, %select_n3A_1691 : vector<128x128xi1>, vector<128x128xi32>
      %mul3A_1711 = arith.constant 1024 : i32
      %mul3A_1712 = arith.muli %scan3A_1634, %mul3A_1711 : i32
      %add3A_1713 = arith.constant 512 : i32
      %add3A_1714 = arith.addi %mul3A_1712, %add3A_1713 : i32
      %get3A_1715 = arith.constant 0 : index
      %get3A_1716 = arith.index_cast %add3A_1714 : i32 to index
      %get3A_1717 = vector.load %arg5[%get3A_1715, %get3A_1716] : memref<128x10240xf32, #tpu.memory_space<vmem>>, vector<128x128xf32>
      %gt3A_1718 = arith.cmpf ogt, %get3A_1717, %broadcast_in_dim3A_1171 : vector<128x128xf32>
      %jit3A_1719 = arith.constant 3.000000e+38 : f32
      %broadcast_in_dim3A_1720 = vector.broadcast %jit3A_1719 : f32 to vector<128x128xf32>
      %select_n3A_1721 = arith.select %gt3A_1718, %get3A_1717, %broadcast_in_dim3A_1720 : vector<128x128xi1>, vector<128x128xf32>
      %lt3A_1722 = arith.cmpf olt, %select_n3A_1721, %select_n3A_1704 : vector<128x128xf32>
      %select_n3A_1723 = arith.select %lt3A_1722, %select_n3A_1721, %select_n3A_1704 : vector<128x128xi1>, vector<128x128xf32>
      %mul3A_1724 = arith.constant 8 : i32
      %mul3A_1725 = arith.muli %scan3A_1634, %mul3A_1724 : i32
      %add3A_1726 = arith.constant 4 : i32
      %add3A_1727 = arith.addi %mul3A_1725, %add3A_1726 : i32
      %broadcast_in_dim3A_1728 = vector.broadcast %add3A_1727 : i32 to vector<128x128xi32>
      %select_n3A_1729 = arith.select %lt3A_1722, %broadcast_in_dim3A_1728, %select_n3A_1710 : vector<128x128xi1>, vector<128x128xi32>
      %mul3A_1730 = arith.constant 1024 : i32
      %mul3A_1731 = arith.muli %scan3A_1634, %mul3A_1730 : i32
      %add3A_1732 = arith.constant 640 : i32
      %add3A_1733 = arith.addi %mul3A_1731, %add3A_1732 : i32
      %get3A_1734 = arith.constant 0 : index
      %get3A_1735 = arith.index_cast %add3A_1733 : i32 to index
      %get3A_1736 = vector.load %arg5[%get3A_1734, %get3A_1735] : memref<128x10240xf32, #tpu.memory_space<vmem>>, vector<128x128xf32>
      %gt3A_1737 = arith.cmpf ogt, %get3A_1736, %broadcast_in_dim3A_1171 : vector<128x128xf32>
      %jit3A_1738 = arith.constant 3.000000e+38 : f32
      %broadcast_in_dim3A_1739 = vector.broadcast %jit3A_1738 : f32 to vector<128x128xf32>
      %select_n3A_1740 = arith.select %gt3A_1737, %get3A_1736, %broadcast_in_dim3A_1739 : vector<128x128xi1>, vector<128x128xf32>
      %lt3A_1741 = arith.cmpf olt, %select_n3A_1740, %select_n3A_1723 : vector<128x128xf32>
      %select_n3A_1742 = arith.select %lt3A_1741, %select_n3A_1740, %select_n3A_1723 : vector<128x128xi1>, vector<128x128xf32>
      %mul3A_1743 = arith.constant 8 : i32
      %mul3A_1744 = arith.muli %scan3A_1634, %mul3A_1743 : i32
      %add3A_1745 = arith.constant 5 : i32
      %add3A_1746 = arith.addi %mul3A_1744, %add3A_1745 : i32
      %broadcast_in_dim3A_1747 = vector.broadcast %add3A_1746 : i32 to vector<128x128xi32>
      %select_n3A_1748 = arith.select %lt3A_1741, %broadcast_in_dim3A_1747, %select_n3A_1729 : vector<128x128xi1>, vector<128x128xi32>
      %mul3A_1749 = arith.constant 1024 : i32
      %mul3A_1750 = arith.muli %scan3A_1634, %mul3A_1749 : i32
      %add3A_1751 = arith.constant 768 : i32
      %add3A_1752 = arith.addi %mul3A_1750, %add3A_1751 : i32
      %get3A_1753 = arith.constant 0 : index
      %get3A_1754 = arith.index_cast %add3A_1752 : i32 to index
      %get3A_1755 = vector.load %arg5[%get3A_1753, %get3A_1754] : memref<128x10240xf32, #tpu.memory_space<vmem>>, vector<128x128xf32>
      %gt3A_1756 = arith.cmpf ogt, %get3A_1755, %broadcast_in_dim3A_1171 : vector<128x128xf32>
      %jit3A_1757 = arith.constant 3.000000e+38 : f32
      %broadcast_in_dim3A_1758 = vector.broadcast %jit3A_1757 : f32 to vector<128x128xf32>
      %select_n3A_1759 = arith.select %gt3A_1756, %get3A_1755, %broadcast_in_dim3A_1758 : vector<128x128xi1>, vector<128x128xf32>
      %lt3A_1760 = arith.cmpf olt, %select_n3A_1759, %select_n3A_1742 : vector<128x128xf32>
      %select_n3A_1761 = arith.select %lt3A_1760, %select_n3A_1759, %select_n3A_1742 : vector<128x128xi1>, vector<128x128xf32>
      %mul3A_1762 = arith.constant 8 : i32
      %mul3A_1763 = arith.muli %scan3A_1634, %mul3A_1762 : i32
      %add3A_1764 = arith.constant 6 : i32
      %add3A_1765 = arith.addi %mul3A_1763, %add3A_1764 : i32
      %broadcast_in_dim3A_1766 = vector.broadcast %add3A_1765 : i32 to vector<128x128xi32>
      %select_n3A_1767 = arith.select %lt3A_1760, %broadcast_in_dim3A_1766, %select_n3A_1748 : vector<128x128xi1>, vector<128x128xi32>
      %mul3A_1768 = arith.constant 1024 : i32
      %mul3A_1769 = arith.muli %scan3A_1634, %mul3A_1768 : i32
      %add3A_1770 = arith.constant 896 : i32
      %add3A_1771 = arith.addi %mul3A_1769, %add3A_1770 : i32
      %get3A_1772 = arith.constant 0 : index
      %get3A_1773 = arith.index_cast %add3A_1771 : i32 to index
      %get3A_1774 = vector.load %arg5[%get3A_1772, %get3A_1773] : memref<128x10240xf32, #tpu.memory_space<vmem>>, vector<128x128xf32>
      %gt3A_1775 = arith.cmpf ogt, %get3A_1774, %broadcast_in_dim3A_1171 : vector<128x128xf32>
      %jit3A_1776 = arith.constant 3.000000e+38 : f32
      %broadcast_in_dim3A_1777 = vector.broadcast %jit3A_1776 : f32 to vector<128x128xf32>
      %select_n3A_1778 = arith.select %gt3A_1775, %get3A_1774, %broadcast_in_dim3A_1777 : vector<128x128xi1>, vector<128x128xf32>
      %lt3A_1779 = arith.cmpf olt, %select_n3A_1778, %select_n3A_1761 : vector<128x128xf32>
      %select_n3A_1780 = arith.select %lt3A_1779, %select_n3A_1778, %select_n3A_1761 : vector<128x128xi1>, vector<128x128xf32>
      %mul3A_1781 = arith.constant 8 : i32
      %mul3A_1782 = arith.muli %scan3A_1634, %mul3A_1781 : i32
      %add3A_1783 = arith.constant 7 : i32
      %add3A_1784 = arith.addi %mul3A_1782, %add3A_1783 : i32
      %broadcast_in_dim3A_1785 = vector.broadcast %add3A_1784 : i32 to vector<128x128xi32>
      %select_n3A_1786 = arith.select %lt3A_1779, %broadcast_in_dim3A_1785, %select_n3A_1767 : vector<128x128xi1>, vector<128x128xi32>
      %scan3A_1787 = arith.constant 4 : i32
      %mul3A_1788 = arith.constant 1024 : i32
      %mul3A_1789 = arith.muli %scan3A_1787, %mul3A_1788 : i32
      %add3A_1790 = arith.constant 0 : i32
      %add3A_1791 = arith.addi %mul3A_1789, %add3A_1790 : i32
      %get3A_1792 = arith.constant 0 : index
      %get3A_1793 = arith.index_cast %add3A_1791 : i32 to index
      %get3A_1794 = vector.load %arg5[%get3A_1792, %get3A_1793] : memref<128x10240xf32, #tpu.memory_space<vmem>>, vector<128x128xf32>
      %gt3A_1795 = arith.cmpf ogt, %get3A_1794, %broadcast_in_dim3A_1171 : vector<128x128xf32>
      %jit3A_1796 = arith.constant 3.000000e+38 : f32
      %broadcast_in_dim3A_1797 = vector.broadcast %jit3A_1796 : f32 to vector<128x128xf32>
      %select_n3A_1798 = arith.select %gt3A_1795, %get3A_1794, %broadcast_in_dim3A_1797 : vector<128x128xi1>, vector<128x128xf32>
      %lt3A_1799 = arith.cmpf olt, %select_n3A_1798, %select_n3A_1780 : vector<128x128xf32>
      %select_n3A_1800 = arith.select %lt3A_1799, %select_n3A_1798, %select_n3A_1780 : vector<128x128xi1>, vector<128x128xf32>
      %mul3A_1801 = arith.constant 8 : i32
      %mul3A_1802 = arith.muli %scan3A_1787, %mul3A_1801 : i32
      %add3A_1803 = arith.constant 0 : i32
      %add3A_1804 = arith.addi %mul3A_1802, %add3A_1803 : i32
      %broadcast_in_dim3A_1805 = vector.broadcast %add3A_1804 : i32 to vector<128x128xi32>
      %select_n3A_1806 = arith.select %lt3A_1799, %broadcast_in_dim3A_1805, %select_n3A_1786 : vector<128x128xi1>, vector<128x128xi32>
      %mul3A_1807 = arith.constant 1024 : i32
      %mul3A_1808 = arith.muli %scan3A_1787, %mul3A_1807 : i32
      %add3A_1809 = arith.constant 128 : i32
      %add3A_1810 = arith.addi %mul3A_1808, %add3A_1809 : i32
      %get3A_1811 = arith.constant 0 : index
      %get3A_1812 = arith.index_cast %add3A_1810 : i32 to index
      %get3A_1813 = vector.load %arg5[%get3A_1811, %get3A_1812] : memref<128x10240xf32, #tpu.memory_space<vmem>>, vector<128x128xf32>
      %gt3A_1814 = arith.cmpf ogt, %get3A_1813, %broadcast_in_dim3A_1171 : vector<128x128xf32>
      %jit3A_1815 = arith.constant 3.000000e+38 : f32
      %broadcast_in_dim3A_1816 = vector.broadcast %jit3A_1815 : f32 to vector<128x128xf32>
      %select_n3A_1817 = arith.select %gt3A_1814, %get3A_1813, %broadcast_in_dim3A_1816 : vector<128x128xi1>, vector<128x128xf32>
      %lt3A_1818 = arith.cmpf olt, %select_n3A_1817, %select_n3A_1800 : vector<128x128xf32>
      %select_n3A_1819 = arith.select %lt3A_1818, %select_n3A_1817, %select_n3A_1800 : vector<128x128xi1>, vector<128x128xf32>
      %mul3A_1820 = arith.constant 8 : i32
      %mul3A_1821 = arith.muli %scan3A_1787, %mul3A_1820 : i32
      %add3A_1822 = arith.constant 1 : i32
      %add3A_1823 = arith.addi %mul3A_1821, %add3A_1822 : i32
      %broadcast_in_dim3A_1824 = vector.broadcast %add3A_1823 : i32 to vector<128x128xi32>
      %select_n3A_1825 = arith.select %lt3A_1818, %broadcast_in_dim3A_1824, %select_n3A_1806 : vector<128x128xi1>, vector<128x128xi32>
      %mul3A_1826 = arith.constant 1024 : i32
      %mul3A_1827 = arith.muli %scan3A_1787, %mul3A_1826 : i32
      %add3A_1828 = arith.constant 256 : i32
      %add3A_1829 = arith.addi %mul3A_1827, %add3A_1828 : i32
      %get3A_1830 = arith.constant 0 : index
      %get3A_1831 = arith.index_cast %add3A_1829 : i32 to index
      %get3A_1832 = vector.load %arg5[%get3A_1830, %get3A_1831] : memref<128x10240xf32, #tpu.memory_space<vmem>>, vector<128x128xf32>
      %gt3A_1833 = arith.cmpf ogt, %get3A_1832, %broadcast_in_dim3A_1171 : vector<128x128xf32>
      %jit3A_1834 = arith.constant 3.000000e+38 : f32
      %broadcast_in_dim3A_1835 = vector.broadcast %jit3A_1834 : f32 to vector<128x128xf32>
      %select_n3A_1836 = arith.select %gt3A_1833, %get3A_1832, %broadcast_in_dim3A_1835 : vector<128x128xi1>, vector<128x128xf32>
      %lt3A_1837 = arith.cmpf olt, %select_n3A_1836, %select_n3A_1819 : vector<128x128xf32>
      %select_n3A_1838 = arith.select %lt3A_1837, %select_n3A_1836, %select_n3A_1819 : vector<128x128xi1>, vector<128x128xf32>
      %mul3A_1839 = arith.constant 8 : i32
      %mul3A_1840 = arith.muli %scan3A_1787, %mul3A_1839 : i32
      %add3A_1841 = arith.constant 2 : i32
      %add3A_1842 = arith.addi %mul3A_1840, %add3A_1841 : i32
      %broadcast_in_dim3A_1843 = vector.broadcast %add3A_1842 : i32 to vector<128x128xi32>
      %select_n3A_1844 = arith.select %lt3A_1837, %broadcast_in_dim3A_1843, %select_n3A_1825 : vector<128x128xi1>, vector<128x128xi32>
      %mul3A_1845 = arith.constant 1024 : i32
      %mul3A_1846 = arith.muli %scan3A_1787, %mul3A_1845 : i32
      %add3A_1847 = arith.constant 384 : i32
      %add3A_1848 = arith.addi %mul3A_1846, %add3A_1847 : i32
      %get3A_1849 = arith.constant 0 : index
      %get3A_1850 = arith.index_cast %add3A_1848 : i32 to index
      %get3A_1851 = vector.load %arg5[%get3A_1849, %get3A_1850] : memref<128x10240xf32, #tpu.memory_space<vmem>>, vector<128x128xf32>
      %gt3A_1852 = arith.cmpf ogt, %get3A_1851, %broadcast_in_dim3A_1171 : vector<128x128xf32>
      %jit3A_1853 = arith.constant 3.000000e+38 : f32
      %broadcast_in_dim3A_1854 = vector.broadcast %jit3A_1853 : f32 to vector<128x128xf32>
      %select_n3A_1855 = arith.select %gt3A_1852, %get3A_1851, %broadcast_in_dim3A_1854 : vector<128x128xi1>, vector<128x128xf32>
      %lt3A_1856 = arith.cmpf olt, %select_n3A_1855, %select_n3A_1838 : vector<128x128xf32>
      %select_n3A_1857 = arith.select %lt3A_1856, %select_n3A_1855, %select_n3A_1838 : vector<128x128xi1>, vector<128x128xf32>
      %mul3A_1858 = arith.constant 8 : i32
      %mul3A_1859 = arith.muli %scan3A_1787, %mul3A_1858 : i32
      %add3A_1860 = arith.constant 3 : i32
      %add3A_1861 = arith.addi %mul3A_1859, %add3A_1860 : i32
      %broadcast_in_dim3A_1862 = vector.broadcast %add3A_1861 : i32 to vector<128x128xi32>
      %select_n3A_1863 = arith.select %lt3A_1856, %broadcast_in_dim3A_1862, %select_n3A_1844 : vector<128x128xi1>, vector<128x128xi32>
      %mul3A_1864 = arith.constant 1024 : i32
      %mul3A_1865 = arith.muli %scan3A_1787, %mul3A_1864 : i32
      %add3A_1866 = arith.constant 512 : i32
      %add3A_1867 = arith.addi %mul3A_1865, %add3A_1866 : i32
      %get3A_1868 = arith.constant 0 : index
      %get3A_1869 = arith.index_cast %add3A_1867 : i32 to index
      %get3A_1870 = vector.load %arg5[%get3A_1868, %get3A_1869] : memref<128x10240xf32, #tpu.memory_space<vmem>>, vector<128x128xf32>
      %gt3A_1871 = arith.cmpf ogt, %get3A_1870, %broadcast_in_dim3A_1171 : vector<128x128xf32>
      %jit3A_1872 = arith.constant 3.000000e+38 : f32
      %broadcast_in_dim3A_1873 = vector.broadcast %jit3A_1872 : f32 to vector<128x128xf32>
      %select_n3A_1874 = arith.select %gt3A_1871, %get3A_1870, %broadcast_in_dim3A_1873 : vector<128x128xi1>, vector<128x128xf32>
      %lt3A_1875 = arith.cmpf olt, %select_n3A_1874, %select_n3A_1857 : vector<128x128xf32>
      %select_n3A_1876 = arith.select %lt3A_1875, %select_n3A_1874, %select_n3A_1857 : vector<128x128xi1>, vector<128x128xf32>
      %mul3A_1877 = arith.constant 8 : i32
      %mul3A_1878 = arith.muli %scan3A_1787, %mul3A_1877 : i32
      %add3A_1879 = arith.constant 4 : i32
      %add3A_1880 = arith.addi %mul3A_1878, %add3A_1879 : i32
      %broadcast_in_dim3A_1881 = vector.broadcast %add3A_1880 : i32 to vector<128x128xi32>
      %select_n3A_1882 = arith.select %lt3A_1875, %broadcast_in_dim3A_1881, %select_n3A_1863 : vector<128x128xi1>, vector<128x128xi32>
      %mul3A_1883 = arith.constant 1024 : i32
      %mul3A_1884 = arith.muli %scan3A_1787, %mul3A_1883 : i32
      %add3A_1885 = arith.constant 640 : i32
      %add3A_1886 = arith.addi %mul3A_1884, %add3A_1885 : i32
      %get3A_1887 = arith.constant 0 : index
      %get3A_1888 = arith.index_cast %add3A_1886 : i32 to index
      %get3A_1889 = vector.load %arg5[%get3A_1887, %get3A_1888] : memref<128x10240xf32, #tpu.memory_space<vmem>>, vector<128x128xf32>
      %gt3A_1890 = arith.cmpf ogt, %get3A_1889, %broadcast_in_dim3A_1171 : vector<128x128xf32>
      %jit3A_1891 = arith.constant 3.000000e+38 : f32
      %broadcast_in_dim3A_1892 = vector.broadcast %jit3A_1891 : f32 to vector<128x128xf32>
      %select_n3A_1893 = arith.select %gt3A_1890, %get3A_1889, %broadcast_in_dim3A_1892 : vector<128x128xi1>, vector<128x128xf32>
      %lt3A_1894 = arith.cmpf olt, %select_n3A_1893, %select_n3A_1876 : vector<128x128xf32>
      %select_n3A_1895 = arith.select %lt3A_1894, %select_n3A_1893, %select_n3A_1876 : vector<128x128xi1>, vector<128x128xf32>
      %mul3A_1896 = arith.constant 8 : i32
      %mul3A_1897 = arith.muli %scan3A_1787, %mul3A_1896 : i32
      %add3A_1898 = arith.constant 5 : i32
      %add3A_1899 = arith.addi %mul3A_1897, %add3A_1898 : i32
      %broadcast_in_dim3A_1900 = vector.broadcast %add3A_1899 : i32 to vector<128x128xi32>
      %select_n3A_1901 = arith.select %lt3A_1894, %broadcast_in_dim3A_1900, %select_n3A_1882 : vector<128x128xi1>, vector<128x128xi32>
      %mul3A_1902 = arith.constant 1024 : i32
      %mul3A_1903 = arith.muli %scan3A_1787, %mul3A_1902 : i32
      %add3A_1904 = arith.constant 768 : i32
      %add3A_1905 = arith.addi %mul3A_1903, %add3A_1904 : i32
      %get3A_1906 = arith.constant 0 : index
      %get3A_1907 = arith.index_cast %add3A_1905 : i32 to index
      %get3A_1908 = vector.load %arg5[%get3A_1906, %get3A_1907] : memref<128x10240xf32, #tpu.memory_space<vmem>>, vector<128x128xf32>
      %gt3A_1909 = arith.cmpf ogt, %get3A_1908, %broadcast_in_dim3A_1171 : vector<128x128xf32>
      %jit3A_1910 = arith.constant 3.000000e+38 : f32
      %broadcast_in_dim3A_1911 = vector.broadcast %jit3A_1910 : f32 to vector<128x128xf32>
      %select_n3A_1912 = arith.select %gt3A_1909, %get3A_1908, %broadcast_in_dim3A_1911 : vector<128x128xi1>, vector<128x128xf32>
      %lt3A_1913 = arith.cmpf olt, %select_n3A_1912, %select_n3A_1895 : vector<128x128xf32>
      %select_n3A_1914 = arith.select %lt3A_1913, %select_n3A_1912, %select_n3A_1895 : vector<128x128xi1>, vector<128x128xf32>
      %mul3A_1915 = arith.constant 8 : i32
      %mul3A_1916 = arith.muli %scan3A_1787, %mul3A_1915 : i32
      %add3A_1917 = arith.constant 6 : i32
      %add3A_1918 = arith.addi %mul3A_1916, %add3A_1917 : i32
      %broadcast_in_dim3A_1919 = vector.broadcast %add3A_1918 : i32 to vector<128x128xi32>
      %select_n3A_1920 = arith.select %lt3A_1913, %broadcast_in_dim3A_1919, %select_n3A_1901 : vector<128x128xi1>, vector<128x128xi32>
      %mul3A_1921 = arith.constant 1024 : i32
      %mul3A_1922 = arith.muli %scan3A_1787, %mul3A_1921 : i32
      %add3A_1923 = arith.constant 896 : i32
      %add3A_1924 = arith.addi %mul3A_1922, %add3A_1923 : i32
      %get3A_1925 = arith.constant 0 : index
      %get3A_1926 = arith.index_cast %add3A_1924 : i32 to index
      %get3A_1927 = vector.load %arg5[%get3A_1925, %get3A_1926] : memref<128x10240xf32, #tpu.memory_space<vmem>>, vector<128x128xf32>
      %gt3A_1928 = arith.cmpf ogt, %get3A_1927, %broadcast_in_dim3A_1171 : vector<128x128xf32>
      %jit3A_1929 = arith.constant 3.000000e+38 : f32
      %broadcast_in_dim3A_1930 = vector.broadcast %jit3A_1929 : f32 to vector<128x128xf32>
      %select_n3A_1931 = arith.select %gt3A_1928, %get3A_1927, %broadcast_in_dim3A_1930 : vector<128x128xi1>, vector<128x128xf32>
      %lt3A_1932 = arith.cmpf olt, %select_n3A_1931, %select_n3A_1914 : vector<128x128xf32>
      %select_n3A_1933 = arith.select %lt3A_1932, %select_n3A_1931, %select_n3A_1914 : vector<128x128xi1>, vector<128x128xf32>
      %mul3A_1934 = arith.constant 8 : i32
      %mul3A_1935 = arith.muli %scan3A_1787, %mul3A_1934 : i32
      %add3A_1936 = arith.constant 7 : i32
      %add3A_1937 = arith.addi %mul3A_1935, %add3A_1936 : i32
      %broadcast_in_dim3A_1938 = vector.broadcast %add3A_1937 : i32 to vector<128x128xi32>
      %select_n3A_1939 = arith.select %lt3A_1932, %broadcast_in_dim3A_1938, %select_n3A_1920 : vector<128x128xi1>, vector<128x128xi32>
      %scan3A_1940 = arith.constant 5 : i32
      %mul3A_1941 = arith.constant 1024 : i32
      %mul3A_1942 = arith.muli %scan3A_1940, %mul3A_1941 : i32
      %add3A_1943 = arith.constant 0 : i32
      %add3A_1944 = arith.addi %mul3A_1942, %add3A_1943 : i32
      %get3A_1945 = arith.constant 0 : index
      %get3A_1946 = arith.index_cast %add3A_1944 : i32 to index
      %get3A_1947 = vector.load %arg5[%get3A_1945, %get3A_1946] : memref<128x10240xf32, #tpu.memory_space<vmem>>, vector<128x128xf32>
      %gt3A_1948 = arith.cmpf ogt, %get3A_1947, %broadcast_in_dim3A_1171 : vector<128x128xf32>
      %jit3A_1949 = arith.constant 3.000000e+38 : f32
      %broadcast_in_dim3A_1950 = vector.broadcast %jit3A_1949 : f32 to vector<128x128xf32>
      %select_n3A_1951 = arith.select %gt3A_1948, %get3A_1947, %broadcast_in_dim3A_1950 : vector<128x128xi1>, vector<128x128xf32>
      %lt3A_1952 = arith.cmpf olt, %select_n3A_1951, %select_n3A_1933 : vector<128x128xf32>
      %select_n3A_1953 = arith.select %lt3A_1952, %select_n3A_1951, %select_n3A_1933 : vector<128x128xi1>, vector<128x128xf32>
      %mul3A_1954 = arith.constant 8 : i32
      %mul3A_1955 = arith.muli %scan3A_1940, %mul3A_1954 : i32
      %add3A_1956 = arith.constant 0 : i32
      %add3A_1957 = arith.addi %mul3A_1955, %add3A_1956 : i32
      %broadcast_in_dim3A_1958 = vector.broadcast %add3A_1957 : i32 to vector<128x128xi32>
      %select_n3A_1959 = arith.select %lt3A_1952, %broadcast_in_dim3A_1958, %select_n3A_1939 : vector<128x128xi1>, vector<128x128xi32>
      %mul3A_1960 = arith.constant 1024 : i32
      %mul3A_1961 = arith.muli %scan3A_1940, %mul3A_1960 : i32
      %add3A_1962 = arith.constant 128 : i32
      %add3A_1963 = arith.addi %mul3A_1961, %add3A_1962 : i32
      %get3A_1964 = arith.constant 0 : index
      %get3A_1965 = arith.index_cast %add3A_1963 : i32 to index
      %get3A_1966 = vector.load %arg5[%get3A_1964, %get3A_1965] : memref<128x10240xf32, #tpu.memory_space<vmem>>, vector<128x128xf32>
      %gt3A_1967 = arith.cmpf ogt, %get3A_1966, %broadcast_in_dim3A_1171 : vector<128x128xf32>
      %jit3A_1968 = arith.constant 3.000000e+38 : f32
      %broadcast_in_dim3A_1969 = vector.broadcast %jit3A_1968 : f32 to vector<128x128xf32>
      %select_n3A_1970 = arith.select %gt3A_1967, %get3A_1966, %broadcast_in_dim3A_1969 : vector<128x128xi1>, vector<128x128xf32>
      %lt3A_1971 = arith.cmpf olt, %select_n3A_1970, %select_n3A_1953 : vector<128x128xf32>
      %select_n3A_1972 = arith.select %lt3A_1971, %select_n3A_1970, %select_n3A_1953 : vector<128x128xi1>, vector<128x128xf32>
      %mul3A_1973 = arith.constant 8 : i32
      %mul3A_1974 = arith.muli %scan3A_1940, %mul3A_1973 : i32
      %add3A_1975 = arith.constant 1 : i32
      %add3A_1976 = arith.addi %mul3A_1974, %add3A_1975 : i32
      %broadcast_in_dim3A_1977 = vector.broadcast %add3A_1976 : i32 to vector<128x128xi32>
      %select_n3A_1978 = arith.select %lt3A_1971, %broadcast_in_dim3A_1977, %select_n3A_1959 : vector<128x128xi1>, vector<128x128xi32>
      %mul3A_1979 = arith.constant 1024 : i32
      %mul3A_1980 = arith.muli %scan3A_1940, %mul3A_1979 : i32
      %add3A_1981 = arith.constant 256 : i32
      %add3A_1982 = arith.addi %mul3A_1980, %add3A_1981 : i32
      %get3A_1983 = arith.constant 0 : index
      %get3A_1984 = arith.index_cast %add3A_1982 : i32 to index
      %get3A_1985 = vector.load %arg5[%get3A_1983, %get3A_1984] : memref<128x10240xf32, #tpu.memory_space<vmem>>, vector<128x128xf32>
      %gt3A_1986 = arith.cmpf ogt, %get3A_1985, %broadcast_in_dim3A_1171 : vector<128x128xf32>
      %jit3A_1987 = arith.constant 3.000000e+38 : f32
      %broadcast_in_dim3A_1988 = vector.broadcast %jit3A_1987 : f32 to vector<128x128xf32>
      %select_n3A_1989 = arith.select %gt3A_1986, %get3A_1985, %broadcast_in_dim3A_1988 : vector<128x128xi1>, vector<128x128xf32>
      %lt3A_1990 = arith.cmpf olt, %select_n3A_1989, %select_n3A_1972 : vector<128x128xf32>
      %select_n3A_1991 = arith.select %lt3A_1990, %select_n3A_1989, %select_n3A_1972 : vector<128x128xi1>, vector<128x128xf32>
      %mul3A_1992 = arith.constant 8 : i32
      %mul3A_1993 = arith.muli %scan3A_1940, %mul3A_1992 : i32
      %add3A_1994 = arith.constant 2 : i32
      %add3A_1995 = arith.addi %mul3A_1993, %add3A_1994 : i32
      %broadcast_in_dim3A_1996 = vector.broadcast %add3A_1995 : i32 to vector<128x128xi32>
      %select_n3A_1997 = arith.select %lt3A_1990, %broadcast_in_dim3A_1996, %select_n3A_1978 : vector<128x128xi1>, vector<128x128xi32>
      %mul3A_1998 = arith.constant 1024 : i32
      %mul3A_1999 = arith.muli %scan3A_1940, %mul3A_1998 : i32
      %add3A_2000 = arith.constant 384 : i32
      %add3A_2001 = arith.addi %mul3A_1999, %add3A_2000 : i32
      %get3A_2002 = arith.constant 0 : index
      %get3A_2003 = arith.index_cast %add3A_2001 : i32 to index
      %get3A_2004 = vector.load %arg5[%get3A_2002, %get3A_2003] : memref<128x10240xf32, #tpu.memory_space<vmem>>, vector<128x128xf32>
      %gt3A_2005 = arith.cmpf ogt, %get3A_2004, %broadcast_in_dim3A_1171 : vector<128x128xf32>
      %jit3A_2006 = arith.constant 3.000000e+38 : f32
      %broadcast_in_dim3A_2007 = vector.broadcast %jit3A_2006 : f32 to vector<128x128xf32>
      %select_n3A_2008 = arith.select %gt3A_2005, %get3A_2004, %broadcast_in_dim3A_2007 : vector<128x128xi1>, vector<128x128xf32>
      %lt3A_2009 = arith.cmpf olt, %select_n3A_2008, %select_n3A_1991 : vector<128x128xf32>
      %select_n3A_2010 = arith.select %lt3A_2009, %select_n3A_2008, %select_n3A_1991 : vector<128x128xi1>, vector<128x128xf32>
      %mul3A_2011 = arith.constant 8 : i32
      %mul3A_2012 = arith.muli %scan3A_1940, %mul3A_2011 : i32
      %add3A_2013 = arith.constant 3 : i32
      %add3A_2014 = arith.addi %mul3A_2012, %add3A_2013 : i32
      %broadcast_in_dim3A_2015 = vector.broadcast %add3A_2014 : i32 to vector<128x128xi32>
      %select_n3A_2016 = arith.select %lt3A_2009, %broadcast_in_dim3A_2015, %select_n3A_1997 : vector<128x128xi1>, vector<128x128xi32>
      %mul3A_2017 = arith.constant 1024 : i32
      %mul3A_2018 = arith.muli %scan3A_1940, %mul3A_2017 : i32
      %add3A_2019 = arith.constant 512 : i32
      %add3A_2020 = arith.addi %mul3A_2018, %add3A_2019 : i32
      %get3A_2021 = arith.constant 0 : index
      %get3A_2022 = arith.index_cast %add3A_2020 : i32 to index
      %get3A_2023 = vector.load %arg5[%get3A_2021, %get3A_2022] : memref<128x10240xf32, #tpu.memory_space<vmem>>, vector<128x128xf32>
      %gt3A_2024 = arith.cmpf ogt, %get3A_2023, %broadcast_in_dim3A_1171 : vector<128x128xf32>
      %jit3A_2025 = arith.constant 3.000000e+38 : f32
      %broadcast_in_dim3A_2026 = vector.broadcast %jit3A_2025 : f32 to vector<128x128xf32>
      %select_n3A_2027 = arith.select %gt3A_2024, %get3A_2023, %broadcast_in_dim3A_2026 : vector<128x128xi1>, vector<128x128xf32>
      %lt3A_2028 = arith.cmpf olt, %select_n3A_2027, %select_n3A_2010 : vector<128x128xf32>
      %select_n3A_2029 = arith.select %lt3A_2028, %select_n3A_2027, %select_n3A_2010 : vector<128x128xi1>, vector<128x128xf32>
      %mul3A_2030 = arith.constant 8 : i32
      %mul3A_2031 = arith.muli %scan3A_1940, %mul3A_2030 : i32
      %add3A_2032 = arith.constant 4 : i32
      %add3A_2033 = arith.addi %mul3A_2031, %add3A_2032 : i32
      %broadcast_in_dim3A_2034 = vector.broadcast %add3A_2033 : i32 to vector<128x128xi32>
      %select_n3A_2035 = arith.select %lt3A_2028, %broadcast_in_dim3A_2034, %select_n3A_2016 : vector<128x128xi1>, vector<128x128xi32>
      %mul3A_2036 = arith.constant 1024 : i32
      %mul3A_2037 = arith.muli %scan3A_1940, %mul3A_2036 : i32
      %add3A_2038 = arith.constant 640 : i32
      %add3A_2039 = arith.addi %mul3A_2037, %add3A_2038 : i32
      %get3A_2040 = arith.constant 0 : index
      %get3A_2041 = arith.index_cast %add3A_2039 : i32 to index
      %get3A_2042 = vector.load %arg5[%get3A_2040, %get3A_2041] : memref<128x10240xf32, #tpu.memory_space<vmem>>, vector<128x128xf32>
      %gt3A_2043 = arith.cmpf ogt, %get3A_2042, %broadcast_in_dim3A_1171 : vector<128x128xf32>
      %jit3A_2044 = arith.constant 3.000000e+38 : f32
      %broadcast_in_dim3A_2045 = vector.broadcast %jit3A_2044 : f32 to vector<128x128xf32>
      %select_n3A_2046 = arith.select %gt3A_2043, %get3A_2042, %broadcast_in_dim3A_2045 : vector<128x128xi1>, vector<128x128xf32>
      %lt3A_2047 = arith.cmpf olt, %select_n3A_2046, %select_n3A_2029 : vector<128x128xf32>
      %select_n3A_2048 = arith.select %lt3A_2047, %select_n3A_2046, %select_n3A_2029 : vector<128x128xi1>, vector<128x128xf32>
      %mul3A_2049 = arith.constant 8 : i32
      %mul3A_2050 = arith.muli %scan3A_1940, %mul3A_2049 : i32
      %add3A_2051 = arith.constant 5 : i32
      %add3A_2052 = arith.addi %mul3A_2050, %add3A_2051 : i32
      %broadcast_in_dim3A_2053 = vector.broadcast %add3A_2052 : i32 to vector<128x128xi32>
      %select_n3A_2054 = arith.select %lt3A_2047, %broadcast_in_dim3A_2053, %select_n3A_2035 : vector<128x128xi1>, vector<128x128xi32>
      %mul3A_2055 = arith.constant 1024 : i32
      %mul3A_2056 = arith.muli %scan3A_1940, %mul3A_2055 : i32
      %add3A_2057 = arith.constant 768 : i32
      %add3A_2058 = arith.addi %mul3A_2056, %add3A_2057 : i32
      %get3A_2059 = arith.constant 0 : index
      %get3A_2060 = arith.index_cast %add3A_2058 : i32 to index
      %get3A_2061 = vector.load %arg5[%get3A_2059, %get3A_2060] : memref<128x10240xf32, #tpu.memory_space<vmem>>, vector<128x128xf32>
      %gt3A_2062 = arith.cmpf ogt, %get3A_2061, %broadcast_in_dim3A_1171 : vector<128x128xf32>
      %jit3A_2063 = arith.constant 3.000000e+38 : f32
      %broadcast_in_dim3A_2064 = vector.broadcast %jit3A_2063 : f32 to vector<128x128xf32>
      %select_n3A_2065 = arith.select %gt3A_2062, %get3A_2061, %broadcast_in_dim3A_2064 : vector<128x128xi1>, vector<128x128xf32>
      %lt3A_2066 = arith.cmpf olt, %select_n3A_2065, %select_n3A_2048 : vector<128x128xf32>
      %select_n3A_2067 = arith.select %lt3A_2066, %select_n3A_2065, %select_n3A_2048 : vector<128x128xi1>, vector<128x128xf32>
      %mul3A_2068 = arith.constant 8 : i32
      %mul3A_2069 = arith.muli %scan3A_1940, %mul3A_2068 : i32
      %add3A_2070 = arith.constant 6 : i32
      %add3A_2071 = arith.addi %mul3A_2069, %add3A_2070 : i32
      %broadcast_in_dim3A_2072 = vector.broadcast %add3A_2071 : i32 to vector<128x128xi32>
      %select_n3A_2073 = arith.select %lt3A_2066, %broadcast_in_dim3A_2072, %select_n3A_2054 : vector<128x128xi1>, vector<128x128xi32>
      %mul3A_2074 = arith.constant 1024 : i32
      %mul3A_2075 = arith.muli %scan3A_1940, %mul3A_2074 : i32
      %add3A_2076 = arith.constant 896 : i32
      %add3A_2077 = arith.addi %mul3A_2075, %add3A_2076 : i32
      %get3A_2078 = arith.constant 0 : index
      %get3A_2079 = arith.index_cast %add3A_2077 : i32 to index
      %get3A_2080 = vector.load %arg5[%get3A_2078, %get3A_2079] : memref<128x10240xf32, #tpu.memory_space<vmem>>, vector<128x128xf32>
      %gt3A_2081 = arith.cmpf ogt, %get3A_2080, %broadcast_in_dim3A_1171 : vector<128x128xf32>
      %jit3A_2082 = arith.constant 3.000000e+38 : f32
      %broadcast_in_dim3A_2083 = vector.broadcast %jit3A_2082 : f32 to vector<128x128xf32>
      %select_n3A_2084 = arith.select %gt3A_2081, %get3A_2080, %broadcast_in_dim3A_2083 : vector<128x128xi1>, vector<128x128xf32>
      %lt3A_2085 = arith.cmpf olt, %select_n3A_2084, %select_n3A_2067 : vector<128x128xf32>
      %select_n3A_2086 = arith.select %lt3A_2085, %select_n3A_2084, %select_n3A_2067 : vector<128x128xi1>, vector<128x128xf32>
      %mul3A_2087 = arith.constant 8 : i32
      %mul3A_2088 = arith.muli %scan3A_1940, %mul3A_2087 : i32
      %add3A_2089 = arith.constant 7 : i32
      %add3A_2090 = arith.addi %mul3A_2088, %add3A_2089 : i32
      %broadcast_in_dim3A_2091 = vector.broadcast %add3A_2090 : i32 to vector<128x128xi32>
      %select_n3A_2092 = arith.select %lt3A_2085, %broadcast_in_dim3A_2091, %select_n3A_2073 : vector<128x128xi1>, vector<128x128xi32>
      %scan3A_2093 = arith.constant 6 : i32
      %mul3A_2094 = arith.constant 1024 : i32
      %mul3A_2095 = arith.muli %scan3A_2093, %mul3A_2094 : i32
      %add3A_2096 = arith.constant 0 : i32
      %add3A_2097 = arith.addi %mul3A_2095, %add3A_2096 : i32
      %get3A_2098 = arith.constant 0 : index
      %get3A_2099 = arith.index_cast %add3A_2097 : i32 to index
      %get3A_2100 = vector.load %arg5[%get3A_2098, %get3A_2099] : memref<128x10240xf32, #tpu.memory_space<vmem>>, vector<128x128xf32>
      %gt3A_2101 = arith.cmpf ogt, %get3A_2100, %broadcast_in_dim3A_1171 : vector<128x128xf32>
      %jit3A_2102 = arith.constant 3.000000e+38 : f32
      %broadcast_in_dim3A_2103 = vector.broadcast %jit3A_2102 : f32 to vector<128x128xf32>
      %select_n3A_2104 = arith.select %gt3A_2101, %get3A_2100, %broadcast_in_dim3A_2103 : vector<128x128xi1>, vector<128x128xf32>
      %lt3A_2105 = arith.cmpf olt, %select_n3A_2104, %select_n3A_2086 : vector<128x128xf32>
      %select_n3A_2106 = arith.select %lt3A_2105, %select_n3A_2104, %select_n3A_2086 : vector<128x128xi1>, vector<128x128xf32>
      %mul3A_2107 = arith.constant 8 : i32
      %mul3A_2108 = arith.muli %scan3A_2093, %mul3A_2107 : i32
      %add3A_2109 = arith.constant 0 : i32
      %add3A_2110 = arith.addi %mul3A_2108, %add3A_2109 : i32
      %broadcast_in_dim3A_2111 = vector.broadcast %add3A_2110 : i32 to vector<128x128xi32>
      %select_n3A_2112 = arith.select %lt3A_2105, %broadcast_in_dim3A_2111, %select_n3A_2092 : vector<128x128xi1>, vector<128x128xi32>
      %mul3A_2113 = arith.constant 1024 : i32
      %mul3A_2114 = arith.muli %scan3A_2093, %mul3A_2113 : i32
      %add3A_2115 = arith.constant 128 : i32
      %add3A_2116 = arith.addi %mul3A_2114, %add3A_2115 : i32
      %get3A_2117 = arith.constant 0 : index
      %get3A_2118 = arith.index_cast %add3A_2116 : i32 to index
      %get3A_2119 = vector.load %arg5[%get3A_2117, %get3A_2118] : memref<128x10240xf32, #tpu.memory_space<vmem>>, vector<128x128xf32>
      %gt3A_2120 = arith.cmpf ogt, %get3A_2119, %broadcast_in_dim3A_1171 : vector<128x128xf32>
      %jit3A_2121 = arith.constant 3.000000e+38 : f32
      %broadcast_in_dim3A_2122 = vector.broadcast %jit3A_2121 : f32 to vector<128x128xf32>
      %select_n3A_2123 = arith.select %gt3A_2120, %get3A_2119, %broadcast_in_dim3A_2122 : vector<128x128xi1>, vector<128x128xf32>
      %lt3A_2124 = arith.cmpf olt, %select_n3A_2123, %select_n3A_2106 : vector<128x128xf32>
      %select_n3A_2125 = arith.select %lt3A_2124, %select_n3A_2123, %select_n3A_2106 : vector<128x128xi1>, vector<128x128xf32>
      %mul3A_2126 = arith.constant 8 : i32
      %mul3A_2127 = arith.muli %scan3A_2093, %mul3A_2126 : i32
      %add3A_2128 = arith.constant 1 : i32
      %add3A_2129 = arith.addi %mul3A_2127, %add3A_2128 : i32
      %broadcast_in_dim3A_2130 = vector.broadcast %add3A_2129 : i32 to vector<128x128xi32>
      %select_n3A_2131 = arith.select %lt3A_2124, %broadcast_in_dim3A_2130, %select_n3A_2112 : vector<128x128xi1>, vector<128x128xi32>
      %mul3A_2132 = arith.constant 1024 : i32
      %mul3A_2133 = arith.muli %scan3A_2093, %mul3A_2132 : i32
      %add3A_2134 = arith.constant 256 : i32
      %add3A_2135 = arith.addi %mul3A_2133, %add3A_2134 : i32
      %get3A_2136 = arith.constant 0 : index
      %get3A_2137 = arith.index_cast %add3A_2135 : i32 to index
      %get3A_2138 = vector.load %arg5[%get3A_2136, %get3A_2137] : memref<128x10240xf32, #tpu.memory_space<vmem>>, vector<128x128xf32>
      %gt3A_2139 = arith.cmpf ogt, %get3A_2138, %broadcast_in_dim3A_1171 : vector<128x128xf32>
      %jit3A_2140 = arith.constant 3.000000e+38 : f32
      %broadcast_in_dim3A_2141 = vector.broadcast %jit3A_2140 : f32 to vector<128x128xf32>
      %select_n3A_2142 = arith.select %gt3A_2139, %get3A_2138, %broadcast_in_dim3A_2141 : vector<128x128xi1>, vector<128x128xf32>
      %lt3A_2143 = arith.cmpf olt, %select_n3A_2142, %select_n3A_2125 : vector<128x128xf32>
      %select_n3A_2144 = arith.select %lt3A_2143, %select_n3A_2142, %select_n3A_2125 : vector<128x128xi1>, vector<128x128xf32>
      %mul3A_2145 = arith.constant 8 : i32
      %mul3A_2146 = arith.muli %scan3A_2093, %mul3A_2145 : i32
      %add3A_2147 = arith.constant 2 : i32
      %add3A_2148 = arith.addi %mul3A_2146, %add3A_2147 : i32
      %broadcast_in_dim3A_2149 = vector.broadcast %add3A_2148 : i32 to vector<128x128xi32>
      %select_n3A_2150 = arith.select %lt3A_2143, %broadcast_in_dim3A_2149, %select_n3A_2131 : vector<128x128xi1>, vector<128x128xi32>
      %mul3A_2151 = arith.constant 1024 : i32
      %mul3A_2152 = arith.muli %scan3A_2093, %mul3A_2151 : i32
      %add3A_2153 = arith.constant 384 : i32
      %add3A_2154 = arith.addi %mul3A_2152, %add3A_2153 : i32
      %get3A_2155 = arith.constant 0 : index
      %get3A_2156 = arith.index_cast %add3A_2154 : i32 to index
      %get3A_2157 = vector.load %arg5[%get3A_2155, %get3A_2156] : memref<128x10240xf32, #tpu.memory_space<vmem>>, vector<128x128xf32>
      %gt3A_2158 = arith.cmpf ogt, %get3A_2157, %broadcast_in_dim3A_1171 : vector<128x128xf32>
      %jit3A_2159 = arith.constant 3.000000e+38 : f32
      %broadcast_in_dim3A_2160 = vector.broadcast %jit3A_2159 : f32 to vector<128x128xf32>
      %select_n3A_2161 = arith.select %gt3A_2158, %get3A_2157, %broadcast_in_dim3A_2160 : vector<128x128xi1>, vector<128x128xf32>
      %lt3A_2162 = arith.cmpf olt, %select_n3A_2161, %select_n3A_2144 : vector<128x128xf32>
      %select_n3A_2163 = arith.select %lt3A_2162, %select_n3A_2161, %select_n3A_2144 : vector<128x128xi1>, vector<128x128xf32>
      %mul3A_2164 = arith.constant 8 : i32
      %mul3A_2165 = arith.muli %scan3A_2093, %mul3A_2164 : i32
      %add3A_2166 = arith.constant 3 : i32
      %add3A_2167 = arith.addi %mul3A_2165, %add3A_2166 : i32
      %broadcast_in_dim3A_2168 = vector.broadcast %add3A_2167 : i32 to vector<128x128xi32>
      %select_n3A_2169 = arith.select %lt3A_2162, %broadcast_in_dim3A_2168, %select_n3A_2150 : vector<128x128xi1>, vector<128x128xi32>
      %mul3A_2170 = arith.constant 1024 : i32
      %mul3A_2171 = arith.muli %scan3A_2093, %mul3A_2170 : i32
      %add3A_2172 = arith.constant 512 : i32
      %add3A_2173 = arith.addi %mul3A_2171, %add3A_2172 : i32
      %get3A_2174 = arith.constant 0 : index
      %get3A_2175 = arith.index_cast %add3A_2173 : i32 to index
      %get3A_2176 = vector.load %arg5[%get3A_2174, %get3A_2175] : memref<128x10240xf32, #tpu.memory_space<vmem>>, vector<128x128xf32>
      %gt3A_2177 = arith.cmpf ogt, %get3A_2176, %broadcast_in_dim3A_1171 : vector<128x128xf32>
      %jit3A_2178 = arith.constant 3.000000e+38 : f32
      %broadcast_in_dim3A_2179 = vector.broadcast %jit3A_2178 : f32 to vector<128x128xf32>
      %select_n3A_2180 = arith.select %gt3A_2177, %get3A_2176, %broadcast_in_dim3A_2179 : vector<128x128xi1>, vector<128x128xf32>
      %lt3A_2181 = arith.cmpf olt, %select_n3A_2180, %select_n3A_2163 : vector<128x128xf32>
      %select_n3A_2182 = arith.select %lt3A_2181, %select_n3A_2180, %select_n3A_2163 : vector<128x128xi1>, vector<128x128xf32>
      %mul3A_2183 = arith.constant 8 : i32
      %mul3A_2184 = arith.muli %scan3A_2093, %mul3A_2183 : i32
      %add3A_2185 = arith.constant 4 : i32
      %add3A_2186 = arith.addi %mul3A_2184, %add3A_2185 : i32
      %broadcast_in_dim3A_2187 = vector.broadcast %add3A_2186 : i32 to vector<128x128xi32>
      %select_n3A_2188 = arith.select %lt3A_2181, %broadcast_in_dim3A_2187, %select_n3A_2169 : vector<128x128xi1>, vector<128x128xi32>
      %mul3A_2189 = arith.constant 1024 : i32
      %mul3A_2190 = arith.muli %scan3A_2093, %mul3A_2189 : i32
      %add3A_2191 = arith.constant 640 : i32
      %add3A_2192 = arith.addi %mul3A_2190, %add3A_2191 : i32
      %get3A_2193 = arith.constant 0 : index
      %get3A_2194 = arith.index_cast %add3A_2192 : i32 to index
      %get3A_2195 = vector.load %arg5[%get3A_2193, %get3A_2194] : memref<128x10240xf32, #tpu.memory_space<vmem>>, vector<128x128xf32>
      %gt3A_2196 = arith.cmpf ogt, %get3A_2195, %broadcast_in_dim3A_1171 : vector<128x128xf32>
      %jit3A_2197 = arith.constant 3.000000e+38 : f32
      %broadcast_in_dim3A_2198 = vector.broadcast %jit3A_2197 : f32 to vector<128x128xf32>
      %select_n3A_2199 = arith.select %gt3A_2196, %get3A_2195, %broadcast_in_dim3A_2198 : vector<128x128xi1>, vector<128x128xf32>
      %lt3A_2200 = arith.cmpf olt, %select_n3A_2199, %select_n3A_2182 : vector<128x128xf32>
      %select_n3A_2201 = arith.select %lt3A_2200, %select_n3A_2199, %select_n3A_2182 : vector<128x128xi1>, vector<128x128xf32>
      %mul3A_2202 = arith.constant 8 : i32
      %mul3A_2203 = arith.muli %scan3A_2093, %mul3A_2202 : i32
      %add3A_2204 = arith.constant 5 : i32
      %add3A_2205 = arith.addi %mul3A_2203, %add3A_2204 : i32
      %broadcast_in_dim3A_2206 = vector.broadcast %add3A_2205 : i32 to vector<128x128xi32>
      %select_n3A_2207 = arith.select %lt3A_2200, %broadcast_in_dim3A_2206, %select_n3A_2188 : vector<128x128xi1>, vector<128x128xi32>
      %mul3A_2208 = arith.constant 1024 : i32
      %mul3A_2209 = arith.muli %scan3A_2093, %mul3A_2208 : i32
      %add3A_2210 = arith.constant 768 : i32
      %add3A_2211 = arith.addi %mul3A_2209, %add3A_2210 : i32
      %get3A_2212 = arith.constant 0 : index
      %get3A_2213 = arith.index_cast %add3A_2211 : i32 to index
      %get3A_2214 = vector.load %arg5[%get3A_2212, %get3A_2213] : memref<128x10240xf32, #tpu.memory_space<vmem>>, vector<128x128xf32>
      %gt3A_2215 = arith.cmpf ogt, %get3A_2214, %broadcast_in_dim3A_1171 : vector<128x128xf32>
      %jit3A_2216 = arith.constant 3.000000e+38 : f32
      %broadcast_in_dim3A_2217 = vector.broadcast %jit3A_2216 : f32 to vector<128x128xf32>
      %select_n3A_2218 = arith.select %gt3A_2215, %get3A_2214, %broadcast_in_dim3A_2217 : vector<128x128xi1>, vector<128x128xf32>
      %lt3A_2219 = arith.cmpf olt, %select_n3A_2218, %select_n3A_2201 : vector<128x128xf32>
      %select_n3A_2220 = arith.select %lt3A_2219, %select_n3A_2218, %select_n3A_2201 : vector<128x128xi1>, vector<128x128xf32>
      %mul3A_2221 = arith.constant 8 : i32
      %mul3A_2222 = arith.muli %scan3A_2093, %mul3A_2221 : i32
      %add3A_2223 = arith.constant 6 : i32
      %add3A_2224 = arith.addi %mul3A_2222, %add3A_2223 : i32
      %broadcast_in_dim3A_2225 = vector.broadcast %add3A_2224 : i32 to vector<128x128xi32>
      %select_n3A_2226 = arith.select %lt3A_2219, %broadcast_in_dim3A_2225, %select_n3A_2207 : vector<128x128xi1>, vector<128x128xi32>
      %mul3A_2227 = arith.constant 1024 : i32
      %mul3A_2228 = arith.muli %scan3A_2093, %mul3A_2227 : i32
      %add3A_2229 = arith.constant 896 : i32
      %add3A_2230 = arith.addi %mul3A_2228, %add3A_2229 : i32
      %get3A_2231 = arith.constant 0 : index
      %get3A_2232 = arith.index_cast %add3A_2230 : i32 to index
      %get3A_2233 = vector.load %arg5[%get3A_2231, %get3A_2232] : memref<128x10240xf32, #tpu.memory_space<vmem>>, vector<128x128xf32>
      %gt3A_2234 = arith.cmpf ogt, %get3A_2233, %broadcast_in_dim3A_1171 : vector<128x128xf32>
      %jit3A_2235 = arith.constant 3.000000e+38 : f32
      %broadcast_in_dim3A_2236 = vector.broadcast %jit3A_2235 : f32 to vector<128x128xf32>
      %select_n3A_2237 = arith.select %gt3A_2234, %get3A_2233, %broadcast_in_dim3A_2236 : vector<128x128xi1>, vector<128x128xf32>
      %lt3A_2238 = arith.cmpf olt, %select_n3A_2237, %select_n3A_2220 : vector<128x128xf32>
      %select_n3A_2239 = arith.select %lt3A_2238, %select_n3A_2237, %select_n3A_2220 : vector<128x128xi1>, vector<128x128xf32>
      %mul3A_2240 = arith.constant 8 : i32
      %mul3A_2241 = arith.muli %scan3A_2093, %mul3A_2240 : i32
      %add3A_2242 = arith.constant 7 : i32
      %add3A_2243 = arith.addi %mul3A_2241, %add3A_2242 : i32
      %broadcast_in_dim3A_2244 = vector.broadcast %add3A_2243 : i32 to vector<128x128xi32>
      %select_n3A_2245 = arith.select %lt3A_2238, %broadcast_in_dim3A_2244, %select_n3A_2226 : vector<128x128xi1>, vector<128x128xi32>
      %scan3A_2246 = arith.constant 7 : i32
      %mul3A_2247 = arith.constant 1024 : i32
      %mul3A_2248 = arith.muli %scan3A_2246, %mul3A_2247 : i32
      %add3A_2249 = arith.constant 0 : i32
      %add3A_2250 = arith.addi %mul3A_2248, %add3A_2249 : i32
      %get3A_2251 = arith.constant 0 : index
      %get3A_2252 = arith.index_cast %add3A_2250 : i32 to index
      %get3A_2253 = vector.load %arg5[%get3A_2251, %get3A_2252] : memref<128x10240xf32, #tpu.memory_space<vmem>>, vector<128x128xf32>
      %gt3A_2254 = arith.cmpf ogt, %get3A_2253, %broadcast_in_dim3A_1171 : vector<128x128xf32>
      %jit3A_2255 = arith.constant 3.000000e+38 : f32
      %broadcast_in_dim3A_2256 = vector.broadcast %jit3A_2255 : f32 to vector<128x128xf32>
      %select_n3A_2257 = arith.select %gt3A_2254, %get3A_2253, %broadcast_in_dim3A_2256 : vector<128x128xi1>, vector<128x128xf32>
      %lt3A_2258 = arith.cmpf olt, %select_n3A_2257, %select_n3A_2239 : vector<128x128xf32>
      %select_n3A_2259 = arith.select %lt3A_2258, %select_n3A_2257, %select_n3A_2239 : vector<128x128xi1>, vector<128x128xf32>
      %mul3A_2260 = arith.constant 8 : i32
      %mul3A_2261 = arith.muli %scan3A_2246, %mul3A_2260 : i32
      %add3A_2262 = arith.constant 0 : i32
      %add3A_2263 = arith.addi %mul3A_2261, %add3A_2262 : i32
      %broadcast_in_dim3A_2264 = vector.broadcast %add3A_2263 : i32 to vector<128x128xi32>
      %select_n3A_2265 = arith.select %lt3A_2258, %broadcast_in_dim3A_2264, %select_n3A_2245 : vector<128x128xi1>, vector<128x128xi32>
      %mul3A_2266 = arith.constant 1024 : i32
      %mul3A_2267 = arith.muli %scan3A_2246, %mul3A_2266 : i32
      %add3A_2268 = arith.constant 128 : i32
      %add3A_2269 = arith.addi %mul3A_2267, %add3A_2268 : i32
      %get3A_2270 = arith.constant 0 : index
      %get3A_2271 = arith.index_cast %add3A_2269 : i32 to index
      %get3A_2272 = vector.load %arg5[%get3A_2270, %get3A_2271] : memref<128x10240xf32, #tpu.memory_space<vmem>>, vector<128x128xf32>
      %gt3A_2273 = arith.cmpf ogt, %get3A_2272, %broadcast_in_dim3A_1171 : vector<128x128xf32>
      %jit3A_2274 = arith.constant 3.000000e+38 : f32
      %broadcast_in_dim3A_2275 = vector.broadcast %jit3A_2274 : f32 to vector<128x128xf32>
      %select_n3A_2276 = arith.select %gt3A_2273, %get3A_2272, %broadcast_in_dim3A_2275 : vector<128x128xi1>, vector<128x128xf32>
      %lt3A_2277 = arith.cmpf olt, %select_n3A_2276, %select_n3A_2259 : vector<128x128xf32>
      %select_n3A_2278 = arith.select %lt3A_2277, %select_n3A_2276, %select_n3A_2259 : vector<128x128xi1>, vector<128x128xf32>
      %mul3A_2279 = arith.constant 8 : i32
      %mul3A_2280 = arith.muli %scan3A_2246, %mul3A_2279 : i32
      %add3A_2281 = arith.constant 1 : i32
      %add3A_2282 = arith.addi %mul3A_2280, %add3A_2281 : i32
      %broadcast_in_dim3A_2283 = vector.broadcast %add3A_2282 : i32 to vector<128x128xi32>
      %select_n3A_2284 = arith.select %lt3A_2277, %broadcast_in_dim3A_2283, %select_n3A_2265 : vector<128x128xi1>, vector<128x128xi32>
      %mul3A_2285 = arith.constant 1024 : i32
      %mul3A_2286 = arith.muli %scan3A_2246, %mul3A_2285 : i32
      %add3A_2287 = arith.constant 256 : i32
      %add3A_2288 = arith.addi %mul3A_2286, %add3A_2287 : i32
      %get3A_2289 = arith.constant 0 : index
      %get3A_2290 = arith.index_cast %add3A_2288 : i32 to index
      %get3A_2291 = vector.load %arg5[%get3A_2289, %get3A_2290] : memref<128x10240xf32, #tpu.memory_space<vmem>>, vector<128x128xf32>
      %gt3A_2292 = arith.cmpf ogt, %get3A_2291, %broadcast_in_dim3A_1171 : vector<128x128xf32>
      %jit3A_2293 = arith.constant 3.000000e+38 : f32
      %broadcast_in_dim3A_2294 = vector.broadcast %jit3A_2293 : f32 to vector<128x128xf32>
      %select_n3A_2295 = arith.select %gt3A_2292, %get3A_2291, %broadcast_in_dim3A_2294 : vector<128x128xi1>, vector<128x128xf32>
      %lt3A_2296 = arith.cmpf olt, %select_n3A_2295, %select_n3A_2278 : vector<128x128xf32>
      %select_n3A_2297 = arith.select %lt3A_2296, %select_n3A_2295, %select_n3A_2278 : vector<128x128xi1>, vector<128x128xf32>
      %mul3A_2298 = arith.constant 8 : i32
      %mul3A_2299 = arith.muli %scan3A_2246, %mul3A_2298 : i32
      %add3A_2300 = arith.constant 2 : i32
      %add3A_2301 = arith.addi %mul3A_2299, %add3A_2300 : i32
      %broadcast_in_dim3A_2302 = vector.broadcast %add3A_2301 : i32 to vector<128x128xi32>
      %select_n3A_2303 = arith.select %lt3A_2296, %broadcast_in_dim3A_2302, %select_n3A_2284 : vector<128x128xi1>, vector<128x128xi32>
      %mul3A_2304 = arith.constant 1024 : i32
      %mul3A_2305 = arith.muli %scan3A_2246, %mul3A_2304 : i32
      %add3A_2306 = arith.constant 384 : i32
      %add3A_2307 = arith.addi %mul3A_2305, %add3A_2306 : i32
      %get3A_2308 = arith.constant 0 : index
      %get3A_2309 = arith.index_cast %add3A_2307 : i32 to index
      %get3A_2310 = vector.load %arg5[%get3A_2308, %get3A_2309] : memref<128x10240xf32, #tpu.memory_space<vmem>>, vector<128x128xf32>
      %gt3A_2311 = arith.cmpf ogt, %get3A_2310, %broadcast_in_dim3A_1171 : vector<128x128xf32>
      %jit3A_2312 = arith.constant 3.000000e+38 : f32
      %broadcast_in_dim3A_2313 = vector.broadcast %jit3A_2312 : f32 to vector<128x128xf32>
      %select_n3A_2314 = arith.select %gt3A_2311, %get3A_2310, %broadcast_in_dim3A_2313 : vector<128x128xi1>, vector<128x128xf32>
      %lt3A_2315 = arith.cmpf olt, %select_n3A_2314, %select_n3A_2297 : vector<128x128xf32>
      %select_n3A_2316 = arith.select %lt3A_2315, %select_n3A_2314, %select_n3A_2297 : vector<128x128xi1>, vector<128x128xf32>
      %mul3A_2317 = arith.constant 8 : i32
      %mul3A_2318 = arith.muli %scan3A_2246, %mul3A_2317 : i32
      %add3A_2319 = arith.constant 3 : i32
      %add3A_2320 = arith.addi %mul3A_2318, %add3A_2319 : i32
      %broadcast_in_dim3A_2321 = vector.broadcast %add3A_2320 : i32 to vector<128x128xi32>
      %select_n3A_2322 = arith.select %lt3A_2315, %broadcast_in_dim3A_2321, %select_n3A_2303 : vector<128x128xi1>, vector<128x128xi32>
      %mul3A_2323 = arith.constant 1024 : i32
      %mul3A_2324 = arith.muli %scan3A_2246, %mul3A_2323 : i32
      %add3A_2325 = arith.constant 512 : i32
      %add3A_2326 = arith.addi %mul3A_2324, %add3A_2325 : i32
      %get3A_2327 = arith.constant 0 : index
      %get3A_2328 = arith.index_cast %add3A_2326 : i32 to index
      %get3A_2329 = vector.load %arg5[%get3A_2327, %get3A_2328] : memref<128x10240xf32, #tpu.memory_space<vmem>>, vector<128x128xf32>
      %gt3A_2330 = arith.cmpf ogt, %get3A_2329, %broadcast_in_dim3A_1171 : vector<128x128xf32>
      %jit3A_2331 = arith.constant 3.000000e+38 : f32
      %broadcast_in_dim3A_2332 = vector.broadcast %jit3A_2331 : f32 to vector<128x128xf32>
      %select_n3A_2333 = arith.select %gt3A_2330, %get3A_2329, %broadcast_in_dim3A_2332 : vector<128x128xi1>, vector<128x128xf32>
      %lt3A_2334 = arith.cmpf olt, %select_n3A_2333, %select_n3A_2316 : vector<128x128xf32>
      %select_n3A_2335 = arith.select %lt3A_2334, %select_n3A_2333, %select_n3A_2316 : vector<128x128xi1>, vector<128x128xf32>
      %mul3A_2336 = arith.constant 8 : i32
      %mul3A_2337 = arith.muli %scan3A_2246, %mul3A_2336 : i32
      %add3A_2338 = arith.constant 4 : i32
      %add3A_2339 = arith.addi %mul3A_2337, %add3A_2338 : i32
      %broadcast_in_dim3A_2340 = vector.broadcast %add3A_2339 : i32 to vector<128x128xi32>
      %select_n3A_2341 = arith.select %lt3A_2334, %broadcast_in_dim3A_2340, %select_n3A_2322 : vector<128x128xi1>, vector<128x128xi32>
      %mul3A_2342 = arith.constant 1024 : i32
      %mul3A_2343 = arith.muli %scan3A_2246, %mul3A_2342 : i32
      %add3A_2344 = arith.constant 640 : i32
      %add3A_2345 = arith.addi %mul3A_2343, %add3A_2344 : i32
      %get3A_2346 = arith.constant 0 : index
      %get3A_2347 = arith.index_cast %add3A_2345 : i32 to index
      %get3A_2348 = vector.load %arg5[%get3A_2346, %get3A_2347] : memref<128x10240xf32, #tpu.memory_space<vmem>>, vector<128x128xf32>
      %gt3A_2349 = arith.cmpf ogt, %get3A_2348, %broadcast_in_dim3A_1171 : vector<128x128xf32>
      %jit3A_2350 = arith.constant 3.000000e+38 : f32
      %broadcast_in_dim3A_2351 = vector.broadcast %jit3A_2350 : f32 to vector<128x128xf32>
      %select_n3A_2352 = arith.select %gt3A_2349, %get3A_2348, %broadcast_in_dim3A_2351 : vector<128x128xi1>, vector<128x128xf32>
      %lt3A_2353 = arith.cmpf olt, %select_n3A_2352, %select_n3A_2335 : vector<128x128xf32>
      %select_n3A_2354 = arith.select %lt3A_2353, %select_n3A_2352, %select_n3A_2335 : vector<128x128xi1>, vector<128x128xf32>
      %mul3A_2355 = arith.constant 8 : i32
      %mul3A_2356 = arith.muli %scan3A_2246, %mul3A_2355 : i32
      %add3A_2357 = arith.constant 5 : i32
      %add3A_2358 = arith.addi %mul3A_2356, %add3A_2357 : i32
      %broadcast_in_dim3A_2359 = vector.broadcast %add3A_2358 : i32 to vector<128x128xi32>
      %select_n3A_2360 = arith.select %lt3A_2353, %broadcast_in_dim3A_2359, %select_n3A_2341 : vector<128x128xi1>, vector<128x128xi32>
      %mul3A_2361 = arith.constant 1024 : i32
      %mul3A_2362 = arith.muli %scan3A_2246, %mul3A_2361 : i32
      %add3A_2363 = arith.constant 768 : i32
      %add3A_2364 = arith.addi %mul3A_2362, %add3A_2363 : i32
      %get3A_2365 = arith.constant 0 : index
      %get3A_2366 = arith.index_cast %add3A_2364 : i32 to index
      %get3A_2367 = vector.load %arg5[%get3A_2365, %get3A_2366] : memref<128x10240xf32, #tpu.memory_space<vmem>>, vector<128x128xf32>
      %gt3A_2368 = arith.cmpf ogt, %get3A_2367, %broadcast_in_dim3A_1171 : vector<128x128xf32>
      %jit3A_2369 = arith.constant 3.000000e+38 : f32
      %broadcast_in_dim3A_2370 = vector.broadcast %jit3A_2369 : f32 to vector<128x128xf32>
      %select_n3A_2371 = arith.select %gt3A_2368, %get3A_2367, %broadcast_in_dim3A_2370 : vector<128x128xi1>, vector<128x128xf32>
      %lt3A_2372 = arith.cmpf olt, %select_n3A_2371, %select_n3A_2354 : vector<128x128xf32>
      %select_n3A_2373 = arith.select %lt3A_2372, %select_n3A_2371, %select_n3A_2354 : vector<128x128xi1>, vector<128x128xf32>
      %mul3A_2374 = arith.constant 8 : i32
      %mul3A_2375 = arith.muli %scan3A_2246, %mul3A_2374 : i32
      %add3A_2376 = arith.constant 6 : i32
      %add3A_2377 = arith.addi %mul3A_2375, %add3A_2376 : i32
      %broadcast_in_dim3A_2378 = vector.broadcast %add3A_2377 : i32 to vector<128x128xi32>
      %select_n3A_2379 = arith.select %lt3A_2372, %broadcast_in_dim3A_2378, %select_n3A_2360 : vector<128x128xi1>, vector<128x128xi32>
      %mul3A_2380 = arith.constant 1024 : i32
      %mul3A_2381 = arith.muli %scan3A_2246, %mul3A_2380 : i32
      %add3A_2382 = arith.constant 896 : i32
      %add3A_2383 = arith.addi %mul3A_2381, %add3A_2382 : i32
      %get3A_2384 = arith.constant 0 : index
      %get3A_2385 = arith.index_cast %add3A_2383 : i32 to index
      %get3A_2386 = vector.load %arg5[%get3A_2384, %get3A_2385] : memref<128x10240xf32, #tpu.memory_space<vmem>>, vector<128x128xf32>
      %gt3A_2387 = arith.cmpf ogt, %get3A_2386, %broadcast_in_dim3A_1171 : vector<128x128xf32>
      %jit3A_2388 = arith.constant 3.000000e+38 : f32
      %broadcast_in_dim3A_2389 = vector.broadcast %jit3A_2388 : f32 to vector<128x128xf32>
      %select_n3A_2390 = arith.select %gt3A_2387, %get3A_2386, %broadcast_in_dim3A_2389 : vector<128x128xi1>, vector<128x128xf32>
      %lt3A_2391 = arith.cmpf olt, %select_n3A_2390, %select_n3A_2373 : vector<128x128xf32>
      %select_n3A_2392 = arith.select %lt3A_2391, %select_n3A_2390, %select_n3A_2373 : vector<128x128xi1>, vector<128x128xf32>
      %mul3A_2393 = arith.constant 8 : i32
      %mul3A_2394 = arith.muli %scan3A_2246, %mul3A_2393 : i32
      %add3A_2395 = arith.constant 7 : i32
      %add3A_2396 = arith.addi %mul3A_2394, %add3A_2395 : i32
      %broadcast_in_dim3A_2397 = vector.broadcast %add3A_2396 : i32 to vector<128x128xi32>
      %select_n3A_2398 = arith.select %lt3A_2391, %broadcast_in_dim3A_2397, %select_n3A_2379 : vector<128x128xi1>, vector<128x128xi32>
      %scan3A_2399 = arith.constant 8 : i32
      %mul3A_2400 = arith.constant 1024 : i32
      %mul3A_2401 = arith.muli %scan3A_2399, %mul3A_2400 : i32
      %add3A_2402 = arith.constant 0 : i32
      %add3A_2403 = arith.addi %mul3A_2401, %add3A_2402 : i32
      %get3A_2404 = arith.constant 0 : index
      %get3A_2405 = arith.index_cast %add3A_2403 : i32 to index
      %get3A_2406 = vector.load %arg5[%get3A_2404, %get3A_2405] : memref<128x10240xf32, #tpu.memory_space<vmem>>, vector<128x128xf32>
      %gt3A_2407 = arith.cmpf ogt, %get3A_2406, %broadcast_in_dim3A_1171 : vector<128x128xf32>
      %jit3A_2408 = arith.constant 3.000000e+38 : f32
      %broadcast_in_dim3A_2409 = vector.broadcast %jit3A_2408 : f32 to vector<128x128xf32>
      %select_n3A_2410 = arith.select %gt3A_2407, %get3A_2406, %broadcast_in_dim3A_2409 : vector<128x128xi1>, vector<128x128xf32>
      %lt3A_2411 = arith.cmpf olt, %select_n3A_2410, %select_n3A_2392 : vector<128x128xf32>
      %select_n3A_2412 = arith.select %lt3A_2411, %select_n3A_2410, %select_n3A_2392 : vector<128x128xi1>, vector<128x128xf32>
      %mul3A_2413 = arith.constant 8 : i32
      %mul3A_2414 = arith.muli %scan3A_2399, %mul3A_2413 : i32
      %add3A_2415 = arith.constant 0 : i32
      %add3A_2416 = arith.addi %mul3A_2414, %add3A_2415 : i32
      %broadcast_in_dim3A_2417 = vector.broadcast %add3A_2416 : i32 to vector<128x128xi32>
      %select_n3A_2418 = arith.select %lt3A_2411, %broadcast_in_dim3A_2417, %select_n3A_2398 : vector<128x128xi1>, vector<128x128xi32>
      %mul3A_2419 = arith.constant 1024 : i32
      %mul3A_2420 = arith.muli %scan3A_2399, %mul3A_2419 : i32
      %add3A_2421 = arith.constant 128 : i32
      %add3A_2422 = arith.addi %mul3A_2420, %add3A_2421 : i32
      %get3A_2423 = arith.constant 0 : index
      %get3A_2424 = arith.index_cast %add3A_2422 : i32 to index
      %get3A_2425 = vector.load %arg5[%get3A_2423, %get3A_2424] : memref<128x10240xf32, #tpu.memory_space<vmem>>, vector<128x128xf32>
      %gt3A_2426 = arith.cmpf ogt, %get3A_2425, %broadcast_in_dim3A_1171 : vector<128x128xf32>
      %jit3A_2427 = arith.constant 3.000000e+38 : f32
      %broadcast_in_dim3A_2428 = vector.broadcast %jit3A_2427 : f32 to vector<128x128xf32>
      %select_n3A_2429 = arith.select %gt3A_2426, %get3A_2425, %broadcast_in_dim3A_2428 : vector<128x128xi1>, vector<128x128xf32>
      %lt3A_2430 = arith.cmpf olt, %select_n3A_2429, %select_n3A_2412 : vector<128x128xf32>
      %select_n3A_2431 = arith.select %lt3A_2430, %select_n3A_2429, %select_n3A_2412 : vector<128x128xi1>, vector<128x128xf32>
      %mul3A_2432 = arith.constant 8 : i32
      %mul3A_2433 = arith.muli %scan3A_2399, %mul3A_2432 : i32
      %add3A_2434 = arith.constant 1 : i32
      %add3A_2435 = arith.addi %mul3A_2433, %add3A_2434 : i32
      %broadcast_in_dim3A_2436 = vector.broadcast %add3A_2435 : i32 to vector<128x128xi32>
      %select_n3A_2437 = arith.select %lt3A_2430, %broadcast_in_dim3A_2436, %select_n3A_2418 : vector<128x128xi1>, vector<128x128xi32>
      %mul3A_2438 = arith.constant 1024 : i32
      %mul3A_2439 = arith.muli %scan3A_2399, %mul3A_2438 : i32
      %add3A_2440 = arith.constant 256 : i32
      %add3A_2441 = arith.addi %mul3A_2439, %add3A_2440 : i32
      %get3A_2442 = arith.constant 0 : index
      %get3A_2443 = arith.index_cast %add3A_2441 : i32 to index
      %get3A_2444 = vector.load %arg5[%get3A_2442, %get3A_2443] : memref<128x10240xf32, #tpu.memory_space<vmem>>, vector<128x128xf32>
      %gt3A_2445 = arith.cmpf ogt, %get3A_2444, %broadcast_in_dim3A_1171 : vector<128x128xf32>
      %jit3A_2446 = arith.constant 3.000000e+38 : f32
      %broadcast_in_dim3A_2447 = vector.broadcast %jit3A_2446 : f32 to vector<128x128xf32>
      %select_n3A_2448 = arith.select %gt3A_2445, %get3A_2444, %broadcast_in_dim3A_2447 : vector<128x128xi1>, vector<128x128xf32>
      %lt3A_2449 = arith.cmpf olt, %select_n3A_2448, %select_n3A_2431 : vector<128x128xf32>
      %select_n3A_2450 = arith.select %lt3A_2449, %select_n3A_2448, %select_n3A_2431 : vector<128x128xi1>, vector<128x128xf32>
      %mul3A_2451 = arith.constant 8 : i32
      %mul3A_2452 = arith.muli %scan3A_2399, %mul3A_2451 : i32
      %add3A_2453 = arith.constant 2 : i32
      %add3A_2454 = arith.addi %mul3A_2452, %add3A_2453 : i32
      %broadcast_in_dim3A_2455 = vector.broadcast %add3A_2454 : i32 to vector<128x128xi32>
      %select_n3A_2456 = arith.select %lt3A_2449, %broadcast_in_dim3A_2455, %select_n3A_2437 : vector<128x128xi1>, vector<128x128xi32>
      %mul3A_2457 = arith.constant 1024 : i32
      %mul3A_2458 = arith.muli %scan3A_2399, %mul3A_2457 : i32
      %add3A_2459 = arith.constant 384 : i32
      %add3A_2460 = arith.addi %mul3A_2458, %add3A_2459 : i32
      %get3A_2461 = arith.constant 0 : index
      %get3A_2462 = arith.index_cast %add3A_2460 : i32 to index
      %get3A_2463 = vector.load %arg5[%get3A_2461, %get3A_2462] : memref<128x10240xf32, #tpu.memory_space<vmem>>, vector<128x128xf32>
      %gt3A_2464 = arith.cmpf ogt, %get3A_2463, %broadcast_in_dim3A_1171 : vector<128x128xf32>
      %jit3A_2465 = arith.constant 3.000000e+38 : f32
      %broadcast_in_dim3A_2466 = vector.broadcast %jit3A_2465 : f32 to vector<128x128xf32>
      %select_n3A_2467 = arith.select %gt3A_2464, %get3A_2463, %broadcast_in_dim3A_2466 : vector<128x128xi1>, vector<128x128xf32>
      %lt3A_2468 = arith.cmpf olt, %select_n3A_2467, %select_n3A_2450 : vector<128x128xf32>
      %select_n3A_2469 = arith.select %lt3A_2468, %select_n3A_2467, %select_n3A_2450 : vector<128x128xi1>, vector<128x128xf32>
      %mul3A_2470 = arith.constant 8 : i32
      %mul3A_2471 = arith.muli %scan3A_2399, %mul3A_2470 : i32
      %add3A_2472 = arith.constant 3 : i32
      %add3A_2473 = arith.addi %mul3A_2471, %add3A_2472 : i32
      %broadcast_in_dim3A_2474 = vector.broadcast %add3A_2473 : i32 to vector<128x128xi32>
      %select_n3A_2475 = arith.select %lt3A_2468, %broadcast_in_dim3A_2474, %select_n3A_2456 : vector<128x128xi1>, vector<128x128xi32>
      %mul3A_2476 = arith.constant 1024 : i32
      %mul3A_2477 = arith.muli %scan3A_2399, %mul3A_2476 : i32
      %add3A_2478 = arith.constant 512 : i32
      %add3A_2479 = arith.addi %mul3A_2477, %add3A_2478 : i32
      %get3A_2480 = arith.constant 0 : index
      %get3A_2481 = arith.index_cast %add3A_2479 : i32 to index
      %get3A_2482 = vector.load %arg5[%get3A_2480, %get3A_2481] : memref<128x10240xf32, #tpu.memory_space<vmem>>, vector<128x128xf32>
      %gt3A_2483 = arith.cmpf ogt, %get3A_2482, %broadcast_in_dim3A_1171 : vector<128x128xf32>
      %jit3A_2484 = arith.constant 3.000000e+38 : f32
      %broadcast_in_dim3A_2485 = vector.broadcast %jit3A_2484 : f32 to vector<128x128xf32>
      %select_n3A_2486 = arith.select %gt3A_2483, %get3A_2482, %broadcast_in_dim3A_2485 : vector<128x128xi1>, vector<128x128xf32>
      %lt3A_2487 = arith.cmpf olt, %select_n3A_2486, %select_n3A_2469 : vector<128x128xf32>
      %select_n3A_2488 = arith.select %lt3A_2487, %select_n3A_2486, %select_n3A_2469 : vector<128x128xi1>, vector<128x128xf32>
      %mul3A_2489 = arith.constant 8 : i32
      %mul3A_2490 = arith.muli %scan3A_2399, %mul3A_2489 : i32
      %add3A_2491 = arith.constant 4 : i32
      %add3A_2492 = arith.addi %mul3A_2490, %add3A_2491 : i32
      %broadcast_in_dim3A_2493 = vector.broadcast %add3A_2492 : i32 to vector<128x128xi32>
      %select_n3A_2494 = arith.select %lt3A_2487, %broadcast_in_dim3A_2493, %select_n3A_2475 : vector<128x128xi1>, vector<128x128xi32>
      %mul3A_2495 = arith.constant 1024 : i32
      %mul3A_2496 = arith.muli %scan3A_2399, %mul3A_2495 : i32
      %add3A_2497 = arith.constant 640 : i32
      %add3A_2498 = arith.addi %mul3A_2496, %add3A_2497 : i32
      %get3A_2499 = arith.constant 0 : index
      %get3A_2500 = arith.index_cast %add3A_2498 : i32 to index
      %get3A_2501 = vector.load %arg5[%get3A_2499, %get3A_2500] : memref<128x10240xf32, #tpu.memory_space<vmem>>, vector<128x128xf32>
      %gt3A_2502 = arith.cmpf ogt, %get3A_2501, %broadcast_in_dim3A_1171 : vector<128x128xf32>
      %jit3A_2503 = arith.constant 3.000000e+38 : f32
      %broadcast_in_dim3A_2504 = vector.broadcast %jit3A_2503 : f32 to vector<128x128xf32>
      %select_n3A_2505 = arith.select %gt3A_2502, %get3A_2501, %broadcast_in_dim3A_2504 : vector<128x128xi1>, vector<128x128xf32>
      %lt3A_2506 = arith.cmpf olt, %select_n3A_2505, %select_n3A_2488 : vector<128x128xf32>
      %select_n3A_2507 = arith.select %lt3A_2506, %select_n3A_2505, %select_n3A_2488 : vector<128x128xi1>, vector<128x128xf32>
      %mul3A_2508 = arith.constant 8 : i32
      %mul3A_2509 = arith.muli %scan3A_2399, %mul3A_2508 : i32
      %add3A_2510 = arith.constant 5 : i32
      %add3A_2511 = arith.addi %mul3A_2509, %add3A_2510 : i32
      %broadcast_in_dim3A_2512 = vector.broadcast %add3A_2511 : i32 to vector<128x128xi32>
      %select_n3A_2513 = arith.select %lt3A_2506, %broadcast_in_dim3A_2512, %select_n3A_2494 : vector<128x128xi1>, vector<128x128xi32>
      %mul3A_2514 = arith.constant 1024 : i32
      %mul3A_2515 = arith.muli %scan3A_2399, %mul3A_2514 : i32
      %add3A_2516 = arith.constant 768 : i32
      %add3A_2517 = arith.addi %mul3A_2515, %add3A_2516 : i32
      %get3A_2518 = arith.constant 0 : index
      %get3A_2519 = arith.index_cast %add3A_2517 : i32 to index
      %get3A_2520 = vector.load %arg5[%get3A_2518, %get3A_2519] : memref<128x10240xf32, #tpu.memory_space<vmem>>, vector<128x128xf32>
      %gt3A_2521 = arith.cmpf ogt, %get3A_2520, %broadcast_in_dim3A_1171 : vector<128x128xf32>
      %jit3A_2522 = arith.constant 3.000000e+38 : f32
      %broadcast_in_dim3A_2523 = vector.broadcast %jit3A_2522 : f32 to vector<128x128xf32>
      %select_n3A_2524 = arith.select %gt3A_2521, %get3A_2520, %broadcast_in_dim3A_2523 : vector<128x128xi1>, vector<128x128xf32>
      %lt3A_2525 = arith.cmpf olt, %select_n3A_2524, %select_n3A_2507 : vector<128x128xf32>
      %select_n3A_2526 = arith.select %lt3A_2525, %select_n3A_2524, %select_n3A_2507 : vector<128x128xi1>, vector<128x128xf32>
      %mul3A_2527 = arith.constant 8 : i32
      %mul3A_2528 = arith.muli %scan3A_2399, %mul3A_2527 : i32
      %add3A_2529 = arith.constant 6 : i32
      %add3A_2530 = arith.addi %mul3A_2528, %add3A_2529 : i32
      %broadcast_in_dim3A_2531 = vector.broadcast %add3A_2530 : i32 to vector<128x128xi32>
      %select_n3A_2532 = arith.select %lt3A_2525, %broadcast_in_dim3A_2531, %select_n3A_2513 : vector<128x128xi1>, vector<128x128xi32>
      %mul3A_2533 = arith.constant 1024 : i32
      %mul3A_2534 = arith.muli %scan3A_2399, %mul3A_2533 : i32
      %add3A_2535 = arith.constant 896 : i32
      %add3A_2536 = arith.addi %mul3A_2534, %add3A_2535 : i32
      %get3A_2537 = arith.constant 0 : index
      %get3A_2538 = arith.index_cast %add3A_2536 : i32 to index
      %get3A_2539 = vector.load %arg5[%get3A_2537, %get3A_2538] : memref<128x10240xf32, #tpu.memory_space<vmem>>, vector<128x128xf32>
      %gt3A_2540 = arith.cmpf ogt, %get3A_2539, %broadcast_in_dim3A_1171 : vector<128x128xf32>
      %jit3A_2541 = arith.constant 3.000000e+38 : f32
      %broadcast_in_dim3A_2542 = vector.broadcast %jit3A_2541 : f32 to vector<128x128xf32>
      %select_n3A_2543 = arith.select %gt3A_2540, %get3A_2539, %broadcast_in_dim3A_2542 : vector<128x128xi1>, vector<128x128xf32>
      %lt3A_2544 = arith.cmpf olt, %select_n3A_2543, %select_n3A_2526 : vector<128x128xf32>
      %select_n3A_2545 = arith.select %lt3A_2544, %select_n3A_2543, %select_n3A_2526 : vector<128x128xi1>, vector<128x128xf32>
      %mul3A_2546 = arith.constant 8 : i32
      %mul3A_2547 = arith.muli %scan3A_2399, %mul3A_2546 : i32
      %add3A_2548 = arith.constant 7 : i32
      %add3A_2549 = arith.addi %mul3A_2547, %add3A_2548 : i32
      %broadcast_in_dim3A_2550 = vector.broadcast %add3A_2549 : i32 to vector<128x128xi32>
      %select_n3A_2551 = arith.select %lt3A_2544, %broadcast_in_dim3A_2550, %select_n3A_2532 : vector<128x128xi1>, vector<128x128xi32>
      %scan3A_2552 = arith.constant 9 : i32
      %mul3A_2553 = arith.constant 1024 : i32
      %mul3A_2554 = arith.muli %scan3A_2552, %mul3A_2553 : i32
      %add3A_2555 = arith.constant 0 : i32
      %add3A_2556 = arith.addi %mul3A_2554, %add3A_2555 : i32
      %get3A_2557 = arith.constant 0 : index
      %get3A_2558 = arith.index_cast %add3A_2556 : i32 to index
      %get3A_2559 = vector.load %arg5[%get3A_2557, %get3A_2558] : memref<128x10240xf32, #tpu.memory_space<vmem>>, vector<128x128xf32>
      %gt3A_2560 = arith.cmpf ogt, %get3A_2559, %broadcast_in_dim3A_1171 : vector<128x128xf32>
      %jit3A_2561 = arith.constant 3.000000e+38 : f32
      %broadcast_in_dim3A_2562 = vector.broadcast %jit3A_2561 : f32 to vector<128x128xf32>
      %select_n3A_2563 = arith.select %gt3A_2560, %get3A_2559, %broadcast_in_dim3A_2562 : vector<128x128xi1>, vector<128x128xf32>
      %lt3A_2564 = arith.cmpf olt, %select_n3A_2563, %select_n3A_2545 : vector<128x128xf32>
      %select_n3A_2565 = arith.select %lt3A_2564, %select_n3A_2563, %select_n3A_2545 : vector<128x128xi1>, vector<128x128xf32>
      %mul3A_2566 = arith.constant 8 : i32
      %mul3A_2567 = arith.muli %scan3A_2552, %mul3A_2566 : i32
      %add3A_2568 = arith.constant 0 : i32
      %add3A_2569 = arith.addi %mul3A_2567, %add3A_2568 : i32
      %broadcast_in_dim3A_2570 = vector.broadcast %add3A_2569 : i32 to vector<128x128xi32>
      %select_n3A_2571 = arith.select %lt3A_2564, %broadcast_in_dim3A_2570, %select_n3A_2551 : vector<128x128xi1>, vector<128x128xi32>
      %mul3A_2572 = arith.constant 1024 : i32
      %mul3A_2573 = arith.muli %scan3A_2552, %mul3A_2572 : i32
      %add3A_2574 = arith.constant 128 : i32
      %add3A_2575 = arith.addi %mul3A_2573, %add3A_2574 : i32
      %get3A_2576 = arith.constant 0 : index
      %get3A_2577 = arith.index_cast %add3A_2575 : i32 to index
      %get3A_2578 = vector.load %arg5[%get3A_2576, %get3A_2577] : memref<128x10240xf32, #tpu.memory_space<vmem>>, vector<128x128xf32>
      %gt3A_2579 = arith.cmpf ogt, %get3A_2578, %broadcast_in_dim3A_1171 : vector<128x128xf32>
      %jit3A_2580 = arith.constant 3.000000e+38 : f32
      %broadcast_in_dim3A_2581 = vector.broadcast %jit3A_2580 : f32 to vector<128x128xf32>
      %select_n3A_2582 = arith.select %gt3A_2579, %get3A_2578, %broadcast_in_dim3A_2581 : vector<128x128xi1>, vector<128x128xf32>
      %lt3A_2583 = arith.cmpf olt, %select_n3A_2582, %select_n3A_2565 : vector<128x128xf32>
      %select_n3A_2584 = arith.select %lt3A_2583, %select_n3A_2582, %select_n3A_2565 : vector<128x128xi1>, vector<128x128xf32>
      %mul3A_2585 = arith.constant 8 : i32
      %mul3A_2586 = arith.muli %scan3A_2552, %mul3A_2585 : i32
      %add3A_2587 = arith.constant 1 : i32
      %add3A_2588 = arith.addi %mul3A_2586, %add3A_2587 : i32
      %broadcast_in_dim3A_2589 = vector.broadcast %add3A_2588 : i32 to vector<128x128xi32>
      %select_n3A_2590 = arith.select %lt3A_2583, %broadcast_in_dim3A_2589, %select_n3A_2571 : vector<128x128xi1>, vector<128x128xi32>
      %mul3A_2591 = arith.constant 1024 : i32
      %mul3A_2592 = arith.muli %scan3A_2552, %mul3A_2591 : i32
      %add3A_2593 = arith.constant 256 : i32
      %add3A_2594 = arith.addi %mul3A_2592, %add3A_2593 : i32
      %get3A_2595 = arith.constant 0 : index
      %get3A_2596 = arith.index_cast %add3A_2594 : i32 to index
      %get3A_2597 = vector.load %arg5[%get3A_2595, %get3A_2596] : memref<128x10240xf32, #tpu.memory_space<vmem>>, vector<128x128xf32>
      %gt3A_2598 = arith.cmpf ogt, %get3A_2597, %broadcast_in_dim3A_1171 : vector<128x128xf32>
      %jit3A_2599 = arith.constant 3.000000e+38 : f32
      %broadcast_in_dim3A_2600 = vector.broadcast %jit3A_2599 : f32 to vector<128x128xf32>
      %select_n3A_2601 = arith.select %gt3A_2598, %get3A_2597, %broadcast_in_dim3A_2600 : vector<128x128xi1>, vector<128x128xf32>
      %lt3A_2602 = arith.cmpf olt, %select_n3A_2601, %select_n3A_2584 : vector<128x128xf32>
      %select_n3A_2603 = arith.select %lt3A_2602, %select_n3A_2601, %select_n3A_2584 : vector<128x128xi1>, vector<128x128xf32>
      %mul3A_2604 = arith.constant 8 : i32
      %mul3A_2605 = arith.muli %scan3A_2552, %mul3A_2604 : i32
      %add3A_2606 = arith.constant 2 : i32
      %add3A_2607 = arith.addi %mul3A_2605, %add3A_2606 : i32
      %broadcast_in_dim3A_2608 = vector.broadcast %add3A_2607 : i32 to vector<128x128xi32>
      %select_n3A_2609 = arith.select %lt3A_2602, %broadcast_in_dim3A_2608, %select_n3A_2590 : vector<128x128xi1>, vector<128x128xi32>
      %mul3A_2610 = arith.constant 1024 : i32
      %mul3A_2611 = arith.muli %scan3A_2552, %mul3A_2610 : i32
      %add3A_2612 = arith.constant 384 : i32
      %add3A_2613 = arith.addi %mul3A_2611, %add3A_2612 : i32
      %get3A_2614 = arith.constant 0 : index
      %get3A_2615 = arith.index_cast %add3A_2613 : i32 to index
      %get3A_2616 = vector.load %arg5[%get3A_2614, %get3A_2615] : memref<128x10240xf32, #tpu.memory_space<vmem>>, vector<128x128xf32>
      %gt3A_2617 = arith.cmpf ogt, %get3A_2616, %broadcast_in_dim3A_1171 : vector<128x128xf32>
      %jit3A_2618 = arith.constant 3.000000e+38 : f32
      %broadcast_in_dim3A_2619 = vector.broadcast %jit3A_2618 : f32 to vector<128x128xf32>
      %select_n3A_2620 = arith.select %gt3A_2617, %get3A_2616, %broadcast_in_dim3A_2619 : vector<128x128xi1>, vector<128x128xf32>
      %lt3A_2621 = arith.cmpf olt, %select_n3A_2620, %select_n3A_2603 : vector<128x128xf32>
      %select_n3A_2622 = arith.select %lt3A_2621, %select_n3A_2620, %select_n3A_2603 : vector<128x128xi1>, vector<128x128xf32>
      %mul3A_2623 = arith.constant 8 : i32
      %mul3A_2624 = arith.muli %scan3A_2552, %mul3A_2623 : i32
      %add3A_2625 = arith.constant 3 : i32
      %add3A_2626 = arith.addi %mul3A_2624, %add3A_2625 : i32
      %broadcast_in_dim3A_2627 = vector.broadcast %add3A_2626 : i32 to vector<128x128xi32>
      %select_n3A_2628 = arith.select %lt3A_2621, %broadcast_in_dim3A_2627, %select_n3A_2609 : vector<128x128xi1>, vector<128x128xi32>
      %mul3A_2629 = arith.constant 1024 : i32
      %mul3A_2630 = arith.muli %scan3A_2552, %mul3A_2629 : i32
      %add3A_2631 = arith.constant 512 : i32
      %add3A_2632 = arith.addi %mul3A_2630, %add3A_2631 : i32
      %get3A_2633 = arith.constant 0 : index
      %get3A_2634 = arith.index_cast %add3A_2632 : i32 to index
      %get3A_2635 = vector.load %arg5[%get3A_2633, %get3A_2634] : memref<128x10240xf32, #tpu.memory_space<vmem>>, vector<128x128xf32>
      %gt3A_2636 = arith.cmpf ogt, %get3A_2635, %broadcast_in_dim3A_1171 : vector<128x128xf32>
      %jit3A_2637 = arith.constant 3.000000e+38 : f32
      %broadcast_in_dim3A_2638 = vector.broadcast %jit3A_2637 : f32 to vector<128x128xf32>
      %select_n3A_2639 = arith.select %gt3A_2636, %get3A_2635, %broadcast_in_dim3A_2638 : vector<128x128xi1>, vector<128x128xf32>
      %lt3A_2640 = arith.cmpf olt, %select_n3A_2639, %select_n3A_2622 : vector<128x128xf32>
      %select_n3A_2641 = arith.select %lt3A_2640, %select_n3A_2639, %select_n3A_2622 : vector<128x128xi1>, vector<128x128xf32>
      %mul3A_2642 = arith.constant 8 : i32
      %mul3A_2643 = arith.muli %scan3A_2552, %mul3A_2642 : i32
      %add3A_2644 = arith.constant 4 : i32
      %add3A_2645 = arith.addi %mul3A_2643, %add3A_2644 : i32
      %broadcast_in_dim3A_2646 = vector.broadcast %add3A_2645 : i32 to vector<128x128xi32>
      %select_n3A_2647 = arith.select %lt3A_2640, %broadcast_in_dim3A_2646, %select_n3A_2628 : vector<128x128xi1>, vector<128x128xi32>
      %mul3A_2648 = arith.constant 1024 : i32
      %mul3A_2649 = arith.muli %scan3A_2552, %mul3A_2648 : i32
      %add3A_2650 = arith.constant 640 : i32
      %add3A_2651 = arith.addi %mul3A_2649, %add3A_2650 : i32
      %get3A_2652 = arith.constant 0 : index
      %get3A_2653 = arith.index_cast %add3A_2651 : i32 to index
      %get3A_2654 = vector.load %arg5[%get3A_2652, %get3A_2653] : memref<128x10240xf32, #tpu.memory_space<vmem>>, vector<128x128xf32>
      %gt3A_2655 = arith.cmpf ogt, %get3A_2654, %broadcast_in_dim3A_1171 : vector<128x128xf32>
      %jit3A_2656 = arith.constant 3.000000e+38 : f32
      %broadcast_in_dim3A_2657 = vector.broadcast %jit3A_2656 : f32 to vector<128x128xf32>
      %select_n3A_2658 = arith.select %gt3A_2655, %get3A_2654, %broadcast_in_dim3A_2657 : vector<128x128xi1>, vector<128x128xf32>
      %lt3A_2659 = arith.cmpf olt, %select_n3A_2658, %select_n3A_2641 : vector<128x128xf32>
      %select_n3A_2660 = arith.select %lt3A_2659, %select_n3A_2658, %select_n3A_2641 : vector<128x128xi1>, vector<128x128xf32>
      %mul3A_2661 = arith.constant 8 : i32
      %mul3A_2662 = arith.muli %scan3A_2552, %mul3A_2661 : i32
      %add3A_2663 = arith.constant 5 : i32
      %add3A_2664 = arith.addi %mul3A_2662, %add3A_2663 : i32
      %broadcast_in_dim3A_2665 = vector.broadcast %add3A_2664 : i32 to vector<128x128xi32>
      %select_n3A_2666 = arith.select %lt3A_2659, %broadcast_in_dim3A_2665, %select_n3A_2647 : vector<128x128xi1>, vector<128x128xi32>
      %mul3A_2667 = arith.constant 1024 : i32
      %mul3A_2668 = arith.muli %scan3A_2552, %mul3A_2667 : i32
      %add3A_2669 = arith.constant 768 : i32
      %add3A_2670 = arith.addi %mul3A_2668, %add3A_2669 : i32
      %get3A_2671 = arith.constant 0 : index
      %get3A_2672 = arith.index_cast %add3A_2670 : i32 to index
      %get3A_2673 = vector.load %arg5[%get3A_2671, %get3A_2672] : memref<128x10240xf32, #tpu.memory_space<vmem>>, vector<128x128xf32>
      %gt3A_2674 = arith.cmpf ogt, %get3A_2673, %broadcast_in_dim3A_1171 : vector<128x128xf32>
      %jit3A_2675 = arith.constant 3.000000e+38 : f32
      %broadcast_in_dim3A_2676 = vector.broadcast %jit3A_2675 : f32 to vector<128x128xf32>
      %select_n3A_2677 = arith.select %gt3A_2674, %get3A_2673, %broadcast_in_dim3A_2676 : vector<128x128xi1>, vector<128x128xf32>
      %lt3A_2678 = arith.cmpf olt, %select_n3A_2677, %select_n3A_2660 : vector<128x128xf32>
      %select_n3A_2679 = arith.select %lt3A_2678, %select_n3A_2677, %select_n3A_2660 : vector<128x128xi1>, vector<128x128xf32>
      %mul3A_2680 = arith.constant 8 : i32
      %mul3A_2681 = arith.muli %scan3A_2552, %mul3A_2680 : i32
      %add3A_2682 = arith.constant 6 : i32
      %add3A_2683 = arith.addi %mul3A_2681, %add3A_2682 : i32
      %broadcast_in_dim3A_2684 = vector.broadcast %add3A_2683 : i32 to vector<128x128xi32>
      %select_n3A_2685 = arith.select %lt3A_2678, %broadcast_in_dim3A_2684, %select_n3A_2666 : vector<128x128xi1>, vector<128x128xi32>
      %mul3A_2686 = arith.constant 1024 : i32
      %mul3A_2687 = arith.muli %scan3A_2552, %mul3A_2686 : i32
      %add3A_2688 = arith.constant 896 : i32
      %add3A_2689 = arith.addi %mul3A_2687, %add3A_2688 : i32
      %get3A_2690 = arith.constant 0 : index
      %get3A_2691 = arith.index_cast %add3A_2689 : i32 to index
      %get3A_2692 = vector.load %arg5[%get3A_2690, %get3A_2691] : memref<128x10240xf32, #tpu.memory_space<vmem>>, vector<128x128xf32>
      %gt3A_2693 = arith.cmpf ogt, %get3A_2692, %broadcast_in_dim3A_1171 : vector<128x128xf32>
      %jit3A_2694 = arith.constant 3.000000e+38 : f32
      %broadcast_in_dim3A_2695 = vector.broadcast %jit3A_2694 : f32 to vector<128x128xf32>
      %select_n3A_2696 = arith.select %gt3A_2693, %get3A_2692, %broadcast_in_dim3A_2695 : vector<128x128xi1>, vector<128x128xf32>
      %lt3A_2697 = arith.cmpf olt, %select_n3A_2696, %select_n3A_2679 : vector<128x128xf32>
      %select_n3A_2698 = arith.select %lt3A_2697, %select_n3A_2696, %select_n3A_2679 : vector<128x128xi1>, vector<128x128xf32>
      %mul3A_2699 = arith.constant 8 : i32
      %mul3A_2700 = arith.muli %scan3A_2552, %mul3A_2699 : i32
      %add3A_2701 = arith.constant 7 : i32
      %add3A_2702 = arith.addi %mul3A_2700, %add3A_2701 : i32
      %broadcast_in_dim3A_2703 = vector.broadcast %add3A_2702 : i32 to vector<128x128xi32>
      %select_n3A_2704 = arith.select %lt3A_2697, %broadcast_in_dim3A_2703, %select_n3A_2685 : vector<128x128xi1>, vector<128x128xi32>
      %scan3A_2705 = arith.constant 10 : i32
      %mul3A_2706 = arith.constant 128 : i32
      %mul3A_2707 = vector.broadcast %mul3A_2706 : i32 to vector<128x128xi32>
      %mul3A_2708 = arith.muli %select_n3A_2704, %mul3A_2707 : vector<128x128xi32>
      %add3A_2709 = arith.addi %mul3A_2708, %iota3A_6 : vector<128x128xi32>
      %reduce_min3A = arith.constant dense<0x7F800000> : vector<128xf32>
      %reduce_min3A_2710 = vector.multi_reduction <minimumf>, %select_n3A_2698, %reduce_min3A [1] : vector<128x128xf32> to vector<128xf32>
      %broadcast_in_dim3A_2711 = vector.shape_cast %reduce_min3A_2710 : vector<128xf32> to vector<128x1xf32>
      %eq3A = vector.broadcast %broadcast_in_dim3A_2711 : vector<128x1xf32> to vector<128x128xf32>
      %eq3A_2712 = arith.cmpf oeq, %select_n3A_2698, %eq3A : vector<128x128xf32>
      %jit3A_2713 = arith.constant 10240 : i32
      %broadcast_in_dim3A_2714 = vector.broadcast %jit3A_2713 : i32 to vector<128x128xi32>
      %select_n3A_2715 = arith.select %eq3A_2712, %add3A_2709, %broadcast_in_dim3A_2714 : vector<128x128xi1>, vector<128x128xi32>
      %reduce_min3A_2716 = arith.constant dense<2147483647> : vector<128xi32>
      %reduce_min3A_2717 = vector.multi_reduction <minsi>, %select_n3A_2715, %reduce_min3A_2716 [1] : vector<128x128xi32> to vector<128xi32>
      %broadcast_in_dim3A_2718 = vector.shape_cast %reduce_min3A_2717 : vector<128xi32> to vector<128x1xi32>
      %eq3A_2719 = vector.broadcast %scan3A_1166 : i32 to vector<128x16xi32>
      %eq3A_2720 = arith.cmpi eq, %iota3A, %eq3A_2719 : vector<128x16xi32>
      %broadcast_in_dim3A_2721 = vector.shape_cast %broadcast_in_dim3A_2711 : vector<128x1xf32> to vector<128x1xf32>
      %broadcast_in_dim3A_2722 = vector.broadcast %broadcast_in_dim3A_2721 : vector<128x1xf32> to vector<128x16xf32>
      %select_n3A_2723 = arith.select %eq3A_2720, %broadcast_in_dim3A_2722, %scan3A_1168 : vector<128x16xi1>, vector<128x16xf32>
      %broadcast_in_dim3A_2724 = vector.shape_cast %broadcast_in_dim3A_2718 : vector<128x1xi32> to vector<128x1xi32>
      %broadcast_in_dim3A_2725 = vector.broadcast %broadcast_in_dim3A_2724 : vector<128x1xi32> to vector<128x16xi32>
      %select_n3A_2726 = arith.select %eq3A_2720, %broadcast_in_dim3A_2725, %scan3A_1169 : vector<128x16xi1>, vector<128x16xi32>
      scf.yield %broadcast_in_dim3A_2711, %select_n3A_2723, %select_n3A_2726 : vector<128x1xf32>, vector<128x16xf32>, vector<128x16xi32>
    }
    %scan3A_17 = arith.constant 16 : i32
    %swap3A = arith.constant 0 : index
    %swap3A_18 = arith.constant 0 : index
    %swap3A_19 = vector.load %arg3[%swap3A, %swap3A_18] : memref<128x16xi32, #tpu.memory_space<vmem>>, vector<128x16xi32>
    tpu.vector_store %arg3[%swap3A, %swap3A_18], %scan3A_16#2 {strides = array<i32>} : memref<128x16xi32, #tpu.memory_space<vmem>>, vector<128x16xi32>,
    %mul3A = arith.constant -1.000000e+01 : f32
    %mul3A_20 = vector.broadcast %mul3A : f32 to vector<128x16xf32>
    %mul3A_21 = arith.mulf %mul3A_20, %scan3A_16#1 : vector<128x16xf32>
    %exp3A = math.exp %mul3A_21 : vector<128x16xf32>
    %swap3A_22 = arith.constant 0 : index
    %swap3A_23 = arith.constant 0 : index
    %swap3A_24 = vector.load %arg4[%swap3A_22, %swap3A_23] : memref<128x16xf32, #tpu.memory_space<vmem>>, vector<128x16xf32>
    tpu.vector_store %arg4[%swap3A_22, %swap3A_23], %exp3A {strides = array<i32>} : memref<128x16xf32, #tpu.memory_space<vmem>>, vector<128x16xf32>,
    %slice3A = vector.extract_strided_slice %scan3A_16#1 {offsets = [0, 15], sizes = [128, 1], strides = [1, 1]} : vector<128x16xf32> to vector<128x1xf32>
    %broadcast_in_dim3A_25 = vector.shape_cast %slice3A : vector<128x1xf32> to vector<128x1xf32>
    %broadcast_in_dim3A_26 = vector.broadcast %broadcast_in_dim3A_25 : vector<128x1xf32> to vector<128x128xf32>
    %broadcast_in_dim3A_27 = arith.constant 0 : i32
    %broadcast_in_dim3A_28 = vector.broadcast %broadcast_in_dim3A_27 : i32 to vector<128x128xi32>
    %scan3A_29 = arith.constant 0 : i32
    %mul3A_30 = arith.constant 1024 : i32
    %mul3A_31 = arith.muli %scan3A_29, %mul3A_30 : i32
    %add3A = arith.constant 0 : i32
    %add3A_32 = arith.addi %mul3A_31, %add3A : i32
    %get3A_33 = arith.constant 0 : index
    %get3A_34 = arith.index_cast %add3A_32 : i32 to index
    %get3A_35 = vector.load %arg5[%get3A_33, %get3A_34] : memref<128x10240xf32, #tpu.memory_space<vmem>>, vector<128x128xf32>
    %le3A = arith.cmpf ole, %get3A_35, %broadcast_in_dim3A_26 : vector<128x128xf32>
    %jit3A = arith.constant 1 : i32
    %jit3A_36 = arith.constant 0 : i32
    %broadcast_in_dim3A_37 = vector.broadcast %jit3A : i32 to vector<128x128xi32>
    %broadcast_in_dim3A_38 = vector.broadcast %jit3A_36 : i32 to vector<128x128xi32>
    %select_n3A = arith.select %le3A, %broadcast_in_dim3A_37, %broadcast_in_dim3A_38 : vector<128x128xi1>, vector<128x128xi32>
    %add3A_39 = arith.addi %broadcast_in_dim3A_28, %select_n3A : vector<128x128xi32>
    %mul3A_40 = arith.constant 1024 : i32
    %mul3A_41 = arith.muli %scan3A_29, %mul3A_40 : i32
    %add3A_42 = arith.constant 128 : i32
    %add3A_43 = arith.addi %mul3A_41, %add3A_42 : i32
    %get3A_44 = arith.constant 0 : index
    %get3A_45 = arith.index_cast %add3A_43 : i32 to index
    %get3A_46 = vector.load %arg5[%get3A_44, %get3A_45] : memref<128x10240xf32, #tpu.memory_space<vmem>>, vector<128x128xf32>
    %le3A_47 = arith.cmpf ole, %get3A_46, %broadcast_in_dim3A_26 : vector<128x128xf32>
    %jit3A_48 = arith.constant 1 : i32
    %jit3A_49 = arith.constant 0 : i32
    %broadcast_in_dim3A_50 = vector.broadcast %jit3A_48 : i32 to vector<128x128xi32>
    %broadcast_in_dim3A_51 = vector.broadcast %jit3A_49 : i32 to vector<128x128xi32>
    %select_n3A_52 = arith.select %le3A_47, %broadcast_in_dim3A_50, %broadcast_in_dim3A_51 : vector<128x128xi1>, vector<128x128xi32>
    %add3A_53 = arith.addi %add3A_39, %select_n3A_52 : vector<128x128xi32>
    %mul3A_54 = arith.constant 1024 : i32
    %mul3A_55 = arith.muli %scan3A_29, %mul3A_54 : i32
    %add3A_56 = arith.constant 256 : i32
    %add3A_57 = arith.addi %mul3A_55, %add3A_56 : i32
    %get3A_58 = arith.constant 0 : index
    %get3A_59 = arith.index_cast %add3A_57 : i32 to index
    %get3A_60 = vector.load %arg5[%get3A_58, %get3A_59] : memref<128x10240xf32, #tpu.memory_space<vmem>>, vector<128x128xf32>
    %le3A_61 = arith.cmpf ole, %get3A_60, %broadcast_in_dim3A_26 : vector<128x128xf32>
    %jit3A_62 = arith.constant 1 : i32
    %jit3A_63 = arith.constant 0 : i32
    %broadcast_in_dim3A_64 = vector.broadcast %jit3A_62 : i32 to vector<128x128xi32>
    %broadcast_in_dim3A_65 = vector.broadcast %jit3A_63 : i32 to vector<128x128xi32>
    %select_n3A_66 = arith.select %le3A_61, %broadcast_in_dim3A_64, %broadcast_in_dim3A_65 : vector<128x128xi1>, vector<128x128xi32>
    %add3A_67 = arith.addi %add3A_53, %select_n3A_66 : vector<128x128xi32>
    %mul3A_68 = arith.constant 1024 : i32
    %mul3A_69 = arith.muli %scan3A_29, %mul3A_68 : i32
    %add3A_70 = arith.constant 384 : i32
    %add3A_71 = arith.addi %mul3A_69, %add3A_70 : i32
    %get3A_72 = arith.constant 0 : index
    %get3A_73 = arith.index_cast %add3A_71 : i32 to index
    %get3A_74 = vector.load %arg5[%get3A_72, %get3A_73] : memref<128x10240xf32, #tpu.memory_space<vmem>>, vector<128x128xf32>
    %le3A_75 = arith.cmpf ole, %get3A_74, %broadcast_in_dim3A_26 : vector<128x128xf32>
    %jit3A_76 = arith.constant 1 : i32
    %jit3A_77 = arith.constant 0 : i32
    %broadcast_in_dim3A_78 = vector.broadcast %jit3A_76 : i32 to vector<128x128xi32>
    %broadcast_in_dim3A_79 = vector.broadcast %jit3A_77 : i32 to vector<128x128xi32>
    %select_n3A_80 = arith.select %le3A_75, %broadcast_in_dim3A_78, %broadcast_in_dim3A_79 : vector<128x128xi1>, vector<128x128xi32>
    %add3A_81 = arith.addi %add3A_67, %select_n3A_80 : vector<128x128xi32>
    %mul3A_82 = arith.constant 1024 : i32
    %mul3A_83 = arith.muli %scan3A_29, %mul3A_82 : i32
    %add3A_84 = arith.constant 512 : i32
    %add3A_85 = arith.addi %mul3A_83, %add3A_84 : i32
    %get3A_86 = arith.constant 0 : index
    %get3A_87 = arith.index_cast %add3A_85 : i32 to index
    %get3A_88 = vector.load %arg5[%get3A_86, %get3A_87] : memref<128x10240xf32, #tpu.memory_space<vmem>>, vector<128x128xf32>
    %le3A_89 = arith.cmpf ole, %get3A_88, %broadcast_in_dim3A_26 : vector<128x128xf32>
    %jit3A_90 = arith.constant 1 : i32
    %jit3A_91 = arith.constant 0 : i32
    %broadcast_in_dim3A_92 = vector.broadcast %jit3A_90 : i32 to vector<128x128xi32>
    %broadcast_in_dim3A_93 = vector.broadcast %jit3A_91 : i32 to vector<128x128xi32>
    %select_n3A_94 = arith.select %le3A_89, %broadcast_in_dim3A_92, %broadcast_in_dim3A_93 : vector<128x128xi1>, vector<128x128xi32>
    %add3A_95 = arith.addi %add3A_81, %select_n3A_94 : vector<128x128xi32>
    %mul3A_96 = arith.constant 1024 : i32
    %mul3A_97 = arith.muli %scan3A_29, %mul3A_96 : i32
    %add3A_98 = arith.constant 640 : i32
    %add3A_99 = arith.addi %mul3A_97, %add3A_98 : i32
    %get3A_100 = arith.constant 0 : index
    %get3A_101 = arith.index_cast %add3A_99 : i32 to index
    %get3A_102 = vector.load %arg5[%get3A_100, %get3A_101] : memref<128x10240xf32, #tpu.memory_space<vmem>>, vector<128x128xf32>
    %le3A_103 = arith.cmpf ole, %get3A_102, %broadcast_in_dim3A_26 : vector<128x128xf32>
    %jit3A_104 = arith.constant 1 : i32
    %jit3A_105 = arith.constant 0 : i32
    %broadcast_in_dim3A_106 = vector.broadcast %jit3A_104 : i32 to vector<128x128xi32>
    %broadcast_in_dim3A_107 = vector.broadcast %jit3A_105 : i32 to vector<128x128xi32>
    %select_n3A_108 = arith.select %le3A_103, %broadcast_in_dim3A_106, %broadcast_in_dim3A_107 : vector<128x128xi1>, vector<128x128xi32>
    %add3A_109 = arith.addi %add3A_95, %select_n3A_108 : vector<128x128xi32>
    %mul3A_110 = arith.constant 1024 : i32
    %mul3A_111 = arith.muli %scan3A_29, %mul3A_110 : i32
    %add3A_112 = arith.constant 768 : i32
    %add3A_113 = arith.addi %mul3A_111, %add3A_112 : i32
    %get3A_114 = arith.constant 0 : index
    %get3A_115 = arith.index_cast %add3A_113 : i32 to index
    %get3A_116 = vector.load %arg5[%get3A_114, %get3A_115] : memref<128x10240xf32, #tpu.memory_space<vmem>>, vector<128x128xf32>
    %le3A_117 = arith.cmpf ole, %get3A_116, %broadcast_in_dim3A_26 : vector<128x128xf32>
    %jit3A_118 = arith.constant 1 : i32
    %jit3A_119 = arith.constant 0 : i32
    %broadcast_in_dim3A_120 = vector.broadcast %jit3A_118 : i32 to vector<128x128xi32>
    %broadcast_in_dim3A_121 = vector.broadcast %jit3A_119 : i32 to vector<128x128xi32>
    %select_n3A_122 = arith.select %le3A_117, %broadcast_in_dim3A_120, %broadcast_in_dim3A_121 : vector<128x128xi1>, vector<128x128xi32>
    %add3A_123 = arith.addi %add3A_109, %select_n3A_122 : vector<128x128xi32>
    %mul3A_124 = arith.constant 1024 : i32
    %mul3A_125 = arith.muli %scan3A_29, %mul3A_124 : i32
    %add3A_126 = arith.constant 896 : i32
    %add3A_127 = arith.addi %mul3A_125, %add3A_126 : i32
    %get3A_128 = arith.constant 0 : index
    %get3A_129 = arith.index_cast %add3A_127 : i32 to index
    %get3A_130 = vector.load %arg5[%get3A_128, %get3A_129] : memref<128x10240xf32, #tpu.memory_space<vmem>>, vector<128x128xf32>
    %le3A_131 = arith.cmpf ole, %get3A_130, %broadcast_in_dim3A_26 : vector<128x128xf32>
    %jit3A_132 = arith.constant 1 : i32
    %jit3A_133 = arith.constant 0 : i32
    %broadcast_in_dim3A_134 = vector.broadcast %jit3A_132 : i32 to vector<128x128xi32>
    %broadcast_in_dim3A_135 = vector.broadcast %jit3A_133 : i32 to vector<128x128xi32>
    %select_n3A_136 = arith.select %le3A_131, %broadcast_in_dim3A_134, %broadcast_in_dim3A_135 : vector<128x128xi1>, vector<128x128xi32>
    %add3A_137 = arith.addi %add3A_123, %select_n3A_136 : vector<128x128xi32>
    %scan3A_138 = arith.constant 1 : i32
    %mul3A_139 = arith.constant 1024 : i32
    %mul3A_140 = arith.muli %scan3A_138, %mul3A_139 : i32
    %add3A_141 = arith.constant 0 : i32
    %add3A_142 = arith.addi %mul3A_140, %add3A_141 : i32
    %get3A_143 = arith.constant 0 : index
    %get3A_144 = arith.index_cast %add3A_142 : i32 to index
    %get3A_145 = vector.load %arg5[%get3A_143, %get3A_144] : memref<128x10240xf32, #tpu.memory_space<vmem>>, vector<128x128xf32>
    %le3A_146 = arith.cmpf ole, %get3A_145, %broadcast_in_dim3A_26 : vector<128x128xf32>
    %jit3A_147 = arith.constant 1 : i32
    %jit3A_148 = arith.constant 0 : i32
    %broadcast_in_dim3A_149 = vector.broadcast %jit3A_147 : i32 to vector<128x128xi32>
    %broadcast_in_dim3A_150 = vector.broadcast %jit3A_148 : i32 to vector<128x128xi32>
    %select_n3A_151 = arith.select %le3A_146, %broadcast_in_dim3A_149, %broadcast_in_dim3A_150 : vector<128x128xi1>, vector<128x128xi32>
    %add3A_152 = arith.addi %add3A_137, %select_n3A_151 : vector<128x128xi32>
    %mul3A_153 = arith.constant 1024 : i32
    %mul3A_154 = arith.muli %scan3A_138, %mul3A_153 : i32
    %add3A_155 = arith.constant 128 : i32
    %add3A_156 = arith.addi %mul3A_154, %add3A_155 : i32
    %get3A_157 = arith.constant 0 : index
    %get3A_158 = arith.index_cast %add3A_156 : i32 to index
    %get3A_159 = vector.load %arg5[%get3A_157, %get3A_158] : memref<128x10240xf32, #tpu.memory_space<vmem>>, vector<128x128xf32>
    %le3A_160 = arith.cmpf ole, %get3A_159, %broadcast_in_dim3A_26 : vector<128x128xf32>
    %jit3A_161 = arith.constant 1 : i32
    %jit3A_162 = arith.constant 0 : i32
    %broadcast_in_dim3A_163 = vector.broadcast %jit3A_161 : i32 to vector<128x128xi32>
    %broadcast_in_dim3A_164 = vector.broadcast %jit3A_162 : i32 to vector<128x128xi32>
    %select_n3A_165 = arith.select %le3A_160, %broadcast_in_dim3A_163, %broadcast_in_dim3A_164 : vector<128x128xi1>, vector<128x128xi32>
    %add3A_166 = arith.addi %add3A_152, %select_n3A_165 : vector<128x128xi32>
    %mul3A_167 = arith.constant 1024 : i32
    %mul3A_168 = arith.muli %scan3A_138, %mul3A_167 : i32
    %add3A_169 = arith.constant 256 : i32
    %add3A_170 = arith.addi %mul3A_168, %add3A_169 : i32
    %get3A_171 = arith.constant 0 : index
    %get3A_172 = arith.index_cast %add3A_170 : i32 to index
    %get3A_173 = vector.load %arg5[%get3A_171, %get3A_172] : memref<128x10240xf32, #tpu.memory_space<vmem>>, vector<128x128xf32>
    %le3A_174 = arith.cmpf ole, %get3A_173, %broadcast_in_dim3A_26 : vector<128x128xf32>
    %jit3A_175 = arith.constant 1 : i32
    %jit3A_176 = arith.constant 0 : i32
    %broadcast_in_dim3A_177 = vector.broadcast %jit3A_175 : i32 to vector<128x128xi32>
    %broadcast_in_dim3A_178 = vector.broadcast %jit3A_176 : i32 to vector<128x128xi32>
    %select_n3A_179 = arith.select %le3A_174, %broadcast_in_dim3A_177, %broadcast_in_dim3A_178 : vector<128x128xi1>, vector<128x128xi32>
    %add3A_180 = arith.addi %add3A_166, %select_n3A_179 : vector<128x128xi32>
    %mul3A_181 = arith.constant 1024 : i32
    %mul3A_182 = arith.muli %scan3A_138, %mul3A_181 : i32
    %add3A_183 = arith.constant 384 : i32
    %add3A_184 = arith.addi %mul3A_182, %add3A_183 : i32
    %get3A_185 = arith.constant 0 : index
    %get3A_186 = arith.index_cast %add3A_184 : i32 to index
    %get3A_187 = vector.load %arg5[%get3A_185, %get3A_186] : memref<128x10240xf32, #tpu.memory_space<vmem>>, vector<128x128xf32>
    %le3A_188 = arith.cmpf ole, %get3A_187, %broadcast_in_dim3A_26 : vector<128x128xf32>
    %jit3A_189 = arith.constant 1 : i32
    %jit3A_190 = arith.constant 0 : i32
    %broadcast_in_dim3A_191 = vector.broadcast %jit3A_189 : i32 to vector<128x128xi32>
    %broadcast_in_dim3A_192 = vector.broadcast %jit3A_190 : i32 to vector<128x128xi32>
    %select_n3A_193 = arith.select %le3A_188, %broadcast_in_dim3A_191, %broadcast_in_dim3A_192 : vector<128x128xi1>, vector<128x128xi32>
    %add3A_194 = arith.addi %add3A_180, %select_n3A_193 : vector<128x128xi32>
    %mul3A_195 = arith.constant 1024 : i32
    %mul3A_196 = arith.muli %scan3A_138, %mul3A_195 : i32
    %add3A_197 = arith.constant 512 : i32
    %add3A_198 = arith.addi %mul3A_196, %add3A_197 : i32
    %get3A_199 = arith.constant 0 : index
    %get3A_200 = arith.index_cast %add3A_198 : i32 to index
    %get3A_201 = vector.load %arg5[%get3A_199, %get3A_200] : memref<128x10240xf32, #tpu.memory_space<vmem>>, vector<128x128xf32>
    %le3A_202 = arith.cmpf ole, %get3A_201, %broadcast_in_dim3A_26 : vector<128x128xf32>
    %jit3A_203 = arith.constant 1 : i32
    %jit3A_204 = arith.constant 0 : i32
    %broadcast_in_dim3A_205 = vector.broadcast %jit3A_203 : i32 to vector<128x128xi32>
    %broadcast_in_dim3A_206 = vector.broadcast %jit3A_204 : i32 to vector<128x128xi32>
    %select_n3A_207 = arith.select %le3A_202, %broadcast_in_dim3A_205, %broadcast_in_dim3A_206 : vector<128x128xi1>, vector<128x128xi32>
    %add3A_208 = arith.addi %add3A_194, %select_n3A_207 : vector<128x128xi32>
    %mul3A_209 = arith.constant 1024 : i32
    %mul3A_210 = arith.muli %scan3A_138, %mul3A_209 : i32
    %add3A_211 = arith.constant 640 : i32
    %add3A_212 = arith.addi %mul3A_210, %add3A_211 : i32
    %get3A_213 = arith.constant 0 : index
    %get3A_214 = arith.index_cast %add3A_212 : i32 to index
    %get3A_215 = vector.load %arg5[%get3A_213, %get3A_214] : memref<128x10240xf32, #tpu.memory_space<vmem>>, vector<128x128xf32>
    %le3A_216 = arith.cmpf ole, %get3A_215, %broadcast_in_dim3A_26 : vector<128x128xf32>
    %jit3A_217 = arith.constant 1 : i32
    %jit3A_218 = arith.constant 0 : i32
    %broadcast_in_dim3A_219 = vector.broadcast %jit3A_217 : i32 to vector<128x128xi32>
    %broadcast_in_dim3A_220 = vector.broadcast %jit3A_218 : i32 to vector<128x128xi32>
    %select_n3A_221 = arith.select %le3A_216, %broadcast_in_dim3A_219, %broadcast_in_dim3A_220 : vector<128x128xi1>, vector<128x128xi32>
    %add3A_222 = arith.addi %add3A_208, %select_n3A_221 : vector<128x128xi32>
    %mul3A_223 = arith.constant 1024 : i32
    %mul3A_224 = arith.muli %scan3A_138, %mul3A_223 : i32
    %add3A_225 = arith.constant 768 : i32
    %add3A_226 = arith.addi %mul3A_224, %add3A_225 : i32
    %get3A_227 = arith.constant 0 : index
    %get3A_228 = arith.index_cast %add3A_226 : i32 to index
    %get3A_229 = vector.load %arg5[%get3A_227, %get3A_228] : memref<128x10240xf32, #tpu.memory_space<vmem>>, vector<128x128xf32>
    %le3A_230 = arith.cmpf ole, %get3A_229, %broadcast_in_dim3A_26 : vector<128x128xf32>
    %jit3A_231 = arith.constant 1 : i32
    %jit3A_232 = arith.constant 0 : i32
    %broadcast_in_dim3A_233 = vector.broadcast %jit3A_231 : i32 to vector<128x128xi32>
    %broadcast_in_dim3A_234 = vector.broadcast %jit3A_232 : i32 to vector<128x128xi32>
    %select_n3A_235 = arith.select %le3A_230, %broadcast_in_dim3A_233, %broadcast_in_dim3A_234 : vector<128x128xi1>, vector<128x128xi32>
    %add3A_236 = arith.addi %add3A_222, %select_n3A_235 : vector<128x128xi32>
    %mul3A_237 = arith.constant 1024 : i32
    %mul3A_238 = arith.muli %scan3A_138, %mul3A_237 : i32
    %add3A_239 = arith.constant 896 : i32
    %add3A_240 = arith.addi %mul3A_238, %add3A_239 : i32
    %get3A_241 = arith.constant 0 : index
    %get3A_242 = arith.index_cast %add3A_240 : i32 to index
    %get3A_243 = vector.load %arg5[%get3A_241, %get3A_242] : memref<128x10240xf32, #tpu.memory_space<vmem>>, vector<128x128xf32>
    %le3A_244 = arith.cmpf ole, %get3A_243, %broadcast_in_dim3A_26 : vector<128x128xf32>
    %jit3A_245 = arith.constant 1 : i32
    %jit3A_246 = arith.constant 0 : i32
    %broadcast_in_dim3A_247 = vector.broadcast %jit3A_245 : i32 to vector<128x128xi32>
    %broadcast_in_dim3A_248 = vector.broadcast %jit3A_246 : i32 to vector<128x128xi32>
    %select_n3A_249 = arith.select %le3A_244, %broadcast_in_dim3A_247, %broadcast_in_dim3A_248 : vector<128x128xi1>, vector<128x128xi32>
    %add3A_250 = arith.addi %add3A_236, %select_n3A_249 : vector<128x128xi32>
    %scan3A_251 = arith.constant 2 : i32
    %mul3A_252 = arith.constant 1024 : i32
    %mul3A_253 = arith.muli %scan3A_251, %mul3A_252 : i32
    %add3A_254 = arith.constant 0 : i32
    %add3A_255 = arith.addi %mul3A_253, %add3A_254 : i32
    %get3A_256 = arith.constant 0 : index
    %get3A_257 = arith.index_cast %add3A_255 : i32 to index
    %get3A_258 = vector.load %arg5[%get3A_256, %get3A_257] : memref<128x10240xf32, #tpu.memory_space<vmem>>, vector<128x128xf32>
    %le3A_259 = arith.cmpf ole, %get3A_258, %broadcast_in_dim3A_26 : vector<128x128xf32>
    %jit3A_260 = arith.constant 1 : i32
    %jit3A_261 = arith.constant 0 : i32
    %broadcast_in_dim3A_262 = vector.broadcast %jit3A_260 : i32 to vector<128x128xi32>
    %broadcast_in_dim3A_263 = vector.broadcast %jit3A_261 : i32 to vector<128x128xi32>
    %select_n3A_264 = arith.select %le3A_259, %broadcast_in_dim3A_262, %broadcast_in_dim3A_263 : vector<128x128xi1>, vector<128x128xi32>
    %add3A_265 = arith.addi %add3A_250, %select_n3A_264 : vector<128x128xi32>
    %mul3A_266 = arith.constant 1024 : i32
    %mul3A_267 = arith.muli %scan3A_251, %mul3A_266 : i32
    %add3A_268 = arith.constant 128 : i32
    %add3A_269 = arith.addi %mul3A_267, %add3A_268 : i32
    %get3A_270 = arith.constant 0 : index
    %get3A_271 = arith.index_cast %add3A_269 : i32 to index
    %get3A_272 = vector.load %arg5[%get3A_270, %get3A_271] : memref<128x10240xf32, #tpu.memory_space<vmem>>, vector<128x128xf32>
    %le3A_273 = arith.cmpf ole, %get3A_272, %broadcast_in_dim3A_26 : vector<128x128xf32>
    %jit3A_274 = arith.constant 1 : i32
    %jit3A_275 = arith.constant 0 : i32
    %broadcast_in_dim3A_276 = vector.broadcast %jit3A_274 : i32 to vector<128x128xi32>
    %broadcast_in_dim3A_277 = vector.broadcast %jit3A_275 : i32 to vector<128x128xi32>
    %select_n3A_278 = arith.select %le3A_273, %broadcast_in_dim3A_276, %broadcast_in_dim3A_277 : vector<128x128xi1>, vector<128x128xi32>
    %add3A_279 = arith.addi %add3A_265, %select_n3A_278 : vector<128x128xi32>
    %mul3A_280 = arith.constant 1024 : i32
    %mul3A_281 = arith.muli %scan3A_251, %mul3A_280 : i32
    %add3A_282 = arith.constant 256 : i32
    %add3A_283 = arith.addi %mul3A_281, %add3A_282 : i32
    %get3A_284 = arith.constant 0 : index
    %get3A_285 = arith.index_cast %add3A_283 : i32 to index
    %get3A_286 = vector.load %arg5[%get3A_284, %get3A_285] : memref<128x10240xf32, #tpu.memory_space<vmem>>, vector<128x128xf32>
    %le3A_287 = arith.cmpf ole, %get3A_286, %broadcast_in_dim3A_26 : vector<128x128xf32>
    %jit3A_288 = arith.constant 1 : i32
    %jit3A_289 = arith.constant 0 : i32
    %broadcast_in_dim3A_290 = vector.broadcast %jit3A_288 : i32 to vector<128x128xi32>
    %broadcast_in_dim3A_291 = vector.broadcast %jit3A_289 : i32 to vector<128x128xi32>
    %select_n3A_292 = arith.select %le3A_287, %broadcast_in_dim3A_290, %broadcast_in_dim3A_291 : vector<128x128xi1>, vector<128x128xi32>
    %add3A_293 = arith.addi %add3A_279, %select_n3A_292 : vector<128x128xi32>
    %mul3A_294 = arith.constant 1024 : i32
    %mul3A_295 = arith.muli %scan3A_251, %mul3A_294 : i32
    %add3A_296 = arith.constant 384 : i32
    %add3A_297 = arith.addi %mul3A_295, %add3A_296 : i32
    %get3A_298 = arith.constant 0 : index
    %get3A_299 = arith.index_cast %add3A_297 : i32 to index
    %get3A_300 = vector.load %arg5[%get3A_298, %get3A_299] : memref<128x10240xf32, #tpu.memory_space<vmem>>, vector<128x128xf32>
    %le3A_301 = arith.cmpf ole, %get3A_300, %broadcast_in_dim3A_26 : vector<128x128xf32>
    %jit3A_302 = arith.constant 1 : i32
    %jit3A_303 = arith.constant 0 : i32
    %broadcast_in_dim3A_304 = vector.broadcast %jit3A_302 : i32 to vector<128x128xi32>
    %broadcast_in_dim3A_305 = vector.broadcast %jit3A_303 : i32 to vector<128x128xi32>
    %select_n3A_306 = arith.select %le3A_301, %broadcast_in_dim3A_304, %broadcast_in_dim3A_305 : vector<128x128xi1>, vector<128x128xi32>
    %add3A_307 = arith.addi %add3A_293, %select_n3A_306 : vector<128x128xi32>
    %mul3A_308 = arith.constant 1024 : i32
    %mul3A_309 = arith.muli %scan3A_251, %mul3A_308 : i32
    %add3A_310 = arith.constant 512 : i32
    %add3A_311 = arith.addi %mul3A_309, %add3A_310 : i32
    %get3A_312 = arith.constant 0 : index
    %get3A_313 = arith.index_cast %add3A_311 : i32 to index
    %get3A_314 = vector.load %arg5[%get3A_312, %get3A_313] : memref<128x10240xf32, #tpu.memory_space<vmem>>, vector<128x128xf32>
    %le3A_315 = arith.cmpf ole, %get3A_314, %broadcast_in_dim3A_26 : vector<128x128xf32>
    %jit3A_316 = arith.constant 1 : i32
    %jit3A_317 = arith.constant 0 : i32
    %broadcast_in_dim3A_318 = vector.broadcast %jit3A_316 : i32 to vector<128x128xi32>
    %broadcast_in_dim3A_319 = vector.broadcast %jit3A_317 : i32 to vector<128x128xi32>
    %select_n3A_320 = arith.select %le3A_315, %broadcast_in_dim3A_318, %broadcast_in_dim3A_319 : vector<128x128xi1>, vector<128x128xi32>
    %add3A_321 = arith.addi %add3A_307, %select_n3A_320 : vector<128x128xi32>
    %mul3A_322 = arith.constant 1024 : i32
    %mul3A_323 = arith.muli %scan3A_251, %mul3A_322 : i32
    %add3A_324 = arith.constant 640 : i32
    %add3A_325 = arith.addi %mul3A_323, %add3A_324 : i32
    %get3A_326 = arith.constant 0 : index
    %get3A_327 = arith.index_cast %add3A_325 : i32 to index
    %get3A_328 = vector.load %arg5[%get3A_326, %get3A_327] : memref<128x10240xf32, #tpu.memory_space<vmem>>, vector<128x128xf32>
    %le3A_329 = arith.cmpf ole, %get3A_328, %broadcast_in_dim3A_26 : vector<128x128xf32>
    %jit3A_330 = arith.constant 1 : i32
    %jit3A_331 = arith.constant 0 : i32
    %broadcast_in_dim3A_332 = vector.broadcast %jit3A_330 : i32 to vector<128x128xi32>
    %broadcast_in_dim3A_333 = vector.broadcast %jit3A_331 : i32 to vector<128x128xi32>
    %select_n3A_334 = arith.select %le3A_329, %broadcast_in_dim3A_332, %broadcast_in_dim3A_333 : vector<128x128xi1>, vector<128x128xi32>
    %add3A_335 = arith.addi %add3A_321, %select_n3A_334 : vector<128x128xi32>
    %mul3A_336 = arith.constant 1024 : i32
    %mul3A_337 = arith.muli %scan3A_251, %mul3A_336 : i32
    %add3A_338 = arith.constant 768 : i32
    %add3A_339 = arith.addi %mul3A_337, %add3A_338 : i32
    %get3A_340 = arith.constant 0 : index
    %get3A_341 = arith.index_cast %add3A_339 : i32 to index
    %get3A_342 = vector.load %arg5[%get3A_340, %get3A_341] : memref<128x10240xf32, #tpu.memory_space<vmem>>, vector<128x128xf32>
    %le3A_343 = arith.cmpf ole, %get3A_342, %broadcast_in_dim3A_26 : vector<128x128xf32>
    %jit3A_344 = arith.constant 1 : i32
    %jit3A_345 = arith.constant 0 : i32
    %broadcast_in_dim3A_346 = vector.broadcast %jit3A_344 : i32 to vector<128x128xi32>
    %broadcast_in_dim3A_347 = vector.broadcast %jit3A_345 : i32 to vector<128x128xi32>
    %select_n3A_348 = arith.select %le3A_343, %broadcast_in_dim3A_346, %broadcast_in_dim3A_347 : vector<128x128xi1>, vector<128x128xi32>
    %add3A_349 = arith.addi %add3A_335, %select_n3A_348 : vector<128x128xi32>
    %mul3A_350 = arith.constant 1024 : i32
    %mul3A_351 = arith.muli %scan3A_251, %mul3A_350 : i32
    %add3A_352 = arith.constant 896 : i32
    %add3A_353 = arith.addi %mul3A_351, %add3A_352 : i32
    %get3A_354 = arith.constant 0 : index
    %get3A_355 = arith.index_cast %add3A_353 : i32 to index
    %get3A_356 = vector.load %arg5[%get3A_354, %get3A_355] : memref<128x10240xf32, #tpu.memory_space<vmem>>, vector<128x128xf32>
    %le3A_357 = arith.cmpf ole, %get3A_356, %broadcast_in_dim3A_26 : vector<128x128xf32>
    %jit3A_358 = arith.constant 1 : i32
    %jit3A_359 = arith.constant 0 : i32
    %broadcast_in_dim3A_360 = vector.broadcast %jit3A_358 : i32 to vector<128x128xi32>
    %broadcast_in_dim3A_361 = vector.broadcast %jit3A_359 : i32 to vector<128x128xi32>
    %select_n3A_362 = arith.select %le3A_357, %broadcast_in_dim3A_360, %broadcast_in_dim3A_361 : vector<128x128xi1>, vector<128x128xi32>
    %add3A_363 = arith.addi %add3A_349, %select_n3A_362 : vector<128x128xi32>
    %scan3A_364 = arith.constant 3 : i32
    %mul3A_365 = arith.constant 1024 : i32
    %mul3A_366 = arith.muli %scan3A_364, %mul3A_365 : i32
    %add3A_367 = arith.constant 0 : i32
    %add3A_368 = arith.addi %mul3A_366, %add3A_367 : i32
    %get3A_369 = arith.constant 0 : index
    %get3A_370 = arith.index_cast %add3A_368 : i32 to index
    %get3A_371 = vector.load %arg5[%get3A_369, %get3A_370] : memref<128x10240xf32, #tpu.memory_space<vmem>>, vector<128x128xf32>
    %le3A_372 = arith.cmpf ole, %get3A_371, %broadcast_in_dim3A_26 : vector<128x128xf32>
    %jit3A_373 = arith.constant 1 : i32
    %jit3A_374 = arith.constant 0 : i32
    %broadcast_in_dim3A_375 = vector.broadcast %jit3A_373 : i32 to vector<128x128xi32>
    %broadcast_in_dim3A_376 = vector.broadcast %jit3A_374 : i32 to vector<128x128xi32>
    %select_n3A_377 = arith.select %le3A_372, %broadcast_in_dim3A_375, %broadcast_in_dim3A_376 : vector<128x128xi1>, vector<128x128xi32>
    %add3A_378 = arith.addi %add3A_363, %select_n3A_377 : vector<128x128xi32>
    %mul3A_379 = arith.constant 1024 : i32
    %mul3A_380 = arith.muli %scan3A_364, %mul3A_379 : i32
    %add3A_381 = arith.constant 128 : i32
    %add3A_382 = arith.addi %mul3A_380, %add3A_381 : i32
    %get3A_383 = arith.constant 0 : index
    %get3A_384 = arith.index_cast %add3A_382 : i32 to index
    %get3A_385 = vector.load %arg5[%get3A_383, %get3A_384] : memref<128x10240xf32, #tpu.memory_space<vmem>>, vector<128x128xf32>
    %le3A_386 = arith.cmpf ole, %get3A_385, %broadcast_in_dim3A_26 : vector<128x128xf32>
    %jit3A_387 = arith.constant 1 : i32
    %jit3A_388 = arith.constant 0 : i32
    %broadcast_in_dim3A_389 = vector.broadcast %jit3A_387 : i32 to vector<128x128xi32>
    %broadcast_in_dim3A_390 = vector.broadcast %jit3A_388 : i32 to vector<128x128xi32>
    %select_n3A_391 = arith.select %le3A_386, %broadcast_in_dim3A_389, %broadcast_in_dim3A_390 : vector<128x128xi1>, vector<128x128xi32>
    %add3A_392 = arith.addi %add3A_378, %select_n3A_391 : vector<128x128xi32>
    %mul3A_393 = arith.constant 1024 : i32
    %mul3A_394 = arith.muli %scan3A_364, %mul3A_393 : i32
    %add3A_395 = arith.constant 256 : i32
    %add3A_396 = arith.addi %mul3A_394, %add3A_395 : i32
    %get3A_397 = arith.constant 0 : index
    %get3A_398 = arith.index_cast %add3A_396 : i32 to index
    %get3A_399 = vector.load %arg5[%get3A_397, %get3A_398] : memref<128x10240xf32, #tpu.memory_space<vmem>>, vector<128x128xf32>
    %le3A_400 = arith.cmpf ole, %get3A_399, %broadcast_in_dim3A_26 : vector<128x128xf32>
    %jit3A_401 = arith.constant 1 : i32
    %jit3A_402 = arith.constant 0 : i32
    %broadcast_in_dim3A_403 = vector.broadcast %jit3A_401 : i32 to vector<128x128xi32>
    %broadcast_in_dim3A_404 = vector.broadcast %jit3A_402 : i32 to vector<128x128xi32>
    %select_n3A_405 = arith.select %le3A_400, %broadcast_in_dim3A_403, %broadcast_in_dim3A_404 : vector<128x128xi1>, vector<128x128xi32>
    %add3A_406 = arith.addi %add3A_392, %select_n3A_405 : vector<128x128xi32>
    %mul3A_407 = arith.constant 1024 : i32
    %mul3A_408 = arith.muli %scan3A_364, %mul3A_407 : i32
    %add3A_409 = arith.constant 384 : i32
    %add3A_410 = arith.addi %mul3A_408, %add3A_409 : i32
    %get3A_411 = arith.constant 0 : index
    %get3A_412 = arith.index_cast %add3A_410 : i32 to index
    %get3A_413 = vector.load %arg5[%get3A_411, %get3A_412] : memref<128x10240xf32, #tpu.memory_space<vmem>>, vector<128x128xf32>
    %le3A_414 = arith.cmpf ole, %get3A_413, %broadcast_in_dim3A_26 : vector<128x128xf32>
    %jit3A_415 = arith.constant 1 : i32
    %jit3A_416 = arith.constant 0 : i32
    %broadcast_in_dim3A_417 = vector.broadcast %jit3A_415 : i32 to vector<128x128xi32>
    %broadcast_in_dim3A_418 = vector.broadcast %jit3A_416 : i32 to vector<128x128xi32>
    %select_n3A_419 = arith.select %le3A_414, %broadcast_in_dim3A_417, %broadcast_in_dim3A_418 : vector<128x128xi1>, vector<128x128xi32>
    %add3A_420 = arith.addi %add3A_406, %select_n3A_419 : vector<128x128xi32>
    %mul3A_421 = arith.constant 1024 : i32
    %mul3A_422 = arith.muli %scan3A_364, %mul3A_421 : i32
    %add3A_423 = arith.constant 512 : i32
    %add3A_424 = arith.addi %mul3A_422, %add3A_423 : i32
    %get3A_425 = arith.constant 0 : index
    %get3A_426 = arith.index_cast %add3A_424 : i32 to index
    %get3A_427 = vector.load %arg5[%get3A_425, %get3A_426] : memref<128x10240xf32, #tpu.memory_space<vmem>>, vector<128x128xf32>
    %le3A_428 = arith.cmpf ole, %get3A_427, %broadcast_in_dim3A_26 : vector<128x128xf32>
    %jit3A_429 = arith.constant 1 : i32
    %jit3A_430 = arith.constant 0 : i32
    %broadcast_in_dim3A_431 = vector.broadcast %jit3A_429 : i32 to vector<128x128xi32>
    %broadcast_in_dim3A_432 = vector.broadcast %jit3A_430 : i32 to vector<128x128xi32>
    %select_n3A_433 = arith.select %le3A_428, %broadcast_in_dim3A_431, %broadcast_in_dim3A_432 : vector<128x128xi1>, vector<128x128xi32>
    %add3A_434 = arith.addi %add3A_420, %select_n3A_433 : vector<128x128xi32>
    %mul3A_435 = arith.constant 1024 : i32
    %mul3A_436 = arith.muli %scan3A_364, %mul3A_435 : i32
    %add3A_437 = arith.constant 640 : i32
    %add3A_438 = arith.addi %mul3A_436, %add3A_437 : i32
    %get3A_439 = arith.constant 0 : index
    %get3A_440 = arith.index_cast %add3A_438 : i32 to index
    %get3A_441 = vector.load %arg5[%get3A_439, %get3A_440] : memref<128x10240xf32, #tpu.memory_space<vmem>>, vector<128x128xf32>
    %le3A_442 = arith.cmpf ole, %get3A_441, %broadcast_in_dim3A_26 : vector<128x128xf32>
    %jit3A_443 = arith.constant 1 : i32
    %jit3A_444 = arith.constant 0 : i32
    %broadcast_in_dim3A_445 = vector.broadcast %jit3A_443 : i32 to vector<128x128xi32>
    %broadcast_in_dim3A_446 = vector.broadcast %jit3A_444 : i32 to vector<128x128xi32>
    %select_n3A_447 = arith.select %le3A_442, %broadcast_in_dim3A_445, %broadcast_in_dim3A_446 : vector<128x128xi1>, vector<128x128xi32>
    %add3A_448 = arith.addi %add3A_434, %select_n3A_447 : vector<128x128xi32>
    %mul3A_449 = arith.constant 1024 : i32
    %mul3A_450 = arith.muli %scan3A_364, %mul3A_449 : i32
    %add3A_451 = arith.constant 768 : i32
    %add3A_452 = arith.addi %mul3A_450, %add3A_451 : i32
    %get3A_453 = arith.constant 0 : index
    %get3A_454 = arith.index_cast %add3A_452 : i32 to index
    %get3A_455 = vector.load %arg5[%get3A_453, %get3A_454] : memref<128x10240xf32, #tpu.memory_space<vmem>>, vector<128x128xf32>
    %le3A_456 = arith.cmpf ole, %get3A_455, %broadcast_in_dim3A_26 : vector<128x128xf32>
    %jit3A_457 = arith.constant 1 : i32
    %jit3A_458 = arith.constant 0 : i32
    %broadcast_in_dim3A_459 = vector.broadcast %jit3A_457 : i32 to vector<128x128xi32>
    %broadcast_in_dim3A_460 = vector.broadcast %jit3A_458 : i32 to vector<128x128xi32>
    %select_n3A_461 = arith.select %le3A_456, %broadcast_in_dim3A_459, %broadcast_in_dim3A_460 : vector<128x128xi1>, vector<128x128xi32>
    %add3A_462 = arith.addi %add3A_448, %select_n3A_461 : vector<128x128xi32>
    %mul3A_463 = arith.constant 1024 : i32
    %mul3A_464 = arith.muli %scan3A_364, %mul3A_463 : i32
    %add3A_465 = arith.constant 896 : i32
    %add3A_466 = arith.addi %mul3A_464, %add3A_465 : i32
    %get3A_467 = arith.constant 0 : index
    %get3A_468 = arith.index_cast %add3A_466 : i32 to index
    %get3A_469 = vector.load %arg5[%get3A_467, %get3A_468] : memref<128x10240xf32, #tpu.memory_space<vmem>>, vector<128x128xf32>
    %le3A_470 = arith.cmpf ole, %get3A_469, %broadcast_in_dim3A_26 : vector<128x128xf32>
    %jit3A_471 = arith.constant 1 : i32
    %jit3A_472 = arith.constant 0 : i32
    %broadcast_in_dim3A_473 = vector.broadcast %jit3A_471 : i32 to vector<128x128xi32>
    %broadcast_in_dim3A_474 = vector.broadcast %jit3A_472 : i32 to vector<128x128xi32>
    %select_n3A_475 = arith.select %le3A_470, %broadcast_in_dim3A_473, %broadcast_in_dim3A_474 : vector<128x128xi1>, vector<128x128xi32>
    %add3A_476 = arith.addi %add3A_462, %select_n3A_475 : vector<128x128xi32>
    %scan3A_477 = arith.constant 4 : i32
    %mul3A_478 = arith.constant 1024 : i32
    %mul3A_479 = arith.muli %scan3A_477, %mul3A_478 : i32
    %add3A_480 = arith.constant 0 : i32
    %add3A_481 = arith.addi %mul3A_479, %add3A_480 : i32
    %get3A_482 = arith.constant 0 : index
    %get3A_483 = arith.index_cast %add3A_481 : i32 to index
    %get3A_484 = vector.load %arg5[%get3A_482, %get3A_483] : memref<128x10240xf32, #tpu.memory_space<vmem>>, vector<128x128xf32>
    %le3A_485 = arith.cmpf ole, %get3A_484, %broadcast_in_dim3A_26 : vector<128x128xf32>
    %jit3A_486 = arith.constant 1 : i32
    %jit3A_487 = arith.constant 0 : i32
    %broadcast_in_dim3A_488 = vector.broadcast %jit3A_486 : i32 to vector<128x128xi32>
    %broadcast_in_dim3A_489 = vector.broadcast %jit3A_487 : i32 to vector<128x128xi32>
    %select_n3A_490 = arith.select %le3A_485, %broadcast_in_dim3A_488, %broadcast_in_dim3A_489 : vector<128x128xi1>, vector<128x128xi32>
    %add3A_491 = arith.addi %add3A_476, %select_n3A_490 : vector<128x128xi32>
    %mul3A_492 = arith.constant 1024 : i32
    %mul3A_493 = arith.muli %scan3A_477, %mul3A_492 : i32
    %add3A_494 = arith.constant 128 : i32
    %add3A_495 = arith.addi %mul3A_493, %add3A_494 : i32
    %get3A_496 = arith.constant 0 : index
    %get3A_497 = arith.index_cast %add3A_495 : i32 to index
    %get3A_498 = vector.load %arg5[%get3A_496, %get3A_497] : memref<128x10240xf32, #tpu.memory_space<vmem>>, vector<128x128xf32>
    %le3A_499 = arith.cmpf ole, %get3A_498, %broadcast_in_dim3A_26 : vector<128x128xf32>
    %jit3A_500 = arith.constant 1 : i32
    %jit3A_501 = arith.constant 0 : i32
    %broadcast_in_dim3A_502 = vector.broadcast %jit3A_500 : i32 to vector<128x128xi32>
    %broadcast_in_dim3A_503 = vector.broadcast %jit3A_501 : i32 to vector<128x128xi32>
    %select_n3A_504 = arith.select %le3A_499, %broadcast_in_dim3A_502, %broadcast_in_dim3A_503 : vector<128x128xi1>, vector<128x128xi32>
    %add3A_505 = arith.addi %add3A_491, %select_n3A_504 : vector<128x128xi32>
    %mul3A_506 = arith.constant 1024 : i32
    %mul3A_507 = arith.muli %scan3A_477, %mul3A_506 : i32
    %add3A_508 = arith.constant 256 : i32
    %add3A_509 = arith.addi %mul3A_507, %add3A_508 : i32
    %get3A_510 = arith.constant 0 : index
    %get3A_511 = arith.index_cast %add3A_509 : i32 to index
    %get3A_512 = vector.load %arg5[%get3A_510, %get3A_511] : memref<128x10240xf32, #tpu.memory_space<vmem>>, vector<128x128xf32>
    %le3A_513 = arith.cmpf ole, %get3A_512, %broadcast_in_dim3A_26 : vector<128x128xf32>
    %jit3A_514 = arith.constant 1 : i32
    %jit3A_515 = arith.constant 0 : i32
    %broadcast_in_dim3A_516 = vector.broadcast %jit3A_514 : i32 to vector<128x128xi32>
    %broadcast_in_dim3A_517 = vector.broadcast %jit3A_515 : i32 to vector<128x128xi32>
    %select_n3A_518 = arith.select %le3A_513, %broadcast_in_dim3A_516, %broadcast_in_dim3A_517 : vector<128x128xi1>, vector<128x128xi32>
    %add3A_519 = arith.addi %add3A_505, %select_n3A_518 : vector<128x128xi32>
    %mul3A_520 = arith.constant 1024 : i32
    %mul3A_521 = arith.muli %scan3A_477, %mul3A_520 : i32
    %add3A_522 = arith.constant 384 : i32
    %add3A_523 = arith.addi %mul3A_521, %add3A_522 : i32
    %get3A_524 = arith.constant 0 : index
    %get3A_525 = arith.index_cast %add3A_523 : i32 to index
    %get3A_526 = vector.load %arg5[%get3A_524, %get3A_525] : memref<128x10240xf32, #tpu.memory_space<vmem>>, vector<128x128xf32>
    %le3A_527 = arith.cmpf ole, %get3A_526, %broadcast_in_dim3A_26 : vector<128x128xf32>
    %jit3A_528 = arith.constant 1 : i32
    %jit3A_529 = arith.constant 0 : i32
    %broadcast_in_dim3A_530 = vector.broadcast %jit3A_528 : i32 to vector<128x128xi32>
    %broadcast_in_dim3A_531 = vector.broadcast %jit3A_529 : i32 to vector<128x128xi32>
    %select_n3A_532 = arith.select %le3A_527, %broadcast_in_dim3A_530, %broadcast_in_dim3A_531 : vector<128x128xi1>, vector<128x128xi32>
    %add3A_533 = arith.addi %add3A_519, %select_n3A_532 : vector<128x128xi32>
    %mul3A_534 = arith.constant 1024 : i32
    %mul3A_535 = arith.muli %scan3A_477, %mul3A_534 : i32
    %add3A_536 = arith.constant 512 : i32
    %add3A_537 = arith.addi %mul3A_535, %add3A_536 : i32
    %get3A_538 = arith.constant 0 : index
    %get3A_539 = arith.index_cast %add3A_537 : i32 to index
    %get3A_540 = vector.load %arg5[%get3A_538, %get3A_539] : memref<128x10240xf32, #tpu.memory_space<vmem>>, vector<128x128xf32>
    %le3A_541 = arith.cmpf ole, %get3A_540, %broadcast_in_dim3A_26 : vector<128x128xf32>
    %jit3A_542 = arith.constant 1 : i32
    %jit3A_543 = arith.constant 0 : i32
    %broadcast_in_dim3A_544 = vector.broadcast %jit3A_542 : i32 to vector<128x128xi32>
    %broadcast_in_dim3A_545 = vector.broadcast %jit3A_543 : i32 to vector<128x128xi32>
    %select_n3A_546 = arith.select %le3A_541, %broadcast_in_dim3A_544, %broadcast_in_dim3A_545 : vector<128x128xi1>, vector<128x128xi32>
    %add3A_547 = arith.addi %add3A_533, %select_n3A_546 : vector<128x128xi32>
    %mul3A_548 = arith.constant 1024 : i32
    %mul3A_549 = arith.muli %scan3A_477, %mul3A_548 : i32
    %add3A_550 = arith.constant 640 : i32
    %add3A_551 = arith.addi %mul3A_549, %add3A_550 : i32
    %get3A_552 = arith.constant 0 : index
    %get3A_553 = arith.index_cast %add3A_551 : i32 to index
    %get3A_554 = vector.load %arg5[%get3A_552, %get3A_553] : memref<128x10240xf32, #tpu.memory_space<vmem>>, vector<128x128xf32>
    %le3A_555 = arith.cmpf ole, %get3A_554, %broadcast_in_dim3A_26 : vector<128x128xf32>
    %jit3A_556 = arith.constant 1 : i32
    %jit3A_557 = arith.constant 0 : i32
    %broadcast_in_dim3A_558 = vector.broadcast %jit3A_556 : i32 to vector<128x128xi32>
    %broadcast_in_dim3A_559 = vector.broadcast %jit3A_557 : i32 to vector<128x128xi32>
    %select_n3A_560 = arith.select %le3A_555, %broadcast_in_dim3A_558, %broadcast_in_dim3A_559 : vector<128x128xi1>, vector<128x128xi32>
    %add3A_561 = arith.addi %add3A_547, %select_n3A_560 : vector<128x128xi32>
    %mul3A_562 = arith.constant 1024 : i32
    %mul3A_563 = arith.muli %scan3A_477, %mul3A_562 : i32
    %add3A_564 = arith.constant 768 : i32
    %add3A_565 = arith.addi %mul3A_563, %add3A_564 : i32
    %get3A_566 = arith.constant 0 : index
    %get3A_567 = arith.index_cast %add3A_565 : i32 to index
    %get3A_568 = vector.load %arg5[%get3A_566, %get3A_567] : memref<128x10240xf32, #tpu.memory_space<vmem>>, vector<128x128xf32>
    %le3A_569 = arith.cmpf ole, %get3A_568, %broadcast_in_dim3A_26 : vector<128x128xf32>
    %jit3A_570 = arith.constant 1 : i32
    %jit3A_571 = arith.constant 0 : i32
    %broadcast_in_dim3A_572 = vector.broadcast %jit3A_570 : i32 to vector<128x128xi32>
    %broadcast_in_dim3A_573 = vector.broadcast %jit3A_571 : i32 to vector<128x128xi32>
    %select_n3A_574 = arith.select %le3A_569, %broadcast_in_dim3A_572, %broadcast_in_dim3A_573 : vector<128x128xi1>, vector<128x128xi32>
    %add3A_575 = arith.addi %add3A_561, %select_n3A_574 : vector<128x128xi32>
    %mul3A_576 = arith.constant 1024 : i32
    %mul3A_577 = arith.muli %scan3A_477, %mul3A_576 : i32
    %add3A_578 = arith.constant 896 : i32
    %add3A_579 = arith.addi %mul3A_577, %add3A_578 : i32
    %get3A_580 = arith.constant 0 : index
    %get3A_581 = arith.index_cast %add3A_579 : i32 to index
    %get3A_582 = vector.load %arg5[%get3A_580, %get3A_581] : memref<128x10240xf32, #tpu.memory_space<vmem>>, vector<128x128xf32>
    %le3A_583 = arith.cmpf ole, %get3A_582, %broadcast_in_dim3A_26 : vector<128x128xf32>
    %jit3A_584 = arith.constant 1 : i32
    %jit3A_585 = arith.constant 0 : i32
    %broadcast_in_dim3A_586 = vector.broadcast %jit3A_584 : i32 to vector<128x128xi32>
    %broadcast_in_dim3A_587 = vector.broadcast %jit3A_585 : i32 to vector<128x128xi32>
    %select_n3A_588 = arith.select %le3A_583, %broadcast_in_dim3A_586, %broadcast_in_dim3A_587 : vector<128x128xi1>, vector<128x128xi32>
    %add3A_589 = arith.addi %add3A_575, %select_n3A_588 : vector<128x128xi32>
    %scan3A_590 = arith.constant 5 : i32
    %mul3A_591 = arith.constant 1024 : i32
    %mul3A_592 = arith.muli %scan3A_590, %mul3A_591 : i32
    %add3A_593 = arith.constant 0 : i32
    %add3A_594 = arith.addi %mul3A_592, %add3A_593 : i32
    %get3A_595 = arith.constant 0 : index
    %get3A_596 = arith.index_cast %add3A_594 : i32 to index
    %get3A_597 = vector.load %arg5[%get3A_595, %get3A_596] : memref<128x10240xf32, #tpu.memory_space<vmem>>, vector<128x128xf32>
    %le3A_598 = arith.cmpf ole, %get3A_597, %broadcast_in_dim3A_26 : vector<128x128xf32>
    %jit3A_599 = arith.constant 1 : i32
    %jit3A_600 = arith.constant 0 : i32
    %broadcast_in_dim3A_601 = vector.broadcast %jit3A_599 : i32 to vector<128x128xi32>
    %broadcast_in_dim3A_602 = vector.broadcast %jit3A_600 : i32 to vector<128x128xi32>
    %select_n3A_603 = arith.select %le3A_598, %broadcast_in_dim3A_601, %broadcast_in_dim3A_602 : vector<128x128xi1>, vector<128x128xi32>
    %add3A_604 = arith.addi %add3A_589, %select_n3A_603 : vector<128x128xi32>
    %mul3A_605 = arith.constant 1024 : i32
    %mul3A_606 = arith.muli %scan3A_590, %mul3A_605 : i32
    %add3A_607 = arith.constant 128 : i32
    %add3A_608 = arith.addi %mul3A_606, %add3A_607 : i32
    %get3A_609 = arith.constant 0 : index
    %get3A_610 = arith.index_cast %add3A_608 : i32 to index
    %get3A_611 = vector.load %arg5[%get3A_609, %get3A_610] : memref<128x10240xf32, #tpu.memory_space<vmem>>, vector<128x128xf32>
    %le3A_612 = arith.cmpf ole, %get3A_611, %broadcast_in_dim3A_26 : vector<128x128xf32>
    %jit3A_613 = arith.constant 1 : i32
    %jit3A_614 = arith.constant 0 : i32
    %broadcast_in_dim3A_615 = vector.broadcast %jit3A_613 : i32 to vector<128x128xi32>
    %broadcast_in_dim3A_616 = vector.broadcast %jit3A_614 : i32 to vector<128x128xi32>
    %select_n3A_617 = arith.select %le3A_612, %broadcast_in_dim3A_615, %broadcast_in_dim3A_616 : vector<128x128xi1>, vector<128x128xi32>
    %add3A_618 = arith.addi %add3A_604, %select_n3A_617 : vector<128x128xi32>
    %mul3A_619 = arith.constant 1024 : i32
    %mul3A_620 = arith.muli %scan3A_590, %mul3A_619 : i32
    %add3A_621 = arith.constant 256 : i32
    %add3A_622 = arith.addi %mul3A_620, %add3A_621 : i32
    %get3A_623 = arith.constant 0 : index
    %get3A_624 = arith.index_cast %add3A_622 : i32 to index
    %get3A_625 = vector.load %arg5[%get3A_623, %get3A_624] : memref<128x10240xf32, #tpu.memory_space<vmem>>, vector<128x128xf32>
    %le3A_626 = arith.cmpf ole, %get3A_625, %broadcast_in_dim3A_26 : vector<128x128xf32>
    %jit3A_627 = arith.constant 1 : i32
    %jit3A_628 = arith.constant 0 : i32
    %broadcast_in_dim3A_629 = vector.broadcast %jit3A_627 : i32 to vector<128x128xi32>
    %broadcast_in_dim3A_630 = vector.broadcast %jit3A_628 : i32 to vector<128x128xi32>
    %select_n3A_631 = arith.select %le3A_626, %broadcast_in_dim3A_629, %broadcast_in_dim3A_630 : vector<128x128xi1>, vector<128x128xi32>
    %add3A_632 = arith.addi %add3A_618, %select_n3A_631 : vector<128x128xi32>
    %mul3A_633 = arith.constant 1024 : i32
    %mul3A_634 = arith.muli %scan3A_590, %mul3A_633 : i32
    %add3A_635 = arith.constant 384 : i32
    %add3A_636 = arith.addi %mul3A_634, %add3A_635 : i32
    %get3A_637 = arith.constant 0 : index
    %get3A_638 = arith.index_cast %add3A_636 : i32 to index
    %get3A_639 = vector.load %arg5[%get3A_637, %get3A_638] : memref<128x10240xf32, #tpu.memory_space<vmem>>, vector<128x128xf32>
    %le3A_640 = arith.cmpf ole, %get3A_639, %broadcast_in_dim3A_26 : vector<128x128xf32>
    %jit3A_641 = arith.constant 1 : i32
    %jit3A_642 = arith.constant 0 : i32
    %broadcast_in_dim3A_643 = vector.broadcast %jit3A_641 : i32 to vector<128x128xi32>
    %broadcast_in_dim3A_644 = vector.broadcast %jit3A_642 : i32 to vector<128x128xi32>
    %select_n3A_645 = arith.select %le3A_640, %broadcast_in_dim3A_643, %broadcast_in_dim3A_644 : vector<128x128xi1>, vector<128x128xi32>
    %add3A_646 = arith.addi %add3A_632, %select_n3A_645 : vector<128x128xi32>
    %mul3A_647 = arith.constant 1024 : i32
    %mul3A_648 = arith.muli %scan3A_590, %mul3A_647 : i32
    %add3A_649 = arith.constant 512 : i32
    %add3A_650 = arith.addi %mul3A_648, %add3A_649 : i32
    %get3A_651 = arith.constant 0 : index
    %get3A_652 = arith.index_cast %add3A_650 : i32 to index
    %get3A_653 = vector.load %arg5[%get3A_651, %get3A_652] : memref<128x10240xf32, #tpu.memory_space<vmem>>, vector<128x128xf32>
    %le3A_654 = arith.cmpf ole, %get3A_653, %broadcast_in_dim3A_26 : vector<128x128xf32>
    %jit3A_655 = arith.constant 1 : i32
    %jit3A_656 = arith.constant 0 : i32
    %broadcast_in_dim3A_657 = vector.broadcast %jit3A_655 : i32 to vector<128x128xi32>
    %broadcast_in_dim3A_658 = vector.broadcast %jit3A_656 : i32 to vector<128x128xi32>
    %select_n3A_659 = arith.select %le3A_654, %broadcast_in_dim3A_657, %broadcast_in_dim3A_658 : vector<128x128xi1>, vector<128x128xi32>
    %add3A_660 = arith.addi %add3A_646, %select_n3A_659 : vector<128x128xi32>
    %mul3A_661 = arith.constant 1024 : i32
    %mul3A_662 = arith.muli %scan3A_590, %mul3A_661 : i32
    %add3A_663 = arith.constant 640 : i32
    %add3A_664 = arith.addi %mul3A_662, %add3A_663 : i32
    %get3A_665 = arith.constant 0 : index
    %get3A_666 = arith.index_cast %add3A_664 : i32 to index
    %get3A_667 = vector.load %arg5[%get3A_665, %get3A_666] : memref<128x10240xf32, #tpu.memory_space<vmem>>, vector<128x128xf32>
    %le3A_668 = arith.cmpf ole, %get3A_667, %broadcast_in_dim3A_26 : vector<128x128xf32>
    %jit3A_669 = arith.constant 1 : i32
    %jit3A_670 = arith.constant 0 : i32
    %broadcast_in_dim3A_671 = vector.broadcast %jit3A_669 : i32 to vector<128x128xi32>
    %broadcast_in_dim3A_672 = vector.broadcast %jit3A_670 : i32 to vector<128x128xi32>
    %select_n3A_673 = arith.select %le3A_668, %broadcast_in_dim3A_671, %broadcast_in_dim3A_672 : vector<128x128xi1>, vector<128x128xi32>
    %add3A_674 = arith.addi %add3A_660, %select_n3A_673 : vector<128x128xi32>
    %mul3A_675 = arith.constant 1024 : i32
    %mul3A_676 = arith.muli %scan3A_590, %mul3A_675 : i32
    %add3A_677 = arith.constant 768 : i32
    %add3A_678 = arith.addi %mul3A_676, %add3A_677 : i32
    %get3A_679 = arith.constant 0 : index
    %get3A_680 = arith.index_cast %add3A_678 : i32 to index
    %get3A_681 = vector.load %arg5[%get3A_679, %get3A_680] : memref<128x10240xf32, #tpu.memory_space<vmem>>, vector<128x128xf32>
    %le3A_682 = arith.cmpf ole, %get3A_681, %broadcast_in_dim3A_26 : vector<128x128xf32>
    %jit3A_683 = arith.constant 1 : i32
    %jit3A_684 = arith.constant 0 : i32
    %broadcast_in_dim3A_685 = vector.broadcast %jit3A_683 : i32 to vector<128x128xi32>
    %broadcast_in_dim3A_686 = vector.broadcast %jit3A_684 : i32 to vector<128x128xi32>
    %select_n3A_687 = arith.select %le3A_682, %broadcast_in_dim3A_685, %broadcast_in_dim3A_686 : vector<128x128xi1>, vector<128x128xi32>
    %add3A_688 = arith.addi %add3A_674, %select_n3A_687 : vector<128x128xi32>
    %mul3A_689 = arith.constant 1024 : i32
    %mul3A_690 = arith.muli %scan3A_590, %mul3A_689 : i32
    %add3A_691 = arith.constant 896 : i32
    %add3A_692 = arith.addi %mul3A_690, %add3A_691 : i32
    %get3A_693 = arith.constant 0 : index
    %get3A_694 = arith.index_cast %add3A_692 : i32 to index
    %get3A_695 = vector.load %arg5[%get3A_693, %get3A_694] : memref<128x10240xf32, #tpu.memory_space<vmem>>, vector<128x128xf32>
    %le3A_696 = arith.cmpf ole, %get3A_695, %broadcast_in_dim3A_26 : vector<128x128xf32>
    %jit3A_697 = arith.constant 1 : i32
    %jit3A_698 = arith.constant 0 : i32
    %broadcast_in_dim3A_699 = vector.broadcast %jit3A_697 : i32 to vector<128x128xi32>
    %broadcast_in_dim3A_700 = vector.broadcast %jit3A_698 : i32 to vector<128x128xi32>
    %select_n3A_701 = arith.select %le3A_696, %broadcast_in_dim3A_699, %broadcast_in_dim3A_700 : vector<128x128xi1>, vector<128x128xi32>
    %add3A_702 = arith.addi %add3A_688, %select_n3A_701 : vector<128x128xi32>
    %scan3A_703 = arith.constant 6 : i32
    %mul3A_704 = arith.constant 1024 : i32
    %mul3A_705 = arith.muli %scan3A_703, %mul3A_704 : i32
    %add3A_706 = arith.constant 0 : i32
    %add3A_707 = arith.addi %mul3A_705, %add3A_706 : i32
    %get3A_708 = arith.constant 0 : index
    %get3A_709 = arith.index_cast %add3A_707 : i32 to index
    %get3A_710 = vector.load %arg5[%get3A_708, %get3A_709] : memref<128x10240xf32, #tpu.memory_space<vmem>>, vector<128x128xf32>
    %le3A_711 = arith.cmpf ole, %get3A_710, %broadcast_in_dim3A_26 : vector<128x128xf32>
    %jit3A_712 = arith.constant 1 : i32
    %jit3A_713 = arith.constant 0 : i32
    %broadcast_in_dim3A_714 = vector.broadcast %jit3A_712 : i32 to vector<128x128xi32>
    %broadcast_in_dim3A_715 = vector.broadcast %jit3A_713 : i32 to vector<128x128xi32>
    %select_n3A_716 = arith.select %le3A_711, %broadcast_in_dim3A_714, %broadcast_in_dim3A_715 : vector<128x128xi1>, vector<128x128xi32>
    %add3A_717 = arith.addi %add3A_702, %select_n3A_716 : vector<128x128xi32>
    %mul3A_718 = arith.constant 1024 : i32
    %mul3A_719 = arith.muli %scan3A_703, %mul3A_718 : i32
    %add3A_720 = arith.constant 128 : i32
    %add3A_721 = arith.addi %mul3A_719, %add3A_720 : i32
    %get3A_722 = arith.constant 0 : index
    %get3A_723 = arith.index_cast %add3A_721 : i32 to index
    %get3A_724 = vector.load %arg5[%get3A_722, %get3A_723] : memref<128x10240xf32, #tpu.memory_space<vmem>>, vector<128x128xf32>
    %le3A_725 = arith.cmpf ole, %get3A_724, %broadcast_in_dim3A_26 : vector<128x128xf32>
    %jit3A_726 = arith.constant 1 : i32
    %jit3A_727 = arith.constant 0 : i32
    %broadcast_in_dim3A_728 = vector.broadcast %jit3A_726 : i32 to vector<128x128xi32>
    %broadcast_in_dim3A_729 = vector.broadcast %jit3A_727 : i32 to vector<128x128xi32>
    %select_n3A_730 = arith.select %le3A_725, %broadcast_in_dim3A_728, %broadcast_in_dim3A_729 : vector<128x128xi1>, vector<128x128xi32>
    %add3A_731 = arith.addi %add3A_717, %select_n3A_730 : vector<128x128xi32>
    %mul3A_732 = arith.constant 1024 : i32
    %mul3A_733 = arith.muli %scan3A_703, %mul3A_732 : i32
    %add3A_734 = arith.constant 256 : i32
    %add3A_735 = arith.addi %mul3A_733, %add3A_734 : i32
    %get3A_736 = arith.constant 0 : index
    %get3A_737 = arith.index_cast %add3A_735 : i32 to index
    %get3A_738 = vector.load %arg5[%get3A_736, %get3A_737] : memref<128x10240xf32, #tpu.memory_space<vmem>>, vector<128x128xf32>
    %le3A_739 = arith.cmpf ole, %get3A_738, %broadcast_in_dim3A_26 : vector<128x128xf32>
    %jit3A_740 = arith.constant 1 : i32
    %jit3A_741 = arith.constant 0 : i32
    %broadcast_in_dim3A_742 = vector.broadcast %jit3A_740 : i32 to vector<128x128xi32>
    %broadcast_in_dim3A_743 = vector.broadcast %jit3A_741 : i32 to vector<128x128xi32>
    %select_n3A_744 = arith.select %le3A_739, %broadcast_in_dim3A_742, %broadcast_in_dim3A_743 : vector<128x128xi1>, vector<128x128xi32>
    %add3A_745 = arith.addi %add3A_731, %select_n3A_744 : vector<128x128xi32>
    %mul3A_746 = arith.constant 1024 : i32
    %mul3A_747 = arith.muli %scan3A_703, %mul3A_746 : i32
    %add3A_748 = arith.constant 384 : i32
    %add3A_749 = arith.addi %mul3A_747, %add3A_748 : i32
    %get3A_750 = arith.constant 0 : index
    %get3A_751 = arith.index_cast %add3A_749 : i32 to index
    %get3A_752 = vector.load %arg5[%get3A_750, %get3A_751] : memref<128x10240xf32, #tpu.memory_space<vmem>>, vector<128x128xf32>
    %le3A_753 = arith.cmpf ole, %get3A_752, %broadcast_in_dim3A_26 : vector<128x128xf32>
    %jit3A_754 = arith.constant 1 : i32
    %jit3A_755 = arith.constant 0 : i32
    %broadcast_in_dim3A_756 = vector.broadcast %jit3A_754 : i32 to vector<128x128xi32>
    %broadcast_in_dim3A_757 = vector.broadcast %jit3A_755 : i32 to vector<128x128xi32>
    %select_n3A_758 = arith.select %le3A_753, %broadcast_in_dim3A_756, %broadcast_in_dim3A_757 : vector<128x128xi1>, vector<128x128xi32>
    %add3A_759 = arith.addi %add3A_745, %select_n3A_758 : vector<128x128xi32>
    %mul3A_760 = arith.constant 1024 : i32
    %mul3A_761 = arith.muli %scan3A_703, %mul3A_760 : i32
    %add3A_762 = arith.constant 512 : i32
    %add3A_763 = arith.addi %mul3A_761, %add3A_762 : i32
    %get3A_764 = arith.constant 0 : index
    %get3A_765 = arith.index_cast %add3A_763 : i32 to index
    %get3A_766 = vector.load %arg5[%get3A_764, %get3A_765] : memref<128x10240xf32, #tpu.memory_space<vmem>>, vector<128x128xf32>
    %le3A_767 = arith.cmpf ole, %get3A_766, %broadcast_in_dim3A_26 : vector<128x128xf32>
    %jit3A_768 = arith.constant 1 : i32
    %jit3A_769 = arith.constant 0 : i32
    %broadcast_in_dim3A_770 = vector.broadcast %jit3A_768 : i32 to vector<128x128xi32>
    %broadcast_in_dim3A_771 = vector.broadcast %jit3A_769 : i32 to vector<128x128xi32>
    %select_n3A_772 = arith.select %le3A_767, %broadcast_in_dim3A_770, %broadcast_in_dim3A_771 : vector<128x128xi1>, vector<128x128xi32>
    %add3A_773 = arith.addi %add3A_759, %select_n3A_772 : vector<128x128xi32>
    %mul3A_774 = arith.constant 1024 : i32
    %mul3A_775 = arith.muli %scan3A_703, %mul3A_774 : i32
    %add3A_776 = arith.constant 640 : i32
    %add3A_777 = arith.addi %mul3A_775, %add3A_776 : i32
    %get3A_778 = arith.constant 0 : index
    %get3A_779 = arith.index_cast %add3A_777 : i32 to index
    %get3A_780 = vector.load %arg5[%get3A_778, %get3A_779] : memref<128x10240xf32, #tpu.memory_space<vmem>>, vector<128x128xf32>
    %le3A_781 = arith.cmpf ole, %get3A_780, %broadcast_in_dim3A_26 : vector<128x128xf32>
    %jit3A_782 = arith.constant 1 : i32
    %jit3A_783 = arith.constant 0 : i32
    %broadcast_in_dim3A_784 = vector.broadcast %jit3A_782 : i32 to vector<128x128xi32>
    %broadcast_in_dim3A_785 = vector.broadcast %jit3A_783 : i32 to vector<128x128xi32>
    %select_n3A_786 = arith.select %le3A_781, %broadcast_in_dim3A_784, %broadcast_in_dim3A_785 : vector<128x128xi1>, vector<128x128xi32>
    %add3A_787 = arith.addi %add3A_773, %select_n3A_786 : vector<128x128xi32>
    %mul3A_788 = arith.constant 1024 : i32
    %mul3A_789 = arith.muli %scan3A_703, %mul3A_788 : i32
    %add3A_790 = arith.constant 768 : i32
    %add3A_791 = arith.addi %mul3A_789, %add3A_790 : i32
    %get3A_792 = arith.constant 0 : index
    %get3A_793 = arith.index_cast %add3A_791 : i32 to index
    %get3A_794 = vector.load %arg5[%get3A_792, %get3A_793] : memref<128x10240xf32, #tpu.memory_space<vmem>>, vector<128x128xf32>
    %le3A_795 = arith.cmpf ole, %get3A_794, %broadcast_in_dim3A_26 : vector<128x128xf32>
    %jit3A_796 = arith.constant 1 : i32
    %jit3A_797 = arith.constant 0 : i32
    %broadcast_in_dim3A_798 = vector.broadcast %jit3A_796 : i32 to vector<128x128xi32>
    %broadcast_in_dim3A_799 = vector.broadcast %jit3A_797 : i32 to vector<128x128xi32>
    %select_n3A_800 = arith.select %le3A_795, %broadcast_in_dim3A_798, %broadcast_in_dim3A_799 : vector<128x128xi1>, vector<128x128xi32>
    %add3A_801 = arith.addi %add3A_787, %select_n3A_800 : vector<128x128xi32>
    %mul3A_802 = arith.constant 1024 : i32
    %mul3A_803 = arith.muli %scan3A_703, %mul3A_802 : i32
    %add3A_804 = arith.constant 896 : i32
    %add3A_805 = arith.addi %mul3A_803, %add3A_804 : i32
    %get3A_806 = arith.constant 0 : index
    %get3A_807 = arith.index_cast %add3A_805 : i32 to index
    %get3A_808 = vector.load %arg5[%get3A_806, %get3A_807] : memref<128x10240xf32, #tpu.memory_space<vmem>>, vector<128x128xf32>
    %le3A_809 = arith.cmpf ole, %get3A_808, %broadcast_in_dim3A_26 : vector<128x128xf32>
    %jit3A_810 = arith.constant 1 : i32
    %jit3A_811 = arith.constant 0 : i32
    %broadcast_in_dim3A_812 = vector.broadcast %jit3A_810 : i32 to vector<128x128xi32>
    %broadcast_in_dim3A_813 = vector.broadcast %jit3A_811 : i32 to vector<128x128xi32>
    %select_n3A_814 = arith.select %le3A_809, %broadcast_in_dim3A_812, %broadcast_in_dim3A_813 : vector<128x128xi1>, vector<128x128xi32>
    %add3A_815 = arith.addi %add3A_801, %select_n3A_814 : vector<128x128xi32>
    %scan3A_816 = arith.constant 7 : i32
    %mul3A_817 = arith.constant 1024 : i32
    %mul3A_818 = arith.muli %scan3A_816, %mul3A_817 : i32
    %add3A_819 = arith.constant 0 : i32
    %add3A_820 = arith.addi %mul3A_818, %add3A_819 : i32
    %get3A_821 = arith.constant 0 : index
    %get3A_822 = arith.index_cast %add3A_820 : i32 to index
    %get3A_823 = vector.load %arg5[%get3A_821, %get3A_822] : memref<128x10240xf32, #tpu.memory_space<vmem>>, vector<128x128xf32>
    %le3A_824 = arith.cmpf ole, %get3A_823, %broadcast_in_dim3A_26 : vector<128x128xf32>
    %jit3A_825 = arith.constant 1 : i32
    %jit3A_826 = arith.constant 0 : i32
    %broadcast_in_dim3A_827 = vector.broadcast %jit3A_825 : i32 to vector<128x128xi32>
    %broadcast_in_dim3A_828 = vector.broadcast %jit3A_826 : i32 to vector<128x128xi32>
    %select_n3A_829 = arith.select %le3A_824, %broadcast_in_dim3A_827, %broadcast_in_dim3A_828 : vector<128x128xi1>, vector<128x128xi32>
    %add3A_830 = arith.addi %add3A_815, %select_n3A_829 : vector<128x128xi32>
    %mul3A_831 = arith.constant 1024 : i32
    %mul3A_832 = arith.muli %scan3A_816, %mul3A_831 : i32
    %add3A_833 = arith.constant 128 : i32
    %add3A_834 = arith.addi %mul3A_832, %add3A_833 : i32
    %get3A_835 = arith.constant 0 : index
    %get3A_836 = arith.index_cast %add3A_834 : i32 to index
    %get3A_837 = vector.load %arg5[%get3A_835, %get3A_836] : memref<128x10240xf32, #tpu.memory_space<vmem>>, vector<128x128xf32>
    %le3A_838 = arith.cmpf ole, %get3A_837, %broadcast_in_dim3A_26 : vector<128x128xf32>
    %jit3A_839 = arith.constant 1 : i32
    %jit3A_840 = arith.constant 0 : i32
    %broadcast_in_dim3A_841 = vector.broadcast %jit3A_839 : i32 to vector<128x128xi32>
    %broadcast_in_dim3A_842 = vector.broadcast %jit3A_840 : i32 to vector<128x128xi32>
    %select_n3A_843 = arith.select %le3A_838, %broadcast_in_dim3A_841, %broadcast_in_dim3A_842 : vector<128x128xi1>, vector<128x128xi32>
    %add3A_844 = arith.addi %add3A_830, %select_n3A_843 : vector<128x128xi32>
    %mul3A_845 = arith.constant 1024 : i32
    %mul3A_846 = arith.muli %scan3A_816, %mul3A_845 : i32
    %add3A_847 = arith.constant 256 : i32
    %add3A_848 = arith.addi %mul3A_846, %add3A_847 : i32
    %get3A_849 = arith.constant 0 : index
    %get3A_850 = arith.index_cast %add3A_848 : i32 to index
    %get3A_851 = vector.load %arg5[%get3A_849, %get3A_850] : memref<128x10240xf32, #tpu.memory_space<vmem>>, vector<128x128xf32>
    %le3A_852 = arith.cmpf ole, %get3A_851, %broadcast_in_dim3A_26 : vector<128x128xf32>
    %jit3A_853 = arith.constant 1 : i32
    %jit3A_854 = arith.constant 0 : i32
    %broadcast_in_dim3A_855 = vector.broadcast %jit3A_853 : i32 to vector<128x128xi32>
    %broadcast_in_dim3A_856 = vector.broadcast %jit3A_854 : i32 to vector<128x128xi32>
    %select_n3A_857 = arith.select %le3A_852, %broadcast_in_dim3A_855, %broadcast_in_dim3A_856 : vector<128x128xi1>, vector<128x128xi32>
    %add3A_858 = arith.addi %add3A_844, %select_n3A_857 : vector<128x128xi32>
    %mul3A_859 = arith.constant 1024 : i32
    %mul3A_860 = arith.muli %scan3A_816, %mul3A_859 : i32
    %add3A_861 = arith.constant 384 : i32
    %add3A_862 = arith.addi %mul3A_860, %add3A_861 : i32
    %get3A_863 = arith.constant 0 : index
    %get3A_864 = arith.index_cast %add3A_862 : i32 to index
    %get3A_865 = vector.load %arg5[%get3A_863, %get3A_864] : memref<128x10240xf32, #tpu.memory_space<vmem>>, vector<128x128xf32>
    %le3A_866 = arith.cmpf ole, %get3A_865, %broadcast_in_dim3A_26 : vector<128x128xf32>
    %jit3A_867 = arith.constant 1 : i32
    %jit3A_868 = arith.constant 0 : i32
    %broadcast_in_dim3A_869 = vector.broadcast %jit3A_867 : i32 to vector<128x128xi32>
    %broadcast_in_dim3A_870 = vector.broadcast %jit3A_868 : i32 to vector<128x128xi32>
    %select_n3A_871 = arith.select %le3A_866, %broadcast_in_dim3A_869, %broadcast_in_dim3A_870 : vector<128x128xi1>, vector<128x128xi32>
    %add3A_872 = arith.addi %add3A_858, %select_n3A_871 : vector<128x128xi32>
    %mul3A_873 = arith.constant 1024 : i32
    %mul3A_874 = arith.muli %scan3A_816, %mul3A_873 : i32
    %add3A_875 = arith.constant 512 : i32
    %add3A_876 = arith.addi %mul3A_874, %add3A_875 : i32
    %get3A_877 = arith.constant 0 : index
    %get3A_878 = arith.index_cast %add3A_876 : i32 to index
    %get3A_879 = vector.load %arg5[%get3A_877, %get3A_878] : memref<128x10240xf32, #tpu.memory_space<vmem>>, vector<128x128xf32>
    %le3A_880 = arith.cmpf ole, %get3A_879, %broadcast_in_dim3A_26 : vector<128x128xf32>
    %jit3A_881 = arith.constant 1 : i32
    %jit3A_882 = arith.constant 0 : i32
    %broadcast_in_dim3A_883 = vector.broadcast %jit3A_881 : i32 to vector<128x128xi32>
    %broadcast_in_dim3A_884 = vector.broadcast %jit3A_882 : i32 to vector<128x128xi32>
    %select_n3A_885 = arith.select %le3A_880, %broadcast_in_dim3A_883, %broadcast_in_dim3A_884 : vector<128x128xi1>, vector<128x128xi32>
    %add3A_886 = arith.addi %add3A_872, %select_n3A_885 : vector<128x128xi32>
    %mul3A_887 = arith.constant 1024 : i32
    %mul3A_888 = arith.muli %scan3A_816, %mul3A_887 : i32
    %add3A_889 = arith.constant 640 : i32
    %add3A_890 = arith.addi %mul3A_888, %add3A_889 : i32
    %get3A_891 = arith.constant 0 : index
    %get3A_892 = arith.index_cast %add3A_890 : i32 to index
    %get3A_893 = vector.load %arg5[%get3A_891, %get3A_892] : memref<128x10240xf32, #tpu.memory_space<vmem>>, vector<128x128xf32>
    %le3A_894 = arith.cmpf ole, %get3A_893, %broadcast_in_dim3A_26 : vector<128x128xf32>
    %jit3A_895 = arith.constant 1 : i32
    %jit3A_896 = arith.constant 0 : i32
    %broadcast_in_dim3A_897 = vector.broadcast %jit3A_895 : i32 to vector<128x128xi32>
    %broadcast_in_dim3A_898 = vector.broadcast %jit3A_896 : i32 to vector<128x128xi32>
    %select_n3A_899 = arith.select %le3A_894, %broadcast_in_dim3A_897, %broadcast_in_dim3A_898 : vector<128x128xi1>, vector<128x128xi32>
    %add3A_900 = arith.addi %add3A_886, %select_n3A_899 : vector<128x128xi32>
    %mul3A_901 = arith.constant 1024 : i32
    %mul3A_902 = arith.muli %scan3A_816, %mul3A_901 : i32
    %add3A_903 = arith.constant 768 : i32
    %add3A_904 = arith.addi %mul3A_902, %add3A_903 : i32
    %get3A_905 = arith.constant 0 : index
    %get3A_906 = arith.index_cast %add3A_904 : i32 to index
    %get3A_907 = vector.load %arg5[%get3A_905, %get3A_906] : memref<128x10240xf32, #tpu.memory_space<vmem>>, vector<128x128xf32>
    %le3A_908 = arith.cmpf ole, %get3A_907, %broadcast_in_dim3A_26 : vector<128x128xf32>
    %jit3A_909 = arith.constant 1 : i32
    %jit3A_910 = arith.constant 0 : i32
    %broadcast_in_dim3A_911 = vector.broadcast %jit3A_909 : i32 to vector<128x128xi32>
    %broadcast_in_dim3A_912 = vector.broadcast %jit3A_910 : i32 to vector<128x128xi32>
    %select_n3A_913 = arith.select %le3A_908, %broadcast_in_dim3A_911, %broadcast_in_dim3A_912 : vector<128x128xi1>, vector<128x128xi32>
    %add3A_914 = arith.addi %add3A_900, %select_n3A_913 : vector<128x128xi32>
    %mul3A_915 = arith.constant 1024 : i32
    %mul3A_916 = arith.muli %scan3A_816, %mul3A_915 : i32
    %add3A_917 = arith.constant 896 : i32
    %add3A_918 = arith.addi %mul3A_916, %add3A_917 : i32
    %get3A_919 = arith.constant 0 : index
    %get3A_920 = arith.index_cast %add3A_918 : i32 to index
    %get3A_921 = vector.load %arg5[%get3A_919, %get3A_920] : memref<128x10240xf32, #tpu.memory_space<vmem>>, vector<128x128xf32>
    %le3A_922 = arith.cmpf ole, %get3A_921, %broadcast_in_dim3A_26 : vector<128x128xf32>
    %jit3A_923 = arith.constant 1 : i32
    %jit3A_924 = arith.constant 0 : i32
    %broadcast_in_dim3A_925 = vector.broadcast %jit3A_923 : i32 to vector<128x128xi32>
    %broadcast_in_dim3A_926 = vector.broadcast %jit3A_924 : i32 to vector<128x128xi32>
    %select_n3A_927 = arith.select %le3A_922, %broadcast_in_dim3A_925, %broadcast_in_dim3A_926 : vector<128x128xi1>, vector<128x128xi32>
    %add3A_928 = arith.addi %add3A_914, %select_n3A_927 : vector<128x128xi32>
    %scan3A_929 = arith.constant 8 : i32
    %mul3A_930 = arith.constant 1024 : i32
    %mul3A_931 = arith.muli %scan3A_929, %mul3A_930 : i32
    %add3A_932 = arith.constant 0 : i32
    %add3A_933 = arith.addi %mul3A_931, %add3A_932 : i32
    %get3A_934 = arith.constant 0 : index
    %get3A_935 = arith.index_cast %add3A_933 : i32 to index
    %get3A_936 = vector.load %arg5[%get3A_934, %get3A_935] : memref<128x10240xf32, #tpu.memory_space<vmem>>, vector<128x128xf32>
    %le3A_937 = arith.cmpf ole, %get3A_936, %broadcast_in_dim3A_26 : vector<128x128xf32>
    %jit3A_938 = arith.constant 1 : i32
    %jit3A_939 = arith.constant 0 : i32
    %broadcast_in_dim3A_940 = vector.broadcast %jit3A_938 : i32 to vector<128x128xi32>
    %broadcast_in_dim3A_941 = vector.broadcast %jit3A_939 : i32 to vector<128x128xi32>
    %select_n3A_942 = arith.select %le3A_937, %broadcast_in_dim3A_940, %broadcast_in_dim3A_941 : vector<128x128xi1>, vector<128x128xi32>
    %add3A_943 = arith.addi %add3A_928, %select_n3A_942 : vector<128x128xi32>
    %mul3A_944 = arith.constant 1024 : i32
    %mul3A_945 = arith.muli %scan3A_929, %mul3A_944 : i32
    %add3A_946 = arith.constant 128 : i32
    %add3A_947 = arith.addi %mul3A_945, %add3A_946 : i32
    %get3A_948 = arith.constant 0 : index
    %get3A_949 = arith.index_cast %add3A_947 : i32 to index
    %get3A_950 = vector.load %arg5[%get3A_948, %get3A_949] : memref<128x10240xf32, #tpu.memory_space<vmem>>, vector<128x128xf32>
    %le3A_951 = arith.cmpf ole, %get3A_950, %broadcast_in_dim3A_26 : vector<128x128xf32>
    %jit3A_952 = arith.constant 1 : i32
    %jit3A_953 = arith.constant 0 : i32
    %broadcast_in_dim3A_954 = vector.broadcast %jit3A_952 : i32 to vector<128x128xi32>
    %broadcast_in_dim3A_955 = vector.broadcast %jit3A_953 : i32 to vector<128x128xi32>
    %select_n3A_956 = arith.select %le3A_951, %broadcast_in_dim3A_954, %broadcast_in_dim3A_955 : vector<128x128xi1>, vector<128x128xi32>
    %add3A_957 = arith.addi %add3A_943, %select_n3A_956 : vector<128x128xi32>
    %mul3A_958 = arith.constant 1024 : i32
    %mul3A_959 = arith.muli %scan3A_929, %mul3A_958 : i32
    %add3A_960 = arith.constant 256 : i32
    %add3A_961 = arith.addi %mul3A_959, %add3A_960 : i32
    %get3A_962 = arith.constant 0 : index
    %get3A_963 = arith.index_cast %add3A_961 : i32 to index
    %get3A_964 = vector.load %arg5[%get3A_962, %get3A_963] : memref<128x10240xf32, #tpu.memory_space<vmem>>, vector<128x128xf32>
    %le3A_965 = arith.cmpf ole, %get3A_964, %broadcast_in_dim3A_26 : vector<128x128xf32>
    %jit3A_966 = arith.constant 1 : i32
    %jit3A_967 = arith.constant 0 : i32
    %broadcast_in_dim3A_968 = vector.broadcast %jit3A_966 : i32 to vector<128x128xi32>
    %broadcast_in_dim3A_969 = vector.broadcast %jit3A_967 : i32 to vector<128x128xi32>
    %select_n3A_970 = arith.select %le3A_965, %broadcast_in_dim3A_968, %broadcast_in_dim3A_969 : vector<128x128xi1>, vector<128x128xi32>
    %add3A_971 = arith.addi %add3A_957, %select_n3A_970 : vector<128x128xi32>
    %mul3A_972 = arith.constant 1024 : i32
    %mul3A_973 = arith.muli %scan3A_929, %mul3A_972 : i32
    %add3A_974 = arith.constant 384 : i32
    %add3A_975 = arith.addi %mul3A_973, %add3A_974 : i32
    %get3A_976 = arith.constant 0 : index
    %get3A_977 = arith.index_cast %add3A_975 : i32 to index
    %get3A_978 = vector.load %arg5[%get3A_976, %get3A_977] : memref<128x10240xf32, #tpu.memory_space<vmem>>, vector<128x128xf32>
    %le3A_979 = arith.cmpf ole, %get3A_978, %broadcast_in_dim3A_26 : vector<128x128xf32>
    %jit3A_980 = arith.constant 1 : i32
    %jit3A_981 = arith.constant 0 : i32
    %broadcast_in_dim3A_982 = vector.broadcast %jit3A_980 : i32 to vector<128x128xi32>
    %broadcast_in_dim3A_983 = vector.broadcast %jit3A_981 : i32 to vector<128x128xi32>
    %select_n3A_984 = arith.select %le3A_979, %broadcast_in_dim3A_982, %broadcast_in_dim3A_983 : vector<128x128xi1>, vector<128x128xi32>
    %add3A_985 = arith.addi %add3A_971, %select_n3A_984 : vector<128x128xi32>
    %mul3A_986 = arith.constant 1024 : i32
    %mul3A_987 = arith.muli %scan3A_929, %mul3A_986 : i32
    %add3A_988 = arith.constant 512 : i32
    %add3A_989 = arith.addi %mul3A_987, %add3A_988 : i32
    %get3A_990 = arith.constant 0 : index
    %get3A_991 = arith.index_cast %add3A_989 : i32 to index
    %get3A_992 = vector.load %arg5[%get3A_990, %get3A_991] : memref<128x10240xf32, #tpu.memory_space<vmem>>, vector<128x128xf32>
    %le3A_993 = arith.cmpf ole, %get3A_992, %broadcast_in_dim3A_26 : vector<128x128xf32>
    %jit3A_994 = arith.constant 1 : i32
    %jit3A_995 = arith.constant 0 : i32
    %broadcast_in_dim3A_996 = vector.broadcast %jit3A_994 : i32 to vector<128x128xi32>
    %broadcast_in_dim3A_997 = vector.broadcast %jit3A_995 : i32 to vector<128x128xi32>
    %select_n3A_998 = arith.select %le3A_993, %broadcast_in_dim3A_996, %broadcast_in_dim3A_997 : vector<128x128xi1>, vector<128x128xi32>
    %add3A_999 = arith.addi %add3A_985, %select_n3A_998 : vector<128x128xi32>
    %mul3A_1000 = arith.constant 1024 : i32
    %mul3A_1001 = arith.muli %scan3A_929, %mul3A_1000 : i32
    %add3A_1002 = arith.constant 640 : i32
    %add3A_1003 = arith.addi %mul3A_1001, %add3A_1002 : i32
    %get3A_1004 = arith.constant 0 : index
    %get3A_1005 = arith.index_cast %add3A_1003 : i32 to index
    %get3A_1006 = vector.load %arg5[%get3A_1004, %get3A_1005] : memref<128x10240xf32, #tpu.memory_space<vmem>>, vector<128x128xf32>
    %le3A_1007 = arith.cmpf ole, %get3A_1006, %broadcast_in_dim3A_26 : vector<128x128xf32>
    %jit3A_1008 = arith.constant 1 : i32
    %jit3A_1009 = arith.constant 0 : i32
    %broadcast_in_dim3A_1010 = vector.broadcast %jit3A_1008 : i32 to vector<128x128xi32>
    %broadcast_in_dim3A_1011 = vector.broadcast %jit3A_1009 : i32 to vector<128x128xi32>
    %select_n3A_1012 = arith.select %le3A_1007, %broadcast_in_dim3A_1010, %broadcast_in_dim3A_1011 : vector<128x128xi1>, vector<128x128xi32>
    %add3A_1013 = arith.addi %add3A_999, %select_n3A_1012 : vector<128x128xi32>
    %mul3A_1014 = arith.constant 1024 : i32
    %mul3A_1015 = arith.muli %scan3A_929, %mul3A_1014 : i32
    %add3A_1016 = arith.constant 768 : i32
    %add3A_1017 = arith.addi %mul3A_1015, %add3A_1016 : i32
    %get3A_1018 = arith.constant 0 : index
    %get3A_1019 = arith.index_cast %add3A_1017 : i32 to index
    %get3A_1020 = vector.load %arg5[%get3A_1018, %get3A_1019] : memref<128x10240xf32, #tpu.memory_space<vmem>>, vector<128x128xf32>
    %le3A_1021 = arith.cmpf ole, %get3A_1020, %broadcast_in_dim3A_26 : vector<128x128xf32>
    %jit3A_1022 = arith.constant 1 : i32
    %jit3A_1023 = arith.constant 0 : i32
    %broadcast_in_dim3A_1024 = vector.broadcast %jit3A_1022 : i32 to vector<128x128xi32>
    %broadcast_in_dim3A_1025 = vector.broadcast %jit3A_1023 : i32 to vector<128x128xi32>
    %select_n3A_1026 = arith.select %le3A_1021, %broadcast_in_dim3A_1024, %broadcast_in_dim3A_1025 : vector<128x128xi1>, vector<128x128xi32>
    %add3A_1027 = arith.addi %add3A_1013, %select_n3A_1026 : vector<128x128xi32>
    %mul3A_1028 = arith.constant 1024 : i32
    %mul3A_1029 = arith.muli %scan3A_929, %mul3A_1028 : i32
    %add3A_1030 = arith.constant 896 : i32
    %add3A_1031 = arith.addi %mul3A_1029, %add3A_1030 : i32
    %get3A_1032 = arith.constant 0 : index
    %get3A_1033 = arith.index_cast %add3A_1031 : i32 to index
    %get3A_1034 = vector.load %arg5[%get3A_1032, %get3A_1033] : memref<128x10240xf32, #tpu.memory_space<vmem>>, vector<128x128xf32>
    %le3A_1035 = arith.cmpf ole, %get3A_1034, %broadcast_in_dim3A_26 : vector<128x128xf32>
    %jit3A_1036 = arith.constant 1 : i32
    %jit3A_1037 = arith.constant 0 : i32
    %broadcast_in_dim3A_1038 = vector.broadcast %jit3A_1036 : i32 to vector<128x128xi32>
    %broadcast_in_dim3A_1039 = vector.broadcast %jit3A_1037 : i32 to vector<128x128xi32>
    %select_n3A_1040 = arith.select %le3A_1035, %broadcast_in_dim3A_1038, %broadcast_in_dim3A_1039 : vector<128x128xi1>, vector<128x128xi32>
    %add3A_1041 = arith.addi %add3A_1027, %select_n3A_1040 : vector<128x128xi32>
    %scan3A_1042 = arith.constant 9 : i32
    %mul3A_1043 = arith.constant 1024 : i32
    %mul3A_1044 = arith.muli %scan3A_1042, %mul3A_1043 : i32
    %add3A_1045 = arith.constant 0 : i32
    %add3A_1046 = arith.addi %mul3A_1044, %add3A_1045 : i32
    %get3A_1047 = arith.constant 0 : index
    %get3A_1048 = arith.index_cast %add3A_1046 : i32 to index
    %get3A_1049 = vector.load %arg5[%get3A_1047, %get3A_1048] : memref<128x10240xf32, #tpu.memory_space<vmem>>, vector<128x128xf32>
    %le3A_1050 = arith.cmpf ole, %get3A_1049, %broadcast_in_dim3A_26 : vector<128x128xf32>
    %jit3A_1051 = arith.constant 1 : i32
    %jit3A_1052 = arith.constant 0 : i32
    %broadcast_in_dim3A_1053 = vector.broadcast %jit3A_1051 : i32 to vector<128x128xi32>
    %broadcast_in_dim3A_1054 = vector.broadcast %jit3A_1052 : i32 to vector<128x128xi32>
    %select_n3A_1055 = arith.select %le3A_1050, %broadcast_in_dim3A_1053, %broadcast_in_dim3A_1054 : vector<128x128xi1>, vector<128x128xi32>
    %add3A_1056 = arith.addi %add3A_1041, %select_n3A_1055 : vector<128x128xi32>
    %mul3A_1057 = arith.constant 1024 : i32
    %mul3A_1058 = arith.muli %scan3A_1042, %mul3A_1057 : i32
    %add3A_1059 = arith.constant 128 : i32
    %add3A_1060 = arith.addi %mul3A_1058, %add3A_1059 : i32
    %get3A_1061 = arith.constant 0 : index
    %get3A_1062 = arith.index_cast %add3A_1060 : i32 to index
    %get3A_1063 = vector.load %arg5[%get3A_1061, %get3A_1062] : memref<128x10240xf32, #tpu.memory_space<vmem>>, vector<128x128xf32>
    %le3A_1064 = arith.cmpf ole, %get3A_1063, %broadcast_in_dim3A_26 : vector<128x128xf32>
    %jit3A_1065 = arith.constant 1 : i32
    %jit3A_1066 = arith.constant 0 : i32
    %broadcast_in_dim3A_1067 = vector.broadcast %jit3A_1065 : i32 to vector<128x128xi32>
    %broadcast_in_dim3A_1068 = vector.broadcast %jit3A_1066 : i32 to vector<128x128xi32>
    %select_n3A_1069 = arith.select %le3A_1064, %broadcast_in_dim3A_1067, %broadcast_in_dim3A_1068 : vector<128x128xi1>, vector<128x128xi32>
    %add3A_1070 = arith.addi %add3A_1056, %select_n3A_1069 : vector<128x128xi32>
    %mul3A_1071 = arith.constant 1024 : i32
    %mul3A_1072 = arith.muli %scan3A_1042, %mul3A_1071 : i32
    %add3A_1073 = arith.constant 256 : i32
    %add3A_1074 = arith.addi %mul3A_1072, %add3A_1073 : i32
    %get3A_1075 = arith.constant 0 : index
    %get3A_1076 = arith.index_cast %add3A_1074 : i32 to index
    %get3A_1077 = vector.load %arg5[%get3A_1075, %get3A_1076] : memref<128x10240xf32, #tpu.memory_space<vmem>>, vector<128x128xf32>
    %le3A_1078 = arith.cmpf ole, %get3A_1077, %broadcast_in_dim3A_26 : vector<128x128xf32>
    %jit3A_1079 = arith.constant 1 : i32
    %jit3A_1080 = arith.constant 0 : i32
    %broadcast_in_dim3A_1081 = vector.broadcast %jit3A_1079 : i32 to vector<128x128xi32>
    %broadcast_in_dim3A_1082 = vector.broadcast %jit3A_1080 : i32 to vector<128x128xi32>
    %select_n3A_1083 = arith.select %le3A_1078, %broadcast_in_dim3A_1081, %broadcast_in_dim3A_1082 : vector<128x128xi1>, vector<128x128xi32>
    %add3A_1084 = arith.addi %add3A_1070, %select_n3A_1083 : vector<128x128xi32>
    %mul3A_1085 = arith.constant 1024 : i32
    %mul3A_1086 = arith.muli %scan3A_1042, %mul3A_1085 : i32
    %add3A_1087 = arith.constant 384 : i32
    %add3A_1088 = arith.addi %mul3A_1086, %add3A_1087 : i32
    %get3A_1089 = arith.constant 0 : index
    %get3A_1090 = arith.index_cast %add3A_1088 : i32 to index
    %get3A_1091 = vector.load %arg5[%get3A_1089, %get3A_1090] : memref<128x10240xf32, #tpu.memory_space<vmem>>, vector<128x128xf32>
    %le3A_1092 = arith.cmpf ole, %get3A_1091, %broadcast_in_dim3A_26 : vector<128x128xf32>
    %jit3A_1093 = arith.constant 1 : i32
    %jit3A_1094 = arith.constant 0 : i32
    %broadcast_in_dim3A_1095 = vector.broadcast %jit3A_1093 : i32 to vector<128x128xi32>
    %broadcast_in_dim3A_1096 = vector.broadcast %jit3A_1094 : i32 to vector<128x128xi32>
    %select_n3A_1097 = arith.select %le3A_1092, %broadcast_in_dim3A_1095, %broadcast_in_dim3A_1096 : vector<128x128xi1>, vector<128x128xi32>
    %add3A_1098 = arith.addi %add3A_1084, %select_n3A_1097 : vector<128x128xi32>
    %mul3A_1099 = arith.constant 1024 : i32
    %mul3A_1100 = arith.muli %scan3A_1042, %mul3A_1099 : i32
    %add3A_1101 = arith.constant 512 : i32
    %add3A_1102 = arith.addi %mul3A_1100, %add3A_1101 : i32
    %get3A_1103 = arith.constant 0 : index
    %get3A_1104 = arith.index_cast %add3A_1102 : i32 to index
    %get3A_1105 = vector.load %arg5[%get3A_1103, %get3A_1104] : memref<128x10240xf32, #tpu.memory_space<vmem>>, vector<128x128xf32>
    %le3A_1106 = arith.cmpf ole, %get3A_1105, %broadcast_in_dim3A_26 : vector<128x128xf32>
    %jit3A_1107 = arith.constant 1 : i32
    %jit3A_1108 = arith.constant 0 : i32
    %broadcast_in_dim3A_1109 = vector.broadcast %jit3A_1107 : i32 to vector<128x128xi32>
    %broadcast_in_dim3A_1110 = vector.broadcast %jit3A_1108 : i32 to vector<128x128xi32>
    %select_n3A_1111 = arith.select %le3A_1106, %broadcast_in_dim3A_1109, %broadcast_in_dim3A_1110 : vector<128x128xi1>, vector<128x128xi32>
    %add3A_1112 = arith.addi %add3A_1098, %select_n3A_1111 : vector<128x128xi32>
    %mul3A_1113 = arith.constant 1024 : i32
    %mul3A_1114 = arith.muli %scan3A_1042, %mul3A_1113 : i32
    %add3A_1115 = arith.constant 640 : i32
    %add3A_1116 = arith.addi %mul3A_1114, %add3A_1115 : i32
    %get3A_1117 = arith.constant 0 : index
    %get3A_1118 = arith.index_cast %add3A_1116 : i32 to index
    %get3A_1119 = vector.load %arg5[%get3A_1117, %get3A_1118] : memref<128x10240xf32, #tpu.memory_space<vmem>>, vector<128x128xf32>
    %le3A_1120 = arith.cmpf ole, %get3A_1119, %broadcast_in_dim3A_26 : vector<128x128xf32>
    %jit3A_1121 = arith.constant 1 : i32
    %jit3A_1122 = arith.constant 0 : i32
    %broadcast_in_dim3A_1123 = vector.broadcast %jit3A_1121 : i32 to vector<128x128xi32>
    %broadcast_in_dim3A_1124 = vector.broadcast %jit3A_1122 : i32 to vector<128x128xi32>
    %select_n3A_1125 = arith.select %le3A_1120, %broadcast_in_dim3A_1123, %broadcast_in_dim3A_1124 : vector<128x128xi1>, vector<128x128xi32>
    %add3A_1126 = arith.addi %add3A_1112, %select_n3A_1125 : vector<128x128xi32>
    %mul3A_1127 = arith.constant 1024 : i32
    %mul3A_1128 = arith.muli %scan3A_1042, %mul3A_1127 : i32
    %add3A_1129 = arith.constant 768 : i32
    %add3A_1130 = arith.addi %mul3A_1128, %add3A_1129 : i32
    %get3A_1131 = arith.constant 0 : index
    %get3A_1132 = arith.index_cast %add3A_1130 : i32 to index
    %get3A_1133 = vector.load %arg5[%get3A_1131, %get3A_1132] : memref<128x10240xf32, #tpu.memory_space<vmem>>, vector<128x128xf32>
    %le3A_1134 = arith.cmpf ole, %get3A_1133, %broadcast_in_dim3A_26 : vector<128x128xf32>
    %jit3A_1135 = arith.constant 1 : i32
    %jit3A_1136 = arith.constant 0 : i32
    %broadcast_in_dim3A_1137 = vector.broadcast %jit3A_1135 : i32 to vector<128x128xi32>
    %broadcast_in_dim3A_1138 = vector.broadcast %jit3A_1136 : i32 to vector<128x128xi32>
    %select_n3A_1139 = arith.select %le3A_1134, %broadcast_in_dim3A_1137, %broadcast_in_dim3A_1138 : vector<128x128xi1>, vector<128x128xi32>
    %add3A_1140 = arith.addi %add3A_1126, %select_n3A_1139 : vector<128x128xi32>
    %mul3A_1141 = arith.constant 1024 : i32
    %mul3A_1142 = arith.muli %scan3A_1042, %mul3A_1141 : i32
    %add3A_1143 = arith.constant 896 : i32
    %add3A_1144 = arith.addi %mul3A_1142, %add3A_1143 : i32
    %get3A_1145 = arith.constant 0 : index
    %get3A_1146 = arith.index_cast %add3A_1144 : i32 to index
    %get3A_1147 = vector.load %arg5[%get3A_1145, %get3A_1146] : memref<128x10240xf32, #tpu.memory_space<vmem>>, vector<128x128xf32>
    %le3A_1148 = arith.cmpf ole, %get3A_1147, %broadcast_in_dim3A_26 : vector<128x128xf32>
    %jit3A_1149 = arith.constant 1 : i32
    %jit3A_1150 = arith.constant 0 : i32
    %broadcast_in_dim3A_1151 = vector.broadcast %jit3A_1149 : i32 to vector<128x128xi32>
    %broadcast_in_dim3A_1152 = vector.broadcast %jit3A_1150 : i32 to vector<128x128xi32>
    %select_n3A_1153 = arith.select %le3A_1148, %broadcast_in_dim3A_1151, %broadcast_in_dim3A_1152 : vector<128x128xi1>, vector<128x128xi32>
    %add3A_1154 = arith.addi %add3A_1140, %select_n3A_1153 : vector<128x128xi32>
    %scan3A_1155 = arith.constant 10 : i32
    %reduce_sum3A = arith.constant dense<0> : vector<128xi32>
    %reduce_sum3A_1156 = vector.multi_reduction <add>, %add3A_1154, %reduce_sum3A [1] : vector<128x128xi32> to vector<128xi32>
    %broadcast_in_dim3A_1157 = vector.shape_cast %reduce_sum3A_1156 : vector<128xi32> to vector<128x1xi32>
    %sub3A = arith.constant 16 : i32
    %sub3A_1158 = vector.broadcast %sub3A : i32 to vector<128x1xi32>
    %sub3A_1159 = arith.subi %broadcast_in_dim3A_1157, %sub3A_1158 : vector<128x1xi32>
    %abs3A = math.absi %sub3A_1159 : vector<128x1xi32>
    %reduce_max3A = vector.shape_cast %abs3A : vector<128x1xi32> to vector<1x128x1xi32>
    %reduce_max3A_1160 = arith.constant dense<-2147483648> : vector<1xi32>
    %reduce_max3A_1161 = vector.multi_reduction <maxsi>, %reduce_max3A, %reduce_max3A_1160 [1, 2] : vector<1x128x1xi32> to vector<1xi32>
    %reduce_max3A_1162 = vector.shape_cast %reduce_max3A_1161 : vector<1xi32> to vector<1x1x1xi32>
    %reduce_max3A_1163 = vector.extract %reduce_max3A_1162[0, 0, 0] : i32 from vector<1x1x1xi32>
    %gt3A = arith.constant 0 : i32
    %gt3A_1164 = arith.cmpi sgt, %reduce_max3A_1163, %gt3A : i32
    %convert_element_type3A = arith.extui %gt3A_1164 : i1 to i32
    %cond3A = arith.constant 0 : i32
    %cond3A_1165 = arith.cmpi ne, %convert_element_type3A, %cond3A : i32
    scf.if %cond3A_1165 {
      %broadcast_in_dim3A_1166 = arith.constant -1.000000e+00 : f32
      %broadcast_in_dim3A_1167 = vector.broadcast %broadcast_in_dim3A_1166 : f32 to vector<128x1xf32>
      %broadcast_in_dim3A_1168 = arith.constant -1 : i32
      %broadcast_in_dim3A_1169 = vector.broadcast %broadcast_in_dim3A_1168 : i32 to vector<128x1xi32>
      %broadcast_in_dim3A_1170 = arith.constant 0.000000e+00 : f32
      %broadcast_in_dim3A_1171 = vector.broadcast %broadcast_in_dim3A_1170 : f32 to vector<128x16xf32>
      %broadcast_in_dim3A_1172 = arith.constant 0 : i32
      %broadcast_in_dim3A_1173 = vector.broadcast %broadcast_in_dim3A_1172 : i32 to vector<128x16xi32>
      %scan3A_1174 = arith.constant 0 : i32
      %scan3A_1175 = arith.constant 16 : i32
      %scan3A_1176 = arith.addi %scan3A_1174, %scan3A_1175 : i32
      %scan3A_1177 = arith.constant 1 : i32
      %scan3A_1178:4 = scf.for %scan3A_1190 = %scan3A_1174 to %scan3A_1176 step %scan3A_1177 iter_args(%scan3A_1191 = %broadcast_in_dim3A_1167, %scan3A_1192 = %broadcast_in_dim3A_1169, %scan3A_1193 = %broadcast_in_dim3A_1171, %scan3A_1194 = %broadcast_in_dim3A_1173) -> (vector<128x1xf32>, vector<128x1xi32>, vector<128x16xf32>, vector<128x16xi32>)  : i32 {
        %broadcast_in_dim3A_1195 = arith.constant 3.000000e+38 : f32
        %broadcast_in_dim3A_1196 = vector.broadcast %broadcast_in_dim3A_1195 : f32 to vector<128x1xf32>
        %broadcast_in_dim3A_1197 = arith.constant 10240 : i32
        %broadcast_in_dim3A_1198 = vector.broadcast %broadcast_in_dim3A_1197 : i32 to vector<128x1xi32>
        %scan3A_1199 = arith.constant 0 : i32
        %scan3A_1200 = arith.constant 10 : i32
        %scan3A_1201 = arith.addi %scan3A_1199, %scan3A_1200 : i32
        %scan3A_1202 = arith.constant 1 : i32
        %scan3A_1203:2 = scf.for %scan3A_1212 = %scan3A_1199 to %scan3A_1201 step %scan3A_1202 iter_args(%scan3A_1213 = %broadcast_in_dim3A_1196, %scan3A_1214 = %broadcast_in_dim3A_1198) -> (vector<128x1xf32>, vector<128x1xi32>)  : i32 {
          %mul3A_1215 = arith.constant 1024 : i32
          %mul3A_1216 = arith.muli %scan3A_1212, %mul3A_1215 : i32
          %get3A_1217 = arith.constant 0 : index
          %get3A_1218 = arith.index_cast %mul3A_1216 : i32 to index
          %get3A_1219 = vector.load %arg5[%get3A_1217, %get3A_1218] : memref<128x10240xf32, #tpu.memory_space<vmem>>, vector<128x1024xf32>
          %iota3A_1220 = tpu.iota {dimensions = array<i32: 1>} : vector<128x1024xi32>
          %mul3A_1221 = arith.constant 1024 : i32
          %mul3A_1222 = arith.muli %scan3A_1212, %mul3A_1221 : i32
          %add3A_1223 = vector.broadcast %mul3A_1222 : i32 to vector<128x1024xi32>
          %add3A_1224 = arith.addi %iota3A_1220, %add3A_1223 : vector<128x1024xi32>
          %gt3A_1225 = vector.broadcast %scan3A_1191 : vector<128x1xf32> to vector<128x1024xf32>
          %gt3A_1226 = arith.cmpf ogt, %get3A_1219, %gt3A_1225 : vector<128x1024xf32>
          %eq3A_1227 = vector.broadcast %scan3A_1191 : vector<128x1xf32> to vector<128x1024xf32>
          %eq3A_1228 = arith.cmpf oeq, %get3A_1219, %eq3A_1227 : vector<128x1024xf32>
          %gt3A_1229 = vector.broadcast %scan3A_1192 : vector<128x1xi32> to vector<128x1024xi32>
          %gt3A_1230 = arith.cmpi sgt, %add3A_1224, %gt3A_1229 : vector<128x1024xi32>
          %and3A = arith.andi %eq3A_1228, %gt3A_1230 : vector<128x1024xi1>
          %or3A = arith.ori %gt3A_1226, %and3A : vector<128x1024xi1>
          %jit3A_1231 = arith.constant 3.000000e+38 : f32
          %broadcast_in_dim3A_1232 = vector.broadcast %jit3A_1231 : f32 to vector<128x1024xf32>
          %select_n3A_1233 = arith.select %or3A, %get3A_1219, %broadcast_in_dim3A_1232 : vector<128x1024xi1>, vector<128x1024xf32>
          %reduce_min3A = arith.constant dense<0x7F800000> : vector<128xf32>
          %reduce_min3A_1234 = vector.multi_reduction <minimumf>, %select_n3A_1233, %reduce_min3A [1] : vector<128x1024xf32> to vector<128xf32>
          %broadcast_in_dim3A_1235 = vector.shape_cast %reduce_min3A_1234 : vector<128xf32> to vector<128x1xf32>
          %eq3A_1236 = vector.broadcast %broadcast_in_dim3A_1235 : vector<128x1xf32> to vector<128x1024xf32>
          %eq3A_1237 = arith.cmpf oeq, %select_n3A_1233, %eq3A_1236 : vector<128x1024xf32>
          %jit3A_1238 = arith.constant 10240 : i32
          %broadcast_in_dim3A_1239 = vector.broadcast %jit3A_1238 : i32 to vector<128x1024xi32>
          %select_n3A_1240 = arith.select %eq3A_1237, %add3A_1224, %broadcast_in_dim3A_1239 : vector<128x1024xi1>, vector<128x1024xi32>
          %reduce_min3A_1241 = arith.constant dense<2147483647> : vector<128xi32>
          %reduce_min3A_1242 = vector.multi_reduction <minsi>, %select_n3A_1240, %reduce_min3A_1241 [1] : vector<128x1024xi32> to vector<128xi32>
          %broadcast_in_dim3A_1243 = vector.shape_cast %reduce_min3A_1242 : vector<128xi32> to vector<128x1xi32>
          %lt3A = arith.cmpf olt, %broadcast_in_dim3A_1235, %scan3A_1213 : vector<128x1xf32>
          %eq3A_1244 = arith.cmpf oeq, %broadcast_in_dim3A_1235, %scan3A_1213 : vector<128x1xf32>
          %lt3A_1245 = arith.cmpi slt, %broadcast_in_dim3A_1243, %scan3A_1214 : vector<128x1xi32>
          %and3A_1246 = arith.andi %eq3A_1244, %lt3A_1245 : vector<128x1xi1>
          %or3A_1247 = arith.ori %lt3A, %and3A_1246 : vector<128x1xi1>
          %select_n3A_1248 = arith.select %or3A_1247, %broadcast_in_dim3A_1235, %scan3A_1213 : vector<128x1xi1>, vector<128x1xf32>
          %select_n3A_1249 = arith.select %or3A_1247, %broadcast_in_dim3A_1243, %scan3A_1214 : vector<128x1xi1>, vector<128x1xi32>
          scf.yield %select_n3A_1248, %select_n3A_1249 : vector<128x1xf32>, vector<128x1xi32>
        }
        %scan3A_1204 = arith.constant 10 : i32
        %eq3A = vector.broadcast %scan3A_1190 : i32 to vector<128x16xi32>
        %eq3A_1205 = arith.cmpi eq, %iota3A, %eq3A : vector<128x16xi32>
        %broadcast_in_dim3A_1206 = vector.shape_cast %scan3A_1203#0 : vector<128x1xf32> to vector<128x1xf32>
        %broadcast_in_dim3A_1207 = vector.broadcast %broadcast_in_dim3A_1206 : vector<128x1xf32> to vector<128x16xf32>
        %select_n3A_1208 = arith.select %eq3A_1205, %broadcast_in_dim3A_1207, %scan3A_1193 : vector<128x16xi1>, vector<128x16xf32>
        %broadcast_in_dim3A_1209 = vector.shape_cast %scan3A_1203#1 : vector<128x1xi32> to vector<128x1xi32>
        %broadcast_in_dim3A_1210 = vector.broadcast %broadcast_in_dim3A_1209 : vector<128x1xi32> to vector<128x16xi32>
        %select_n3A_1211 = arith.select %eq3A_1205, %broadcast_in_dim3A_1210, %scan3A_1194 : vector<128x16xi1>, vector<128x16xi32>
        scf.yield %scan3A_1203#0, %scan3A_1203#1, %select_n3A_1208, %select_n3A_1211 : vector<128x1xf32>, vector<128x1xi32>, vector<128x16xf32>, vector<128x16xi32>
      }
      %scan3A_1179 = arith.constant 16 : i32
      %swap3A_1180 = arith.constant 0 : index
      %swap3A_1181 = arith.constant 0 : index
      %swap3A_1182 = vector.load %arg3[%swap3A_1180, %swap3A_1181] : memref<128x16xi32, #tpu.memory_space<vmem>>, vector<128x16xi32>
      tpu.vector_store %arg3[%swap3A_1180, %swap3A_1181], %scan3A_1178#3 {strides = array<i32>} : memref<128x16xi32, #tpu.memory_space<vmem>>, vector<128x16xi32>,
      %mul3A_1183 = arith.constant -1.000000e+01 : f32
      %mul3A_1184 = vector.broadcast %mul3A_1183 : f32 to vector<128x16xf32>
      %mul3A_1185 = arith.mulf %mul3A_1184, %scan3A_1178#2 : vector<128x16xf32>
      %exp3A_1186 = math.exp %mul3A_1185 : vector<128x16xf32>
      %swap3A_1187 = arith.constant 0 : index
      %swap3A_1188 = arith.constant 0 : index
      %swap3A_1189 = vector.load %arg4[%swap3A_1187, %swap3A_1188] : memref<128x16xf32, #tpu.memory_space<vmem>>, vector<128x16xf32>
      tpu.vector_store %arg4[%swap3A_1187, %swap3A_1188], %exp3A_1186 {strides = array<i32>} : memref<128x16xf32, #tpu.memory_space<vmem>>, vector<128x16xf32>,
    } else {
    }
    return
  }
  func.func @transform_0(%arg0: i32) -> (i32, i32) {
    %c0_i32 = arith.constant 0 : i32
    %c0_i32_0 = arith.constant 0 : i32
    return %arg0, %c0_i32 : i32, i32
  }
  func.func @transform_1(%arg0: i32) -> (i32, i32) {
    %c0_i32 = arith.constant 0 : i32
    %c0_i32_0 = arith.constant 0 : i32
    %c0_i32_1 = arith.constant 0 : i32
    return %c0_i32, %c0_i32_0 : i32, i32
  }
  func.func @transform_2(%arg0: i32) -> (i32, i32) {
    %c0_i32 = arith.constant 0 : i32
    %c0_i32_0 = arith.constant 0 : i32
    return %arg0, %c0_i32 : i32, i32
  }
  func.func @transform_3(%arg0: i32) -> (i32, i32) {
    %c0_i32 = arith.constant 0 : i32
    %c0_i32_0 = arith.constant 0 : i32
    return %arg0, %c0_i32 : i32, i32
  }
}

module attributes {stable_mosaic.version = 14 : i64} {
  func.func @_out_body(%arg0: i32, %arg1: memref<512x128xf32, #tpu.memory_space<vmem>>, %arg2: memref<128x128xf32, #tpu.memory_space<vmem>>, %arg3: memref<512x8xf32, #tpu.memory_space<vmem>>, %arg4: memref<8x128xf32, #tpu.memory_space<vmem>>, %arg5: memref<1x128xf32, #tpu.memory_space<vmem>>, %arg6: memref<1x128xf32, #tpu.memory_space<vmem>>, %arg7: memref<1x1xf32, #tpu.memory_space<vmem>>, %arg8: memref<512x128xf32, #tpu.memory_space<vmem>>, %arg9: memref<512x1xf32, #tpu.memory_space<vmem>>) attributes {dimension_semantics = [#tpu.dimension_semantics<arbitrary>], iteration_bounds = array<i64: 20>, scalar_prefetch = 0 : i64, scratch_operands = 0 : i64, tpu.core_type = #tpu.core_type<tc>, window_params = [{transform_indices = @transform_0, window_bounds = array<i64: 512, 128>}, {pipeline_mode = #tpu.pipeline_mode<synchronous>, transform_indices = @transform_1, window_bounds = array<i64: 128, 128>}, {transform_indices = @transform_2, window_bounds = array<i64: 512, 8>}, {pipeline_mode = #tpu.pipeline_mode<synchronous>, transform_indices = @transform_3, window_bounds = array<i64: 8, 128>}, {pipeline_mode = #tpu.pipeline_mode<synchronous>, transform_indices = @transform_4, window_bounds = array<i64: 1, 128>}, {pipeline_mode = #tpu.pipeline_mode<synchronous>, transform_indices = @transform_5, window_bounds = array<i64: 1, 128>}, {pipeline_mode = #tpu.pipeline_mode<synchronous>, transform_indices = @transform_6, window_bounds = array<i64: 1, 1>}, {transform_indices = @transform_7, window_bounds = array<i64: 512, 128>}, {transform_indices = @transform_8, window_bounds = array<i64: 512, 1>}]} {
    %get3A = arith.constant 0 : index
    %get3A_0 = arith.constant 0 : index
    %get3A_1 = vector.load %arg1[%get3A, %get3A_0] : memref<512x128xf32, #tpu.memory_space<vmem>>, vector<512x128xf32>
    %get3A_2 = arith.constant 0 : index
    %get3A_3 = arith.constant 0 : index
    %get3A_4 = vector.load %arg2[%get3A_2, %get3A_3] : memref<128x128xf32, #tpu.memory_space<vmem>>, vector<128x128xf32>
    %dot_general3A = arith.constant dense<0.000000e+00> : vector<512x128xf32>
    %dot_general3A_5 = tpu.matmul %get3A_1, %get3A_4, %dot_general3A {dimension_numbers = #tpu.dot_dimension_numbers<[1], [0], [0], [1], [0, 0, 1, 1], [], []>, transpose_lhs_hint = false} : vector<512x128xf32>, vector<128x128xf32>, vector<512x128xf32> -> vector<512x128xf32>
    %get3A_6 = arith.constant 0 : index
    %get3A_7 = arith.constant 0 : index
    %get3A_8 = vector.load %arg3[%get3A_6, %get3A_7] : memref<512x8xf32, #tpu.memory_space<vmem>>, vector<512x8xf32>
    %get3A_9 = arith.constant 0 : index
    %get3A_10 = arith.constant 0 : index
    %get3A_11 = vector.load %arg4[%get3A_9, %get3A_10] : memref<8x128xf32, #tpu.memory_space<vmem>>, vector<8x128xf32>
    %dot_general3A_12 = arith.constant dense<0.000000e+00> : vector<512x128xf32>
    %dot_general3A_13 = tpu.matmul %get3A_8, %get3A_11, %dot_general3A_12 {dimension_numbers = #tpu.dot_dimension_numbers<[1], [0], [0], [1], [0, 0, 1, 1], [], []>, transpose_lhs_hint = false} : vector<512x8xf32>, vector<8x128xf32>, vector<512x128xf32> -> vector<512x128xf32>
    %add3A = arith.addf %dot_general3A_5, %dot_general3A_13 : vector<512x128xf32>
    %get3A_14 = arith.constant 0 : index
    %get3A_15 = arith.constant 0 : index
    %get3A_16 = vector.load %arg5[%get3A_14, %get3A_15] : memref<1x128xf32, #tpu.memory_space<vmem>>, vector<1x128xf32>
    %add3A_17 = vector.broadcast %get3A_16 : vector<1x128xf32> to vector<512x128xf32>
    %add3A_18 = arith.addf %add3A, %add3A_17 : vector<512x128xf32>
    %swap3A = arith.constant 0 : index
    %swap3A_19 = arith.constant 0 : index
    %swap3A_20 = vector.load %arg8[%swap3A, %swap3A_19] : memref<512x128xf32, #tpu.memory_space<vmem>>, vector<512x128xf32>
    tpu.vector_store %arg8[%swap3A, %swap3A_19], %add3A_18 {strides = array<i32>} : memref<512x128xf32, #tpu.memory_space<vmem>>, vector<512x128xf32>,
    %get3A_21 = arith.constant 0 : index
    %get3A_22 = arith.constant 0 : index
    %get3A_23 = vector.load %arg6[%get3A_21, %get3A_22] : memref<1x128xf32, #tpu.memory_space<vmem>>, vector<1x128xf32>
    %mul3A = vector.broadcast %get3A_23 : vector<1x128xf32> to vector<512x128xf32>
    %mul3A_24 = arith.mulf %add3A_18, %mul3A : vector<512x128xf32>
    %reduce_sum3A = arith.constant dense<0.000000e+00> : vector<512xf32>
    %reduce_sum3A_25 = vector.multi_reduction <add>, %mul3A_24, %reduce_sum3A [1] : vector<512x128xf32> to vector<512xf32>
    %broadcast_in_dim3A = vector.shape_cast %reduce_sum3A_25 : vector<512xf32> to vector<512x1xf32>
    %get3A_26 = arith.constant 0 : index
    %get3A_27 = arith.constant 0 : index
    %get3A_28 = vector.load %arg7[%get3A_26, %get3A_27] : memref<1x1xf32, #tpu.memory_space<vmem>>, vector<1x1xf32>
    %add3A_29 = vector.broadcast %get3A_28 : vector<1x1xf32> to vector<512x1xf32>
    %add3A_30 = arith.addf %broadcast_in_dim3A, %add3A_29 : vector<512x1xf32>
    %logistic3A = arith.negf %add3A_30 : vector<512x1xf32>
    %logistic3A_31 = math.exp %logistic3A : vector<512x1xf32>
    %logistic3A_32 = arith.constant 1.000000e+00 : f32
    %logistic3A_33 = vector.broadcast %logistic3A_32 : f32 to vector<512x1xf32>
    %logistic3A_34 = arith.addf %logistic3A_33, %logistic3A_31 : vector<512x1xf32>
    %logistic3A_35 = arith.divf %logistic3A_33, %logistic3A_34 : vector<512x1xf32>
    %jit3A = arith.constant 9.99999997E-7 : f32
    %jit3A_36 = arith.constant 0.999998986 : f32
    %max3A = vector.broadcast %jit3A : f32 to vector<512x1xf32>
    %max3A_37 = arith.maximumf %max3A, %logistic3A_35 : vector<512x1xf32>
    %min3A = vector.broadcast %jit3A_36 : f32 to vector<512x1xf32>
    %min3A_38 = arith.minimumf %min3A, %max3A_37 : vector<512x1xf32>
    %swap3A_39 = arith.constant 0 : index
    %swap3A_40 = arith.constant 0 : index
    %swap3A_41 = vector.load %arg9[%swap3A_39, %swap3A_40] : memref<512x1xf32, #tpu.memory_space<vmem>>, vector<512x1xf32>
    tpu.vector_store %arg9[%swap3A_39, %swap3A_40], %min3A_38 {strides = array<i32>} : memref<512x1xf32, #tpu.memory_space<vmem>>, vector<512x1xf32>,
    return
  }
  func.func @transform_0(%arg0: i32) -> (i32, i32) {
    %c0_i32 = arith.constant 0 : i32
    %c0_i32_0 = arith.constant 0 : i32
    return %arg0, %c0_i32 : i32, i32
  }
  func.func @transform_1(%arg0: i32) -> (i32, i32) {
    %c0_i32 = arith.constant 0 : i32
    %c0_i32_0 = arith.constant 0 : i32
    %c0_i32_1 = arith.constant 0 : i32
    return %c0_i32, %c0_i32_0 : i32, i32
  }
  func.func @transform_2(%arg0: i32) -> (i32, i32) {
    %c0_i32 = arith.constant 0 : i32
    %c0_i32_0 = arith.constant 0 : i32
    return %arg0, %c0_i32 : i32, i32
  }
  func.func @transform_3(%arg0: i32) -> (i32, i32) {
    %c0_i32 = arith.constant 0 : i32
    %c0_i32_0 = arith.constant 0 : i32
    %c0_i32_1 = arith.constant 0 : i32
    return %c0_i32, %c0_i32_0 : i32, i32
  }
  func.func @transform_4(%arg0: i32) -> (i32, i32) {
    %c0_i32 = arith.constant 0 : i32
    %c0_i32_0 = arith.constant 0 : i32
    %c0_i32_1 = arith.constant 0 : i32
    return %c0_i32, %c0_i32_0 : i32, i32
  }
  func.func @transform_5(%arg0: i32) -> (i32, i32) {
    %c0_i32 = arith.constant 0 : i32
    %c0_i32_0 = arith.constant 0 : i32
    %c0_i32_1 = arith.constant 0 : i32
    return %c0_i32, %c0_i32_0 : i32, i32
  }
  func.func @transform_6(%arg0: i32) -> (i32, i32) {
    %c0_i32 = arith.constant 0 : i32
    %c0_i32_0 = arith.constant 0 : i32
    %c0_i32_1 = arith.constant 0 : i32
    return %c0_i32, %c0_i32_0 : i32, i32
  }
  func.func @transform_7(%arg0: i32) -> (i32, i32) {
    %c0_i32 = arith.constant 0 : i32
    %c0_i32_0 = arith.constant 0 : i32
    return %arg0, %c0_i32 : i32, i32
  }
  func.func @transform_8(%arg0: i32) -> (i32, i32) {
    %c0_i32 = arith.constant 0 : i32
    %c0_i32_0 = arith.constant 0 : i32
    return %arg0, %c0_i32 : i32, i32
  }
}

</mosaic_0001>

<sc_bundles>
// kernel: kernel.6.cloned.1.call-start
scs
__scs_entry_jumppad:
0x0: {  	(pc) =	sbr.rel $0x88, $3  }
0x1: {  	(tag) =	ssettag $0x0;
	lr =	simm.s32 $0x1  }
0x2: {  	[smem:$0x3F97] =	sst lr;
	_ =	strace $0xD0000000  }
0x3: {  	_ = 	snop  }
0x4: {  	_ = 	snop  }
0x5: {  	_ = 	snop  }
0x6: {  	_ = 	snop  }
0x7: {  	_ = 	snop  }
__scs_overlays_trampoline_lowered:
0x8: {  	[smem:$0x3FA6] =	sst s0  }
0x9: {  	[smem:$0x3FA7] =	sst s1  }
0xa: {  	[smem:$0x3FA8] =	sst s2  }
0xb: {  	[smem:$0x3FA9] =	sst s3  }
0xc: {  	[smem:$0x3FAA] =	sst s4  }
0xd: {  	[smem:$0x3FAB] =	sst s5  }
0xe: {  	[smem:$0x3FAC] =	sst s6  }
0xf: {  	[smem:$0x3FAD] =	sst s7  }
0x10: {  	[smem:$0x3FAE] =	sst s8  }
0x11: {  	[smem:$0x3FAF] =	sst s9;
	s0 =	simm.s32 @!p0 $0x0  }
0x12: {  	s1 =	sld [smem:$0x3F95];
	s0 =	simm.s32 @p0 $0x1  }
0x13: {  	[smem:$0x3FB0] =	sst s0;
	s0 =	simm.s32 @!p1 $0x0  }
0x14: {  	s2 =	sld [smem:$0x3F94];
	s0 =	simm.s32 @p1 $0x1  }
0x15: {  	[smem:$0x3FB1] =	sst s0;
	s0 =	simm.s32 @!p2 $0x0  }
0x16: {  	s3 =	sld [smem:$0x3FDB];
	s0 =	simm.s32 @p2 $0x1  }
0x17: {  	s4 =	simm.s32 $0x1BF5;
	[smem:$0x3FB3] =	sst s0  }
0x18: {  	s0 =	sld [smem:$0x3F96];
	_ =	swait.ge [sflag:s4], $0x0  }
0x19: {  	s7 =	sld [smem:$0x3F97]  }
0x1a: {  	s8 =	sadd.s32 $0xFFFFE003, lr  }
0x1b: {  	s9 =	sadd.s32 $0xFFFFFEF7, lr;
	s5 =	simm.s32 $0xFFFFFFFF;
	p2 =	slt.u32 s8, $0xFFFFF086  }
0x1c: {  	p1 =	slt.u32 s9, $0xF7A;
	s5 =	simm.s32 @!p2 $0x0  }
0x1d: {  	s5 =	simm.s32 @p1 $0x1;
	p0 =	seq.s32 s7, s2  }
0x1e: {  	s7 =	smul.u32 @!p0 $0xF7A, s2;
	p2 =	seq.s32 @!p0 s5, $0x0  }
0x1f: {  	s9 =	smul.u32 $0xF7A, s1;
	s8 =	simm.s32 @!p0 $0x1BF5;
	p2 =	por !p2, p0  }
0x20: {  	[sflag:s8] =	ssyncset.s32 @!p0 $0xFFFFF086;
	s6 =	sadd.s32 @!p0 s3, s7;
	s7 =	simm.s32 @!p0 $0x108  }
0x21: {  	s3 =	sadd.s32 s3, s9;
	s6 =	sadd.s32 @!p0 $0x88, s6;
	s7 =	simm.s32 @p2 $0x1082  }
0x22: {  	[simem:s7], [sflag:s8] =	dma.local @!p0 [hbm:s6], $0xF7A  }
0x23: {  	s9 =	sor.u32 $0xD0000000, s2;
	s6 =	simm.s32 $0x108;
	_ =	swait.ge @!p0 [sflag:s8], $0x0  }
0x24: {  	s3 =	sadd.s32 $0x88, s3;
	s6 =	simm.s32 @!p1 $0x1082;
	[sflag:s4] =	ssyncset.s32 $0xFFFFF086  }
0x25: {  	[simem:s6], [sflag:s4] =	dma.local [hbm:s3], $0xF7A  }
0x26: {  	[smem:$0x3F97] =	sst s1;
	(tag) =	ssettag s2;
	_ =	strace s9  }
0x27: {  	s1 =	sld [smem:$0x3FA7]  }
0x28: {  	s2 =	sld [smem:$0x3FA8]  }
0x29: {  	s4 =	sld [smem:$0x3FAA]  }
0x2a: {  	p0 =	seq.s32 s5, $0x0;
	s5 =	sld [smem:$0x3FAB]  }
0x2b: {  	s6 =	sld [smem:$0x3FAC]  }
0x2c: {  	s7 =	sld [smem:$0x3FAD]  }
0x2d: {  	s3 =	simm.s32 $0x108;
	s8 =	sld [smem:$0x3FAE]  }
0x2e: {  	s3 =	simm.s32 @!p0 $0x1082;
	s9 =	sld [smem:$0x3FAF]  }
0x2f: {  	lr =	sadd.s32 s0, s3;
	s0 =	sld [smem:$0x3FA6]  }
0x30: {  	s3 =	sld [smem:$0x3FA9]  }
0x31: {  	[smem:$0x3FB2] =	sst s10  }
0x32: {  	s10 =	sld [smem:$0x3FB0];
	_ =	sdelay $0x3  }
0x33: {  	p0 =	seq.s32 s10, $0x1;
	s10 =	sld [smem:$0x3FB2];
	_ =	sdelay $0x3  }
0x34: {  	[smem:$0x3FB2] =	sst s10  }
0x35: {  	s10 =	sld [smem:$0x3FB1];
	_ =	sdelay $0x3  }
0x36: {  	p1 =	seq.s32 s10, $0x1;
	s10 =	sld [smem:$0x3FB2];
	_ =	sdelay $0x3  }
0x37: {  	[smem:$0x3FB2] =	sst s10  }
0x38: {  	s10 =	sld [smem:$0x3FB3]  }
0x39: {  	_ = 	snop;
	(pc) =	sbr.ind lr, $3  }
0x3a: {  	_ = 	snop  }
0x3b: {  	_ = 	snop  }
0x3c: {  	p2 =	seq.s32 s10, $0x1;
	s10 =	sld [smem:$0x3FB2]  }
0x3d: {  	_ =	shalt  }
0x3e: {  	_ =	shalt  }
0x3f: {  	_ =	shalt  }
0x40: {  	_ =	shalt  }
0x41: {  	_ =	shalt  }
0x42: {  	_ =	shalt  }
0x43: {  	_ =	shalt  }
0x44: {  	_ =	shalt  }
0x45: {  	_ =	shalt  }
0x46: {  	_ =	shalt  }
0x47: {  	_ =	shalt  }
0x48: {  	_ =	shalt  }
0x49: {  	_ =	shalt  }
0x4a: {  	_ =	shalt  }
0x4b: {  	_ =	shalt  }
0x4c: {  	_ =	shalt  }
0x4d: {  	_ =	shalt  }
0x4e: {  	_ =	shalt  }
0x4f: {  	_ =	shalt  }
0x50: {  	_ =	shalt  }
0x51: {  	_ =	shalt  }
0x52: {  	_ =	shalt  }
0x53: {  	_ =	shalt  }
0x54: {  	_ =	shalt  }
0x55: {  	_ =	shalt  }
0x56: {  	_ =	shalt  }
0x57: {  	_ =	shalt  }
0x58: {  	_ =	shalt  }
0x59: {  	_ =	shalt  }
0x5a: {  	_ =	shalt  }
0x5b: {  	_ =	shalt  }
0x5c: {  	_ =	shalt  }
0x5d: {  	_ =	shalt  }
0x5e: {  	_ =	shalt  }
0x5f: {  	_ =	shalt  }
0x60: {  	_ =	shalt  }
0x61: {  	_ =	shalt  }
0x62: {  	_ =	shalt  }
0x63: {  	_ =	shalt  }
0x64: {  	_ =	shalt  }
0x65: {  	_ =	shalt  }
0x66: {  	_ =	shalt  }
0x67: {  	_ =	shalt  }
0x68: {  	_ =	shalt  }
0x69: {  	_ =	shalt  }
0x6a: {  	_ =	shalt  }
0x6b: {  	_ =	shalt  }
0x6c: {  	_ =	shalt  }
0x6d: {  	_ =	shalt  }
0x6e: {  	_ =	shalt  }
0x6f: {  	_ =	shalt  }
0x70: {  	_ =	shalt  }
0x71: {  	_ =	shalt  }
0x72: {  	_ =	shalt  }
0x73: {  	_ =	shalt  }
0x74: {  	_ =	shalt  }
0x75: {  	_ =	shalt  }
0x76: {  	_ =	shalt  }
0x77: {  	_ =	shalt  }
0x78: {  	_ =	shalt  }
0x79: {  	_ =	shalt  }
0x7a: {  	_ =	shalt  }
0x7b: {  	_ =	shalt  }
0x7c: {  	_ =	shalt  }
0x7d: {  	_ =	shalt  }
0x7e: {  	_ =	shalt  }
0x7f: {  	_ =	shalt  }
0x80: {  	_ =	shalt  }
0x81: {  	_ =	shalt  }
0x82: {  	_ =	shalt  }
0x83: {  	_ =	shalt  }
0x84: {  	_ =	shalt  }
0x85: {  	_ =	shalt  }
0x86: {  	_ =	shalt  }
0x87: {  	_ =	shalt  }
.Lfunc_end0:
.L_simem_size_0:
called_computation_lowered:
.L_overlay_start_0:
0x88: {  	s2 =	sld [smem:$0x3FD9]  }
0x89: {  	s3 =	sld [smem:$0x3FFE];
	_ =	sdelay $0x1  }
0x8a: {  	s1 =	srdreg.scid  }
0x8b: {  	s0 =	sand.u32 $0x1, s1  }
0x8c: {  	s14 =	sshll.u32 s0, $0xA;
	s2 =	sadd.s32 s3, s2  }
0x8d: {  	s2 =	sadd.s32 s2, s14  }
0x8e: {  	[smem:$0x3FBE] =	sst s2  }
0x8f: {  	_ = 	snop  }
0x90: {  	s2 =	sld [smem:$0x3FD0];
	_ =	sdelay $0x2  }
0x91: {  	s15 =	simm.s32 $0xA;
	s4 =	simm.s32 $0x10  }
0x92: {  	[smem:s4], [sflag:s15] =	dma.local [hbm:s2], $0x1  }
0x93: {  	_ =	swait.eq [sflag:s15], $0x1  }
0x94: {  	[sflag:s15] =	ssyncset.done $0x0  }
0x95: {  	s16 =	sld [smem:$0x10];
	[sflag:s15] =	ssyncadd.s32 $0xFFFFFFFF  }
0x96: {  	s17 =	sld [smem:$0x11];
	(tm) =	ssettm $0x1  }
0x97: {  	s18 =	sld [smem:$0x3FFB];
	_ =	sdelay $0x3  }
0x98: {  	_ =	strace s18  }
0x99: {  	s4 =	sld [smem:$0x3FFC];
	_ =	sdelay $0x3  }
0x9a: {  	_ =	strace s4  }
0x9b: {  	s4 =	sld [smem:$0x3FFD];
	_ =	sdelay $0x3  }
0x9c: {  	_ =	strace s4  }
0x9d: {  	_ =	strace $0x8FFFFFFF  }
0x9e: {  	s19 =	sld [smem:$0x3FDB];
	_ =	sdelay $0x1  }
0x9f: {  	s5 =	simm.s32 $_scs_section_size  }
0xa0: {  	s6 =	simm.s32 $_size__tile_overlayer_lowered;
	s7 =	simm.s32 $_tile_overlayer_lowered  }
0xa1: {  	s22 =	simm.s32 $0x1BFF;
	s21 =	sshll.u32 s7, $0x1;
	s4 =	sadd.s32 s5, s19  }
0xa2: {  	s8 =	simm.s32 $0x0;
	s20 =	sshll.u32 s6, $0x1;
	s6 =	sadd.s32 s21, s4  }
0xa3: {  	[timem:s8], [sflag:s22] =	dma.local [hbm:s6], s20  }
0xa4: {  	_ =	swait.ge [sflag:s22], s20  }
0xa5: {  	s5 =	ssub.s32 $0x0, s20;
	[sflag:s22] =	ssyncset.done $0x0  }
0xa6: {  	[sflag:s22] =	ssyncadd.s32 s5;
	_ =	sdelay $0x1  }
0xa7: {  	s23 =	simm.s32 $0x1B8B  }
0xa8: {  	_ =	swait.ge [sflag:s23], $0x1  }
0xa9: {  	[sflag:s23] =	ssyncset.done $0x0  }
0xaa: {  	s25 =	simm.s32 $0x1B8E;
	s24 =	sld [smem:$0x3FFE];
	[sflag:s23] =	ssyncadd.s32 $0xFFFFFFFF  }
0xab: {  	s26 =	simm.s32 $execute0_lowered;
	[smem:$0x3FD2] =	sst s25  }
0xac: {  	s6 =	sshll.u32 s26, $0x1;
	_ =	strace $0x80000046;
	[dreg:$0x1] =	wrdreg $0xFFFFFFFF  }
0xad: {  	s28 =	simm.s32 $_size_execute0_lowered;
	s4 =	sadd.s32 s4, s6;
	[dreg:$0x0] =	wrdreg $0x0  }
0xae: {  	s6 =	sshll.u32 s28, $0x1;
	[dreg:$0x2] =	wrdreg s4  }
0xaf: {  	[dreg:$0x3] =	wrdreg s6  }
0xb0: {  	[dreg:$0x4] =	wrdreg $0xC0  }
0xb1: {  	_ =	task [dreg:s8], $0x5FFFF  }
0xb2: {  	[dreg:$0x1] =	wrdreg $0xFFFFFFFF  }
0xb3: {  	[dreg:$0x0] =	wrdreg $0x60  }
0xb4: {  	[dreg:$0x2] =	wrdreg s24  }
0xb5: {  	[dreg:$0x3] =	wrdreg s17  }
0xb6: {  	[dreg:$0x4] =	wrdreg s16  }
0xb7: {  	[dreg:$0x5] =	wrdreg $0x9  }
0xb8: {  	_ =	task.clear_ibuf [dreg:s8], $0x6FFFF;
	_ =	strace $0x90000046  }
0xb9: {  	s29 =	simm.s32 $0x9;
	_ =	strace $0x80000048  }
0xba: {  	_ =	swait.ge [sflag:s29], $0x1  }
0xbb: {  	[sflag:s29] =	ssyncadd.s32 $0xFFFFFFFF  }
0xbc: {  	_ =	strace $0x90000048  }
0xbd: {  	_ =	sfence  }
0xbe: {  	s30 =	sld [smem:$0x0];
	_ =	sdelay $0x2  }
0xbf: {  	s31 =	sshll.u32 s1, $0xD;
	s1 =	sshrl.u32 s1, $0x2  }
0xc0: {  	s3 =	sand.u32 $0x4000, s31;
	s1 =	sadd.s32 s1, s30  }
0xc1: {  	s0 =	sor.u32 s3, s0;
	s1 =	sshll.u32 s1, $0x11  }
0xc2: {  	s0 =	sor.u32 s1, s0  }
0xc3: {  	s0 =	sadd.s32 $0x8F2B, s0  }
0xc4: {  	[sflag:s0] =	ssyncadd.remote.s32 $0x1  }
0xc5: {  	_ =	sfence.sel $0xFFFF  }
0xc6: {  	[dreg:$0x0] =	wrdreg $0xFFFFFFFF;
	(pc) =	sbr.abs _section_cstart, $3  }
0xc7: {  	[dreg:$0x1] =	wrdreg $0xFFFFFFFF  }
0xc8: {  	_ =	task.clear_ibuf [dreg:s8], $0x2FFFF;
	_ =	strace $0x9FFFFFFF  }
0xc9: {  	(tm) =	ssettm $0x7FFFFFFF  }
tec
execute0_lowered:
.L_overlay_start_1:
0x0: {  	(tag) =	ssettag $0x1  }
0x1: {  	s0 =	rddreg [dreg:$0x0]  }
0x2: {  	s1 =	srdreg.scid;
	s2 =	stileid.u32  }
0x3: {  	s5 =	simm.s32 $0x0;
	vm0 =	vmmov $0x1;
	v0 =	vimm.s32 $0x0;
	s1 =	sand.u32 $0x1, s1;
	s2 =	sshll.u32 s2, $0x1  }
0x4: {  	[smem:$0x7FF] =	sst s5;
	v0 =	vsel vm0, $0xFFFFFFFF, v0;
	s2 =	sor.u32 s1, s2;
	s1 =	ssub.s32 $0x2, s1  }
0x5: {  	s6 =	sadd.s32 $0x1A00, s0;
	[tilespmem:$0x1FF80] =	vst v0;
	s3 =	smul.u32 $0x1400, s2;
	s4 =	sshrl.u32 s1, $0x1  }
0x6: {  	s2 =	smul.u32 $0x28, s2;
	_ =	strace $0x80000047;
	s1 =	ssub.s32 s1, s4  }
0x7: {  	vm13 =	vmmov $0x3;
	[dreg:$0x4] =	wrdreg s6;
	s3 =	sadd.s32 s3, s0;
	s31 =	smax.u32 s1, $0x1  }
0x8: {  	vm2 =	vmmov $0x7;
	v57 =	vimm.s32 $0x0;
	vm0 =	vmmov $0x7fff;
	s23 =	sadd.s32 $0x2000, s3;
	[dreg:$0xd] =	wrdreg s31  }
0x9: {  	vm1 =	vmmov $0x3fff;
	v58 =	vimm.s32 $0x0;
	v0 =	vsel vm0, $0xFFFFFFFF, v57;
	s0 =	sadd.s32 s2, s0;
	s24 =	sadd.s32 $0x2A000, s3;
	[dreg:$0x5] =	wrdreg s23  }
0xa: {  	vm12 =	vmmov $0x1fff;
	v59 =	vimm.s32 $0x0;
	[tilespmem:$0x1FF90] =	vst v0;
	v0 =	vsel vm1, $0xFFFFFFFF, v58;
	s25 =	sadd.s32 $0x52000, s0;
	[dreg:$0x6] =	wrdreg s24  }
0xb: {  	vm11 =	vmmov $0xfff;
	v60 =	vimm.s32 $0x0;
	[tilespmem:$0x1FFA0] =	vst v0;
	v0 =	vsel vm12, $0xFFFFFFFF, v59;
	s26 =	sadd.s32 $0x52600, s0;
	[dreg:$0x7] =	wrdreg s25  }
0xc: {  	vm10 =	vmmov $0x7ff;
	v61 =	vimm.s32 $0x0;
	[tilespmem:$0x1FFB0] =	vst v0;
	v0 =	vsel vm11, $0xFFFFFFFF, v60;
	s28 =	sadd.s32 $0x52C00, s0;
	[dreg:$0x8] =	wrdreg s26  }
0xd: {  	vm9 =	vmmov $0x3ff;
	s7 =	simm.s32 $0x16800;
	v62 =	vimm.s32 $0x0;
	s29 =	sadd.s32 $0x53200, s0;
	[tilespmem:$0x1FFC0] =	vst v0;
	v0 =	vsel vm10, $0xFFFFFFFF, v61;
	[dreg:$0x9] =	wrdreg s28  }
0xe: {  	vm8 =	vmmov $0x1ff;
	s12 =	simm.s32 $0x19000;
	v63 =	vimm.s32 $0x0;
	s30 =	sadd.s32 $0x53800, s0;
	[dreg:$0xa] =	wrdreg s29;
	[tilespmem:$0x1FFD0] =	vst v0;
	v0 =	vsel vm9, $0xFFFFFFFF, v62  }
0xf: {  	vm3 =	vmmov $0xf;
	vm4 =	vmmov $0x1f;
	s6 =	simm.s32 $0x14000;
	s0 =	sadd.s32 $0x53E00, s0;
	[dreg:$0xb] =	wrdreg s30;
	[tilespmem:$0x1FFE0] =	vst v0;
	v0 =	vsel vm8, $0xFFFFFFFF, v63  }
0x10: {  	vm5 =	vmmov $0x3f;
	vm6 =	vmmov $0x7f;
	vm7 =	vmmov $0xff;
	s1 =	simm.s32 $0x1;
	s2 =	simm.s32 $0x0;
	[dreg:$0xc] =	wrdreg s0;
	[tilespmem:$0x1FFF0] =	vst v0  }
.LBB2_1:
0x11: {  	[dreg:$0xe] =	wrdreg s2  }
0x12: {  	s0 =	rddreg [dreg:$0x4]  }
0x13: {  	[tilespmem:s6], [sflag:$0x1] =	stream.linear.gather [hbm4b:s0+s5], $0x2800, $0x38;
	[tilespmem:$0x1C100] =	vst v63  }
0x14: {  	_ =	swait.ge [sflag:s1], $0x2800  }
0x15: {  	[sflag:s1] =	ssyncset.done $0x0  }
0x16: {  	[sflag:s1] =	ssyncadd.s32 $0xFFFFD800  }
0x17: {  	s25 =	rddreg [dreg:$0x1]  }
0x18: {  	[tilespmem:s7], [sflag:$0x1] =	stream.linear.gather [hbm4b:s25+s5], $0x2800, $0x38;
	[tilespmem:$0x1C100] =	vst v63  }
0x19: {  	_ =	swait.ge [sflag:s1], $0x2800  }
0x1a: {  	[sflag:s1] =	ssyncset.done $0x0  }
0x1b: {  	[sflag:s1] =	ssyncadd.s32 $0xFFFFD800  }
0x1c: {  	s26 =	rddreg [dreg:$0x2]  }
0x1d: {  	[tilespmem:s12], [sflag:$0x1] =	stream.linear.gather [hbm4b:s26+s5], $0x2800, $0x38;
	[tilespmem:$0x1C100] =	vst v63  }
0x1e: {  	_ =	swait.ge [sflag:s1], $0x2800  }
0x1f: {  	[sflag:s1] =	ssyncset.done $0x0  }
0x20: {  	s28 =	rddreg [dreg:$0x5];
	[sflag:s1] =	ssyncadd.s32 $0xFFFFD800  }
0x21: {  	[tilespmem:s5], [sflag:$0x1] =	stream.linear.gather [hbm4b:s28+s5], $0xA000, $0x38;
	[tilespmem:$0x1C100] =	vst v63  }
0x22: {  	_ =	swait.ge [sflag:s1], $0xA000  }
0x23: {  	[sflag:s1] =	ssyncset.done $0x0  }
0x24: {  	s31 =	simm.s32 $0xA000;
	s30 =	rddreg [dreg:$0x6];
	[sflag:s1] =	ssyncadd.s32 $0xFFFF6000  }
0x25: {  	[tilespmem:s31], [sflag:$0x1] =	stream.linear.gather [hbm4b:s30+s5], $0xA000, $0x38;
	[tilespmem:$0x1C100] =	vst v63  }
0x26: {  	_ =	swait.ge [sflag:s1], $0xA000  }
0x27: {  	s24 =	simm.s32 $0x400;
	[sflag:s1] =	ssyncset.done $0x0  }
0x28: {  	s29 =	simm.s32 $0xA400;
	[sflag:s1] =	ssyncadd.s32 $0xFFFF6000;
	s1 =	simm.s32 $0x0  }
.LBB2_2:
0x29: {  	v0 =	vld [tilespmem:s24+$0xFFFFFC00]  }
0x2a: {  	v1 =	vld [tilespmem:s24+$0xFFFFFC80]  }
0x2b: {  	v2 =	vld [tilespmem:s29+$0xFFFFFC00]  }
0x2c: {  	v5 =	vld [tilespmem:s24+$0xFFFFFD00]  }
0x2d: {  	v6 =	vld [tilespmem:s29+$0xFFFFFC80]  }
0x2e: {  	v9 =	vld [tilespmem:s24+$0xFFFFFD80]  }
0x2f: {  	v10 =	vld [tilespmem:s29+$0xFFFFFD00]  }
0x30: {  	v13 =	vld [tilespmem:s24+$0xFFFFFE00]  }
0x31: {  	v14 =	vld [tilespmem:s29+$0xFFFFFD80]  }
0x32: {  	v17 =	vld [tilespmem:s24+$0xFFFFFE80]  }
0x33: {  	v18 =	vld [tilespmem:s29+$0xFFFFFE00]  }
0x34: {  	v21 =	vld [tilespmem:s24+$0xFFFFFF00]  }
0x35: {  	v23 =	vld [tilespmem:s29+$0xFFFFFE80]  }
0x36: {  	v22 =	vld [tilespmem:s24+$0xFFFFFF80]  }
0x37: {  	v28 =	vld [tilespmem:s29+$0xFFFFFF00]  }
0x38: {  	v25 =	vld [tilespmem:s24+$0x0]  }
0x39: {  	v57 =	vld [tilespmem:s24+$0x80]  }
0x3a: {  	v32 =	vld [tilespmem:s29+$0x0]  }
0x3b: {  	v61 =	vld [tilespmem:s24+$0x100]  }
0x3c: {  	v33 =	vld [tilespmem:s24+$0x180]  }
0x3d: {  	v3 =	vld.idx.msk [tilespmem:v0+s6+$0x0], $0xffff  }
0x3e: {  	v4 =	vld.idx.msk [tilespmem:v0+s7+$0x0], $0xffff  }
0x3f: {  	v0 =	vld.idx.msk [tilespmem:v0+s12+$0x0], $0xffff  }
0x40: {  	v7 =	vld.idx.msk [tilespmem:v1+s6+$0x0], $0xffff  }
0x41: {  	v8 =	vld.idx.msk [tilespmem:v1+s7+$0x0], $0xffff  }
0x42: {  	v1 =	vld.idx.msk [tilespmem:v1+s12+$0x0], $0xffff  }
0x43: {  	v11 =	vld.idx.msk [tilespmem:v5+s6+$0x0], $0xffff  }
0x44: {  	v12 =	vld.idx.msk [tilespmem:v5+s7+$0x0], $0xffff  }
0x45: {  	v5 =	vld.idx.msk [tilespmem:v5+s12+$0x0], $0xffff  }
0x46: {  	v15 =	vld.idx.msk [tilespmem:v9+s6+$0x0], $0xffff  }
0x47: {  	v16 =	vld.idx.msk [tilespmem:v9+s7+$0x0], $0xffff  }
0x48: {  	v9 =	vld.idx.msk [tilespmem:v9+s12+$0x0], $0xffff  }
0x49: {  	v19 =	vld.idx.msk [tilespmem:v13+s6+$0x0], $0xffff  }
0x4a: {  	v20 =	vld.idx.msk [tilespmem:v13+s7+$0x0], $0xffff  }
0x4b: {  	v13 =	vld.idx.msk [tilespmem:v13+s12+$0x0], $0xffff  }
0x4c: {  	v24 =	vld.idx.msk [tilespmem:v17+s6+$0x0], $0xffff  }
0x4d: {  	v26 =	vld.idx.msk [tilespmem:v17+s7+$0x0], $0xffff  }
0x4e: {  	v17 =	vld.idx.msk [tilespmem:v17+s12+$0x0], $0xffff  }
0x4f: {  	v29 =	vld.idx.msk [tilespmem:v21+s6+$0x0], $0xffff;
	v46 =	vmul.f32 v3, v2  }
0x50: {  	v30 =	vld.idx.msk [tilespmem:v21+s7+$0x0], $0xffff;
	v43 =	vmul.f32 v4, v2  }
0x51: {  	v31 =	vld.idx.msk [tilespmem:v21+s12+$0x0], $0xffff;
	v40 =	vmul.f32 v0, v2;
	(xrf2) =	vadd.scan.msk.f32 $0xffff, v46  }
0x52: {  	v55 =	vld.idx.msk [tilespmem:v22+s6+$0x0], $0xffff;
	v44 =	vmul.f32 v7, v6;
	(xrf2) =	vadd.scan.msk.f32 $0xffff, v43  }
0x53: {  	v56 =	vld.idx.msk [tilespmem:v22+s7+$0x0], $0xffff;
	v45 =	vmul.f32 v8, v6;
	(xrf2) =	vadd.scan.msk.f32 $0xffff, v40  }
0x54: {  	v58 =	vld.idx.msk [tilespmem:v22+s12+$0x0], $0xffff;
	v41 =	vmul.f32 v1, v6;
	(xrf2) =	vadd.scan.msk.f32 $0xffff, v44  }
0x55: {  	v59 =	vld.idx.msk [tilespmem:v25+s6+$0x0], $0xffff;
	v42 =	vmul.f32 v11, v10;
	(xrf2) =	vadd.scan.msk.f32 $0xffff, v45  }
0x56: {  	v60 =	vld.idx.msk [tilespmem:v25+s7+$0x0], $0xffff;
	v39 =	vmul.f32 v12, v10;
	(xrf2) =	vadd.scan.msk.f32 $0xffff, v41  }
0x57: {  	v62 =	vld.idx.msk [tilespmem:v25+s12+$0x0], $0xffff;
	v38 =	vmul.f32 v5, v10;
	(xrf2) =	vadd.scan.msk.f32 $0xffff, v42  }
0x58: {  	v63 =	vld.idx.msk [tilespmem:v57+s6+$0x0], $0xffff;
	v37 =	vmul.f32 v15, v14;
	(xrf2) =	vadd.scan.msk.f32 $0xffff, v39  }
0x59: {  	v3 =	vld [tilespmem:s29+$0xFFFFFF80];
	v34 =	vmul.f32 v16, v14;
	(xrf2) =	vadd.scan.msk.f32 $0xffff, v38  }
0x5a: {  	v15 =	vld [tilespmem:s29+$0x80];
	v27 =	vmul.f32 v9, v14;
	(xrf2) =	vadd.scan.msk.f32 $0xffff, v37  }
0x5b: {  	v25 =	vmul.f32 v19, v18;
	v19 =	vld.idx.msk [tilespmem:v57+s7+$0x0], $0xffff;
	v35, _, _ =	vpop (xrf2);
	(xrf2) =	vadd.scan.msk.f32 $0xffff, v34  }
0x5c: {  	v22 =	vmul.f32 v20, v18;
	v20 =	vmul.f32 v13, v18;
	v18 =	vld.idx.msk [tilespmem:v57+s12+$0x0], $0xffff;
	(v2sf) =	vpush v35, $0xF;
	v36, _, _ =	vpop (xrf2);
	(xrf2) =	vadd.scan.msk.f32 $0xffff, v27  }
0x5d: {  	v21 =	vmul.f32 v24, v23;
	v24 =	vld [tilespmem:s29+$0x100];
	(v2sf) =	vpush v36, $0xF;
	v47, _, _ =	vpop (xrf2);
	(xrf2) =	vadd.scan.msk.f32 $0xffff, v25  }
0x5e: {  	v16 =	vmul.f32 v26, v23;
	v26 =	vld.idx.msk [tilespmem:v61+s6+$0x0], $0xffff;
	(v2sf) =	vpush v47, $0xF;
	v48, _, _ =	vpop (xrf2);
	(xrf2) =	vadd.scan.msk.f32 $0xffff, v22  }
0x5f: {  	v13 =	vmul.f32 v17, v23;
	v23 =	vld [tilespmem:s24+$0x200];
	(v2sf) =	vpush v48, $0xF;
	v49, _, _ =	vpop (xrf2);
	(xrf2) =	vadd.scan.msk.f32 $0xffff, v20  }
0x60: {  	v17 =	vld.idx.msk [tilespmem:v61+s7+$0x0], $0xffff;
	(v2sf) =	vpush v49, $0xF;
	v50, _, _ =	vpop (xrf2);
	(xrf2) =	vadd.scan.msk.f32 $0xffff, v21  }
0x61: {  	v14 =	vmul.f32 v29, v28;
	v29 =	vld.idx.msk [tilespmem:v61+s12+$0x0], $0xffff;
	(v2sf) =	vpush v50, $0xF;
	v51, _, _ =	vpop (xrf2);
	(xrf2) =	vadd.scan.msk.f32 $0xffff, v16  }
0x62: {  	v11 =	vmul.f32 v30, v28;
	v6 =	vmul.f32 v31, v28;
	v28 =	vld [tilespmem:s29+$0x180];
	(v2sf) =	vpush v51, $0xF;
	v52, _, _ =	vpop (xrf2);
	(xrf2) =	vadd.scan.msk.f32 $0xffff, v13  }
0x63: {  	v30 =	vld.idx.msk [tilespmem:v33+s6+$0x0], $0xffff;
	(v2sf) =	vpush v52, $0xF;
	v53, _, _ =	vpop (xrf2);
	(xrf2) =	vadd.scan.msk.f32 $0xffff, v14  }
0x64: {  	v7 =	vmul.f32 v55, v3;
	v4 =	vmul.f32 v56, v3;
	v56 =	vld.idx.msk [tilespmem:v33+s7+$0x0], $0xffff;
	(v2sf) =	vpush v53, $0xF;
	v54, _, _ =	vpop (xrf2);
	(xrf2) =	vadd.scan.msk.f32 $0xffff, v11  }
0x65: {  	v33 =	vld.idx.msk [tilespmem:v33+s12+$0x0], $0xffff;
	(v2sf) =	vpush v54, $0xF;
	v55, _, _ =	vpop (xrf2);
	(xrf2) =	vadd.scan.msk.f32 $0xffff, v6  }
0x66: {  	v0 =	vmul.f32 v58, v3;
	v35 =	vld [tilespmem:s24+$0x280];
	(v2sf) =	vpush v55, $0xF;
	v57, _, _ =	vpop (xrf2);
	(xrf2) =	vadd.scan.msk.f32 $0xffff, v7  }
0x67: {  	v1 =	vmul.f32 v59, v32;
	v61 =	vld.idx.msk [tilespmem:v23+s6+$0x0], $0xffff;
	(v2sf) =	vpush v57, $0xF;
	v58, _, _ =	vpop (xrf2);
	(xrf2) =	vadd.scan.msk.f32 $0xffff, v4  }
0x68: {  	v5 =	vmul.f32 v60, v32;
	v36 =	vld [tilespmem:s29+$0x200];
	(v2sf) =	vpush v58, $0xF;
	v59, _, _ =	vpop (xrf2);
	(xrf2) =	vadd.scan.msk.f32 $0xffff, v0  }
0x69: {  	v2 =	vmul.f32 v62, v32;
	v47 =	vld.idx.msk [tilespmem:v23+s7+$0x0], $0xffff;
	(v2sf) =	vpush v59, $0xF;
	v60, _, _ =	vpop (xrf2);
	(xrf2) =	vadd.scan.msk.f32 $0xffff, v1  }
0x6a: {  	v3 =	vmul.f32 v63, v15;
	v48 =	vld [tilespmem:s24+$0x300];
	(v2sf) =	vpush v60, $0xF;
	v62, _, _ =	vpop (xrf2);
	(xrf2) =	vadd.scan.msk.f32 $0xffff, v5  }
0x6b: {  	v8 =	vmul.f32 v19, v15;
	v52 =	vld [tilespmem:s24+$0x380];
	s0 =	spop (v2sf);
	(v2sf) =	vpush v62, $0xF;
	v63, _, _ =	vpop (xrf2);
	(xrf2) =	vadd.scan.msk.f32 $0xffff, v2  }
0x6c: {  	v9 =	vmul.f32 v18, v15;
	v49 =	vld.idx.msk [tilespmem:v23+s12+$0x0], $0xffff;
	s5 =	spop (v2sf);
	(v2sf) =	vpush v63, $0xF;
	v12, _, _ =	vpop (xrf2);
	(xrf2) =	vadd.scan.msk.f32 $0xffff, v3  }
0x6d: {  	v10 =	vmul.f32 v26, v24;
	v50 =	vld [tilespmem:s29+$0x280];
	s3 =	spop (v2sf);
	(v2sf) =	vpush v12, $0xF;
	v19, _, _ =	vpop (xrf2);
	(xrf2) =	vadd.scan.msk.f32 $0xffff, v8  }
0x6e: {  	v54 =	vld.idx.msk [tilespmem:v35+s7+$0x0], $0xffff;
	v12 =	vmul.f32 v17, v24;
	s19 =	spop (v2sf);
	(v2sf) =	vpush v19, $0xF;
	v23, _, _ =	vpop (xrf2);
	(xrf2) =	vadd.scan.msk.f32 $0xffff, v9  }
0x6f: {  	v15 =	vmul.f32 v29, v24;
	s2 =	spop (v2sf);
	(v2sf) =	vpush v23, $0xF;
	v26, _, _ =	vpop (xrf2);
	(xrf2) =	vadd.scan.msk.f32 $0xffff, v10  }
0x70: {  	v51 =	vld.idx.msk [tilespmem:v35+s6+$0x0], $0xffff;
	v17 =	vmul.f32 v30, v28;
	s4 =	spop (v2sf);
	(v2sf) =	vpush v26, $0xF;
	v53, _, _ =	vpop (xrf2);
	(xrf2) =	vadd.scan.msk.f32 $0xffff, v12  }
0x71: {  	v18 =	vmul.f32 v56, v28;
	v56 =	vld.idx.msk [tilespmem:v35+s12+$0x0], $0xffff;
	s18 =	spop (v2sf);
	(v2sf) =	vpush v53, $0xF;
	v55, _, _ =	vpop (xrf2);
	(xrf2) =	vadd.scan.msk.f32 $0xffff, v15  }
0x72: {  	[dreg:$0xf] =	wrdreg s1;
	v59 =	vld.idx.msk [tilespmem:v48+s6+$0x0], $0xffff;
	v19 =	vmul.f32 v33, v28;
	s9 =	spop (v2sf);
	(v2sf) =	vpush v55, $0xF;
	v57, _, _ =	vpop (xrf2);
	(xrf2) =	vadd.scan.msk.f32 $0xffff, v17  }
0x73: {  	v29 =	vmul.f32 v54, v50;
	v54 =	vld.idx.msk [tilespmem:v52+s6+$0x0], $0xffff;
	s0 =	smul.f32 $6.250000000e-02, s0;
	v23 =	vmul.f32 v61, v36;
	s11 =	spop (v2sf);
	(v2sf) =	vpush v57, $0xF;
	v58, _, _ =	vpop (xrf2);
	(xrf2) =	vadd.scan.msk.f32 $0xffff, v18  }
0x74: {  	s22 =	smul.f32 $6.250000000e-02, s5;
	v33 =	vld [tilespmem:s29+$0x300];
	v26 =	vmul.f32 v47, v36;
	s8 =	spop (v2sf);
	(v2sf) =	vpush v58, $0xF;
	v60, _, _ =	vpop (xrf2);
	(xrf2) =	vadd.scan.msk.f32 $0xffff, v19  }
0x75: {  	v24 =	vmul.f32 v49, v36;
	[dreg:$0x18] =	wrdreg s0;
	v61 =	vld.idx.msk [tilespmem:v48+s7+$0x0], $0xffff;
	s16 =	spop (v2sf);
	(v2sf) =	vpush v60, $0xF;
	v62, _, _ =	vpop (xrf2);
	(xrf2) =	vadd.scan.msk.f32 $0xffff, v23  }
0x76: {  	v63 =	vld.idx.msk [tilespmem:v48+s12+$0x0], $0xffff;
	v28 =	vmul.f32 v51, v50;
	s28 =	smul.f32 $6.250000000e-02, s3;
	s17 =	spop (v2sf);
	(v2sf) =	vpush v62, $0xF;
	v49, _, _ =	vpop (xrf2);
	(xrf2) =	vadd.scan.msk.f32 $0xffff, v26  }
0x77: {  	[dreg:$0x17] =	wrdreg s22;
	v47 =	vld [tilespmem:s29+$0x380];
	s30 =	spop (v2sf);
	(v2sf) =	vpush v49, $0xF;
	v53, _, _ =	vpop (xrf2);
	(xrf2) =	vadd.scan.msk.f32 $0xffff, v24  }
0x78: {  	v30 =	vmul.f32 v56, v50;
	v56 =	vld.idx.msk [tilespmem:v52+s7+$0x0], $0xffff;
	s3 =	smul.f32 $6.250000000e-02, s19;
	s10 =	spop (v2sf);
	(v2sf) =	vpush v53, $0xF;
	v55, _, _ =	vpop (xrf2);
	(xrf2) =	vadd.scan.msk.f32 $0xffff, v28  }
0x79: {  	[dreg:$0x14] =	wrdreg s28;
	v31 =	vmul.f32 v59, v33;
	s23 =	spop (v2sf);
	(v2sf) =	vpush v55, $0xF;
	v57, _, _ =	vpop (xrf2);
	(xrf2) =	vadd.scan.msk.f32 $0xffff, v29  }
0x7a: {  	s5 =	smul.f32 $6.250000000e-02, s2;
	v32 =	vmul.f32 v61, v33;
	s21 =	spop (v2sf);
	(v2sf) =	vpush v57, $0xF;
	v58, _, _ =	vpop (xrf2);
	(xrf2) =	vadd.scan.msk.f32 $0xffff, v30  }
0x7b: {  	[smem:$0x7FC] =	sst s3;
	v33 =	vmul.f32 v63, v33;
	s14 =	spop (v2sf);
	(v2sf) =	vpush v58, $0xF;
	v59, _, _ =	vpop (xrf2);
	(xrf2) =	vadd.scan.msk.f32 $0xffff, v31  }
0x7c: {  	[smem:$0x7FD] =	sst s5;
	v35 =	vmul.f32 v54, v47;
	s26 =	spop (v2sf);
	(v2sf) =	vpush v59, $0xF;
	v60, _, _ =	vpop (xrf2);
	(xrf2) =	vadd.scan.msk.f32 $0xffff, v32  }
0x7d: {  	s15 =	smul.f32 $6.250000000e-02, s18;
	v36 =	vmul.f32 v56, v47;
	s31 =	spop (v2sf);
	(v2sf) =	vpush v60, $0xF;
	v62, _, _ =	vpop (xrf2);
	(xrf2) =	vadd.scan.msk.f32 $0xffff, v33  }
0x7e: {  	s19 =	smul.f32 $6.250000000e-02, s9;
	v61 =	vld.idx.msk [tilespmem:v52+s12+$0x0], $0xffff;
	s25 =	spop (v2sf);
	(v2sf) =	vpush v62, $0xF;
	v63, _, _ =	vpop (xrf2);
	(xrf2) =	vadd.scan.msk.f32 $0xffff, v35  }
0x7f: {  	s12 =	smul.f32 $6.250000000e-02, s4;
	s7 =	spop (v2sf);
	(v2sf) =	vpush v63, $0xF;
	v52, _, _ =	vpop (xrf2);
	(xrf2) =	vadd.scan.msk.f32 $0xffff, v36  }
0x80: {  	s13 =	smul.f32 $6.250000000e-02, s11;
	v53, _, _ =	vpop (xrf2);
	s6 =	spop (v2sf);
	(v2sf) =	vpush v52, $0xF  }
0x81: {  	[dreg:$0x15] =	wrdreg s12;
	v54, _, _ =	vpop (xrf2);
	(v2sf) =	vpush v53, $0xF;
	s20 =	spop (v2sf)  }
0x82: {  	[dreg:$0x16] =	wrdreg s13;
	v55, _, _ =	vpop (xrf2);
	s22 =	spop (v2sf);
	(v2sf) =	vpush v54, $0xF  }
0x83: {  	s13 =	smul.f32 $6.250000000e-02, s8;
	v47 =	vmul.f32 v61, v47;
	s2 =	spop (v2sf);
	(v2sf) =	vpush v55, $0xF;
	v56, _, _ =	vpop (xrf2)  }
0x84: {  	s18 =	smul.f32 $6.250000000e-02, s16;
	v57, _, _ =	vpop (xrf2);
	s1 =	spop (v2sf);
	(v2sf) =	vpush v56, $0xF  }
0x85: {  	s16 =	smul.f32 $6.250000000e-02, s17;
	(xrf2) =	vadd.scan.msk.f32 $0xffff, v47;
	v58, _, _ =	vpop (xrf2);
	(v2sf) =	vpush v57, $0xF;
	s0 =	spop (v2sf)  }
0x86: {  	s9 =	smul.f32 $6.250000000e-02, s30;
	v59, _, _ =	vpop (xrf2);
	(v2sf) =	vpush v58, $0xF;
	s3 =	spop (v2sf)  }
0x87: {  	[dreg:$0x1a] =	wrdreg s16;
	v60, _, _ =	vpop (xrf2);
	(v2sf) =	vpush v59, $0xF;
	s4 =	spop (v2sf)  }
0x88: {  	s12 =	smul.f32 $6.250000000e-02, s10;
	v61, _, _ =	vpop (xrf2);
	(v2sf) =	vpush v60, $0xF;
	s5 =	spop (v2sf)  }
0x89: {  	s17 =	smul.f32 $6.250000000e-02, s23;
	v62, _, _ =	vpop (xrf2);
	(v2sf) =	vpush v61, $0xF;
	s8 =	spop (v2sf)  }
0x8a: {  	s23 =	smul.f32 $6.250000000e-02, s21;
	(v2sf) =	vpush v62, $0xF;
	s11 =	spop (v2sf)  }
0x8b: {  	[dreg:$0x1b] =	wrdreg s17;
	s30 =	spop (v2sf)  }
0x8c: {  	s10 =	smul.f32 $6.250000000e-02, s14;
	s17 =	spop (v2sf)  }
0x8d: {  	s26 =	smul.f32 $6.250000000e-02, s26;
	s16 =	spop (v2sf)  }
0x8e: {  	s7 =	smul.f32 $6.250000000e-02, s7;
	s21 =	spop (v2sf)  }
0x8f: {  	[dreg:$0x1d] =	wrdreg s26;
	v63, _, _ =	vpop (xrf2);
	s26 =	spop (v2sf)  }
0x90: {  	[dreg:$0x1e] =	wrdreg s7;
	(v2sf) =	vpush v63, $0xF;
	s14 =	spop (v2sf)  }
0x91: {  	s7 =	smul.f32 $6.250000000e-02, s0;
	s28 =	spop (v2sf)  }
0x92: {  	[dreg:$0x11] =	wrdreg s21;
	s21 =	spop (v2sf)  }
0x93: {  	[dreg:$0x12] =	wrdreg s28;
	s28 =	spop (v2sf)  }
0x94: {  	[dreg:$0x1f] =	wrdreg s28;
	s28 =	spop (v2sf)  }
0x95: {  	[dreg:$0x13] =	wrdreg s28;
	s28 =	spop (v2sf)  }
0x96: {  	[dreg:$0x1c] =	wrdreg s28;
	s28 =	spop (v2sf)  }
0x97: {  	[dreg:$0x19] =	wrdreg s28;
	s28 =	spop (v2sf)  }
0x98: {  	(xrf0) =	vmax.scan.msk.f32 $0xffff, v46;
	[dreg:$0x10] =	wrdreg s28;
	s28 =	spop (v2sf)  }
0x99: {  	(xrf0) =	vmax.scan.msk.f32 $0xffff, v43;
	s0 =	smul.f32 $6.250000000e-02, s28;
	s28 =	spop (v2sf)  }
0x9a: {  	vm14 =	vcmask $0x300;
	(xrf0) =	vmax.scan.msk.f32 $0xffff, v40;
	s28 =	smul.f32 $6.250000000e-02, s28  }
0x9b: {  	vm10 =	vmmov vm7;
	vm9 =	vmmov vm6;
	(xrf0) =	vmax.scan.msk.f32 $0xffff, v44;
	v52 =	vmov s0;
	s0 =	rddreg [dreg:$0x18]  }
0x9c: {  	vm7 =	vmmov vm5;
	vm5 =	vmmov vm4;
	(xrf0) =	vmax.scan.msk.f32 $0xffff, v45;
	v53 =	vmov s28;
	s28 =	sld [smem:$0x7FC]  }
0x9d: {  	vm4 =	vmmov vm3;
	vm3 =	vmmov vm2;
	(xrf0) =	vmax.scan.msk.f32 $0xffff, v41;
	v40 =	vsel vm14, s0, v52;
	v52 =	vld [tilespmem:$0x1FFF0]  }
0x9e: {  	vm2 =	vmmov vm13;
	vm1 =	vcmask $0x704;
	vm15 =	vcmask $0xB08;
	v41, _, _ =	vpop (xrf0);
	(xrf0) =	vmax.scan.msk.f32 $0xffff, v42;
	s0 =	smul.f32 $6.250000000e-02, s5  }
0x9f: {  	vm13 =	vcmask $0xF0C;
	vm0 =	vcmask $0x1310;
	v43, _, _ =	vpop (xrf0);
	(xrf0) =	vmax.scan.msk.f32 $0xffff, v39;
	s5 =	spop (v2sf);
	v54 =	vsel vm1, s28, v40;
	s28 =	rddreg [dreg:$0x17]  }
0xa0: {  	vm6 =	vcmask $0x1714;
	vm8 =	vcmask $0x1B18;
	v42, _, _ =	vpop (xrf0);
	(xrf0) =	vmax.scan.msk.f32 $0xffff, v38;
	s5 =	smul.f32 $6.250000000e-02, s5;
	v55 =	vsel vm14, s28, v53;
	s28 =	sld [smem:$0x7FD]  }
0xa1: {  	vm12 =	vcmask $0x1F1C;
	(xrf0) =	vmax.scan.msk.f32 $0xffff, v37;
	v42 =	vbroadcast v42, $0xF;
	v51 =	vld [tilespmem:$0x1FF80];
	s31 =	smul.f32 $6.250000000e-02, s31;
	v40, _, _ =	vpop (xrf0);
	v56 =	vsel vm15, s15, v54  }
0xa2: {  	(xrf0) =	vmax.scan.msk.f32 $0xffff, v34;
	s25 =	smul.f32 $6.250000000e-02, s25;
	v62 =	vmov s5;
	v39, _, _ =	vpop (xrf0);
	v53 =	vld [tilespmem:$0x1FFE0];
	v58 =	vsel vm13, s13, v56;
	vm11 =	vnez.u8 v52  }
0xa3: {  	s6 =	smul.f32 $6.250000000e-02, s6;
	v44, _, _ =	vpop (xrf0);
	v39 =	vbroadcast v39, $0xF;
	v60 =	vsel vm0, s9, v58;
	v57 =	vsel vm1, s28, v55  }
0xa4: {  	s20 =	smul.f32 $6.250000000e-02, s20;
	(xrf0) =	vmax.scan.msk.f32 $0xffff, v27;
	v38, _, _ =	vpop (xrf0);
	v44 =	vbroadcast v44, $0xF;
	v63 =	vsel vm6, s23, v60;
	v59 =	vsel vm15, s19, v57  }
0xa5: {  	s2 =	smul.f32 $6.250000000e-02, s2;
	(xrf0) =	vmax.scan.msk.f32 $0xffff, v25;
	v37, _, _ =	vpop (xrf0);
	v38 =	vbroadcast v38, $0xF;
	s19 =	rddreg [dreg:$0x14];
	v48 =	vsel vm8, s31, v63;
	v61 =	vsel vm13, s18, v59  }
0xa6: {  	s1 =	smul.f32 $6.250000000e-02, s1;
	s23 =	rddreg [dreg:$0x15];
	v34, _, _ =	vpop (xrf0);
	v46 =	vsel vm14, s19, v62;
	vm14 =	vnez.u8 v51;
	v54 =	vsel vm12, s6, v48  }
0xa7: {  	s9 =	smul.f32 $6.250000000e-02, s30;
	s30 =	rddreg [dreg:$0x16];
	v27, _, _ =	vpop (xrf0);
	v45 =	vsel vm0, s12, v61;
	v50 =	vsel vm1, s23, v46;
	vm1 =	vnez.u8 v53  }
0xa8: {  	s3 =	smul.f32 $6.250000000e-02, s3;
	v25, _, _ =	vpop (xrf0);
	v49 =	vsel vm6, s10, v45;
	v56 =	vsel vm15, s30, v50;
	vm15 =	vcmask $0x2320  }
0xa9: {  	s5 =	smul.f32 $6.250000000e-02, s11;
	s11 =	rddreg [dreg:$0x1a];
	(xrf0) =	vmax.scan.msk.f32 $0xffff, v22;
	v25 =	vbroadcast v25, $0xF;
	v55 =	vsel vm8, s25, v49;
	v57 =	vsel vm15, s2, v54  }
0xaa: {  	s8 =	smul.f32 $6.250000000e-02, s8;
	s15 =	rddreg [dreg:$0x1b];
	(xrf0) =	vmax.scan.msk.f32 $0xffff, v20;
	v22, _, _ =	vpop (xrf0);
	v59 =	vsel vm13, s11, v56;
	vm13 =	vcmask $0x2724;
	v58 =	vsel vm12, s20, v55  }
0xab: {  	s4 =	smul.f32 $6.250000000e-02, s4;
	(xrf0) =	vmax.scan.msk.f32 $0xffff, v21;
	v21, _, _ =	vpop (xrf0);
	v20 =	vsel vm13, s3, v57;
	v61 =	vsel vm0, s15, v59;
	vm0 =	vcmask $0x2B28  }
0xac: {  	s28 =	smul.f32 $6.250000000e-02, s17;
	s17 =	rddreg [dreg:$0x1d];
	v21 =	vbroadcast v21, $0xF;
	v60 =	vsel vm15, s1, v58;
	v62 =	vsel vm0, s8, v20  }
0xad: {  	s22 =	smul.f32 $6.250000000e-02, s22;
	s19 =	rddreg [dreg:$0x1e];
	(xrf0) =	vmax.scan.msk.f32 $0xffff, v16;
	v45 =	vsel vm6, s17, v61;
	vm6 =	vcmask $0x2F2C;
	v58 =	vbroadcast v41, $0xF  }
0xae: {  	s13 =	smul.f32 $6.250000000e-02, s26;
	(xrf0) =	vmax.scan.msk.f32 $0xffff, v13;
	v63 =	vsel vm13, s4, v60;
	v46 =	vsel vm6, s28, v62;
	v49 =	vsel vm8, s19, v45  }
0xaf: {  	s31 =	smul.f32 $6.250000000e-02, s16;
	(xrf0) =	vmax.scan.msk.f32 $0xffff, v14;
	vm8 =	vcmask $0x3330;
	v60 =	vbroadcast v43, $0xF;
	v62 =	vbroadcast v40, $0xF  }
0xb0: {  	s18 =	smul.f32 $6.250000000e-02, s21;
	v48 =	vsel vm0, s5, v63;
	v13 =	vsel vm8, s13, v46;
	v51 =	vsel vm12, s22, v49;
	v20, _, _ =	vpop (xrf0);
	(xrf0) =	vmax.scan.msk.f32 $0xffff, v11  }
0xb1: {  	s16 =	smul.f32 $6.250000000e-02, s14;
	s21 =	rddreg [dreg:$0x1c];
	vm12 =	vcmask $0x3734;
	v46 =	vbroadcast v37, $0xF;
	v49 =	vbroadcast v34, $0xF;
	v16, _, _ =	vpop (xrf0);
	(xrf0) =	vmax.scan.msk.f32 $0xffff, v6  }
0xb2: {  	s2 =	smul.f32 $6.250000000e-02, s21;
	s20 =	rddreg [dreg:$0x1f];
	v50 =	vsel vm6, s31, v48;
	v52 =	vsel vm12, s18, v13;
	v54 =	vsel vm15, s7, v51;
	v14, _, _ =	vpop (xrf0);
	(xrf0) =	vmax.scan.msk.f32 $0xffff, v7  }
0xb3: {  	s4 =	smul.f32 $6.250000000e-02, s20;
	s22 =	rddreg [dreg:$0x19];
	vm15 =	vcmask $0x3B38;
	v11 =	vsel vm14, v60, v39;
	v51 =	vbroadcast v27, $0xF;
	v41, _, _ =	vpop (xrf0);
	(xrf0) =	vmax.scan.msk.f32 $0xffff, v4  }
0xb4: {  	s23 =	rddreg [dreg:$0x11];
	s1 =	smul.f32 $6.250000000e-02, s22;
	v53 =	vsel vm8, s16, v50;
	v6 =	vsel vm15, s2, v52;
	v56 =	vsel vm13, s0, v54;
	v43, _, _ =	vpop (xrf0);
	(xrf0) =	vmax.scan.msk.f32 $0xffff, v0  }
0xb5: {  	s0 =	smul.f32 $6.250000000e-02, s23;
	vm13 =	vmmov vm2;
	v55 =	vsel vm12, s4, v53;
	v57 =	vsel vm0, s9, v56;
	v63, _, _ =	vpop (xrf0);
	(xrf0) =	vmax.scan.msk.f32 $0xffff, v1  }
0xb6: {  	s25 =	rddreg [dreg:$0x12];
	v4 =	vsel vm14, v58, v62;
	v53 =	vbroadcast v22, $0xF;
	v14 =	vbroadcast v14, $0xF;
	v1, _, _ =	vpop (xrf0);
	(xrf0) =	vmax.scan.msk.f32 $0xffff, v5  }
0xb7: {  	s26 =	rddreg [dreg:$0x13];
	v7 =	vsel vm15, s1, v55;
	s1 =	smul.f32 $6.250000000e-02, s25;
	v59 =	vsel vm6, s0, v57;
	v4 =	vsel vm2, v4, v38;
	v45, _, _ =	vpop (xrf0);
	(xrf0) =	vmax.scan.msk.f32 $0xffff, v2  }
0xb8: {  	s0 =	smul.f32 $6.250000000e-02, s26;
	v55 =	vbroadcast v20, $0xF;
	v57 =	vbroadcast v16, $0xF;
	v4 =	vsel vm3, v4, v51;
	v48, _, _ =	vpop (xrf0);
	(xrf0) =	vmax.scan.msk.f32 $0xffff, v3  }
0xb9: {  	v61 =	vsel vm8, s1, v59;
	v5 =	vsel vm14, v42, v44;
	v4 =	vsel vm4, v4, v21;
	v50, _, _ =	vpop (xrf0);
	(xrf0) =	vmax.scan.msk.f32 $0xffff, v8  }
0xba: {  	v59 =	vbroadcast v41, $0xF;
	v62 =	vbroadcast v63, $0xF;
	v0 =	vsel vm12, s0, v61;
	v52, _, _ =	vpop (xrf0);
	(xrf0) =	vmax.scan.msk.f32 $0xffff, v9  }
0xbb: {  	s30 =	rddreg [dreg:$0x10];
	v2 =	vsel vm2, v11, v46;
	v61 =	vbroadcast v43, $0xF;
	v4 =	vsel vm5, v4, v14;
	v54, _, _ =	vpop (xrf0);
	(xrf0) =	vmax.scan.msk.f32 $0xffff, v10  }
0xbc: {  	v1 =	vbroadcast v1, $0xF;
	s0 =	smul.f32 $6.250000000e-02, s30;
	v3 =	vsel vm2, v5, v49;
	v2 =	vsel vm3, v2, v25;
	v56, _, _ =	vpop (xrf0);
	(xrf0) =	vmax.scan.msk.f32 $0xffff, v12  }
0xbd: {  	v4 =	vsel vm7, v4, v62;
	v13 =	vbroadcast v45, $0xF;
	v3 =	vsel vm3, v3, v53;
	v58, _, _ =	vpop (xrf0);
	(xrf0) =	vmax.scan.msk.f32 $0xffff, v15  }
0xbe: {  	v45 =	vld [tilespmem:$0x1FFD0];
	v2 =	vsel vm4, v2, v55;
	v22 =	vbroadcast v48, $0xF;
	v0 =	vsel vm15, s0, v0;
	v60, _, _ =	vpop (xrf0);
	(xrf0) =	vmax.scan.msk.f32 $0xffff, v17  }
0xbf: {  	v3 =	vsel vm4, v3, v57;
	v2 =	vsel vm5, v2, v59;
	v11 =	vbroadcast v50, $0xF;
	v63, _, _ =	vpop (xrf0);
	(xrf0) =	vmax.scan.msk.f32 $0xffff, v18  }
0xc0: {  	v3 =	vsel vm5, v3, v61;
	v1 =	vsel vm7, v2, v1;
	v5 =	vbroadcast v52, $0xF;
	v20, _, _ =	vpop (xrf0);
	(xrf0) =	vmax.scan.msk.f32 $0xffff, v19  }
0xc1: {  	v4 =	vsel vm9, v4, v22;
	v3 =	vsel vm7, v3, v13;
	v8 =	vbroadcast v54, $0xF;
	v21, _, _ =	vpop (xrf0);
	(xrf0) =	vmax.scan.msk.f32 $0xffff, v23  }
0xc2: {  	v1 =	vsel vm9, v1, v11;
	v9 =	vbroadcast v56, $0xF;
	v3 =	vsel vm9, v3, v5;
	v23, _, _ =	vpop (xrf0);
	(xrf0) =	vmax.scan.msk.f32 $0xffff, v26  }
0xc3: {  	vm0 =	vnez.u8 v45;
	v27 =	vbroadcast v58, $0xF;
	v34 =	vbroadcast v60, $0xF;
	v25, _, _ =	vpop (xrf0);
	(xrf0) =	vmax.scan.msk.f32 $0xffff, v24  }
0xc4: {  	v4 =	vsel vm10, v4, v8;
	v1 =	vsel vm10, v1, v9;
	v37 =	vbroadcast v63, $0xF;
	v26, _, _ =	vpop (xrf0);
	(xrf0) =	vmax.scan.msk.f32 $0xffff, v28  }
0xc5: {  	v48 =	vld [tilespmem:$0x1FFC0];
	v3 =	vsel vm10, v3, v27;
	v39 =	vbroadcast v20, $0xF;
	v4 =	vsel vm11, v4, v34;
	v28, _, _ =	vpop (xrf0);
	(xrf0) =	vmax.scan.msk.f32 $0xffff, v29  }
0xc6: {  	v61 =	vld [tilespmem:$0x1FF90];
	v2 =	vbroadcast v21, $0xF;
	v1 =	vsel vm11, v1, v37;
	v41 =	vbroadcast v23, $0xF;
	v38, _, _ =	vpop (xrf0);
	(xrf0) =	vmax.scan.msk.f32 $0xffff, v30  }
0xc7: {  	v54 =	vld [tilespmem:$0x1FFB0];
	v3 =	vsel vm11, v3, v39;
	v11 =	vbroadcast v25, $0xF;
	v5 =	vbroadcast v26, $0xF;
	v40, _, _ =	vpop (xrf0);
	(xrf0) =	vmax.scan.msk.f32 $0xffff, v31  }
0xc8: {  	v2 =	vsel vm1, v4, v2;
	v1 =	vsel vm1, v1, v41;
	v9 =	vbroadcast v28, $0xF;
	v42, _, _ =	vpop (xrf0);
	(xrf0) =	vmax.scan.msk.f32 $0xffff, v32  }
0xc9: {  	v58 =	vld [tilespmem:$0x1FFA0];
	v3 =	vsel vm1, v3, v11;
	v8 =	vbroadcast v38, $0xF;
	v2 =	vsel vm0, v2, v5;
	v43, _, _ =	vpop (xrf0);
	(xrf0) =	vmax.scan.msk.f32 $0xffff, v33  }
0xca: {  	v10 =	vbroadcast v40, $0xF;
	v1 =	vsel vm0, v1, v9;
	v4 =	vbroadcast v42, $0xF;
	v44, _, _ =	vpop (xrf0);
	(xrf0) =	vmax.scan.msk.f32 $0xffff, v35  }
0xcb: {  	v3 =	vsel vm0, v3, v8;
	vm0 =	vnez.u8 v48;
	v12 =	vbroadcast v43, $0xF;
	v46, _, _ =	vpop (xrf0);
	(xrf0) =	vmax.scan.msk.f32 $0xffff, v36  }
0xcc: {  	vm14 =	vnez.u8 v61;
	vm1 =	vnez.u8 v54;
	v2 =	vsel vm0, v2, v10;
	v49, _, _ =	vpop (xrf0);
	(xrf0) =	vmax.scan.msk.f32 $0xffff, v47  }
0xcd: {  	s28 =	rddreg [dreg:$0xf];
	v1 =	vsel vm0, v1, v4;
	v51 =	vbroadcast v44, $0xF;
	v3 =	vsel vm0, v3, v12;
	v50, _, _ =	vpop (xrf0)  }
0xce: {  	s31 =	sshra.s32 s28, $0x2;
	v5 =	vbroadcast v46, $0xF;
	vm0 =	vnez.u8 v58;
	v52, _, _ =	vpop (xrf0);
	v9 =	vbroadcast v50, $0xF  }
0xcf: {  	p0 =	sne.s32 s28, $0x4C0;
	[tilespmem:s31+$0x1B800] =	vst v6;
	v2 =	vsel vm1, v2, v51;
	v55 =	vbroadcast v49, $0xF;
	v53, _, _ =	vpop (xrf0);
	v56 =	vbroadcast v52, $0xF  }
.Ltmp0:
0xd0: {  	[tilespmem:s31+$0x1B980] =	vst v7;
	v1 =	vsel vm1, v1, v5;
	v57, _, _ =	vpop (xrf0);
	v2 =	vsel vm0, v2, v9;
	v59 =	vbroadcast v53, $0xF;
	(pc) =	sbr.rel @p0 .LBB2_2-.Ltmp0, $4  }
0xd1: {  	[tilespmem:s31+$0x1BB00] =	vst v0;
	v3 =	vsel vm1, v3, v55;
	v60, _, _ =	vpop (xrf0);
	v1 =	vsel vm0, v1, v56;
	v2 =	vsel vm14, v2, v57  }
0xd2: {  	vm6 =	vmmov vm9;
	v62 =	vsel vm0, v3, v59;
	v63, _, _ =	vpop (xrf0);
	v1 =	vsel vm14, v1, v60;
	[tilespmem:s31+$0x1BC80] =	vst v2  }
0xd3: {  	s24 =	sadd.s32 $0x800, s24;
	s29 =	sadd.s32 $0x800, s29;
	s6 =	simm.s32 $0x14000;
	vm2 =	vmmov vm3;
	vm3 =	vmmov vm4;
	v0 =	vsel vm14, v62, v63;
	[tilespmem:s31+$0x1BE00] =	vst v1  }
0xd4: {  	s12 =	simm.s32 $0x19000;
	s7 =	simm.s32 $0x16800;
	s1 =	sadd.s32 $0x40, s28;
	vm4 =	vmmov vm5;
	vm5 =	vmmov vm7;
	vm7 =	vmmov vm10;
	[tilespmem:s31+$0x1BF80] =	vst v0  }
0xd5: {  	s5 =	simm.s32 $0x0;
	s0 =	rddreg [dreg:$0x7];
	s1 =	simm.s32 $0x1B800  }
0xd6: {  	[hbm4b:s0+s5] =	stream.linear.scatter [tilespmem:s1], [sflag:$0x1], $0x140, $0x38;
	[tilespmem:$0x1C100] =	vst v63  }
0xd7: {  	s1 =	simm.s32 $0x1  }
0xd8: {  	_ =	swait.ge [sflag:s1], $0x140  }
0xd9: {  	[sflag:s1] =	ssyncset.done $0x0  }
0xda: {  	s2 =	simm.s32 $0x1B980;
	s20 =	rddreg [dreg:$0x8];
	[sflag:s1] =	ssyncadd.s32 $0xFFFFFEC0  }
0xdb: {  	[hbm4b:s20+s5] =	stream.linear.scatter [tilespmem:s2], [sflag:$0x1], $0x140, $0x38;
	[tilespmem:$0x1C100] =	vst v63  }
0xdc: {  	_ =	swait.ge [sflag:s1], $0x140  }
0xdd: {  	[sflag:s1] =	ssyncset.done $0x0  }
0xde: {  	s22 =	simm.s32 $0x1BB00;
	s21 =	rddreg [dreg:$0x9];
	[sflag:s1] =	ssyncadd.s32 $0xFFFFFEC0  }
0xdf: {  	[hbm4b:s21+s5] =	stream.linear.scatter [tilespmem:s22], [sflag:$0x1], $0x140, $0x38;
	[tilespmem:$0x1C100] =	vst v63  }
0xe0: {  	_ =	swait.ge [sflag:s1], $0x140  }
0xe1: {  	[sflag:s1] =	ssyncset.done $0x0  }
0xe2: {  	s24 =	simm.s32 $0x1BC80;
	s23 =	rddreg [dreg:$0xa];
	[sflag:s1] =	ssyncadd.s32 $0xFFFFFEC0  }
0xe3: {  	[hbm4b:s23+s5] =	stream.linear.scatter [tilespmem:s24], [sflag:$0x1], $0x140, $0x38;
	[tilespmem:$0x1C100] =	vst v63  }
0xe4: {  	_ =	swait.ge [sflag:s1], $0x140  }
0xe5: {  	[sflag:s1] =	ssyncset.done $0x0  }
0xe6: {  	s26 =	simm.s32 $0x1BE00;
	s25 =	rddreg [dreg:$0xb];
	[sflag:s1] =	ssyncadd.s32 $0xFFFFFEC0  }
0xe7: {  	[hbm4b:s25+s5] =	stream.linear.scatter [tilespmem:s26], [sflag:$0x1], $0x140, $0x38;
	[tilespmem:$0x1C100] =	vst v63  }
0xe8: {  	_ =	swait.ge [sflag:s1], $0x140  }
0xe9: {  	[sflag:s1] =	ssyncset.done $0x0  }
0xea: {  	s29 =	simm.s32 $0x1BF80;
	s28 =	rddreg [dreg:$0xc];
	[sflag:s1] =	ssyncadd.s32 $0xFFFFFEC0  }
0xeb: {  	[hbm4b:s28+s5] =	stream.linear.scatter [tilespmem:s29], [sflag:$0x1], $0x140, $0x38;
	[tilespmem:$0x1C100] =	vst v63  }
0xec: {  	_ =	swait.ge [sflag:s1], $0x140  }
0xed: {  	s30 =	rddreg [dreg:$0xe]  }
0xee: {  	s31 =	rddreg [dreg:$0xd];
	s2 =	sadd.s32 $0x1, s30  }
0xef: {  	p0 =	sne.s32 s2, s31  }
.Ltmp1:
0xf0: {  	_ = 	snop;
	(pc) =	sbr.rel @p0 .LBB2_1-.Ltmp1, $3  }
0xf1: {  	_ =	sdelay $0x1  }
0xf2: {  	[sflag:s1] =	ssyncset.done $0x0  }
0xf3: {  	[sflag:s1] =	ssyncadd.s32 $0xFFFFFEC0  }
0xf4: {  	_ =	sfence.sel $0x180000  }
0xf5: {  	[bflag:$0x0] =	sbarrier.arrive $0xFFFF  }
0xf6: {  	_ =	strace $0x90000047  }
0xf7: {  	s0 =	stileid.u32;
	[bflag:$0x2] =	sbarrier.arrive $0xFFFF  }
0xf8: {  	p0 =	sne.s32 s0, $0x0;
	s0 =	rddreg [dreg:$0x3]  }
0xf9: {  	s0 =	sadd.s32 @!p0 $0x100000, s0  }
0xfa: {  	[sflag:s0] =	ssyncadd.tile.s32 @!p0 $0x1;
	_ =	shalt  }
.Lfunc_end2:
_tile_overlayer_lowered:
.L_overlay_start_2:
0xfb: {  	(tag) =	ssettag $0x2  }
0xfc: {  	s0 =	rddreg [dreg:$0x0];
	s2 =	stileid.u32  }
0xfd: {  	s1 =	rddreg [dreg:$0x1];
	p0 =	sne.s32 s2, $0x0  }
0xfe: {  	s3 =	rddreg [dreg:$0x2];
	[bflag:$0x3] =	sbarrier.arrive $0xFFFF;
	s2 =	simm.s32 @!p0 $0x1C01  }
0xff: {  	[timem:s3], [sflag:s2] =	dma.local @!p0 [hbm:s0], s1  }
0x100: {  	s0 =	simm.s32 @!p0 $0x1  }
0x101: {  	_ =	swait.ge @!p0 [sflag:s0], s1  }
0x102: {  	s1 =	ssub.s32 @!p0 $0x0, s1;
	[sflag:s0] =	ssyncset.done @!p0 $0x0  }
0x103: {  	[sflag:s0] =	ssyncadd.s32 @!p0 s1  }
0x104: {  	[bflag:$0x3] =	sbarrier.arrive $0xFFFF  }
0x105: {  	_ =	shalt  }

</sc_bundles>
